<compile_context>
chip_gen: v7x
topology: tpu7x:2x2x1
jax: 0.10.2.dev20260603
libtpu: 0.0.44.dev20260713+nightly
codegen_flags: <defaults>
</compile_context>

<pallas_src>
import functools

import jax
import jax.numpy as jnp
from jax import lax
from jax.experimental import pallas as pl
from jax.experimental.pallas import tpu as pltpu
from jax.experimental.pallas import tpu_sc as plsc

B = 4096
L = 200
D = 64
LANES = 16

_info = plsc.get_sparse_core_info()
_NC, _NS = _info.num_cores, _info.num_subcores
NW = _NC * _NS
NB = B // NW

NBUF = 4
UNROLL = 8

CHUNKS = ((0, 128), (128, L - 128))


def _sc_body(table_hbm, inputs_hbm, out_hbm, idx_v, bufs, out_v, *sems):
    wid = lax.axis_index("s") * _NC + lax.axis_index("c")
    base = wid * NB

    pltpu.sync_copy(inputs_hbm.at[pl.ds(base, NB), :], idx_v)

    def fire(e, b):
        for ci, (off, n) in enumerate(CHUNKS):
            pltpu.async_copy(
                table_hbm.at[idx_v.at[e, pl.ds(off, n)]],
                bufs.at[b, pl.ds(off, n), :],
                sems[b * len(CHUNKS) + ci],
            )

    def drain_chunk(e, b, ci, off, n):
        pltpu.make_async_copy(
            table_hbm.at[idx_v.at[e, pl.ds(off, n)]],
            bufs.at[b, pl.ds(off, n), :],
            sems[b * len(CHUNKS) + ci],
        ).wait()

    lane = lax.iota(jnp.int32, LANES)
    perms = [(lane ^ (1 << k)).reshape(LANES, 1) for k in range(4)]
    gdn = lax.GatherDimensionNumbers(offset_dims=(), collapsed_slice_dims=(0,),
                                     start_index_map=(0,))

    def lane_allreduce_sum(s):
        for p in perms:
            s = s + lax.gather(s, p, gdn, (1,),
                               mode=lax.GatherScatterMode.PROMISE_IN_BOUNDS)
        return s

    def reduce_range(b, r0, nrows, carry):
        def blk_body(rb, carry):
            a0, a1, a2, a3, cntv = carry
            base_r = r0 + rb * UNROLL
            for u in range(UNROLL):
                r = base_r + u
                v0 = bufs[b, r, pl.ds(0, LANES)]
                v1 = bufs[b, r, pl.ds(LANES, LANES)]
                v2 = bufs[b, r, pl.ds(2 * LANES, LANES)]
                v3 = bufs[b, r, pl.ds(3 * LANES, LANES)]
                s = (v0 + v1) + (v2 + v3)
                tot = lane_allreduce_sum(s)
                ok = tot != 0.0
                a0 = jnp.where(ok, a0 + v0, a0)
                a1 = jnp.where(ok, a1 + v1, a1)
                a2 = jnp.where(ok, a2 + v2, a2)
                a3 = jnp.where(ok, a3 + v3, a3)
                cntv = jnp.where(ok, cntv + 1.0, cntv)
            return (a0, a1, a2, a3, cntv)

        return lax.fori_loop(0, nrows // UNROLL, blk_body, carry)

    def write_out(e, carry):
        a0, a1, a2, a3, cnt = carry
        inv = 1.0 / jnp.maximum(cnt, 1.0)
        out_v[e, pl.ds(0, LANES)] = a0 * inv
        out_v[e, pl.ds(LANES, LANES)] = a1 * inv
        out_v[e, pl.ds(2 * LANES, LANES)] = a2 * inv
        out_v[e, pl.ds(3 * LANES, LANES)] = a3 * inv

    for b in range(NBUF - 1):
        fire(b, b)

    def blk(g, carry):
        e0 = g * NBUF
        for b in range(NBUF):
            e = e0 + b
            nxt = e + NBUF - 1

            @pl.when(nxt < NB)
            def _():
                fire(nxt, (b + NBUF - 1) % NBUF)

            z = jnp.zeros((LANES,), jnp.float32)
            acc = (z, z, z, z, z)
            for ci, (off, n) in enumerate(CHUNKS):
                drain_chunk(e, b, ci, off, n)
                acc = reduce_range(b, off, n, acc)
            write_out(e, acc)
        return carry

    lax.fori_loop(0, NB // NBUF, blk, 0)

    pltpu.sync_copy(out_v, out_hbm.at[pl.ds(base, NB), :])


@functools.partial(jax.jit, donate_argnums=())
def _run(table, inputs):
    mesh = plsc.VectorSubcoreMesh(core_axis_name="c", subcore_axis_name="s")
    k = functools.partial(
        pl.kernel,
        mesh=mesh,
        out_type=jax.ShapeDtypeStruct((B, D), jnp.float32),
        scratch_types=[
            pltpu.VMEM((NB, L), jnp.int32),
            pltpu.VMEM((NBUF, L, D), jnp.float32),
            pltpu.VMEM((NB, D), jnp.float32),
        ] + [pltpu.SemaphoreType.DMA] * (NBUF * len(CHUNKS)),
        compiler_params=pltpu.CompilerParams(use_tc_tiling_on_sc=False),
    )(_sc_body)
    return k(table, inputs)


def kernel(table, inputs, len_idx):
    del len_idx
    return _run(table, inputs.astype(jnp.int32))

# --- scband reference (transcript-rebuilt; emitter-appended) ---
"""Pipeline reference for scband-word-dropout-16363825398135 (READ-ONLY COPY).

The authoritative reference and input builder live on the scoring server;
editing this copy changes nothing except your own understanding.
"""

import jax, jax.numpy as jnp
import numpy as np

B = 4096
L = 200
VOCAB = 1000000
D = 64

def setup_inputs(seed: int = 0) -> dict:
    key = jax.random.key(seed)
    k1, k2, k3 = jax.random.split(key, 3)
    inputs = jax.random.randint(k1, (B, L), 0, VOCAB, dtype=jnp.int64 if jax.config.jax_enable_x64 else jnp.int32)
    len_idx = jax.random.randint(k2, (B,), 0, L, dtype=jnp.int64 if jax.config.jax_enable_x64 else jnp.int32)
    table = (jax.random.normal(k3, (VOCAB, D), dtype=jnp.float32) * 0.02)
    return {"table": table, "inputs": inputs, "len_idx": len_idx}

def reference(table, inputs, len_idx):
    # eval-mode path of WordDropout.sampling: embed full sequence, then for each
    # example take the mean over embedding rows whose sum != 0 (non-padding rows).
    # len_idx is carried in the batch tuple but unused by the module's math.
    emb = jnp.take(table, inputs, axis=0)                      # [B, L, D] gather
    row_sum = jnp.sum(emb, axis=-1)                            # [B, L]
    mask = (row_sum != 0).astype(emb.dtype)                    # [B, L]
    cnt = jnp.sum(mask, axis=1)                                # [B]
    summed = jnp.sum(emb * mask[:, :, None], axis=1)           # [B, D]
    safe_cnt = jnp.maximum(cnt, 1.0)
    mean = summed / safe_cnt[:, None]                          # [B, D]
    # fallback when every row of an example sums to zero: zeros vector
    result = jnp.where((cnt > 0)[:, None], mean, jnp.zeros_like(mean))
    return result

if __name__ == "__main__":
    import jax
    _d = setup_inputs()
    print(jax.jit(kernel)(*tuple(_d.values())))

</pallas_src>

<mosaic_0001>
#map = affine_map<(d0, d1) -> (0, 0)>
module attributes {stable_mosaic.version = 14 : i64} {
  func.func @_sc_body(%arg0: i32, %arg1: i32, %arg2: memref<1000000x64xf32, #tpu.memory_space<hbm>>, %arg3: memref<4096x200xi32, #tpu.memory_space<hbm>>, %arg4: memref<4096x64xf32, #tpu.memory_space<hbm>>, %arg5: memref<128x200xi32, #tpu.memory_space<vmem>>, %arg6: memref<4x200x64xf32, #tpu.memory_space<vmem>>, %arg7: memref<128x64xf32, #tpu.memory_space<vmem>>, %arg8: memref<!tpu.dma_semaphore, #tpu.memory_space<semaphore_mem>>, %arg9: memref<!tpu.dma_semaphore, #tpu.memory_space<semaphore_mem>>, %arg10: memref<!tpu.dma_semaphore, #tpu.memory_space<semaphore_mem>>, %arg11: memref<!tpu.dma_semaphore, #tpu.memory_space<semaphore_mem>>, %arg12: memref<!tpu.dma_semaphore, #tpu.memory_space<semaphore_mem>>, %arg13: memref<!tpu.dma_semaphore, #tpu.memory_space<semaphore_mem>>, %arg14: memref<!tpu.dma_semaphore, #tpu.memory_space<semaphore_mem>>, %arg15: memref<!tpu.dma_semaphore, #tpu.memory_space<semaphore_mem>>) attributes {dimension_semantics = [#tpu.dimension_semantics<core_parallel>, #tpu.dimension_semantics<subcore_parallel>], iteration_bounds = array<i64: 2, 16>, scalar_prefetch = 0 : i64, scratch_operands = 11 : i64, tpu.core_type = #tpu.core_type<sc_vector_subcore>, window_params = [{transform_indices = #map}, {transform_indices = #map}, {transform_indices = #map}]} {
    %mul3A = arith.constant 2 : i32
    %mul3A_0 = arith.muli %arg1, %mul3A : i32
    %add3A = arith.addi %mul3A_0, %arg0 : i32
    %mul3A_1 = arith.constant 128 : i32
    %mul3A_2 = arith.muli %add3A, %mul3A_1 : i32
    "tpu.region"() ({
      %run_scoped3A = tpu.sem_alloc : memref<!tpu.dma_semaphore, #tpu.memory_space<semaphore_mem>>
      %dma_start3A_93 = arith.constant 0 : i32
      %dma_start3A_94 = tpu.memref_slice %arg3[%mul3A_2, %dma_start3A_93] : memref<4096x200xi32, #tpu.memory_space<hbm>> -> memref<128x200xi32, #tpu.memory_space<hbm>>
      %dma_start3A_95 = arith.constant 0 : i32
      %dma_start3A_96 = tpu.memref_slice %arg3[%mul3A_2, %dma_start3A_95] : memref<4096x200xi32, #tpu.memory_space<hbm>> -> memref<128x200xi32, #tpu.memory_space<hbm>>
      tpu.enqueue_dma source(%dma_start3A_96 : memref<128x200xi32, #tpu.memory_space<hbm>>) target(%arg5 : memref<128x200xi32, #tpu.memory_space<vmem>>) target_semaphore(%run_scoped3A : memref<!tpu.dma_semaphore, #tpu.memory_space<semaphore_mem>>)
      %dma_wait3A = arith.constant 0 : i32
      %dma_wait3A_97 = tpu.memref_slice %arg3[%mul3A_2, %dma_wait3A] : memref<4096x200xi32, #tpu.memory_space<hbm>> -> memref<128x200xi32, #tpu.memory_space<hbm>>
      %dma_wait3A_98 = arith.constant 0 : i32
      %dma_wait3A_99 = tpu.memref_slice %arg3[%mul3A_2, %dma_wait3A_98] : memref<4096x200xi32, #tpu.memory_space<hbm>> -> memref<128x200xi32, #tpu.memory_space<hbm>>
      tpu.wait_dma2 semaphore(%run_scoped3A : memref<!tpu.dma_semaphore, #tpu.memory_space<semaphore_mem>>) src(%dma_wait3A_99 : memref<128x200xi32, #tpu.memory_space<hbm>>) dst(%arg5 : memref<128x200xi32, #tpu.memory_space<vmem>>)
      tpu.yield
    }) : () -> ()
    %iota3A = tpu.iota {dimensions = array<i32: 0>} : vector<16xi32>
    %xor3A = arith.constant 1 : i32
    %xor3A_3 = vector.broadcast %xor3A : i32 to vector<16xi32>
    %xor3A_4 = arith.xori %iota3A, %xor3A_3 : vector<16xi32>
    %reshape3A = vector.shape_cast %xor3A_4 : vector<16xi32> to vector<16x1xi32>
    %xor3A_5 = arith.constant 2 : i32
    %xor3A_6 = vector.broadcast %xor3A_5 : i32 to vector<16xi32>
    %xor3A_7 = arith.xori %iota3A, %xor3A_6 : vector<16xi32>
    %reshape3A_8 = vector.shape_cast %xor3A_7 : vector<16xi32> to vector<16x1xi32>
    %xor3A_9 = arith.constant 4 : i32
    %xor3A_10 = vector.broadcast %xor3A_9 : i32 to vector<16xi32>
    %xor3A_11 = arith.xori %iota3A, %xor3A_10 : vector<16xi32>
    %reshape3A_12 = vector.shape_cast %xor3A_11 : vector<16xi32> to vector<16x1xi32>
    %xor3A_13 = arith.constant 8 : i32
    %xor3A_14 = vector.broadcast %xor3A_13 : i32 to vector<16xi32>
    %xor3A_15 = arith.xori %iota3A, %xor3A_14 : vector<16xi32>
    %reshape3A_16 = vector.shape_cast %xor3A_15 : vector<16xi32> to vector<16x1xi32>
    %dma_start3A = arith.constant 0 : i32
    %dma_start3A_17 = arith.constant 0 : i32
    %dma_start3A_18 = arith.constant 0 : i32
    %dma_start3A_19 = arith.constant 0 : i32
    %dma_start3A_20 = tpu.memref_slice %arg6[%dma_start3A_17, %dma_start3A_18, %dma_start3A_19] : memref<4x200x64xf32, #tpu.memory_space<vmem>> -> memref<1x128x64xf32, #tpu.memory_space<vmem>>
    %dma_start3A_21 = tpu.memref_squeeze %dma_start3A_20 : memref<1x128x64xf32, #tpu.memory_space<vmem>> -> memref<128x64xf32, #tpu.memory_space<vmem>>
    %dma_start3A_22 = arith.constant 0 : i32
    %dma_start3A_23 = tpu.memref_slice %arg5[%dma_start3A, %dma_start3A_22] : memref<128x200xi32, #tpu.memory_space<vmem>> -> memref<1x128xi32, #tpu.memory_space<vmem>>
    %dma_start3A_24 = tpu.memref_squeeze %dma_start3A_23 : memref<1x128xi32, #tpu.memory_space<vmem>> -> memref<128xi32, #tpu.memory_space<vmem>>
    %dma_start3A_25 = arith.constant 0 : i32
    %dma_start3A_26 = arith.constant 0 : i32
    %dma_start3A_27 = tpu.memref_slice %arg2[%dma_start3A_25, %dma_start3A_26] : memref<1000000x64xf32, #tpu.memory_space<hbm>> -> memref<1000000x64xf32, #tpu.memory_space<hbm>>
    tpu.enqueue_indirect_dma source(%dma_start3A_27 : memref<1000000x64xf32, #tpu.memory_space<hbm>>) target(%dma_start3A_21 : memref<128x64xf32, #tpu.memory_space<vmem>>) offsets(%dma_start3A_24 : memref<128xi32, #tpu.memory_space<vmem>>) semaphore(%arg8 : memref<!tpu.dma_semaphore, #tpu.memory_space<semaphore_mem>>)
    %dma_start3A_28 = arith.constant 0 : i32
    %dma_start3A_29 = arith.constant 0 : i32
    %dma_start3A_30 = arith.constant 128 : i32
    %dma_start3A_31 = arith.constant 0 : i32
    %dma_start3A_32 = tpu.memref_slice %arg6[%dma_start3A_29, %dma_start3A_30, %dma_start3A_31] : memref<4x200x64xf32, #tpu.memory_space<vmem>> -> memref<1x72x64xf32, #tpu.memory_space<vmem>>
    %dma_start3A_33 = tpu.memref_squeeze %dma_start3A_32 : memref<1x72x64xf32, #tpu.memory_space<vmem>> -> memref<72x64xf32, #tpu.memory_space<vmem>>
    %dma_start3A_34 = arith.constant 128 : i32
    %dma_start3A_35 = tpu.memref_slice %arg5[%dma_start3A_28, %dma_start3A_34] : memref<128x200xi32, #tpu.memory_space<vmem>> -> memref<1x72xi32, #tpu.memory_space<vmem>>
    %dma_start3A_36 = tpu.memref_squeeze %dma_start3A_35 : memref<1x72xi32, #tpu.memory_space<vmem>> -> memref<72xi32, #tpu.memory_space<vmem>>
    %dma_start3A_37 = arith.constant 0 : i32
    %dma_start3A_38 = arith.constant 0 : i32
    %dma_start3A_39 = tpu.memref_slice %arg2[%dma_start3A_37, %dma_start3A_38] : memref<1000000x64xf32, #tpu.memory_space<hbm>> -> memref<1000000x64xf32, #tpu.memory_space<hbm>>
    tpu.enqueue_indirect_dma source(%dma_start3A_39 : memref<1000000x64xf32, #tpu.memory_space<hbm>>) target(%dma_start3A_33 : memref<72x64xf32, #tpu.memory_space<vmem>>) offsets(%dma_start3A_36 : memref<72xi32, #tpu.memory_space<vmem>>) semaphore(%arg9 : memref<!tpu.dma_semaphore, #tpu.memory_space<semaphore_mem>>)
    %dma_start3A_40 = arith.constant 1 : i32
    %dma_start3A_41 = arith.constant 1 : i32
    %dma_start3A_42 = arith.constant 0 : i32
    %dma_start3A_43 = arith.constant 0 : i32
    %dma_start3A_44 = tpu.memref_slice %arg6[%dma_start3A_41, %dma_start3A_42, %dma_start3A_43] : memref<4x200x64xf32, #tpu.memory_space<vmem>> -> memref<1x128x64xf32, #tpu.memory_space<vmem>>
    %dma_start3A_45 = tpu.memref_squeeze %dma_start3A_44 : memref<1x128x64xf32, #tpu.memory_space<vmem>> -> memref<128x64xf32, #tpu.memory_space<vmem>>
    %dma_start3A_46 = arith.constant 0 : i32
    %dma_start3A_47 = tpu.memref_slice %arg5[%dma_start3A_40, %dma_start3A_46] : memref<128x200xi32, #tpu.memory_space<vmem>> -> memref<1x128xi32, #tpu.memory_space<vmem>>
    %dma_start3A_48 = tpu.memref_squeeze %dma_start3A_47 : memref<1x128xi32, #tpu.memory_space<vmem>> -> memref<128xi32, #tpu.memory_space<vmem>>
    %dma_start3A_49 = arith.constant 0 : i32
    %dma_start3A_50 = arith.constant 0 : i32
    %dma_start3A_51 = tpu.memref_slice %arg2[%dma_start3A_49, %dma_start3A_50] : memref<1000000x64xf32, #tpu.memory_space<hbm>> -> memref<1000000x64xf32, #tpu.memory_space<hbm>>
    tpu.enqueue_indirect_dma source(%dma_start3A_51 : memref<1000000x64xf32, #tpu.memory_space<hbm>>) target(%dma_start3A_45 : memref<128x64xf32, #tpu.memory_space<vmem>>) offsets(%dma_start3A_48 : memref<128xi32, #tpu.memory_space<vmem>>) semaphore(%arg10 : memref<!tpu.dma_semaphore, #tpu.memory_space<semaphore_mem>>)
    %dma_start3A_52 = arith.constant 1 : i32
    %dma_start3A_53 = arith.constant 1 : i32
    %dma_start3A_54 = arith.constant 128 : i32
    %dma_start3A_55 = arith.constant 0 : i32
    %dma_start3A_56 = tpu.memref_slice %arg6[%dma_start3A_53, %dma_start3A_54, %dma_start3A_55] : memref<4x200x64xf32, #tpu.memory_space<vmem>> -> memref<1x72x64xf32, #tpu.memory_space<vmem>>
    %dma_start3A_57 = tpu.memref_squeeze %dma_start3A_56 : memref<1x72x64xf32, #tpu.memory_space<vmem>> -> memref<72x64xf32, #tpu.memory_space<vmem>>
    %dma_start3A_58 = arith.constant 128 : i32
    %dma_start3A_59 = tpu.memref_slice %arg5[%dma_start3A_52, %dma_start3A_58] : memref<128x200xi32, #tpu.memory_space<vmem>> -> memref<1x72xi32, #tpu.memory_space<vmem>>
    %dma_start3A_60 = tpu.memref_squeeze %dma_start3A_59 : memref<1x72xi32, #tpu.memory_space<vmem>> -> memref<72xi32, #tpu.memory_space<vmem>>
    %dma_start3A_61 = arith.constant 0 : i32
    %dma_start3A_62 = arith.constant 0 : i32
    %dma_start3A_63 = tpu.memref_slice %arg2[%dma_start3A_61, %dma_start3A_62] : memref<1000000x64xf32, #tpu.memory_space<hbm>> -> memref<1000000x64xf32, #tpu.memory_space<hbm>>
    tpu.enqueue_indirect_dma source(%dma_start3A_63 : memref<1000000x64xf32, #tpu.memory_space<hbm>>) target(%dma_start3A_57 : memref<72x64xf32, #tpu.memory_space<vmem>>) offsets(%dma_start3A_60 : memref<72xi32, #tpu.memory_space<vmem>>) semaphore(%arg11 : memref<!tpu.dma_semaphore, #tpu.memory_space<semaphore_mem>>)
    %dma_start3A_64 = arith.constant 2 : i32
    %dma_start3A_65 = arith.constant 2 : i32
    %dma_start3A_66 = arith.constant 0 : i32
    %dma_start3A_67 = arith.constant 0 : i32
    %dma_start3A_68 = tpu.memref_slice %arg6[%dma_start3A_65, %dma_start3A_66, %dma_start3A_67] : memref<4x200x64xf32, #tpu.memory_space<vmem>> -> memref<1x128x64xf32, #tpu.memory_space<vmem>>
    %dma_start3A_69 = tpu.memref_squeeze %dma_start3A_68 : memref<1x128x64xf32, #tpu.memory_space<vmem>> -> memref<128x64xf32, #tpu.memory_space<vmem>>
    %dma_start3A_70 = arith.constant 0 : i32
    %dma_start3A_71 = tpu.memref_slice %arg5[%dma_start3A_64, %dma_start3A_70] : memref<128x200xi32, #tpu.memory_space<vmem>> -> memref<1x128xi32, #tpu.memory_space<vmem>>
    %dma_start3A_72 = tpu.memref_squeeze %dma_start3A_71 : memref<1x128xi32, #tpu.memory_space<vmem>> -> memref<128xi32, #tpu.memory_space<vmem>>
    %dma_start3A_73 = arith.constant 0 : i32
    %dma_start3A_74 = arith.constant 0 : i32
    %dma_start3A_75 = tpu.memref_slice %arg2[%dma_start3A_73, %dma_start3A_74] : memref<1000000x64xf32, #tpu.memory_space<hbm>> -> memref<1000000x64xf32, #tpu.memory_space<hbm>>
    tpu.enqueue_indirect_dma source(%dma_start3A_75 : memref<1000000x64xf32, #tpu.memory_space<hbm>>) target(%dma_start3A_69 : memref<128x64xf32, #tpu.memory_space<vmem>>) offsets(%dma_start3A_72 : memref<128xi32, #tpu.memory_space<vmem>>) semaphore(%arg12 : memref<!tpu.dma_semaphore, #tpu.memory_space<semaphore_mem>>)
    %dma_start3A_76 = arith.constant 2 : i32
    %dma_start3A_77 = arith.constant 2 : i32
    %dma_start3A_78 = arith.constant 128 : i32
    %dma_start3A_79 = arith.constant 0 : i32
    %dma_start3A_80 = tpu.memref_slice %arg6[%dma_start3A_77, %dma_start3A_78, %dma_start3A_79] : memref<4x200x64xf32, #tpu.memory_space<vmem>> -> memref<1x72x64xf32, #tpu.memory_space<vmem>>
    %dma_start3A_81 = tpu.memref_squeeze %dma_start3A_80 : memref<1x72x64xf32, #tpu.memory_space<vmem>> -> memref<72x64xf32, #tpu.memory_space<vmem>>
    %dma_start3A_82 = arith.constant 128 : i32
    %dma_start3A_83 = tpu.memref_slice %arg5[%dma_start3A_76, %dma_start3A_82] : memref<128x200xi32, #tpu.memory_space<vmem>> -> memref<1x72xi32, #tpu.memory_space<vmem>>
    %dma_start3A_84 = tpu.memref_squeeze %dma_start3A_83 : memref<1x72xi32, #tpu.memory_space<vmem>> -> memref<72xi32, #tpu.memory_space<vmem>>
    %dma_start3A_85 = arith.constant 0 : i32
    %dma_start3A_86 = arith.constant 0 : i32
    %dma_start3A_87 = tpu.memref_slice %arg2[%dma_start3A_85, %dma_start3A_86] : memref<1000000x64xf32, #tpu.memory_space<hbm>> -> memref<1000000x64xf32, #tpu.memory_space<hbm>>
    tpu.enqueue_indirect_dma source(%dma_start3A_87 : memref<1000000x64xf32, #tpu.memory_space<hbm>>) target(%dma_start3A_81 : memref<72x64xf32, #tpu.memory_space<vmem>>) offsets(%dma_start3A_84 : memref<72xi32, #tpu.memory_space<vmem>>) semaphore(%arg13 : memref<!tpu.dma_semaphore, #tpu.memory_space<semaphore_mem>>)
    %scan3A = arith.constant 0 : i32
    %scan3A_88 = arith.constant 0 : i32
    %scan3A_89 = arith.constant 32 : i32
    %scan3A_90 = arith.addi %scan3A_88, %scan3A_89 : i32
    %scan3A_91 = arith.constant 1 : i32
    scf.for %scan3A_93 = %scan3A_88 to %scan3A_90 step %scan3A_91  : i32 {
      %mul3A_94 = arith.constant 4 : i32
      %mul3A_95 = arith.muli %scan3A_93, %mul3A_94 : i32
      %add3A_96 = arith.constant 0 : i32
      %add3A_97 = arith.addi %mul3A_95, %add3A_96 : i32
      %add3A_98 = arith.constant 4 : i32
      %add3A_99 = arith.addi %add3A_97, %add3A_98 : i32
      %sub3A = arith.constant 1 : i32
      %sub3A_100 = arith.subi %add3A_99, %sub3A : i32
      %lt3A = arith.constant 128 : i32
      %lt3A_101 = arith.cmpi slt, %sub3A_100, %lt3A : i32
      %convert_element_type3A = arith.extui %lt3A_101 : i1 to i32
      %cond3A = arith.constant 0 : i32
      %cond3A_102 = arith.cmpi ne, %convert_element_type3A, %cond3A : i32
      scf.if %cond3A_102 {
        %dma_start3A_395 = arith.constant 3 : i32
        %dma_start3A_396 = arith.constant 0 : i32
        %dma_start3A_397 = arith.constant 0 : i32
        %dma_start3A_398 = tpu.memref_slice %arg6[%dma_start3A_395, %dma_start3A_396, %dma_start3A_397] : memref<4x200x64xf32, #tpu.memory_space<vmem>> -> memref<1x128x64xf32, #tpu.memory_space<vmem>>
        %dma_start3A_399 = tpu.memref_squeeze %dma_start3A_398 : memref<1x128x64xf32, #tpu.memory_space<vmem>> -> memref<128x64xf32, #tpu.memory_space<vmem>>
        %dma_start3A_400 = arith.constant 0 : i32
        %dma_start3A_401 = tpu.memref_slice %arg5[%sub3A_100, %dma_start3A_400] : memref<128x200xi32, #tpu.memory_space<vmem>> -> memref<1x128xi32, #tpu.memory_space<vmem>>
        %dma_start3A_402 = tpu.memref_squeeze %dma_start3A_401 : memref<1x128xi32, #tpu.memory_space<vmem>> -> memref<128xi32, #tpu.memory_space<vmem>>
        %dma_start3A_403 = arith.constant 0 : i32
        %dma_start3A_404 = arith.constant 0 : i32
        %dma_start3A_405 = tpu.memref_slice %arg2[%dma_start3A_403, %dma_start3A_404] : memref<1000000x64xf32, #tpu.memory_space<hbm>> -> memref<1000000x64xf32, #tpu.memory_space<hbm>>
        tpu.enqueue_indirect_dma source(%dma_start3A_405 : memref<1000000x64xf32, #tpu.memory_space<hbm>>) target(%dma_start3A_399 : memref<128x64xf32, #tpu.memory_space<vmem>>) offsets(%dma_start3A_402 : memref<128xi32, #tpu.memory_space<vmem>>) semaphore(%arg14 : memref<!tpu.dma_semaphore, #tpu.memory_space<semaphore_mem>>)
        %dma_start3A_406 = arith.constant 3 : i32
        %dma_start3A_407 = arith.constant 128 : i32
        %dma_start3A_408 = arith.constant 0 : i32
        %dma_start3A_409 = tpu.memref_slice %arg6[%dma_start3A_406, %dma_start3A_407, %dma_start3A_408] : memref<4x200x64xf32, #tpu.memory_space<vmem>> -> memref<1x72x64xf32, #tpu.memory_space<vmem>>
        %dma_start3A_410 = tpu.memref_squeeze %dma_start3A_409 : memref<1x72x64xf32, #tpu.memory_space<vmem>> -> memref<72x64xf32, #tpu.memory_space<vmem>>
        %dma_start3A_411 = arith.constant 128 : i32
        %dma_start3A_412 = tpu.memref_slice %arg5[%sub3A_100, %dma_start3A_411] : memref<128x200xi32, #tpu.memory_space<vmem>> -> memref<1x72xi32, #tpu.memory_space<vmem>>
        %dma_start3A_413 = tpu.memref_squeeze %dma_start3A_412 : memref<1x72xi32, #tpu.memory_space<vmem>> -> memref<72xi32, #tpu.memory_space<vmem>>
        %dma_start3A_414 = arith.constant 0 : i32
        %dma_start3A_415 = arith.constant 0 : i32
        %dma_start3A_416 = tpu.memref_slice %arg2[%dma_start3A_414, %dma_start3A_415] : memref<1000000x64xf32, #tpu.memory_space<hbm>> -> memref<1000000x64xf32, #tpu.memory_space<hbm>>
        tpu.enqueue_indirect_dma source(%dma_start3A_416 : memref<1000000x64xf32, #tpu.memory_space<hbm>>) target(%dma_start3A_410 : memref<72x64xf32, #tpu.memory_space<vmem>>) offsets(%dma_start3A_413 : memref<72xi32, #tpu.memory_space<vmem>>) semaphore(%arg15 : memref<!tpu.dma_semaphore, #tpu.memory_space<semaphore_mem>>)
      } else {
      }
      %broadcast_in_dim3A = arith.constant 0.000000e+00 : f32
      %broadcast_in_dim3A_103 = vector.broadcast %broadcast_in_dim3A : f32 to vector<16xf32>
      %dma_wait3A = arith.constant 0 : i32
      %dma_wait3A_104 = arith.constant 0 : i32
      %dma_wait3A_105 = arith.constant 0 : i32
      %dma_wait3A_106 = tpu.memref_slice %arg6[%dma_wait3A, %dma_wait3A_104, %dma_wait3A_105] : memref<4x200x64xf32, #tpu.memory_space<vmem>> -> memref<1x128x64xf32, #tpu.memory_space<vmem>>
      %dma_wait3A_107 = tpu.memref_squeeze %dma_wait3A_106 : memref<1x128x64xf32, #tpu.memory_space<vmem>> -> memref<128x64xf32, #tpu.memory_space<vmem>>
      %dma_wait3A_108 = arith.constant 0 : i32
      %dma_wait3A_109 = tpu.memref_slice %arg5[%add3A_97, %dma_wait3A_108] : memref<128x200xi32, #tpu.memory_space<vmem>> -> memref<1x128xi32, #tpu.memory_space<vmem>>
      %dma_wait3A_110 = tpu.memref_squeeze %dma_wait3A_109 : memref<1x128xi32, #tpu.memory_space<vmem>> -> memref<128xi32, #tpu.memory_space<vmem>>
      %dma_wait3A_111 = arith.constant 0 : i32
      %dma_wait3A_112 = arith.constant 0 : i32
      %dma_wait3A_113 = tpu.memref_slice %arg2[%dma_wait3A_111, %dma_wait3A_112] : memref<1000000x64xf32, #tpu.memory_space<hbm>> -> memref<1000000x64xf32, #tpu.memory_space<hbm>>
      tpu.wait_indirect_dma semaphore(%arg8 : memref<!tpu.dma_semaphore, #tpu.memory_space<semaphore_mem>>) src(%dma_wait3A_113 : memref<1000000x64xf32, #tpu.memory_space<hbm>>) dst(%dma_wait3A_107 : memref<128x64xf32, #tpu.memory_space<vmem>>)
      %scan3A_114 = arith.constant 0 : i32
      %scan3A_115 = arith.constant 16 : i32
      %scan3A_116 = arith.addi %scan3A_114, %scan3A_115 : i32
      %scan3A_117 = arith.constant 1 : i32
      %scan3A_118:5 = scf.for %scan3A_395 = %scan3A_114 to %scan3A_116 step %scan3A_117 iter_args(%scan3A_396 = %broadcast_in_dim3A_103, %scan3A_397 = %broadcast_in_dim3A_103, %scan3A_398 = %broadcast_in_dim3A_103, %scan3A_399 = %broadcast_in_dim3A_103, %scan3A_400 = %broadcast_in_dim3A_103) -> (vector<16xf32>, vector<16xf32>, vector<16xf32>, vector<16xf32>, vector<16xf32>)  : i32 {
        %mul3A_401 = arith.constant 8 : i32
        %mul3A_402 = arith.muli %scan3A_395, %mul3A_401 : i32
        %add3A_403 = arith.constant 0 : i32
        %add3A_404 = arith.addi %add3A_403, %mul3A_402 : i32
        %add3A_405 = arith.constant 0 : i32
        %add3A_406 = arith.addi %add3A_404, %add3A_405 : i32
        %get3A = arith.constant 0 : i32
        %get3A_407 = arith.index_cast %get3A : i32 to index
        %get3A_408 = arith.index_cast %add3A_406 : i32 to index
        %get3A_409 = arith.constant 0 : index
        %get3A_410 = tpu.vector_load %arg6[%get3A_407, %get3A_408, %get3A_409] {strides = array<i32>} : memref<4x200x64xf32, #tpu.memory_space<vmem>>, vector<1x1x16xf32>,
        %get3A_411 = vector.shape_cast %get3A_410 : vector<1x1x16xf32> to vector<16xf32>
        %get3A_412 = arith.constant 0 : i32
        %get3A_413 = arith.index_cast %get3A_412 : i32 to index
        %get3A_414 = arith.index_cast %add3A_406 : i32 to index
        %get3A_415 = arith.constant 16 : index
        %get3A_416 = tpu.vector_load %arg6[%get3A_413, %get3A_414, %get3A_415] {strides = array<i32>} : memref<4x200x64xf32, #tpu.memory_space<vmem>>, vector<1x1x16xf32>,
        %get3A_417 = vector.shape_cast %get3A_416 : vector<1x1x16xf32> to vector<16xf32>
        %get3A_418 = arith.constant 0 : i32
        %get3A_419 = arith.index_cast %get3A_418 : i32 to index
        %get3A_420 = arith.index_cast %add3A_406 : i32 to index
        %get3A_421 = arith.constant 32 : index
        %get3A_422 = tpu.vector_load %arg6[%get3A_419, %get3A_420, %get3A_421] {strides = array<i32>} : memref<4x200x64xf32, #tpu.memory_space<vmem>>, vector<1x1x16xf32>,
        %get3A_423 = vector.shape_cast %get3A_422 : vector<1x1x16xf32> to vector<16xf32>
        %get3A_424 = arith.constant 0 : i32
        %get3A_425 = arith.index_cast %get3A_424 : i32 to index
        %get3A_426 = arith.index_cast %add3A_406 : i32 to index
        %get3A_427 = arith.constant 48 : index
        %get3A_428 = tpu.vector_load %arg6[%get3A_425, %get3A_426, %get3A_427] {strides = array<i32>} : memref<4x200x64xf32, #tpu.memory_space<vmem>>, vector<1x1x16xf32>,
        %get3A_429 = vector.shape_cast %get3A_428 : vector<1x1x16xf32> to vector<16xf32>
        %add3A_430 = arith.addf %get3A_411, %get3A_417 : vector<16xf32>
        %add3A_431 = arith.addf %get3A_423, %get3A_429 : vector<16xf32>
        %add3A_432 = arith.addf %add3A_430, %add3A_431 : vector<16xf32>
        %gather3A = vector.shape_cast %reshape3A : vector<16x1xi32> to vector<16xi32>
        %gather3A_433 = tpu.dynamic_gather %add3A_432[%gather3A] in [0] : vector<16xf32>, vector<16xi32> -> vector<16xf32>
        %add3A_434 = arith.addf %add3A_432, %gather3A_433 : vector<16xf32>
        %gather3A_435 = vector.shape_cast %reshape3A_8 : vector<16x1xi32> to vector<16xi32>
        %gather3A_436 = tpu.dynamic_gather %add3A_434[%gather3A_435] in [0] : vector<16xf32>, vector<16xi32> -> vector<16xf32>
        %add3A_437 = arith.addf %add3A_434, %gather3A_436 : vector<16xf32>
        %gather3A_438 = vector.shape_cast %reshape3A_12 : vector<16x1xi32> to vector<16xi32>
        %gather3A_439 = tpu.dynamic_gather %add3A_437[%gather3A_438] in [0] : vector<16xf32>, vector<16xi32> -> vector<16xf32>
        %add3A_440 = arith.addf %add3A_437, %gather3A_439 : vector<16xf32>
        %gather3A_441 = vector.shape_cast %reshape3A_16 : vector<16x1xi32> to vector<16xi32>
        %gather3A_442 = tpu.dynamic_gather %add3A_440[%gather3A_441] in [0] : vector<16xf32>, vector<16xi32> -> vector<16xf32>
        %add3A_443 = arith.addf %add3A_440, %gather3A_442 : vector<16xf32>
        %ne3A = arith.constant 0.000000e+00 : f32
        %ne3A_444 = vector.broadcast %ne3A : f32 to vector<16xf32>
        %ne3A_445 = arith.cmpf one, %add3A_443, %ne3A_444 : vector<16xf32>
        %add3A_446 = arith.addf %scan3A_396, %get3A_411 : vector<16xf32>
        %select_n3A = arith.select %ne3A_445, %add3A_446, %scan3A_396 : vector<16xi1>, vector<16xf32>
        %add3A_447 = arith.addf %scan3A_397, %get3A_417 : vector<16xf32>
        %select_n3A_448 = arith.select %ne3A_445, %add3A_447, %scan3A_397 : vector<16xi1>, vector<16xf32>
        %add3A_449 = arith.addf %scan3A_398, %get3A_423 : vector<16xf32>
        %select_n3A_450 = arith.select %ne3A_445, %add3A_449, %scan3A_398 : vector<16xi1>, vector<16xf32>
        %add3A_451 = arith.addf %scan3A_399, %get3A_429 : vector<16xf32>
        %select_n3A_452 = arith.select %ne3A_445, %add3A_451, %scan3A_399 : vector<16xi1>, vector<16xf32>
        %add3A_453 = arith.constant 1.000000e+00 : f32
        %add3A_454 = vector.broadcast %add3A_453 : f32 to vector<16xf32>
        %add3A_455 = arith.addf %scan3A_400, %add3A_454 : vector<16xf32>
        %select_n3A_456 = arith.select %ne3A_445, %add3A_455, %scan3A_400 : vector<16xi1>, vector<16xf32>
        %add3A_457 = arith.constant 1 : i32
        %add3A_458 = arith.addi %add3A_404, %add3A_457 : i32
        %get3A_459 = arith.constant 0 : i32
        %get3A_460 = arith.index_cast %get3A_459 : i32 to index
        %get3A_461 = arith.index_cast %add3A_458 : i32 to index
        %get3A_462 = arith.constant 0 : index
        %get3A_463 = tpu.vector_load %arg6[%get3A_460, %get3A_461, %get3A_462] {strides = array<i32>} : memref<4x200x64xf32, #tpu.memory_space<vmem>>, vector<1x1x16xf32>,
        %get3A_464 = vector.shape_cast %get3A_463 : vector<1x1x16xf32> to vector<16xf32>
        %get3A_465 = arith.constant 0 : i32
        %get3A_466 = arith.index_cast %get3A_465 : i32 to index
        %get3A_467 = arith.index_cast %add3A_458 : i32 to index
        %get3A_468 = arith.constant 16 : index
        %get3A_469 = tpu.vector_load %arg6[%get3A_466, %get3A_467, %get3A_468] {strides = array<i32>} : memref<4x200x64xf32, #tpu.memory_space<vmem>>, vector<1x1x16xf32>,
        %get3A_470 = vector.shape_cast %get3A_469 : vector<1x1x16xf32> to vector<16xf32>
        %get3A_471 = arith.constant 0 : i32
        %get3A_472 = arith.index_cast %get3A_471 : i32 to index
        %get3A_473 = arith.index_cast %add3A_458 : i32 to index
        %get3A_474 = arith.constant 32 : index
        %get3A_475 = tpu.vector_load %arg6[%get3A_472, %get3A_473, %get3A_474] {strides = array<i32>} : memref<4x200x64xf32, #tpu.memory_space<vmem>>, vector<1x1x16xf32>,
        %get3A_476 = vector.shape_cast %get3A_475 : vector<1x1x16xf32> to vector<16xf32>
        %get3A_477 = arith.constant 0 : i32
        %get3A_478 = arith.index_cast %get3A_477 : i32 to index
        %get3A_479 = arith.index_cast %add3A_458 : i32 to index
        %get3A_480 = arith.constant 48 : index
        %get3A_481 = tpu.vector_load %arg6[%get3A_478, %get3A_479, %get3A_480] {strides = array<i32>} : memref<4x200x64xf32, #tpu.memory_space<vmem>>, vector<1x1x16xf32>,
        %get3A_482 = vector.shape_cast %get3A_481 : vector<1x1x16xf32> to vector<16xf32>
        %add3A_483 = arith.addf %get3A_464, %get3A_470 : vector<16xf32>
        %add3A_484 = arith.addf %get3A_476, %get3A_482 : vector<16xf32>
        %add3A_485 = arith.addf %add3A_483, %add3A_484 : vector<16xf32>
        %gather3A_486 = vector.shape_cast %reshape3A : vector<16x1xi32> to vector<16xi32>
        %gather3A_487 = tpu.dynamic_gather %add3A_485[%gather3A_486] in [0] : vector<16xf32>, vector<16xi32> -> vector<16xf32>
        %add3A_488 = arith.addf %add3A_485, %gather3A_487 : vector<16xf32>
        %gather3A_489 = vector.shape_cast %reshape3A_8 : vector<16x1xi32> to vector<16xi32>
        %gather3A_490 = tpu.dynamic_gather %add3A_488[%gather3A_489] in [0] : vector<16xf32>, vector<16xi32> -> vector<16xf32>
        %add3A_491 = arith.addf %add3A_488, %gather3A_490 : vector<16xf32>
        %gather3A_492 = vector.shape_cast %reshape3A_12 : vector<16x1xi32> to vector<16xi32>
        %gather3A_493 = tpu.dynamic_gather %add3A_491[%gather3A_492] in [0] : vector<16xf32>, vector<16xi32> -> vector<16xf32>
        %add3A_494 = arith.addf %add3A_491, %gather3A_493 : vector<16xf32>
        %gather3A_495 = vector.shape_cast %reshape3A_16 : vector<16x1xi32> to vector<16xi32>
        %gather3A_496 = tpu.dynamic_gather %add3A_494[%gather3A_495] in [0] : vector<16xf32>, vector<16xi32> -> vector<16xf32>
        %add3A_497 = arith.addf %add3A_494, %gather3A_496 : vector<16xf32>
        %ne3A_498 = arith.constant 0.000000e+00 : f32
        %ne3A_499 = vector.broadcast %ne3A_498 : f32 to vector<16xf32>
        %ne3A_500 = arith.cmpf one, %add3A_497, %ne3A_499 : vector<16xf32>
        %add3A_501 = arith.addf %select_n3A, %get3A_464 : vector<16xf32>
        %select_n3A_502 = arith.select %ne3A_500, %add3A_501, %select_n3A : vector<16xi1>, vector<16xf32>
        %add3A_503 = arith.addf %select_n3A_448, %get3A_470 : vector<16xf32>
        %select_n3A_504 = arith.select %ne3A_500, %add3A_503, %select_n3A_448 : vector<16xi1>, vector<16xf32>
        %add3A_505 = arith.addf %select_n3A_450, %get3A_476 : vector<16xf32>
        %select_n3A_506 = arith.select %ne3A_500, %add3A_505, %select_n3A_450 : vector<16xi1>, vector<16xf32>
        %add3A_507 = arith.addf %select_n3A_452, %get3A_482 : vector<16xf32>
        %select_n3A_508 = arith.select %ne3A_500, %add3A_507, %select_n3A_452 : vector<16xi1>, vector<16xf32>
        %add3A_509 = arith.constant 1.000000e+00 : f32
        %add3A_510 = vector.broadcast %add3A_509 : f32 to vector<16xf32>
        %add3A_511 = arith.addf %select_n3A_456, %add3A_510 : vector<16xf32>
        %select_n3A_512 = arith.select %ne3A_500, %add3A_511, %select_n3A_456 : vector<16xi1>, vector<16xf32>
        %add3A_513 = arith.constant 2 : i32
        %add3A_514 = arith.addi %add3A_404, %add3A_513 : i32
        %get3A_515 = arith.constant 0 : i32
        %get3A_516 = arith.index_cast %get3A_515 : i32 to index
        %get3A_517 = arith.index_cast %add3A_514 : i32 to index
        %get3A_518 = arith.constant 0 : index
        %get3A_519 = tpu.vector_load %arg6[%get3A_516, %get3A_517, %get3A_518] {strides = array<i32>} : memref<4x200x64xf32, #tpu.memory_space<vmem>>, vector<1x1x16xf32>,
        %get3A_520 = vector.shape_cast %get3A_519 : vector<1x1x16xf32> to vector<16xf32>
        %get3A_521 = arith.constant 0 : i32
        %get3A_522 = arith.index_cast %get3A_521 : i32 to index
        %get3A_523 = arith.index_cast %add3A_514 : i32 to index
        %get3A_524 = arith.constant 16 : index
        %get3A_525 = tpu.vector_load %arg6[%get3A_522, %get3A_523, %get3A_524] {strides = array<i32>} : memref<4x200x64xf32, #tpu.memory_space<vmem>>, vector<1x1x16xf32>,
        %get3A_526 = vector.shape_cast %get3A_525 : vector<1x1x16xf32> to vector<16xf32>
        %get3A_527 = arith.constant 0 : i32
        %get3A_528 = arith.index_cast %get3A_527 : i32 to index
        %get3A_529 = arith.index_cast %add3A_514 : i32 to index
        %get3A_530 = arith.constant 32 : index
        %get3A_531 = tpu.vector_load %arg6[%get3A_528, %get3A_529, %get3A_530] {strides = array<i32>} : memref<4x200x64xf32, #tpu.memory_space<vmem>>, vector<1x1x16xf32>,
        %get3A_532 = vector.shape_cast %get3A_531 : vector<1x1x16xf32> to vector<16xf32>
        %get3A_533 = arith.constant 0 : i32
        %get3A_534 = arith.index_cast %get3A_533 : i32 to index
        %get3A_535 = arith.index_cast %add3A_514 : i32 to index
        %get3A_536 = arith.constant 48 : index
        %get3A_537 = tpu.vector_load %arg6[%get3A_534, %get3A_535, %get3A_536] {strides = array<i32>} : memref<4x200x64xf32, #tpu.memory_space<vmem>>, vector<1x1x16xf32>,
        %get3A_538 = vector.shape_cast %get3A_537 : vector<1x1x16xf32> to vector<16xf32>
        %add3A_539 = arith.addf %get3A_520, %get3A_526 : vector<16xf32>
        %add3A_540 = arith.addf %get3A_532, %get3A_538 : vector<16xf32>
        %add3A_541 = arith.addf %add3A_539, %add3A_540 : vector<16xf32>
        %gather3A_542 = vector.shape_cast %reshape3A : vector<16x1xi32> to vector<16xi32>
        %gather3A_543 = tpu.dynamic_gather %add3A_541[%gather3A_542] in [0] : vector<16xf32>, vector<16xi32> -> vector<16xf32>
        %add3A_544 = arith.addf %add3A_541, %gather3A_543 : vector<16xf32>
        %gather3A_545 = vector.shape_cast %reshape3A_8 : vector<16x1xi32> to vector<16xi32>
        %gather3A_546 = tpu.dynamic_gather %add3A_544[%gather3A_545] in [0] : vector<16xf32>, vector<16xi32> -> vector<16xf32>
        %add3A_547 = arith.addf %add3A_544, %gather3A_546 : vector<16xf32>
        %gather3A_548 = vector.shape_cast %reshape3A_12 : vector<16x1xi32> to vector<16xi32>
        %gather3A_549 = tpu.dynamic_gather %add3A_547[%gather3A_548] in [0] : vector<16xf32>, vector<16xi32> -> vector<16xf32>
        %add3A_550 = arith.addf %add3A_547, %gather3A_549 : vector<16xf32>
        %gather3A_551 = vector.shape_cast %reshape3A_16 : vector<16x1xi32> to vector<16xi32>
        %gather3A_552 = tpu.dynamic_gather %add3A_550[%gather3A_551] in [0] : vector<16xf32>, vector<16xi32> -> vector<16xf32>
        %add3A_553 = arith.addf %add3A_550, %gather3A_552 : vector<16xf32>
        %ne3A_554 = arith.constant 0.000000e+00 : f32
        %ne3A_555 = vector.broadcast %ne3A_554 : f32 to vector<16xf32>
        %ne3A_556 = arith.cmpf one, %add3A_553, %ne3A_555 : vector<16xf32>
        %add3A_557 = arith.addf %select_n3A_502, %get3A_520 : vector<16xf32>
        %select_n3A_558 = arith.select %ne3A_556, %add3A_557, %select_n3A_502 : vector<16xi1>, vector<16xf32>
        %add3A_559 = arith.addf %select_n3A_504, %get3A_526 : vector<16xf32>
        %select_n3A_560 = arith.select %ne3A_556, %add3A_559, %select_n3A_504 : vector<16xi1>, vector<16xf32>
        %add3A_561 = arith.addf %select_n3A_506, %get3A_532 : vector<16xf32>
        %select_n3A_562 = arith.select %ne3A_556, %add3A_561, %select_n3A_506 : vector<16xi1>, vector<16xf32>
        %add3A_563 = arith.addf %select_n3A_508, %get3A_538 : vector<16xf32>
        %select_n3A_564 = arith.select %ne3A_556, %add3A_563, %select_n3A_508 : vector<16xi1>, vector<16xf32>
        %add3A_565 = arith.constant 1.000000e+00 : f32
        %add3A_566 = vector.broadcast %add3A_565 : f32 to vector<16xf32>
        %add3A_567 = arith.addf %select_n3A_512, %add3A_566 : vector<16xf32>
        %select_n3A_568 = arith.select %ne3A_556, %add3A_567, %select_n3A_512 : vector<16xi1>, vector<16xf32>
        %add3A_569 = arith.constant 3 : i32
        %add3A_570 = arith.addi %add3A_404, %add3A_569 : i32
        %get3A_571 = arith.constant 0 : i32
        %get3A_572 = arith.index_cast %get3A_571 : i32 to index
        %get3A_573 = arith.index_cast %add3A_570 : i32 to index
        %get3A_574 = arith.constant 0 : index
        %get3A_575 = tpu.vector_load %arg6[%get3A_572, %get3A_573, %get3A_574] {strides = array<i32>} : memref<4x200x64xf32, #tpu.memory_space<vmem>>, vector<1x1x16xf32>,
        %get3A_576 = vector.shape_cast %get3A_575 : vector<1x1x16xf32> to vector<16xf32>
        %get3A_577 = arith.constant 0 : i32
        %get3A_578 = arith.index_cast %get3A_577 : i32 to index
        %get3A_579 = arith.index_cast %add3A_570 : i32 to index
        %get3A_580 = arith.constant 16 : index
        %get3A_581 = tpu.vector_load %arg6[%get3A_578, %get3A_579, %get3A_580] {strides = array<i32>} : memref<4x200x64xf32, #tpu.memory_space<vmem>>, vector<1x1x16xf32>,
        %get3A_582 = vector.shape_cast %get3A_581 : vector<1x1x16xf32> to vector<16xf32>
        %get3A_583 = arith.constant 0 : i32
        %get3A_584 = arith.index_cast %get3A_583 : i32 to index
        %get3A_585 = arith.index_cast %add3A_570 : i32 to index
        %get3A_586 = arith.constant 32 : index
        %get3A_587 = tpu.vector_load %arg6[%get3A_584, %get3A_585, %get3A_586] {strides = array<i32>} : memref<4x200x64xf32, #tpu.memory_space<vmem>>, vector<1x1x16xf32>,
        %get3A_588 = vector.shape_cast %get3A_587 : vector<1x1x16xf32> to vector<16xf32>
        %get3A_589 = arith.constant 0 : i32
        %get3A_590 = arith.index_cast %get3A_589 : i32 to index
        %get3A_591 = arith.index_cast %add3A_570 : i32 to index
        %get3A_592 = arith.constant 48 : index
        %get3A_593 = tpu.vector_load %arg6[%get3A_590, %get3A_591, %get3A_592] {strides = array<i32>} : memref<4x200x64xf32, #tpu.memory_space<vmem>>, vector<1x1x16xf32>,
        %get3A_594 = vector.shape_cast %get3A_593 : vector<1x1x16xf32> to vector<16xf32>
        %add3A_595 = arith.addf %get3A_576, %get3A_582 : vector<16xf32>
        %add3A_596 = arith.addf %get3A_588, %get3A_594 : vector<16xf32>
        %add3A_597 = arith.addf %add3A_595, %add3A_596 : vector<16xf32>
        %gather3A_598 = vector.shape_cast %reshape3A : vector<16x1xi32> to vector<16xi32>
        %gather3A_599 = tpu.dynamic_gather %add3A_597[%gather3A_598] in [0] : vector<16xf32>, vector<16xi32> -> vector<16xf32>
        %add3A_600 = arith.addf %add3A_597, %gather3A_599 : vector<16xf32>
        %gather3A_601 = vector.shape_cast %reshape3A_8 : vector<16x1xi32> to vector<16xi32>
        %gather3A_602 = tpu.dynamic_gather %add3A_600[%gather3A_601] in [0] : vector<16xf32>, vector<16xi32> -> vector<16xf32>
        %add3A_603 = arith.addf %add3A_600, %gather3A_602 : vector<16xf32>
        %gather3A_604 = vector.shape_cast %reshape3A_12 : vector<16x1xi32> to vector<16xi32>
        %gather3A_605 = tpu.dynamic_gather %add3A_603[%gather3A_604] in [0] : vector<16xf32>, vector<16xi32> -> vector<16xf32>
        %add3A_606 = arith.addf %add3A_603, %gather3A_605 : vector<16xf32>
        %gather3A_607 = vector.shape_cast %reshape3A_16 : vector<16x1xi32> to vector<16xi32>
        %gather3A_608 = tpu.dynamic_gather %add3A_606[%gather3A_607] in [0] : vector<16xf32>, vector<16xi32> -> vector<16xf32>
        %add3A_609 = arith.addf %add3A_606, %gather3A_608 : vector<16xf32>
        %ne3A_610 = arith.constant 0.000000e+00 : f32
        %ne3A_611 = vector.broadcast %ne3A_610 : f32 to vector<16xf32>
        %ne3A_612 = arith.cmpf one, %add3A_609, %ne3A_611 : vector<16xf32>
        %add3A_613 = arith.addf %select_n3A_558, %get3A_576 : vector<16xf32>
        %select_n3A_614 = arith.select %ne3A_612, %add3A_613, %select_n3A_558 : vector<16xi1>, vector<16xf32>
        %add3A_615 = arith.addf %select_n3A_560, %get3A_582 : vector<16xf32>
        %select_n3A_616 = arith.select %ne3A_612, %add3A_615, %select_n3A_560 : vector<16xi1>, vector<16xf32>
        %add3A_617 = arith.addf %select_n3A_562, %get3A_588 : vector<16xf32>
        %select_n3A_618 = arith.select %ne3A_612, %add3A_617, %select_n3A_562 : vector<16xi1>, vector<16xf32>
        %add3A_619 = arith.addf %select_n3A_564, %get3A_594 : vector<16xf32>
        %select_n3A_620 = arith.select %ne3A_612, %add3A_619, %select_n3A_564 : vector<16xi1>, vector<16xf32>
        %add3A_621 = arith.constant 1.000000e+00 : f32
        %add3A_622 = vector.broadcast %add3A_621 : f32 to vector<16xf32>
        %add3A_623 = arith.addf %select_n3A_568, %add3A_622 : vector<16xf32>
        %select_n3A_624 = arith.select %ne3A_612, %add3A_623, %select_n3A_568 : vector<16xi1>, vector<16xf32>
        %add3A_625 = arith.constant 4 : i32
        %add3A_626 = arith.addi %add3A_404, %add3A_625 : i32
        %get3A_627 = arith.constant 0 : i32
        %get3A_628 = arith.index_cast %get3A_627 : i32 to index
        %get3A_629 = arith.index_cast %add3A_626 : i32 to index
        %get3A_630 = arith.constant 0 : index
        %get3A_631 = tpu.vector_load %arg6[%get3A_628, %get3A_629, %get3A_630] {strides = array<i32>} : memref<4x200x64xf32, #tpu.memory_space<vmem>>, vector<1x1x16xf32>,
        %get3A_632 = vector.shape_cast %get3A_631 : vector<1x1x16xf32> to vector<16xf32>
        %get3A_633 = arith.constant 0 : i32
        %get3A_634 = arith.index_cast %get3A_633 : i32 to index
        %get3A_635 = arith.index_cast %add3A_626 : i32 to index
        %get3A_636 = arith.constant 16 : index
        %get3A_637 = tpu.vector_load %arg6[%get3A_634, %get3A_635, %get3A_636] {strides = array<i32>} : memref<4x200x64xf32, #tpu.memory_space<vmem>>, vector<1x1x16xf32>,
        %get3A_638 = vector.shape_cast %get3A_637 : vector<1x1x16xf32> to vector<16xf32>
        %get3A_639 = arith.constant 0 : i32
        %get3A_640 = arith.index_cast %get3A_639 : i32 to index
        %get3A_641 = arith.index_cast %add3A_626 : i32 to index
        %get3A_642 = arith.constant 32 : index
        %get3A_643 = tpu.vector_load %arg6[%get3A_640, %get3A_641, %get3A_642] {strides = array<i32>} : memref<4x200x64xf32, #tpu.memory_space<vmem>>, vector<1x1x16xf32>,
        %get3A_644 = vector.shape_cast %get3A_643 : vector<1x1x16xf32> to vector<16xf32>
        %get3A_645 = arith.constant 0 : i32
        %get3A_646 = arith.index_cast %get3A_645 : i32 to index
        %get3A_647 = arith.index_cast %add3A_626 : i32 to index
        %get3A_648 = arith.constant 48 : index
        %get3A_649 = tpu.vector_load %arg6[%get3A_646, %get3A_647, %get3A_648] {strides = array<i32>} : memref<4x200x64xf32, #tpu.memory_space<vmem>>, vector<1x1x16xf32>,
        %get3A_650 = vector.shape_cast %get3A_649 : vector<1x1x16xf32> to vector<16xf32>
        %add3A_651 = arith.addf %get3A_632, %get3A_638 : vector<16xf32>
        %add3A_652 = arith.addf %get3A_644, %get3A_650 : vector<16xf32>
        %add3A_653 = arith.addf %add3A_651, %add3A_652 : vector<16xf32>
        %gather3A_654 = vector.shape_cast %reshape3A : vector<16x1xi32> to vector<16xi32>
        %gather3A_655 = tpu.dynamic_gather %add3A_653[%gather3A_654] in [0] : vector<16xf32>, vector<16xi32> -> vector<16xf32>
        %add3A_656 = arith.addf %add3A_653, %gather3A_655 : vector<16xf32>
        %gather3A_657 = vector.shape_cast %reshape3A_8 : vector<16x1xi32> to vector<16xi32>
        %gather3A_658 = tpu.dynamic_gather %add3A_656[%gather3A_657] in [0] : vector<16xf32>, vector<16xi32> -> vector<16xf32>
        %add3A_659 = arith.addf %add3A_656, %gather3A_658 : vector<16xf32>
        %gather3A_660 = vector.shape_cast %reshape3A_12 : vector<16x1xi32> to vector<16xi32>
        %gather3A_661 = tpu.dynamic_gather %add3A_659[%gather3A_660] in [0] : vector<16xf32>, vector<16xi32> -> vector<16xf32>
        %add3A_662 = arith.addf %add3A_659, %gather3A_661 : vector<16xf32>
        %gather3A_663 = vector.shape_cast %reshape3A_16 : vector<16x1xi32> to vector<16xi32>
        %gather3A_664 = tpu.dynamic_gather %add3A_662[%gather3A_663] in [0] : vector<16xf32>, vector<16xi32> -> vector<16xf32>
        %add3A_665 = arith.addf %add3A_662, %gather3A_664 : vector<16xf32>
        %ne3A_666 = arith.constant 0.000000e+00 : f32
        %ne3A_667 = vector.broadcast %ne3A_666 : f32 to vector<16xf32>
        %ne3A_668 = arith.cmpf one, %add3A_665, %ne3A_667 : vector<16xf32>
        %add3A_669 = arith.addf %select_n3A_614, %get3A_632 : vector<16xf32>
        %select_n3A_670 = arith.select %ne3A_668, %add3A_669, %select_n3A_614 : vector<16xi1>, vector<16xf32>
        %add3A_671 = arith.addf %select_n3A_616, %get3A_638 : vector<16xf32>
        %select_n3A_672 = arith.select %ne3A_668, %add3A_671, %select_n3A_616 : vector<16xi1>, vector<16xf32>
        %add3A_673 = arith.addf %select_n3A_618, %get3A_644 : vector<16xf32>
        %select_n3A_674 = arith.select %ne3A_668, %add3A_673, %select_n3A_618 : vector<16xi1>, vector<16xf32>
        %add3A_675 = arith.addf %select_n3A_620, %get3A_650 : vector<16xf32>
        %select_n3A_676 = arith.select %ne3A_668, %add3A_675, %select_n3A_620 : vector<16xi1>, vector<16xf32>
        %add3A_677 = arith.constant 1.000000e+00 : f32
        %add3A_678 = vector.broadcast %add3A_677 : f32 to vector<16xf32>
        %add3A_679 = arith.addf %select_n3A_624, %add3A_678 : vector<16xf32>
        %select_n3A_680 = arith.select %ne3A_668, %add3A_679, %select_n3A_624 : vector<16xi1>, vector<16xf32>
        %add3A_681 = arith.constant 5 : i32
        %add3A_682 = arith.addi %add3A_404, %add3A_681 : i32
        %get3A_683 = arith.constant 0 : i32
        %get3A_684 = arith.index_cast %get3A_683 : i32 to index
        %get3A_685 = arith.index_cast %add3A_682 : i32 to index
        %get3A_686 = arith.constant 0 : index
        %get3A_687 = tpu.vector_load %arg6[%get3A_684, %get3A_685, %get3A_686] {strides = array<i32>} : memref<4x200x64xf32, #tpu.memory_space<vmem>>, vector<1x1x16xf32>,
        %get3A_688 = vector.shape_cast %get3A_687 : vector<1x1x16xf32> to vector<16xf32>
        %get3A_689 = arith.constant 0 : i32
        %get3A_690 = arith.index_cast %get3A_689 : i32 to index
        %get3A_691 = arith.index_cast %add3A_682 : i32 to index
        %get3A_692 = arith.constant 16 : index
        %get3A_693 = tpu.vector_load %arg6[%get3A_690, %get3A_691, %get3A_692] {strides = array<i32>} : memref<4x200x64xf32, #tpu.memory_space<vmem>>, vector<1x1x16xf32>,
        %get3A_694 = vector.shape_cast %get3A_693 : vector<1x1x16xf32> to vector<16xf32>
        %get3A_695 = arith.constant 0 : i32
        %get3A_696 = arith.index_cast %get3A_695 : i32 to index
        %get3A_697 = arith.index_cast %add3A_682 : i32 to index
        %get3A_698 = arith.constant 32 : index
        %get3A_699 = tpu.vector_load %arg6[%get3A_696, %get3A_697, %get3A_698] {strides = array<i32>} : memref<4x200x64xf32, #tpu.memory_space<vmem>>, vector<1x1x16xf32>,
        %get3A_700 = vector.shape_cast %get3A_699 : vector<1x1x16xf32> to vector<16xf32>
        %get3A_701 = arith.constant 0 : i32
        %get3A_702 = arith.index_cast %get3A_701 : i32 to index
        %get3A_703 = arith.index_cast %add3A_682 : i32 to index
        %get3A_704 = arith.constant 48 : index
        %get3A_705 = tpu.vector_load %arg6[%get3A_702, %get3A_703, %get3A_704] {strides = array<i32>} : memref<4x200x64xf32, #tpu.memory_space<vmem>>, vector<1x1x16xf32>,
        %get3A_706 = vector.shape_cast %get3A_705 : vector<1x1x16xf32> to vector<16xf32>
        %add3A_707 = arith.addf %get3A_688, %get3A_694 : vector<16xf32>
        %add3A_708 = arith.addf %get3A_700, %get3A_706 : vector<16xf32>
        %add3A_709 = arith.addf %add3A_707, %add3A_708 : vector<16xf32>
        %gather3A_710 = vector.shape_cast %reshape3A : vector<16x1xi32> to vector<16xi32>
        %gather3A_711 = tpu.dynamic_gather %add3A_709[%gather3A_710] in [0] : vector<16xf32>, vector<16xi32> -> vector<16xf32>
        %add3A_712 = arith.addf %add3A_709, %gather3A_711 : vector<16xf32>
        %gather3A_713 = vector.shape_cast %reshape3A_8 : vector<16x1xi32> to vector<16xi32>
        %gather3A_714 = tpu.dynamic_gather %add3A_712[%gather3A_713] in [0] : vector<16xf32>, vector<16xi32> -> vector<16xf32>
        %add3A_715 = arith.addf %add3A_712, %gather3A_714 : vector<16xf32>
        %gather3A_716 = vector.shape_cast %reshape3A_12 : vector<16x1xi32> to vector<16xi32>
        %gather3A_717 = tpu.dynamic_gather %add3A_715[%gather3A_716] in [0] : vector<16xf32>, vector<16xi32> -> vector<16xf32>
        %add3A_718 = arith.addf %add3A_715, %gather3A_717 : vector<16xf32>
        %gather3A_719 = vector.shape_cast %reshape3A_16 : vector<16x1xi32> to vector<16xi32>
        %gather3A_720 = tpu.dynamic_gather %add3A_718[%gather3A_719] in [0] : vector<16xf32>, vector<16xi32> -> vector<16xf32>
        %add3A_721 = arith.addf %add3A_718, %gather3A_720 : vector<16xf32>
        %ne3A_722 = arith.constant 0.000000e+00 : f32
        %ne3A_723 = vector.broadcast %ne3A_722 : f32 to vector<16xf32>
        %ne3A_724 = arith.cmpf one, %add3A_721, %ne3A_723 : vector<16xf32>
        %add3A_725 = arith.addf %select_n3A_670, %get3A_688 : vector<16xf32>
        %select_n3A_726 = arith.select %ne3A_724, %add3A_725, %select_n3A_670 : vector<16xi1>, vector<16xf32>
        %add3A_727 = arith.addf %select_n3A_672, %get3A_694 : vector<16xf32>
        %select_n3A_728 = arith.select %ne3A_724, %add3A_727, %select_n3A_672 : vector<16xi1>, vector<16xf32>
        %add3A_729 = arith.addf %select_n3A_674, %get3A_700 : vector<16xf32>
        %select_n3A_730 = arith.select %ne3A_724, %add3A_729, %select_n3A_674 : vector<16xi1>, vector<16xf32>
        %add3A_731 = arith.addf %select_n3A_676, %get3A_706 : vector<16xf32>
        %select_n3A_732 = arith.select %ne3A_724, %add3A_731, %select_n3A_676 : vector<16xi1>, vector<16xf32>
        %add3A_733 = arith.constant 1.000000e+00 : f32
        %add3A_734 = vector.broadcast %add3A_733 : f32 to vector<16xf32>
        %add3A_735 = arith.addf %select_n3A_680, %add3A_734 : vector<16xf32>
        %select_n3A_736 = arith.select %ne3A_724, %add3A_735, %select_n3A_680 : vector<16xi1>, vector<16xf32>
        %add3A_737 = arith.constant 6 : i32
        %add3A_738 = arith.addi %add3A_404, %add3A_737 : i32
        %get3A_739 = arith.constant 0 : i32
        %get3A_740 = arith.index_cast %get3A_739 : i32 to index
        %get3A_741 = arith.index_cast %add3A_738 : i32 to index
        %get3A_742 = arith.constant 0 : index
        %get3A_743 = tpu.vector_load %arg6[%get3A_740, %get3A_741, %get3A_742] {strides = array<i32>} : memref<4x200x64xf32, #tpu.memory_space<vmem>>, vector<1x1x16xf32>,
        %get3A_744 = vector.shape_cast %get3A_743 : vector<1x1x16xf32> to vector<16xf32>
        %get3A_745 = arith.constant 0 : i32
        %get3A_746 = arith.index_cast %get3A_745 : i32 to index
        %get3A_747 = arith.index_cast %add3A_738 : i32 to index
        %get3A_748 = arith.constant 16 : index
        %get3A_749 = tpu.vector_load %arg6[%get3A_746, %get3A_747, %get3A_748] {strides = array<i32>} : memref<4x200x64xf32, #tpu.memory_space<vmem>>, vector<1x1x16xf32>,
        %get3A_750 = vector.shape_cast %get3A_749 : vector<1x1x16xf32> to vector<16xf32>
        %get3A_751 = arith.constant 0 : i32
        %get3A_752 = arith.index_cast %get3A_751 : i32 to index
        %get3A_753 = arith.index_cast %add3A_738 : i32 to index
        %get3A_754 = arith.constant 32 : index
        %get3A_755 = tpu.vector_load %arg6[%get3A_752, %get3A_753, %get3A_754] {strides = array<i32>} : memref<4x200x64xf32, #tpu.memory_space<vmem>>, vector<1x1x16xf32>,
        %get3A_756 = vector.shape_cast %get3A_755 : vector<1x1x16xf32> to vector<16xf32>
        %get3A_757 = arith.constant 0 : i32
        %get3A_758 = arith.index_cast %get3A_757 : i32 to index
        %get3A_759 = arith.index_cast %add3A_738 : i32 to index
        %get3A_760 = arith.constant 48 : index
        %get3A_761 = tpu.vector_load %arg6[%get3A_758, %get3A_759, %get3A_760] {strides = array<i32>} : memref<4x200x64xf32, #tpu.memory_space<vmem>>, vector<1x1x16xf32>,
        %get3A_762 = vector.shape_cast %get3A_761 : vector<1x1x16xf32> to vector<16xf32>
        %add3A_763 = arith.addf %get3A_744, %get3A_750 : vector<16xf32>
        %add3A_764 = arith.addf %get3A_756, %get3A_762 : vector<16xf32>
        %add3A_765 = arith.addf %add3A_763, %add3A_764 : vector<16xf32>
        %gather3A_766 = vector.shape_cast %reshape3A : vector<16x1xi32> to vector<16xi32>
        %gather3A_767 = tpu.dynamic_gather %add3A_765[%gather3A_766] in [0] : vector<16xf32>, vector<16xi32> -> vector<16xf32>
        %add3A_768 = arith.addf %add3A_765, %gather3A_767 : vector<16xf32>
        %gather3A_769 = vector.shape_cast %reshape3A_8 : vector<16x1xi32> to vector<16xi32>
        %gather3A_770 = tpu.dynamic_gather %add3A_768[%gather3A_769] in [0] : vector<16xf32>, vector<16xi32> -> vector<16xf32>
        %add3A_771 = arith.addf %add3A_768, %gather3A_770 : vector<16xf32>
        %gather3A_772 = vector.shape_cast %reshape3A_12 : vector<16x1xi32> to vector<16xi32>
        %gather3A_773 = tpu.dynamic_gather %add3A_771[%gather3A_772] in [0] : vector<16xf32>, vector<16xi32> -> vector<16xf32>
        %add3A_774 = arith.addf %add3A_771, %gather3A_773 : vector<16xf32>
        %gather3A_775 = vector.shape_cast %reshape3A_16 : vector<16x1xi32> to vector<16xi32>
        %gather3A_776 = tpu.dynamic_gather %add3A_774[%gather3A_775] in [0] : vector<16xf32>, vector<16xi32> -> vector<16xf32>
        %add3A_777 = arith.addf %add3A_774, %gather3A_776 : vector<16xf32>
        %ne3A_778 = arith.constant 0.000000e+00 : f32
        %ne3A_779 = vector.broadcast %ne3A_778 : f32 to vector<16xf32>
        %ne3A_780 = arith.cmpf one, %add3A_777, %ne3A_779 : vector<16xf32>
        %add3A_781 = arith.addf %select_n3A_726, %get3A_744 : vector<16xf32>
        %select_n3A_782 = arith.select %ne3A_780, %add3A_781, %select_n3A_726 : vector<16xi1>, vector<16xf32>
        %add3A_783 = arith.addf %select_n3A_728, %get3A_750 : vector<16xf32>
        %select_n3A_784 = arith.select %ne3A_780, %add3A_783, %select_n3A_728 : vector<16xi1>, vector<16xf32>
        %add3A_785 = arith.addf %select_n3A_730, %get3A_756 : vector<16xf32>
        %select_n3A_786 = arith.select %ne3A_780, %add3A_785, %select_n3A_730 : vector<16xi1>, vector<16xf32>
        %add3A_787 = arith.addf %select_n3A_732, %get3A_762 : vector<16xf32>
        %select_n3A_788 = arith.select %ne3A_780, %add3A_787, %select_n3A_732 : vector<16xi1>, vector<16xf32>
        %add3A_789 = arith.constant 1.000000e+00 : f32
        %add3A_790 = vector.broadcast %add3A_789 : f32 to vector<16xf32>
        %add3A_791 = arith.addf %select_n3A_736, %add3A_790 : vector<16xf32>
        %select_n3A_792 = arith.select %ne3A_780, %add3A_791, %select_n3A_736 : vector<16xi1>, vector<16xf32>
        %add3A_793 = arith.constant 7 : i32
        %add3A_794 = arith.addi %add3A_404, %add3A_793 : i32
        %get3A_795 = arith.constant 0 : i32
        %get3A_796 = arith.index_cast %get3A_795 : i32 to index
        %get3A_797 = arith.index_cast %add3A_794 : i32 to index
        %get3A_798 = arith.constant 0 : index
        %get3A_799 = tpu.vector_load %arg6[%get3A_796, %get3A_797, %get3A_798] {strides = array<i32>} : memref<4x200x64xf32, #tpu.memory_space<vmem>>, vector<1x1x16xf32>,
        %get3A_800 = vector.shape_cast %get3A_799 : vector<1x1x16xf32> to vector<16xf32>
        %get3A_801 = arith.constant 0 : i32
        %get3A_802 = arith.index_cast %get3A_801 : i32 to index
        %get3A_803 = arith.index_cast %add3A_794 : i32 to index
        %get3A_804 = arith.constant 16 : index
        %get3A_805 = tpu.vector_load %arg6[%get3A_802, %get3A_803, %get3A_804] {strides = array<i32>} : memref<4x200x64xf32, #tpu.memory_space<vmem>>, vector<1x1x16xf32>,
        %get3A_806 = vector.shape_cast %get3A_805 : vector<1x1x16xf32> to vector<16xf32>
        %get3A_807 = arith.constant 0 : i32
        %get3A_808 = arith.index_cast %get3A_807 : i32 to index
        %get3A_809 = arith.index_cast %add3A_794 : i32 to index
        %get3A_810 = arith.constant 32 : index
        %get3A_811 = tpu.vector_load %arg6[%get3A_808, %get3A_809, %get3A_810] {strides = array<i32>} : memref<4x200x64xf32, #tpu.memory_space<vmem>>, vector<1x1x16xf32>,
        %get3A_812 = vector.shape_cast %get3A_811 : vector<1x1x16xf32> to vector<16xf32>
        %get3A_813 = arith.constant 0 : i32
        %get3A_814 = arith.index_cast %get3A_813 : i32 to index
        %get3A_815 = arith.index_cast %add3A_794 : i32 to index
        %get3A_816 = arith.constant 48 : index
        %get3A_817 = tpu.vector_load %arg6[%get3A_814, %get3A_815, %get3A_816] {strides = array<i32>} : memref<4x200x64xf32, #tpu.memory_space<vmem>>, vector<1x1x16xf32>,
        %get3A_818 = vector.shape_cast %get3A_817 : vector<1x1x16xf32> to vector<16xf32>
        %add3A_819 = arith.addf %get3A_800, %get3A_806 : vector<16xf32>
        %add3A_820 = arith.addf %get3A_812, %get3A_818 : vector<16xf32>
        %add3A_821 = arith.addf %add3A_819, %add3A_820 : vector<16xf32>
        %gather3A_822 = vector.shape_cast %reshape3A : vector<16x1xi32> to vector<16xi32>
        %gather3A_823 = tpu.dynamic_gather %add3A_821[%gather3A_822] in [0] : vector<16xf32>, vector<16xi32> -> vector<16xf32>
        %add3A_824 = arith.addf %add3A_821, %gather3A_823 : vector<16xf32>
        %gather3A_825 = vector.shape_cast %reshape3A_8 : vector<16x1xi32> to vector<16xi32>
        %gather3A_826 = tpu.dynamic_gather %add3A_824[%gather3A_825] in [0] : vector<16xf32>, vector<16xi32> -> vector<16xf32>
        %add3A_827 = arith.addf %add3A_824, %gather3A_826 : vector<16xf32>
        %gather3A_828 = vector.shape_cast %reshape3A_12 : vector<16x1xi32> to vector<16xi32>
        %gather3A_829 = tpu.dynamic_gather %add3A_827[%gather3A_828] in [0] : vector<16xf32>, vector<16xi32> -> vector<16xf32>
        %add3A_830 = arith.addf %add3A_827, %gather3A_829 : vector<16xf32>
        %gather3A_831 = vector.shape_cast %reshape3A_16 : vector<16x1xi32> to vector<16xi32>
        %gather3A_832 = tpu.dynamic_gather %add3A_830[%gather3A_831] in [0] : vector<16xf32>, vector<16xi32> -> vector<16xf32>
        %add3A_833 = arith.addf %add3A_830, %gather3A_832 : vector<16xf32>
        %ne3A_834 = arith.constant 0.000000e+00 : f32
        %ne3A_835 = vector.broadcast %ne3A_834 : f32 to vector<16xf32>
        %ne3A_836 = arith.cmpf one, %add3A_833, %ne3A_835 : vector<16xf32>
        %add3A_837 = arith.addf %select_n3A_782, %get3A_800 : vector<16xf32>
        %select_n3A_838 = arith.select %ne3A_836, %add3A_837, %select_n3A_782 : vector<16xi1>, vector<16xf32>
        %add3A_839 = arith.addf %select_n3A_784, %get3A_806 : vector<16xf32>
        %select_n3A_840 = arith.select %ne3A_836, %add3A_839, %select_n3A_784 : vector<16xi1>, vector<16xf32>
        %add3A_841 = arith.addf %select_n3A_786, %get3A_812 : vector<16xf32>
        %select_n3A_842 = arith.select %ne3A_836, %add3A_841, %select_n3A_786 : vector<16xi1>, vector<16xf32>
        %add3A_843 = arith.addf %select_n3A_788, %get3A_818 : vector<16xf32>
        %select_n3A_844 = arith.select %ne3A_836, %add3A_843, %select_n3A_788 : vector<16xi1>, vector<16xf32>
        %add3A_845 = arith.constant 1.000000e+00 : f32
        %add3A_846 = vector.broadcast %add3A_845 : f32 to vector<16xf32>
        %add3A_847 = arith.addf %select_n3A_792, %add3A_846 : vector<16xf32>
        %select_n3A_848 = arith.select %ne3A_836, %add3A_847, %select_n3A_792 : vector<16xi1>, vector<16xf32>
        scf.yield %select_n3A_838, %select_n3A_840, %select_n3A_842, %select_n3A_844, %select_n3A_848 : vector<16xf32>, vector<16xf32>, vector<16xf32>, vector<16xf32>, vector<16xf32>
      }
      %scan3A_119 = arith.constant 16 : i32
      %dma_wait3A_120 = arith.constant 0 : i32
      %dma_wait3A_121 = arith.constant 128 : i32
      %dma_wait3A_122 = arith.constant 0 : i32
      %dma_wait3A_123 = tpu.memref_slice %arg6[%dma_wait3A_120, %dma_wait3A_121, %dma_wait3A_122] : memref<4x200x64xf32, #tpu.memory_space<vmem>> -> memref<1x72x64xf32, #tpu.memory_space<vmem>>
      %dma_wait3A_124 = tpu.memref_squeeze %dma_wait3A_123 : memref<1x72x64xf32, #tpu.memory_space<vmem>> -> memref<72x64xf32, #tpu.memory_space<vmem>>
      %dma_wait3A_125 = arith.constant 128 : i32
      %dma_wait3A_126 = tpu.memref_slice %arg5[%add3A_97, %dma_wait3A_125] : memref<128x200xi32, #tpu.memory_space<vmem>> -> memref<1x72xi32, #tpu.memory_space<vmem>>
      %dma_wait3A_127 = tpu.memref_squeeze %dma_wait3A_126 : memref<1x72xi32, #tpu.memory_space<vmem>> -> memref<72xi32, #tpu.memory_space<vmem>>
      %dma_wait3A_128 = arith.constant 0 : i32
      %dma_wait3A_129 = arith.constant 0 : i32
      %dma_wait3A_130 = tpu.memref_slice %arg2[%dma_wait3A_128, %dma_wait3A_129] : memref<1000000x64xf32, #tpu.memory_space<hbm>> -> memref<1000000x64xf32, #tpu.memory_space<hbm>>
      tpu.wait_indirect_dma semaphore(%arg9 : memref<!tpu.dma_semaphore, #tpu.memory_space<semaphore_mem>>) src(%dma_wait3A_130 : memref<1000000x64xf32, #tpu.memory_space<hbm>>) dst(%dma_wait3A_124 : memref<72x64xf32, #tpu.memory_space<vmem>>)
      %scan3A_131 = arith.constant 0 : i32
      %scan3A_132 = arith.constant 9 : i32
      %scan3A_133 = arith.addi %scan3A_131, %scan3A_132 : i32
      %scan3A_134 = arith.constant 1 : i32
      %scan3A_135:5 = scf.for %scan3A_395 = %scan3A_131 to %scan3A_133 step %scan3A_134 iter_args(%scan3A_396 = %scan3A_118#0, %scan3A_397 = %scan3A_118#1, %scan3A_398 = %scan3A_118#2, %scan3A_399 = %scan3A_118#3, %scan3A_400 = %scan3A_118#4) -> (vector<16xf32>, vector<16xf32>, vector<16xf32>, vector<16xf32>, vector<16xf32>)  : i32 {
        %mul3A_401 = arith.constant 8 : i32
        %mul3A_402 = arith.muli %scan3A_395, %mul3A_401 : i32
        %add3A_403 = arith.constant 128 : i32
        %add3A_404 = arith.addi %add3A_403, %mul3A_402 : i32
        %add3A_405 = arith.constant 0 : i32
        %add3A_406 = arith.addi %add3A_404, %add3A_405 : i32
        %get3A = arith.constant 0 : i32
        %get3A_407 = arith.index_cast %get3A : i32 to index
        %get3A_408 = arith.index_cast %add3A_406 : i32 to index
        %get3A_409 = arith.constant 0 : index
        %get3A_410 = tpu.vector_load %arg6[%get3A_407, %get3A_408, %get3A_409] {strides = array<i32>} : memref<4x200x64xf32, #tpu.memory_space<vmem>>, vector<1x1x16xf32>,
        %get3A_411 = vector.shape_cast %get3A_410 : vector<1x1x16xf32> to vector<16xf32>
        %get3A_412 = arith.constant 0 : i32
        %get3A_413 = arith.index_cast %get3A_412 : i32 to index
        %get3A_414 = arith.index_cast %add3A_406 : i32 to index
        %get3A_415 = arith.constant 16 : index
        %get3A_416 = tpu.vector_load %arg6[%get3A_413, %get3A_414, %get3A_415] {strides = array<i32>} : memref<4x200x64xf32, #tpu.memory_space<vmem>>, vector<1x1x16xf32>,
        %get3A_417 = vector.shape_cast %get3A_416 : vector<1x1x16xf32> to vector<16xf32>
        %get3A_418 = arith.constant 0 : i32
        %get3A_419 = arith.index_cast %get3A_418 : i32 to index
        %get3A_420 = arith.index_cast %add3A_406 : i32 to index
        %get3A_421 = arith.constant 32 : index
        %get3A_422 = tpu.vector_load %arg6[%get3A_419, %get3A_420, %get3A_421] {strides = array<i32>} : memref<4x200x64xf32, #tpu.memory_space<vmem>>, vector<1x1x16xf32>,
        %get3A_423 = vector.shape_cast %get3A_422 : vector<1x1x16xf32> to vector<16xf32>
        %get3A_424 = arith.constant 0 : i32
        %get3A_425 = arith.index_cast %get3A_424 : i32 to index
        %get3A_426 = arith.index_cast %add3A_406 : i32 to index
        %get3A_427 = arith.constant 48 : index
        %get3A_428 = tpu.vector_load %arg6[%get3A_425, %get3A_426, %get3A_427] {strides = array<i32>} : memref<4x200x64xf32, #tpu.memory_space<vmem>>, vector<1x1x16xf32>,
        %get3A_429 = vector.shape_cast %get3A_428 : vector<1x1x16xf32> to vector<16xf32>
        %add3A_430 = arith.addf %get3A_411, %get3A_417 : vector<16xf32>
        %add3A_431 = arith.addf %get3A_423, %get3A_429 : vector<16xf32>
        %add3A_432 = arith.addf %add3A_430, %add3A_431 : vector<16xf32>
        %gather3A = vector.shape_cast %reshape3A : vector<16x1xi32> to vector<16xi32>
        %gather3A_433 = tpu.dynamic_gather %add3A_432[%gather3A] in [0] : vector<16xf32>, vector<16xi32> -> vector<16xf32>
        %add3A_434 = arith.addf %add3A_432, %gather3A_433 : vector<16xf32>
        %gather3A_435 = vector.shape_cast %reshape3A_8 : vector<16x1xi32> to vector<16xi32>
        %gather3A_436 = tpu.dynamic_gather %add3A_434[%gather3A_435] in [0] : vector<16xf32>, vector<16xi32> -> vector<16xf32>
        %add3A_437 = arith.addf %add3A_434, %gather3A_436 : vector<16xf32>
        %gather3A_438 = vector.shape_cast %reshape3A_12 : vector<16x1xi32> to vector<16xi32>
        %gather3A_439 = tpu.dynamic_gather %add3A_437[%gather3A_438] in [0] : vector<16xf32>, vector<16xi32> -> vector<16xf32>
        %add3A_440 = arith.addf %add3A_437, %gather3A_439 : vector<16xf32>
        %gather3A_441 = vector.shape_cast %reshape3A_16 : vector<16x1xi32> to vector<16xi32>
        %gather3A_442 = tpu.dynamic_gather %add3A_440[%gather3A_441] in [0] : vector<16xf32>, vector<16xi32> -> vector<16xf32>
        %add3A_443 = arith.addf %add3A_440, %gather3A_442 : vector<16xf32>
        %ne3A = arith.constant 0.000000e+00 : f32
        %ne3A_444 = vector.broadcast %ne3A : f32 to vector<16xf32>
        %ne3A_445 = arith.cmpf one, %add3A_443, %ne3A_444 : vector<16xf32>
        %add3A_446 = arith.addf %scan3A_396, %get3A_411 : vector<16xf32>
        %select_n3A = arith.select %ne3A_445, %add3A_446, %scan3A_396 : vector<16xi1>, vector<16xf32>
        %add3A_447 = arith.addf %scan3A_397, %get3A_417 : vector<16xf32>
        %select_n3A_448 = arith.select %ne3A_445, %add3A_447, %scan3A_397 : vector<16xi1>, vector<16xf32>
        %add3A_449 = arith.addf %scan3A_398, %get3A_423 : vector<16xf32>
        %select_n3A_450 = arith.select %ne3A_445, %add3A_449, %scan3A_398 : vector<16xi1>, vector<16xf32>
        %add3A_451 = arith.addf %scan3A_399, %get3A_429 : vector<16xf32>
        %select_n3A_452 = arith.select %ne3A_445, %add3A_451, %scan3A_399 : vector<16xi1>, vector<16xf32>
        %add3A_453 = arith.constant 1.000000e+00 : f32
        %add3A_454 = vector.broadcast %add3A_453 : f32 to vector<16xf32>
        %add3A_455 = arith.addf %scan3A_400, %add3A_454 : vector<16xf32>
        %select_n3A_456 = arith.select %ne3A_445, %add3A_455, %scan3A_400 : vector<16xi1>, vector<16xf32>
        %add3A_457 = arith.constant 1 : i32
        %add3A_458 = arith.addi %add3A_404, %add3A_457 : i32
        %get3A_459 = arith.constant 0 : i32
        %get3A_460 = arith.index_cast %get3A_459 : i32 to index
        %get3A_461 = arith.index_cast %add3A_458 : i32 to index
        %get3A_462 = arith.constant 0 : index
        %get3A_463 = tpu.vector_load %arg6[%get3A_460, %get3A_461, %get3A_462] {strides = array<i32>} : memref<4x200x64xf32, #tpu.memory_space<vmem>>, vector<1x1x16xf32>,
        %get3A_464 = vector.shape_cast %get3A_463 : vector<1x1x16xf32> to vector<16xf32>
        %get3A_465 = arith.constant 0 : i32
        %get3A_466 = arith.index_cast %get3A_465 : i32 to index
        %get3A_467 = arith.index_cast %add3A_458 : i32 to index
        %get3A_468 = arith.constant 16 : index
        %get3A_469 = tpu.vector_load %arg6[%get3A_466, %get3A_467, %get3A_468] {strides = array<i32>} : memref<4x200x64xf32, #tpu.memory_space<vmem>>, vector<1x1x16xf32>,
        %get3A_470 = vector.shape_cast %get3A_469 : vector<1x1x16xf32> to vector<16xf32>
        %get3A_471 = arith.constant 0 : i32
        %get3A_472 = arith.index_cast %get3A_471 : i32 to index
        %get3A_473 = arith.index_cast %add3A_458 : i32 to index
        %get3A_474 = arith.constant 32 : index
        %get3A_475 = tpu.vector_load %arg6[%get3A_472, %get3A_473, %get3A_474] {strides = array<i32>} : memref<4x200x64xf32, #tpu.memory_space<vmem>>, vector<1x1x16xf32>,
        %get3A_476 = vector.shape_cast %get3A_475 : vector<1x1x16xf32> to vector<16xf32>
        %get3A_477 = arith.constant 0 : i32
        %get3A_478 = arith.index_cast %get3A_477 : i32 to index
        %get3A_479 = arith.index_cast %add3A_458 : i32 to index
        %get3A_480 = arith.constant 48 : index
        %get3A_481 = tpu.vector_load %arg6[%get3A_478, %get3A_479, %get3A_480] {strides = array<i32>} : memref<4x200x64xf32, #tpu.memory_space<vmem>>, vector<1x1x16xf32>,
        %get3A_482 = vector.shape_cast %get3A_481 : vector<1x1x16xf32> to vector<16xf32>
        %add3A_483 = arith.addf %get3A_464, %get3A_470 : vector<16xf32>
        %add3A_484 = arith.addf %get3A_476, %get3A_482 : vector<16xf32>
        %add3A_485 = arith.addf %add3A_483, %add3A_484 : vector<16xf32>
        %gather3A_486 = vector.shape_cast %reshape3A : vector<16x1xi32> to vector<16xi32>
        %gather3A_487 = tpu.dynamic_gather %add3A_485[%gather3A_486] in [0] : vector<16xf32>, vector<16xi32> -> vector<16xf32>
        %add3A_488 = arith.addf %add3A_485, %gather3A_487 : vector<16xf32>
        %gather3A_489 = vector.shape_cast %reshape3A_8 : vector<16x1xi32> to vector<16xi32>
        %gather3A_490 = tpu.dynamic_gather %add3A_488[%gather3A_489] in [0] : vector<16xf32>, vector<16xi32> -> vector<16xf32>
        %add3A_491 = arith.addf %add3A_488, %gather3A_490 : vector<16xf32>
        %gather3A_492 = vector.shape_cast %reshape3A_12 : vector<16x1xi32> to vector<16xi32>
        %gather3A_493 = tpu.dynamic_gather %add3A_491[%gather3A_492] in [0] : vector<16xf32>, vector<16xi32> -> vector<16xf32>
        %add3A_494 = arith.addf %add3A_491, %gather3A_493 : vector<16xf32>
        %gather3A_495 = vector.shape_cast %reshape3A_16 : vector<16x1xi32> to vector<16xi32>
        %gather3A_496 = tpu.dynamic_gather %add3A_494[%gather3A_495] in [0] : vector<16xf32>, vector<16xi32> -> vector<16xf32>
        %add3A_497 = arith.addf %add3A_494, %gather3A_496 : vector<16xf32>
        %ne3A_498 = arith.constant 0.000000e+00 : f32
        %ne3A_499 = vector.broadcast %ne3A_498 : f32 to vector<16xf32>
        %ne3A_500 = arith.cmpf one, %add3A_497, %ne3A_499 : vector<16xf32>
        %add3A_501 = arith.addf %select_n3A, %get3A_464 : vector<16xf32>
        %select_n3A_502 = arith.select %ne3A_500, %add3A_501, %select_n3A : vector<16xi1>, vector<16xf32>
        %add3A_503 = arith.addf %select_n3A_448, %get3A_470 : vector<16xf32>
        %select_n3A_504 = arith.select %ne3A_500, %add3A_503, %select_n3A_448 : vector<16xi1>, vector<16xf32>
        %add3A_505 = arith.addf %select_n3A_450, %get3A_476 : vector<16xf32>
        %select_n3A_506 = arith.select %ne3A_500, %add3A_505, %select_n3A_450 : vector<16xi1>, vector<16xf32>
        %add3A_507 = arith.addf %select_n3A_452, %get3A_482 : vector<16xf32>
        %select_n3A_508 = arith.select %ne3A_500, %add3A_507, %select_n3A_452 : vector<16xi1>, vector<16xf32>
        %add3A_509 = arith.constant 1.000000e+00 : f32
        %add3A_510 = vector.broadcast %add3A_509 : f32 to vector<16xf32>
        %add3A_511 = arith.addf %select_n3A_456, %add3A_510 : vector<16xf32>
        %select_n3A_512 = arith.select %ne3A_500, %add3A_511, %select_n3A_456 : vector<16xi1>, vector<16xf32>
        %add3A_513 = arith.constant 2 : i32
        %add3A_514 = arith.addi %add3A_404, %add3A_513 : i32
        %get3A_515 = arith.constant 0 : i32
        %get3A_516 = arith.index_cast %get3A_515 : i32 to index
        %get3A_517 = arith.index_cast %add3A_514 : i32 to index
        %get3A_518 = arith.constant 0 : index
        %get3A_519 = tpu.vector_load %arg6[%get3A_516, %get3A_517, %get3A_518] {strides = array<i32>} : memref<4x200x64xf32, #tpu.memory_space<vmem>>, vector<1x1x16xf32>,
        %get3A_520 = vector.shape_cast %get3A_519 : vector<1x1x16xf32> to vector<16xf32>
        %get3A_521 = arith.constant 0 : i32
        %get3A_522 = arith.index_cast %get3A_521 : i32 to index
        %get3A_523 = arith.index_cast %add3A_514 : i32 to index
        %get3A_524 = arith.constant 16 : index
        %get3A_525 = tpu.vector_load %arg6[%get3A_522, %get3A_523, %get3A_524] {strides = array<i32>} : memref<4x200x64xf32, #tpu.memory_space<vmem>>, vector<1x1x16xf32>,
        %get3A_526 = vector.shape_cast %get3A_525 : vector<1x1x16xf32> to vector<16xf32>
        %get3A_527 = arith.constant 0 : i32
        %get3A_528 = arith.index_cast %get3A_527 : i32 to index
        %get3A_529 = arith.index_cast %add3A_514 : i32 to index
        %get3A_530 = arith.constant 32 : index
        %get3A_531 = tpu.vector_load %arg6[%get3A_528, %get3A_529, %get3A_530] {strides = array<i32>} : memref<4x200x64xf32, #tpu.memory_space<vmem>>, vector<1x1x16xf32>,
        %get3A_532 = vector.shape_cast %get3A_531 : vector<1x1x16xf32> to vector<16xf32>
        %get3A_533 = arith.constant 0 : i32
        %get3A_534 = arith.index_cast %get3A_533 : i32 to index
        %get3A_535 = arith.index_cast %add3A_514 : i32 to index
        %get3A_536 = arith.constant 48 : index
        %get3A_537 = tpu.vector_load %arg6[%get3A_534, %get3A_535, %get3A_536] {strides = array<i32>} : memref<4x200x64xf32, #tpu.memory_space<vmem>>, vector<1x1x16xf32>,
        %get3A_538 = vector.shape_cast %get3A_537 : vector<1x1x16xf32> to vector<16xf32>
        %add3A_539 = arith.addf %get3A_520, %get3A_526 : vector<16xf32>
        %add3A_540 = arith.addf %get3A_532, %get3A_538 : vector<16xf32>
        %add3A_541 = arith.addf %add3A_539, %add3A_540 : vector<16xf32>
        %gather3A_542 = vector.shape_cast %reshape3A : vector<16x1xi32> to vector<16xi32>
        %gather3A_543 = tpu.dynamic_gather %add3A_541[%gather3A_542] in [0] : vector<16xf32>, vector<16xi32> -> vector<16xf32>
        %add3A_544 = arith.addf %add3A_541, %gather3A_543 : vector<16xf32>
        %gather3A_545 = vector.shape_cast %reshape3A_8 : vector<16x1xi32> to vector<16xi32>
        %gather3A_546 = tpu.dynamic_gather %add3A_544[%gather3A_545] in [0] : vector<16xf32>, vector<16xi32> -> vector<16xf32>
        %add3A_547 = arith.addf %add3A_544, %gather3A_546 : vector<16xf32>
        %gather3A_548 = vector.shape_cast %reshape3A_12 : vector<16x1xi32> to vector<16xi32>
        %gather3A_549 = tpu.dynamic_gather %add3A_547[%gather3A_548] in [0] : vector<16xf32>, vector<16xi32> -> vector<16xf32>
        %add3A_550 = arith.addf %add3A_547, %gather3A_549 : vector<16xf32>
        %gather3A_551 = vector.shape_cast %reshape3A_16 : vector<16x1xi32> to vector<16xi32>
        %gather3A_552 = tpu.dynamic_gather %add3A_550[%gather3A_551] in [0] : vector<16xf32>, vector<16xi32> -> vector<16xf32>
        %add3A_553 = arith.addf %add3A_550, %gather3A_552 : vector<16xf32>
        %ne3A_554 = arith.constant 0.000000e+00 : f32
        %ne3A_555 = vector.broadcast %ne3A_554 : f32 to vector<16xf32>
        %ne3A_556 = arith.cmpf one, %add3A_553, %ne3A_555 : vector<16xf32>
        %add3A_557 = arith.addf %select_n3A_502, %get3A_520 : vector<16xf32>
        %select_n3A_558 = arith.select %ne3A_556, %add3A_557, %select_n3A_502 : vector<16xi1>, vector<16xf32>
        %add3A_559 = arith.addf %select_n3A_504, %get3A_526 : vector<16xf32>
        %select_n3A_560 = arith.select %ne3A_556, %add3A_559, %select_n3A_504 : vector<16xi1>, vector<16xf32>
        %add3A_561 = arith.addf %select_n3A_506, %get3A_532 : vector<16xf32>
        %select_n3A_562 = arith.select %ne3A_556, %add3A_561, %select_n3A_506 : vector<16xi1>, vector<16xf32>
        %add3A_563 = arith.addf %select_n3A_508, %get3A_538 : vector<16xf32>
        %select_n3A_564 = arith.select %ne3A_556, %add3A_563, %select_n3A_508 : vector<16xi1>, vector<16xf32>
        %add3A_565 = arith.constant 1.000000e+00 : f32
        %add3A_566 = vector.broadcast %add3A_565 : f32 to vector<16xf32>
        %add3A_567 = arith.addf %select_n3A_512, %add3A_566 : vector<16xf32>
        %select_n3A_568 = arith.select %ne3A_556, %add3A_567, %select_n3A_512 : vector<16xi1>, vector<16xf32>
        %add3A_569 = arith.constant 3 : i32
        %add3A_570 = arith.addi %add3A_404, %add3A_569 : i32
        %get3A_571 = arith.constant 0 : i32
        %get3A_572 = arith.index_cast %get3A_571 : i32 to index
        %get3A_573 = arith.index_cast %add3A_570 : i32 to index
        %get3A_574 = arith.constant 0 : index
        %get3A_575 = tpu.vector_load %arg6[%get3A_572, %get3A_573, %get3A_574] {strides = array<i32>} : memref<4x200x64xf32, #tpu.memory_space<vmem>>, vector<1x1x16xf32>,
        %get3A_576 = vector.shape_cast %get3A_575 : vector<1x1x16xf32> to vector<16xf32>
        %get3A_577 = arith.constant 0 : i32
        %get3A_578 = arith.index_cast %get3A_577 : i32 to index
        %get3A_579 = arith.index_cast %add3A_570 : i32 to index
        %get3A_580 = arith.constant 16 : index
        %get3A_581 = tpu.vector_load %arg6[%get3A_578, %get3A_579, %get3A_580] {strides = array<i32>} : memref<4x200x64xf32, #tpu.memory_space<vmem>>, vector<1x1x16xf32>,
        %get3A_582 = vector.shape_cast %get3A_581 : vector<1x1x16xf32> to vector<16xf32>
        %get3A_583 = arith.constant 0 : i32
        %get3A_584 = arith.index_cast %get3A_583 : i32 to index
        %get3A_585 = arith.index_cast %add3A_570 : i32 to index
        %get3A_586 = arith.constant 32 : index
        %get3A_587 = tpu.vector_load %arg6[%get3A_584, %get3A_585, %get3A_586] {strides = array<i32>} : memref<4x200x64xf32, #tpu.memory_space<vmem>>, vector<1x1x16xf32>,
        %get3A_588 = vector.shape_cast %get3A_587 : vector<1x1x16xf32> to vector<16xf32>
        %get3A_589 = arith.constant 0 : i32
        %get3A_590 = arith.index_cast %get3A_589 : i32 to index
        %get3A_591 = arith.index_cast %add3A_570 : i32 to index
        %get3A_592 = arith.constant 48 : index
        %get3A_593 = tpu.vector_load %arg6[%get3A_590, %get3A_591, %get3A_592] {strides = array<i32>} : memref<4x200x64xf32, #tpu.memory_space<vmem>>, vector<1x1x16xf32>,
        %get3A_594 = vector.shape_cast %get3A_593 : vector<1x1x16xf32> to vector<16xf32>
        %add3A_595 = arith.addf %get3A_576, %get3A_582 : vector<16xf32>
        %add3A_596 = arith.addf %get3A_588, %get3A_594 : vector<16xf32>
        %add3A_597 = arith.addf %add3A_595, %add3A_596 : vector<16xf32>
        %gather3A_598 = vector.shape_cast %reshape3A : vector<16x1xi32> to vector<16xi32>
        %gather3A_599 = tpu.dynamic_gather %add3A_597[%gather3A_598] in [0] : vector<16xf32>, vector<16xi32> -> vector<16xf32>
        %add3A_600 = arith.addf %add3A_597, %gather3A_599 : vector<16xf32>
        %gather3A_601 = vector.shape_cast %reshape3A_8 : vector<16x1xi32> to vector<16xi32>
        %gather3A_602 = tpu.dynamic_gather %add3A_600[%gather3A_601] in [0] : vector<16xf32>, vector<16xi32> -> vector<16xf32>
        %add3A_603 = arith.addf %add3A_600, %gather3A_602 : vector<16xf32>
        %gather3A_604 = vector.shape_cast %reshape3A_12 : vector<16x1xi32> to vector<16xi32>
        %gather3A_605 = tpu.dynamic_gather %add3A_603[%gather3A_604] in [0] : vector<16xf32>, vector<16xi32> -> vector<16xf32>
        %add3A_606 = arith.addf %add3A_603, %gather3A_605 : vector<16xf32>
        %gather3A_607 = vector.shape_cast %reshape3A_16 : vector<16x1xi32> to vector<16xi32>
        %gather3A_608 = tpu.dynamic_gather %add3A_606[%gather3A_607] in [0] : vector<16xf32>, vector<16xi32> -> vector<16xf32>
        %add3A_609 = arith.addf %add3A_606, %gather3A_608 : vector<16xf32>
        %ne3A_610 = arith.constant 0.000000e+00 : f32
        %ne3A_611 = vector.broadcast %ne3A_610 : f32 to vector<16xf32>
        %ne3A_612 = arith.cmpf one, %add3A_609, %ne3A_611 : vector<16xf32>
        %add3A_613 = arith.addf %select_n3A_558, %get3A_576 : vector<16xf32>
        %select_n3A_614 = arith.select %ne3A_612, %add3A_613, %select_n3A_558 : vector<16xi1>, vector<16xf32>
        %add3A_615 = arith.addf %select_n3A_560, %get3A_582 : vector<16xf32>
        %select_n3A_616 = arith.select %ne3A_612, %add3A_615, %select_n3A_560 : vector<16xi1>, vector<16xf32>
        %add3A_617 = arith.addf %select_n3A_562, %get3A_588 : vector<16xf32>
        %select_n3A_618 = arith.select %ne3A_612, %add3A_617, %select_n3A_562 : vector<16xi1>, vector<16xf32>
        %add3A_619 = arith.addf %select_n3A_564, %get3A_594 : vector<16xf32>
        %select_n3A_620 = arith.select %ne3A_612, %add3A_619, %select_n3A_564 : vector<16xi1>, vector<16xf32>
        %add3A_621 = arith.constant 1.000000e+00 : f32
        %add3A_622 = vector.broadcast %add3A_621 : f32 to vector<16xf32>
        %add3A_623 = arith.addf %select_n3A_568, %add3A_622 : vector<16xf32>
        %select_n3A_624 = arith.select %ne3A_612, %add3A_623, %select_n3A_568 : vector<16xi1>, vector<16xf32>
        %add3A_625 = arith.constant 4 : i32
        %add3A_626 = arith.addi %add3A_404, %add3A_625 : i32
        %get3A_627 = arith.constant 0 : i32
        %get3A_628 = arith.index_cast %get3A_627 : i32 to index
        %get3A_629 = arith.index_cast %add3A_626 : i32 to index
        %get3A_630 = arith.constant 0 : index
        %get3A_631 = tpu.vector_load %arg6[%get3A_628, %get3A_629, %get3A_630] {strides = array<i32>} : memref<4x200x64xf32, #tpu.memory_space<vmem>>, vector<1x1x16xf32>,
        %get3A_632 = vector.shape_cast %get3A_631 : vector<1x1x16xf32> to vector<16xf32>
        %get3A_633 = arith.constant 0 : i32
        %get3A_634 = arith.index_cast %get3A_633 : i32 to index
        %get3A_635 = arith.index_cast %add3A_626 : i32 to index
        %get3A_636 = arith.constant 16 : index
        %get3A_637 = tpu.vector_load %arg6[%get3A_634, %get3A_635, %get3A_636] {strides = array<i32>} : memref<4x200x64xf32, #tpu.memory_space<vmem>>, vector<1x1x16xf32>,
        %get3A_638 = vector.shape_cast %get3A_637 : vector<1x1x16xf32> to vector<16xf32>
        %get3A_639 = arith.constant 0 : i32
        %get3A_640 = arith.index_cast %get3A_639 : i32 to index
        %get3A_641 = arith.index_cast %add3A_626 : i32 to index
        %get3A_642 = arith.constant 32 : index
        %get3A_643 = tpu.vector_load %arg6[%get3A_640, %get3A_641, %get3A_642] {strides = array<i32>} : memref<4x200x64xf32, #tpu.memory_space<vmem>>, vector<1x1x16xf32>,
        %get3A_644 = vector.shape_cast %get3A_643 : vector<1x1x16xf32> to vector<16xf32>
        %get3A_645 = arith.constant 0 : i32
        %get3A_646 = arith.index_cast %get3A_645 : i32 to index
        %get3A_647 = arith.index_cast %add3A_626 : i32 to index
        %get3A_648 = arith.constant 48 : index
        %get3A_649 = tpu.vector_load %arg6[%get3A_646, %get3A_647, %get3A_648] {strides = array<i32>} : memref<4x200x64xf32, #tpu.memory_space<vmem>>, vector<1x1x16xf32>,
        %get3A_650 = vector.shape_cast %get3A_649 : vector<1x1x16xf32> to vector<16xf32>
        %add3A_651 = arith.addf %get3A_632, %get3A_638 : vector<16xf32>
        %add3A_652 = arith.addf %get3A_644, %get3A_650 : vector<16xf32>
        %add3A_653 = arith.addf %add3A_651, %add3A_652 : vector<16xf32>
        %gather3A_654 = vector.shape_cast %reshape3A : vector<16x1xi32> to vector<16xi32>
        %gather3A_655 = tpu.dynamic_gather %add3A_653[%gather3A_654] in [0] : vector<16xf32>, vector<16xi32> -> vector<16xf32>
        %add3A_656 = arith.addf %add3A_653, %gather3A_655 : vector<16xf32>
        %gather3A_657 = vector.shape_cast %reshape3A_8 : vector<16x1xi32> to vector<16xi32>
        %gather3A_658 = tpu.dynamic_gather %add3A_656[%gather3A_657] in [0] : vector<16xf32>, vector<16xi32> -> vector<16xf32>
        %add3A_659 = arith.addf %add3A_656, %gather3A_658 : vector<16xf32>
        %gather3A_660 = vector.shape_cast %reshape3A_12 : vector<16x1xi32> to vector<16xi32>
        %gather3A_661 = tpu.dynamic_gather %add3A_659[%gather3A_660] in [0] : vector<16xf32>, vector<16xi32> -> vector<16xf32>
        %add3A_662 = arith.addf %add3A_659, %gather3A_661 : vector<16xf32>
        %gather3A_663 = vector.shape_cast %reshape3A_16 : vector<16x1xi32> to vector<16xi32>
        %gather3A_664 = tpu.dynamic_gather %add3A_662[%gather3A_663] in [0] : vector<16xf32>, vector<16xi32> -> vector<16xf32>
        %add3A_665 = arith.addf %add3A_662, %gather3A_664 : vector<16xf32>
        %ne3A_666 = arith.constant 0.000000e+00 : f32
        %ne3A_667 = vector.broadcast %ne3A_666 : f32 to vector<16xf32>
        %ne3A_668 = arith.cmpf one, %add3A_665, %ne3A_667 : vector<16xf32>
        %add3A_669 = arith.addf %select_n3A_614, %get3A_632 : vector<16xf32>
        %select_n3A_670 = arith.select %ne3A_668, %add3A_669, %select_n3A_614 : vector<16xi1>, vector<16xf32>
        %add3A_671 = arith.addf %select_n3A_616, %get3A_638 : vector<16xf32>
        %select_n3A_672 = arith.select %ne3A_668, %add3A_671, %select_n3A_616 : vector<16xi1>, vector<16xf32>
        %add3A_673 = arith.addf %select_n3A_618, %get3A_644 : vector<16xf32>
        %select_n3A_674 = arith.select %ne3A_668, %add3A_673, %select_n3A_618 : vector<16xi1>, vector<16xf32>
        %add3A_675 = arith.addf %select_n3A_620, %get3A_650 : vector<16xf32>
        %select_n3A_676 = arith.select %ne3A_668, %add3A_675, %select_n3A_620 : vector<16xi1>, vector<16xf32>
        %add3A_677 = arith.constant 1.000000e+00 : f32
        %add3A_678 = vector.broadcast %add3A_677 : f32 to vector<16xf32>
        %add3A_679 = arith.addf %select_n3A_624, %add3A_678 : vector<16xf32>
        %select_n3A_680 = arith.select %ne3A_668, %add3A_679, %select_n3A_624 : vector<16xi1>, vector<16xf32>
        %add3A_681 = arith.constant 5 : i32
        %add3A_682 = arith.addi %add3A_404, %add3A_681 : i32
        %get3A_683 = arith.constant 0 : i32
        %get3A_684 = arith.index_cast %get3A_683 : i32 to index
        %get3A_685 = arith.index_cast %add3A_682 : i32 to index
        %get3A_686 = arith.constant 0 : index
        %get3A_687 = tpu.vector_load %arg6[%get3A_684, %get3A_685, %get3A_686] {strides = array<i32>} : memref<4x200x64xf32, #tpu.memory_space<vmem>>, vector<1x1x16xf32>,
        %get3A_688 = vector.shape_cast %get3A_687 : vector<1x1x16xf32> to vector<16xf32>
        %get3A_689 = arith.constant 0 : i32
        %get3A_690 = arith.index_cast %get3A_689 : i32 to index
        %get3A_691 = arith.index_cast %add3A_682 : i32 to index
        %get3A_692 = arith.constant 16 : index
        %get3A_693 = tpu.vector_load %arg6[%get3A_690, %get3A_691, %get3A_692] {strides = array<i32>} : memref<4x200x64xf32, #tpu.memory_space<vmem>>, vector<1x1x16xf32>,
        %get3A_694 = vector.shape_cast %get3A_693 : vector<1x1x16xf32> to vector<16xf32>
        %get3A_695 = arith.constant 0 : i32
        %get3A_696 = arith.index_cast %get3A_695 : i32 to index
        %get3A_697 = arith.index_cast %add3A_682 : i32 to index
        %get3A_698 = arith.constant 32 : index
        %get3A_699 = tpu.vector_load %arg6[%get3A_696, %get3A_697, %get3A_698] {strides = array<i32>} : memref<4x200x64xf32, #tpu.memory_space<vmem>>, vector<1x1x16xf32>,
        %get3A_700 = vector.shape_cast %get3A_699 : vector<1x1x16xf32> to vector<16xf32>
        %get3A_701 = arith.constant 0 : i32
        %get3A_702 = arith.index_cast %get3A_701 : i32 to index
        %get3A_703 = arith.index_cast %add3A_682 : i32 to index
        %get3A_704 = arith.constant 48 : index
        %get3A_705 = tpu.vector_load %arg6[%get3A_702, %get3A_703, %get3A_704] {strides = array<i32>} : memref<4x200x64xf32, #tpu.memory_space<vmem>>, vector<1x1x16xf32>,
        %get3A_706 = vector.shape_cast %get3A_705 : vector<1x1x16xf32> to vector<16xf32>
        %add3A_707 = arith.addf %get3A_688, %get3A_694 : vector<16xf32>
        %add3A_708 = arith.addf %get3A_700, %get3A_706 : vector<16xf32>
        %add3A_709 = arith.addf %add3A_707, %add3A_708 : vector<16xf32>
        %gather3A_710 = vector.shape_cast %reshape3A : vector<16x1xi32> to vector<16xi32>
        %gather3A_711 = tpu.dynamic_gather %add3A_709[%gather3A_710] in [0] : vector<16xf32>, vector<16xi32> -> vector<16xf32>
        %add3A_712 = arith.addf %add3A_709, %gather3A_711 : vector<16xf32>
        %gather3A_713 = vector.shape_cast %reshape3A_8 : vector<16x1xi32> to vector<16xi32>
        %gather3A_714 = tpu.dynamic_gather %add3A_712[%gather3A_713] in [0] : vector<16xf32>, vector<16xi32> -> vector<16xf32>
        %add3A_715 = arith.addf %add3A_712, %gather3A_714 : vector<16xf32>
        %gather3A_716 = vector.shape_cast %reshape3A_12 : vector<16x1xi32> to vector<16xi32>
        %gather3A_717 = tpu.dynamic_gather %add3A_715[%gather3A_716] in [0] : vector<16xf32>, vector<16xi32> -> vector<16xf32>
        %add3A_718 = arith.addf %add3A_715, %gather3A_717 : vector<16xf32>
        %gather3A_719 = vector.shape_cast %reshape3A_16 : vector<16x1xi32> to vector<16xi32>
        %gather3A_720 = tpu.dynamic_gather %add3A_718[%gather3A_719] in [0] : vector<16xf32>, vector<16xi32> -> vector<16xf32>
        %add3A_721 = arith.addf %add3A_718, %gather3A_720 : vector<16xf32>
        %ne3A_722 = arith.constant 0.000000e+00 : f32
        %ne3A_723 = vector.broadcast %ne3A_722 : f32 to vector<16xf32>
        %ne3A_724 = arith.cmpf one, %add3A_721, %ne3A_723 : vector<16xf32>
        %add3A_725 = arith.addf %select_n3A_670, %get3A_688 : vector<16xf32>
        %select_n3A_726 = arith.select %ne3A_724, %add3A_725, %select_n3A_670 : vector<16xi1>, vector<16xf32>
        %add3A_727 = arith.addf %select_n3A_672, %get3A_694 : vector<16xf32>
        %select_n3A_728 = arith.select %ne3A_724, %add3A_727, %select_n3A_672 : vector<16xi1>, vector<16xf32>
        %add3A_729 = arith.addf %select_n3A_674, %get3A_700 : vector<16xf32>
        %select_n3A_730 = arith.select %ne3A_724, %add3A_729, %select_n3A_674 : vector<16xi1>, vector<16xf32>
        %add3A_731 = arith.addf %select_n3A_676, %get3A_706 : vector<16xf32>
        %select_n3A_732 = arith.select %ne3A_724, %add3A_731, %select_n3A_676 : vector<16xi1>, vector<16xf32>
        %add3A_733 = arith.constant 1.000000e+00 : f32
        %add3A_734 = vector.broadcast %add3A_733 : f32 to vector<16xf32>
        %add3A_735 = arith.addf %select_n3A_680, %add3A_734 : vector<16xf32>
        %select_n3A_736 = arith.select %ne3A_724, %add3A_735, %select_n3A_680 : vector<16xi1>, vector<16xf32>
        %add3A_737 = arith.constant 6 : i32
        %add3A_738 = arith.addi %add3A_404, %add3A_737 : i32
        %get3A_739 = arith.constant 0 : i32
        %get3A_740 = arith.index_cast %get3A_739 : i32 to index
        %get3A_741 = arith.index_cast %add3A_738 : i32 to index
        %get3A_742 = arith.constant 0 : index
        %get3A_743 = tpu.vector_load %arg6[%get3A_740, %get3A_741, %get3A_742] {strides = array<i32>} : memref<4x200x64xf32, #tpu.memory_space<vmem>>, vector<1x1x16xf32>,
        %get3A_744 = vector.shape_cast %get3A_743 : vector<1x1x16xf32> to vector<16xf32>
        %get3A_745 = arith.constant 0 : i32
        %get3A_746 = arith.index_cast %get3A_745 : i32 to index
        %get3A_747 = arith.index_cast %add3A_738 : i32 to index
        %get3A_748 = arith.constant 16 : index
        %get3A_749 = tpu.vector_load %arg6[%get3A_746, %get3A_747, %get3A_748] {strides = array<i32>} : memref<4x200x64xf32, #tpu.memory_space<vmem>>, vector<1x1x16xf32>,
        %get3A_750 = vector.shape_cast %get3A_749 : vector<1x1x16xf32> to vector<16xf32>
        %get3A_751 = arith.constant 0 : i32
        %get3A_752 = arith.index_cast %get3A_751 : i32 to index
        %get3A_753 = arith.index_cast %add3A_738 : i32 to index
        %get3A_754 = arith.constant 32 : index
        %get3A_755 = tpu.vector_load %arg6[%get3A_752, %get3A_753, %get3A_754] {strides = array<i32>} : memref<4x200x64xf32, #tpu.memory_space<vmem>>, vector<1x1x16xf32>,
        %get3A_756 = vector.shape_cast %get3A_755 : vector<1x1x16xf32> to vector<16xf32>
        %get3A_757 = arith.constant 0 : i32
        %get3A_758 = arith.index_cast %get3A_757 : i32 to index
        %get3A_759 = arith.index_cast %add3A_738 : i32 to index
        %get3A_760 = arith.constant 48 : index
        %get3A_761 = tpu.vector_load %arg6[%get3A_758, %get3A_759, %get3A_760] {strides = array<i32>} : memref<4x200x64xf32, #tpu.memory_space<vmem>>, vector<1x1x16xf32>,
        %get3A_762 = vector.shape_cast %get3A_761 : vector<1x1x16xf32> to vector<16xf32>
        %add3A_763 = arith.addf %get3A_744, %get3A_750 : vector<16xf32>
        %add3A_764 = arith.addf %get3A_756, %get3A_762 : vector<16xf32>
        %add3A_765 = arith.addf %add3A_763, %add3A_764 : vector<16xf32>
        %gather3A_766 = vector.shape_cast %reshape3A : vector<16x1xi32> to vector<16xi32>
        %gather3A_767 = tpu.dynamic_gather %add3A_765[%gather3A_766] in [0] : vector<16xf32>, vector<16xi32> -> vector<16xf32>
        %add3A_768 = arith.addf %add3A_765, %gather3A_767 : vector<16xf32>
        %gather3A_769 = vector.shape_cast %reshape3A_8 : vector<16x1xi32> to vector<16xi32>
        %gather3A_770 = tpu.dynamic_gather %add3A_768[%gather3A_769] in [0] : vector<16xf32>, vector<16xi32> -> vector<16xf32>
        %add3A_771 = arith.addf %add3A_768, %gather3A_770 : vector<16xf32>
        %gather3A_772 = vector.shape_cast %reshape3A_12 : vector<16x1xi32> to vector<16xi32>
        %gather3A_773 = tpu.dynamic_gather %add3A_771[%gather3A_772] in [0] : vector<16xf32>, vector<16xi32> -> vector<16xf32>
        %add3A_774 = arith.addf %add3A_771, %gather3A_773 : vector<16xf32>
        %gather3A_775 = vector.shape_cast %reshape3A_16 : vector<16x1xi32> to vector<16xi32>
        %gather3A_776 = tpu.dynamic_gather %add3A_774[%gather3A_775] in [0] : vector<16xf32>, vector<16xi32> -> vector<16xf32>
        %add3A_777 = arith.addf %add3A_774, %gather3A_776 : vector<16xf32>
        %ne3A_778 = arith.constant 0.000000e+00 : f32
        %ne3A_779 = vector.broadcast %ne3A_778 : f32 to vector<16xf32>
        %ne3A_780 = arith.cmpf one, %add3A_777, %ne3A_779 : vector<16xf32>
        %add3A_781 = arith.addf %select_n3A_726, %get3A_744 : vector<16xf32>
        %select_n3A_782 = arith.select %ne3A_780, %add3A_781, %select_n3A_726 : vector<16xi1>, vector<16xf32>
        %add3A_783 = arith.addf %select_n3A_728, %get3A_750 : vector<16xf32>
        %select_n3A_784 = arith.select %ne3A_780, %add3A_783, %select_n3A_728 : vector<16xi1>, vector<16xf32>
        %add3A_785 = arith.addf %select_n3A_730, %get3A_756 : vector<16xf32>
        %select_n3A_786 = arith.select %ne3A_780, %add3A_785, %select_n3A_730 : vector<16xi1>, vector<16xf32>
        %add3A_787 = arith.addf %select_n3A_732, %get3A_762 : vector<16xf32>
        %select_n3A_788 = arith.select %ne3A_780, %add3A_787, %select_n3A_732 : vector<16xi1>, vector<16xf32>
        %add3A_789 = arith.constant 1.000000e+00 : f32
        %add3A_790 = vector.broadcast %add3A_789 : f32 to vector<16xf32>
        %add3A_791 = arith.addf %select_n3A_736, %add3A_790 : vector<16xf32>
        %select_n3A_792 = arith.select %ne3A_780, %add3A_791, %select_n3A_736 : vector<16xi1>, vector<16xf32>
        %add3A_793 = arith.constant 7 : i32
        %add3A_794 = arith.addi %add3A_404, %add3A_793 : i32
        %get3A_795 = arith.constant 0 : i32
        %get3A_796 = arith.index_cast %get3A_795 : i32 to index
        %get3A_797 = arith.index_cast %add3A_794 : i32 to index
        %get3A_798 = arith.constant 0 : index
        %get3A_799 = tpu.vector_load %arg6[%get3A_796, %get3A_797, %get3A_798] {strides = array<i32>} : memref<4x200x64xf32, #tpu.memory_space<vmem>>, vector<1x1x16xf32>,
        %get3A_800 = vector.shape_cast %get3A_799 : vector<1x1x16xf32> to vector<16xf32>
        %get3A_801 = arith.constant 0 : i32
        %get3A_802 = arith.index_cast %get3A_801 : i32 to index
        %get3A_803 = arith.index_cast %add3A_794 : i32 to index
        %get3A_804 = arith.constant 16 : index
        %get3A_805 = tpu.vector_load %arg6[%get3A_802, %get3A_803, %get3A_804] {strides = array<i32>} : memref<4x200x64xf32, #tpu.memory_space<vmem>>, vector<1x1x16xf32>,
        %get3A_806 = vector.shape_cast %get3A_805 : vector<1x1x16xf32> to vector<16xf32>
        %get3A_807 = arith.constant 0 : i32
        %get3A_808 = arith.index_cast %get3A_807 : i32 to index
        %get3A_809 = arith.index_cast %add3A_794 : i32 to index
        %get3A_810 = arith.constant 32 : index
        %get3A_811 = tpu.vector_load %arg6[%get3A_808, %get3A_809, %get3A_810] {strides = array<i32>} : memref<4x200x64xf32, #tpu.memory_space<vmem>>, vector<1x1x16xf32>,
        %get3A_812 = vector.shape_cast %get3A_811 : vector<1x1x16xf32> to vector<16xf32>
        %get3A_813 = arith.constant 0 : i32
        %get3A_814 = arith.index_cast %get3A_813 : i32 to index
        %get3A_815 = arith.index_cast %add3A_794 : i32 to index
        %get3A_816 = arith.constant 48 : index
        %get3A_817 = tpu.vector_load %arg6[%get3A_814, %get3A_815, %get3A_816] {strides = array<i32>} : memref<4x200x64xf32, #tpu.memory_space<vmem>>, vector<1x1x16xf32>,
        %get3A_818 = vector.shape_cast %get3A_817 : vector<1x1x16xf32> to vector<16xf32>
        %add3A_819 = arith.addf %get3A_800, %get3A_806 : vector<16xf32>
        %add3A_820 = arith.addf %get3A_812, %get3A_818 : vector<16xf32>
        %add3A_821 = arith.addf %add3A_819, %add3A_820 : vector<16xf32>
        %gather3A_822 = vector.shape_cast %reshape3A : vector<16x1xi32> to vector<16xi32>
        %gather3A_823 = tpu.dynamic_gather %add3A_821[%gather3A_822] in [0] : vector<16xf32>, vector<16xi32> -> vector<16xf32>
        %add3A_824 = arith.addf %add3A_821, %gather3A_823 : vector<16xf32>
        %gather3A_825 = vector.shape_cast %reshape3A_8 : vector<16x1xi32> to vector<16xi32>
        %gather3A_826 = tpu.dynamic_gather %add3A_824[%gather3A_825] in [0] : vector<16xf32>, vector<16xi32> -> vector<16xf32>
        %add3A_827 = arith.addf %add3A_824, %gather3A_826 : vector<16xf32>
        %gather3A_828 = vector.shape_cast %reshape3A_12 : vector<16x1xi32> to vector<16xi32>
        %gather3A_829 = tpu.dynamic_gather %add3A_827[%gather3A_828] in [0] : vector<16xf32>, vector<16xi32> -> vector<16xf32>
        %add3A_830 = arith.addf %add3A_827, %gather3A_829 : vector<16xf32>
        %gather3A_831 = vector.shape_cast %reshape3A_16 : vector<16x1xi32> to vector<16xi32>
        %gather3A_832 = tpu.dynamic_gather %add3A_830[%gather3A_831] in [0] : vector<16xf32>, vector<16xi32> -> vector<16xf32>
        %add3A_833 = arith.addf %add3A_830, %gather3A_832 : vector<16xf32>
        %ne3A_834 = arith.constant 0.000000e+00 : f32
        %ne3A_835 = vector.broadcast %ne3A_834 : f32 to vector<16xf32>
        %ne3A_836 = arith.cmpf one, %add3A_833, %ne3A_835 : vector<16xf32>
        %add3A_837 = arith.addf %select_n3A_782, %get3A_800 : vector<16xf32>
        %select_n3A_838 = arith.select %ne3A_836, %add3A_837, %select_n3A_782 : vector<16xi1>, vector<16xf32>
        %add3A_839 = arith.addf %select_n3A_784, %get3A_806 : vector<16xf32>
        %select_n3A_840 = arith.select %ne3A_836, %add3A_839, %select_n3A_784 : vector<16xi1>, vector<16xf32>
        %add3A_841 = arith.addf %select_n3A_786, %get3A_812 : vector<16xf32>
        %select_n3A_842 = arith.select %ne3A_836, %add3A_841, %select_n3A_786 : vector<16xi1>, vector<16xf32>
        %add3A_843 = arith.addf %select_n3A_788, %get3A_818 : vector<16xf32>
        %select_n3A_844 = arith.select %ne3A_836, %add3A_843, %select_n3A_788 : vector<16xi1>, vector<16xf32>
        %add3A_845 = arith.constant 1.000000e+00 : f32
        %add3A_846 = vector.broadcast %add3A_845 : f32 to vector<16xf32>
        %add3A_847 = arith.addf %select_n3A_792, %add3A_846 : vector<16xf32>
        %select_n3A_848 = arith.select %ne3A_836, %add3A_847, %select_n3A_792 : vector<16xi1>, vector<16xf32>
        scf.yield %select_n3A_838, %select_n3A_840, %select_n3A_842, %select_n3A_844, %select_n3A_848 : vector<16xf32>, vector<16xf32>, vector<16xf32>, vector<16xf32>, vector<16xf32>
      }
      %scan3A_136 = arith.constant 9 : i32
      %max3A = arith.constant 1.000000e+00 : f32
      %max3A_137 = vector.broadcast %max3A : f32 to vector<16xf32>
      %max3A_138 = arith.maximumf %scan3A_135#4, %max3A_137 : vector<16xf32>
      %div3A = arith.constant 1.000000e+00 : f32
      %div3A_139 = vector.broadcast %div3A : f32 to vector<16xf32>
      %div3A_140 = arith.divf %div3A_139, %max3A_138 : vector<16xf32>
      %mul3A_141 = arith.mulf %scan3A_135#0, %div3A_140 : vector<16xf32>
      %swap3A = arith.index_cast %add3A_97 : i32 to index
      %swap3A_142 = arith.constant 0 : index
      %swap3A_143 = tpu.vector_load %arg7[%swap3A, %swap3A_142] {strides = array<i32>} : memref<128x64xf32, #tpu.memory_space<vmem>>, vector<1x16xf32>,
      %swap3A_144 = vector.shape_cast %swap3A_143 : vector<1x16xf32> to vector<16xf32>
      %swap3A_145 = vector.shape_cast %mul3A_141 : vector<16xf32> to vector<1x16xf32>
      tpu.vector_store %arg7[%swap3A, %swap3A_142], %swap3A_145 {strides = array<i32>} : memref<128x64xf32, #tpu.memory_space<vmem>>, vector<1x16xf32>,
      %mul3A_146 = arith.mulf %scan3A_135#1, %div3A_140 : vector<16xf32>
      %swap3A_147 = arith.index_cast %add3A_97 : i32 to index
      %swap3A_148 = arith.constant 16 : index
      %swap3A_149 = tpu.vector_load %arg7[%swap3A_147, %swap3A_148] {strides = array<i32>} : memref<128x64xf32, #tpu.memory_space<vmem>>, vector<1x16xf32>,
      %swap3A_150 = vector.shape_cast %swap3A_149 : vector<1x16xf32> to vector<16xf32>
      %swap3A_151 = vector.shape_cast %mul3A_146 : vector<16xf32> to vector<1x16xf32>
      tpu.vector_store %arg7[%swap3A_147, %swap3A_148], %swap3A_151 {strides = array<i32>} : memref<128x64xf32, #tpu.memory_space<vmem>>, vector<1x16xf32>,
      %mul3A_152 = arith.mulf %scan3A_135#2, %div3A_140 : vector<16xf32>
      %swap3A_153 = arith.index_cast %add3A_97 : i32 to index
      %swap3A_154 = arith.constant 32 : index
      %swap3A_155 = tpu.vector_load %arg7[%swap3A_153, %swap3A_154] {strides = array<i32>} : memref<128x64xf32, #tpu.memory_space<vmem>>, vector<1x16xf32>,
      %swap3A_156 = vector.shape_cast %swap3A_155 : vector<1x16xf32> to vector<16xf32>
      %swap3A_157 = vector.shape_cast %mul3A_152 : vector<16xf32> to vector<1x16xf32>
      tpu.vector_store %arg7[%swap3A_153, %swap3A_154], %swap3A_157 {strides = array<i32>} : memref<128x64xf32, #tpu.memory_space<vmem>>, vector<1x16xf32>,
      %mul3A_158 = arith.mulf %scan3A_135#3, %div3A_140 : vector<16xf32>
      %swap3A_159 = arith.index_cast %add3A_97 : i32 to index
      %swap3A_160 = arith.constant 48 : index
      %swap3A_161 = tpu.vector_load %arg7[%swap3A_159, %swap3A_160] {strides = array<i32>} : memref<128x64xf32, #tpu.memory_space<vmem>>, vector<1x16xf32>,
      %swap3A_162 = vector.shape_cast %swap3A_161 : vector<1x16xf32> to vector<16xf32>
      %swap3A_163 = vector.shape_cast %mul3A_158 : vector<16xf32> to vector<1x16xf32>
      tpu.vector_store %arg7[%swap3A_159, %swap3A_160], %swap3A_163 {strides = array<i32>} : memref<128x64xf32, #tpu.memory_space<vmem>>, vector<1x16xf32>,
      %add3A_164 = arith.constant 1 : i32
      %add3A_165 = arith.addi %mul3A_95, %add3A_164 : i32
      %add3A_166 = arith.constant 4 : i32
      %add3A_167 = arith.addi %add3A_165, %add3A_166 : i32
      %sub3A_168 = arith.constant 1 : i32
      %sub3A_169 = arith.subi %add3A_167, %sub3A_168 : i32
      %lt3A_170 = arith.constant 128 : i32
      %lt3A_171 = arith.cmpi slt, %sub3A_169, %lt3A_170 : i32
      %convert_element_type3A_172 = arith.extui %lt3A_171 : i1 to i32
      %cond3A_173 = arith.constant 0 : i32
      %cond3A_174 = arith.cmpi ne, %convert_element_type3A_172, %cond3A_173 : i32
      scf.if %cond3A_174 {
        %dma_start3A_395 = arith.constant 0 : i32
        %dma_start3A_396 = arith.constant 0 : i32
        %dma_start3A_397 = arith.constant 0 : i32
        %dma_start3A_398 = tpu.memref_slice %arg6[%dma_start3A_395, %dma_start3A_396, %dma_start3A_397] : memref<4x200x64xf32, #tpu.memory_space<vmem>> -> memref<1x128x64xf32, #tpu.memory_space<vmem>>
        %dma_start3A_399 = tpu.memref_squeeze %dma_start3A_398 : memref<1x128x64xf32, #tpu.memory_space<vmem>> -> memref<128x64xf32, #tpu.memory_space<vmem>>
        %dma_start3A_400 = arith.constant 0 : i32
        %dma_start3A_401 = tpu.memref_slice %arg5[%sub3A_169, %dma_start3A_400] : memref<128x200xi32, #tpu.memory_space<vmem>> -> memref<1x128xi32, #tpu.memory_space<vmem>>
        %dma_start3A_402 = tpu.memref_squeeze %dma_start3A_401 : memref<1x128xi32, #tpu.memory_space<vmem>> -> memref<128xi32, #tpu.memory_space<vmem>>
        %dma_start3A_403 = arith.constant 0 : i32
        %dma_start3A_404 = arith.constant 0 : i32
        %dma_start3A_405 = tpu.memref_slice %arg2[%dma_start3A_403, %dma_start3A_404] : memref<1000000x64xf32, #tpu.memory_space<hbm>> -> memref<1000000x64xf32, #tpu.memory_space<hbm>>
        tpu.enqueue_indirect_dma source(%dma_start3A_405 : memref<1000000x64xf32, #tpu.memory_space<hbm>>) target(%dma_start3A_399 : memref<128x64xf32, #tpu.memory_space<vmem>>) offsets(%dma_start3A_402 : memref<128xi32, #tpu.memory_space<vmem>>) semaphore(%arg8 : memref<!tpu.dma_semaphore, #tpu.memory_space<semaphore_mem>>)
        %dma_start3A_406 = arith.constant 0 : i32
        %dma_start3A_407 = arith.constant 128 : i32
        %dma_start3A_408 = arith.constant 0 : i32
        %dma_start3A_409 = tpu.memref_slice %arg6[%dma_start3A_406, %dma_start3A_407, %dma_start3A_408] : memref<4x200x64xf32, #tpu.memory_space<vmem>> -> memref<1x72x64xf32, #tpu.memory_space<vmem>>
        %dma_start3A_410 = tpu.memref_squeeze %dma_start3A_409 : memref<1x72x64xf32, #tpu.memory_space<vmem>> -> memref<72x64xf32, #tpu.memory_space<vmem>>
        %dma_start3A_411 = arith.constant 128 : i32
        %dma_start3A_412 = tpu.memref_slice %arg5[%sub3A_169, %dma_start3A_411] : memref<128x200xi32, #tpu.memory_space<vmem>> -> memref<1x72xi32, #tpu.memory_space<vmem>>
        %dma_start3A_413 = tpu.memref_squeeze %dma_start3A_412 : memref<1x72xi32, #tpu.memory_space<vmem>> -> memref<72xi32, #tpu.memory_space<vmem>>
        %dma_start3A_414 = arith.constant 0 : i32
        %dma_start3A_415 = arith.constant 0 : i32
        %dma_start3A_416 = tpu.memref_slice %arg2[%dma_start3A_414, %dma_start3A_415] : memref<1000000x64xf32, #tpu.memory_space<hbm>> -> memref<1000000x64xf32, #tpu.memory_space<hbm>>
        tpu.enqueue_indirect_dma source(%dma_start3A_416 : memref<1000000x64xf32, #tpu.memory_space<hbm>>) target(%dma_start3A_410 : memref<72x64xf32, #tpu.memory_space<vmem>>) offsets(%dma_start3A_413 : memref<72xi32, #tpu.memory_space<vmem>>) semaphore(%arg9 : memref<!tpu.dma_semaphore, #tpu.memory_space<semaphore_mem>>)
      } else {
      }
      %broadcast_in_dim3A_175 = arith.constant 0.000000e+00 : f32
      %broadcast_in_dim3A_176 = vector.broadcast %broadcast_in_dim3A_175 : f32 to vector<16xf32>
      %dma_wait3A_177 = arith.constant 1 : i32
      %dma_wait3A_178 = arith.constant 0 : i32
      %dma_wait3A_179 = arith.constant 0 : i32
      %dma_wait3A_180 = tpu.memref_slice %arg6[%dma_wait3A_177, %dma_wait3A_178, %dma_wait3A_179] : memref<4x200x64xf32, #tpu.memory_space<vmem>> -> memref<1x128x64xf32, #tpu.memory_space<vmem>>
      %dma_wait3A_181 = tpu.memref_squeeze %dma_wait3A_180 : memref<1x128x64xf32, #tpu.memory_space<vmem>> -> memref<128x64xf32, #tpu.memory_space<vmem>>
      %dma_wait3A_182 = arith.constant 0 : i32
      %dma_wait3A_183 = tpu.memref_slice %arg5[%add3A_165, %dma_wait3A_182] : memref<128x200xi32, #tpu.memory_space<vmem>> -> memref<1x128xi32, #tpu.memory_space<vmem>>
      %dma_wait3A_184 = tpu.memref_squeeze %dma_wait3A_183 : memref<1x128xi32, #tpu.memory_space<vmem>> -> memref<128xi32, #tpu.memory_space<vmem>>
      %dma_wait3A_185 = arith.constant 0 : i32
      %dma_wait3A_186 = arith.constant 0 : i32
      %dma_wait3A_187 = tpu.memref_slice %arg2[%dma_wait3A_185, %dma_wait3A_186] : memref<1000000x64xf32, #tpu.memory_space<hbm>> -> memref<1000000x64xf32, #tpu.memory_space<hbm>>
      tpu.wait_indirect_dma semaphore(%arg10 : memref<!tpu.dma_semaphore, #tpu.memory_space<semaphore_mem>>) src(%dma_wait3A_187 : memref<1000000x64xf32, #tpu.memory_space<hbm>>) dst(%dma_wait3A_181 : memref<128x64xf32, #tpu.memory_space<vmem>>)
      %scan3A_188 = arith.constant 0 : i32
      %scan3A_189 = arith.constant 16 : i32
      %scan3A_190 = arith.addi %scan3A_188, %scan3A_189 : i32
      %scan3A_191 = arith.constant 1 : i32
      %scan3A_192:5 = scf.for %scan3A_395 = %scan3A_188 to %scan3A_190 step %scan3A_191 iter_args(%scan3A_396 = %broadcast_in_dim3A_176, %scan3A_397 = %broadcast_in_dim3A_176, %scan3A_398 = %broadcast_in_dim3A_176, %scan3A_399 = %broadcast_in_dim3A_176, %scan3A_400 = %broadcast_in_dim3A_176) -> (vector<16xf32>, vector<16xf32>, vector<16xf32>, vector<16xf32>, vector<16xf32>)  : i32 {
        %mul3A_401 = arith.constant 8 : i32
        %mul3A_402 = arith.muli %scan3A_395, %mul3A_401 : i32
        %add3A_403 = arith.constant 0 : i32
        %add3A_404 = arith.addi %add3A_403, %mul3A_402 : i32
        %add3A_405 = arith.constant 0 : i32
        %add3A_406 = arith.addi %add3A_404, %add3A_405 : i32
        %get3A = arith.constant 1 : i32
        %get3A_407 = arith.index_cast %get3A : i32 to index
        %get3A_408 = arith.index_cast %add3A_406 : i32 to index
        %get3A_409 = arith.constant 0 : index
        %get3A_410 = tpu.vector_load %arg6[%get3A_407, %get3A_408, %get3A_409] {strides = array<i32>} : memref<4x200x64xf32, #tpu.memory_space<vmem>>, vector<1x1x16xf32>,
        %get3A_411 = vector.shape_cast %get3A_410 : vector<1x1x16xf32> to vector<16xf32>
        %get3A_412 = arith.constant 1 : i32
        %get3A_413 = arith.index_cast %get3A_412 : i32 to index
        %get3A_414 = arith.index_cast %add3A_406 : i32 to index
        %get3A_415 = arith.constant 16 : index
        %get3A_416 = tpu.vector_load %arg6[%get3A_413, %get3A_414, %get3A_415] {strides = array<i32>} : memref<4x200x64xf32, #tpu.memory_space<vmem>>, vector<1x1x16xf32>,
        %get3A_417 = vector.shape_cast %get3A_416 : vector<1x1x16xf32> to vector<16xf32>
        %get3A_418 = arith.constant 1 : i32
        %get3A_419 = arith.index_cast %get3A_418 : i32 to index
        %get3A_420 = arith.index_cast %add3A_406 : i32 to index
        %get3A_421 = arith.constant 32 : index
        %get3A_422 = tpu.vector_load %arg6[%get3A_419, %get3A_420, %get3A_421] {strides = array<i32>} : memref<4x200x64xf32, #tpu.memory_space<vmem>>, vector<1x1x16xf32>,
        %get3A_423 = vector.shape_cast %get3A_422 : vector<1x1x16xf32> to vector<16xf32>
        %get3A_424 = arith.constant 1 : i32
        %get3A_425 = arith.index_cast %get3A_424 : i32 to index
        %get3A_426 = arith.index_cast %add3A_406 : i32 to index
        %get3A_427 = arith.constant 48 : index
        %get3A_428 = tpu.vector_load %arg6[%get3A_425, %get3A_426, %get3A_427] {strides = array<i32>} : memref<4x200x64xf32, #tpu.memory_space<vmem>>, vector<1x1x16xf32>,
        %get3A_429 = vector.shape_cast %get3A_428 : vector<1x1x16xf32> to vector<16xf32>
        %add3A_430 = arith.addf %get3A_411, %get3A_417 : vector<16xf32>
        %add3A_431 = arith.addf %get3A_423, %get3A_429 : vector<16xf32>
        %add3A_432 = arith.addf %add3A_430, %add3A_431 : vector<16xf32>
        %gather3A = vector.shape_cast %reshape3A : vector<16x1xi32> to vector<16xi32>
        %gather3A_433 = tpu.dynamic_gather %add3A_432[%gather3A] in [0] : vector<16xf32>, vector<16xi32> -> vector<16xf32>
        %add3A_434 = arith.addf %add3A_432, %gather3A_433 : vector<16xf32>
        %gather3A_435 = vector.shape_cast %reshape3A_8 : vector<16x1xi32> to vector<16xi32>
        %gather3A_436 = tpu.dynamic_gather %add3A_434[%gather3A_435] in [0] : vector<16xf32>, vector<16xi32> -> vector<16xf32>
        %add3A_437 = arith.addf %add3A_434, %gather3A_436 : vector<16xf32>
        %gather3A_438 = vector.shape_cast %reshape3A_12 : vector<16x1xi32> to vector<16xi32>
        %gather3A_439 = tpu.dynamic_gather %add3A_437[%gather3A_438] in [0] : vector<16xf32>, vector<16xi32> -> vector<16xf32>
        %add3A_440 = arith.addf %add3A_437, %gather3A_439 : vector<16xf32>
        %gather3A_441 = vector.shape_cast %reshape3A_16 : vector<16x1xi32> to vector<16xi32>
        %gather3A_442 = tpu.dynamic_gather %add3A_440[%gather3A_441] in [0] : vector<16xf32>, vector<16xi32> -> vector<16xf32>
        %add3A_443 = arith.addf %add3A_440, %gather3A_442 : vector<16xf32>
        %ne3A = arith.constant 0.000000e+00 : f32
        %ne3A_444 = vector.broadcast %ne3A : f32 to vector<16xf32>
        %ne3A_445 = arith.cmpf one, %add3A_443, %ne3A_444 : vector<16xf32>
        %add3A_446 = arith.addf %scan3A_396, %get3A_411 : vector<16xf32>
        %select_n3A = arith.select %ne3A_445, %add3A_446, %scan3A_396 : vector<16xi1>, vector<16xf32>
        %add3A_447 = arith.addf %scan3A_397, %get3A_417 : vector<16xf32>
        %select_n3A_448 = arith.select %ne3A_445, %add3A_447, %scan3A_397 : vector<16xi1>, vector<16xf32>
        %add3A_449 = arith.addf %scan3A_398, %get3A_423 : vector<16xf32>
        %select_n3A_450 = arith.select %ne3A_445, %add3A_449, %scan3A_398 : vector<16xi1>, vector<16xf32>
        %add3A_451 = arith.addf %scan3A_399, %get3A_429 : vector<16xf32>
        %select_n3A_452 = arith.select %ne3A_445, %add3A_451, %scan3A_399 : vector<16xi1>, vector<16xf32>
        %add3A_453 = arith.constant 1.000000e+00 : f32
        %add3A_454 = vector.broadcast %add3A_453 : f32 to vector<16xf32>
        %add3A_455 = arith.addf %scan3A_400, %add3A_454 : vector<16xf32>
        %select_n3A_456 = arith.select %ne3A_445, %add3A_455, %scan3A_400 : vector<16xi1>, vector<16xf32>
        %add3A_457 = arith.constant 1 : i32
        %add3A_458 = arith.addi %add3A_404, %add3A_457 : i32
        %get3A_459 = arith.constant 1 : i32
        %get3A_460 = arith.index_cast %get3A_459 : i32 to index
        %get3A_461 = arith.index_cast %add3A_458 : i32 to index
        %get3A_462 = arith.constant 0 : index
        %get3A_463 = tpu.vector_load %arg6[%get3A_460, %get3A_461, %get3A_462] {strides = array<i32>} : memref<4x200x64xf32, #tpu.memory_space<vmem>>, vector<1x1x16xf32>,
        %get3A_464 = vector.shape_cast %get3A_463 : vector<1x1x16xf32> to vector<16xf32>
        %get3A_465 = arith.constant 1 : i32
        %get3A_466 = arith.index_cast %get3A_465 : i32 to index
        %get3A_467 = arith.index_cast %add3A_458 : i32 to index
        %get3A_468 = arith.constant 16 : index
        %get3A_469 = tpu.vector_load %arg6[%get3A_466, %get3A_467, %get3A_468] {strides = array<i32>} : memref<4x200x64xf32, #tpu.memory_space<vmem>>, vector<1x1x16xf32>,
        %get3A_470 = vector.shape_cast %get3A_469 : vector<1x1x16xf32> to vector<16xf32>
        %get3A_471 = arith.constant 1 : i32
        %get3A_472 = arith.index_cast %get3A_471 : i32 to index
        %get3A_473 = arith.index_cast %add3A_458 : i32 to index
        %get3A_474 = arith.constant 32 : index
        %get3A_475 = tpu.vector_load %arg6[%get3A_472, %get3A_473, %get3A_474] {strides = array<i32>} : memref<4x200x64xf32, #tpu.memory_space<vmem>>, vector<1x1x16xf32>,
        %get3A_476 = vector.shape_cast %get3A_475 : vector<1x1x16xf32> to vector<16xf32>
        %get3A_477 = arith.constant 1 : i32
        %get3A_478 = arith.index_cast %get3A_477 : i32 to index
        %get3A_479 = arith.index_cast %add3A_458 : i32 to index
        %get3A_480 = arith.constant 48 : index
        %get3A_481 = tpu.vector_load %arg6[%get3A_478, %get3A_479, %get3A_480] {strides = array<i32>} : memref<4x200x64xf32, #tpu.memory_space<vmem>>, vector<1x1x16xf32>,
        %get3A_482 = vector.shape_cast %get3A_481 : vector<1x1x16xf32> to vector<16xf32>
        %add3A_483 = arith.addf %get3A_464, %get3A_470 : vector<16xf32>
        %add3A_484 = arith.addf %get3A_476, %get3A_482 : vector<16xf32>
        %add3A_485 = arith.addf %add3A_483, %add3A_484 : vector<16xf32>
        %gather3A_486 = vector.shape_cast %reshape3A : vector<16x1xi32> to vector<16xi32>
        %gather3A_487 = tpu.dynamic_gather %add3A_485[%gather3A_486] in [0] : vector<16xf32>, vector<16xi32> -> vector<16xf32>
        %add3A_488 = arith.addf %add3A_485, %gather3A_487 : vector<16xf32>
        %gather3A_489 = vector.shape_cast %reshape3A_8 : vector<16x1xi32> to vector<16xi32>
        %gather3A_490 = tpu.dynamic_gather %add3A_488[%gather3A_489] in [0] : vector<16xf32>, vector<16xi32> -> vector<16xf32>
        %add3A_491 = arith.addf %add3A_488, %gather3A_490 : vector<16xf32>
        %gather3A_492 = vector.shape_cast %reshape3A_12 : vector<16x1xi32> to vector<16xi32>
        %gather3A_493 = tpu.dynamic_gather %add3A_491[%gather3A_492] in [0] : vector<16xf32>, vector<16xi32> -> vector<16xf32>
        %add3A_494 = arith.addf %add3A_491, %gather3A_493 : vector<16xf32>
        %gather3A_495 = vector.shape_cast %reshape3A_16 : vector<16x1xi32> to vector<16xi32>
        %gather3A_496 = tpu.dynamic_gather %add3A_494[%gather3A_495] in [0] : vector<16xf32>, vector<16xi32> -> vector<16xf32>
        %add3A_497 = arith.addf %add3A_494, %gather3A_496 : vector<16xf32>
        %ne3A_498 = arith.constant 0.000000e+00 : f32
        %ne3A_499 = vector.broadcast %ne3A_498 : f32 to vector<16xf32>
        %ne3A_500 = arith.cmpf one, %add3A_497, %ne3A_499 : vector<16xf32>
        %add3A_501 = arith.addf %select_n3A, %get3A_464 : vector<16xf32>
        %select_n3A_502 = arith.select %ne3A_500, %add3A_501, %select_n3A : vector<16xi1>, vector<16xf32>
        %add3A_503 = arith.addf %select_n3A_448, %get3A_470 : vector<16xf32>
        %select_n3A_504 = arith.select %ne3A_500, %add3A_503, %select_n3A_448 : vector<16xi1>, vector<16xf32>
        %add3A_505 = arith.addf %select_n3A_450, %get3A_476 : vector<16xf32>
        %select_n3A_506 = arith.select %ne3A_500, %add3A_505, %select_n3A_450 : vector<16xi1>, vector<16xf32>
        %add3A_507 = arith.addf %select_n3A_452, %get3A_482 : vector<16xf32>
        %select_n3A_508 = arith.select %ne3A_500, %add3A_507, %select_n3A_452 : vector<16xi1>, vector<16xf32>
        %add3A_509 = arith.constant 1.000000e+00 : f32
        %add3A_510 = vector.broadcast %add3A_509 : f32 to vector<16xf32>
        %add3A_511 = arith.addf %select_n3A_456, %add3A_510 : vector<16xf32>
        %select_n3A_512 = arith.select %ne3A_500, %add3A_511, %select_n3A_456 : vector<16xi1>, vector<16xf32>
        %add3A_513 = arith.constant 2 : i32
        %add3A_514 = arith.addi %add3A_404, %add3A_513 : i32
        %get3A_515 = arith.constant 1 : i32
        %get3A_516 = arith.index_cast %get3A_515 : i32 to index
        %get3A_517 = arith.index_cast %add3A_514 : i32 to index
        %get3A_518 = arith.constant 0 : index
        %get3A_519 = tpu.vector_load %arg6[%get3A_516, %get3A_517, %get3A_518] {strides = array<i32>} : memref<4x200x64xf32, #tpu.memory_space<vmem>>, vector<1x1x16xf32>,
        %get3A_520 = vector.shape_cast %get3A_519 : vector<1x1x16xf32> to vector<16xf32>
        %get3A_521 = arith.constant 1 : i32
        %get3A_522 = arith.index_cast %get3A_521 : i32 to index
        %get3A_523 = arith.index_cast %add3A_514 : i32 to index
        %get3A_524 = arith.constant 16 : index
        %get3A_525 = tpu.vector_load %arg6[%get3A_522, %get3A_523, %get3A_524] {strides = array<i32>} : memref<4x200x64xf32, #tpu.memory_space<vmem>>, vector<1x1x16xf32>,
        %get3A_526 = vector.shape_cast %get3A_525 : vector<1x1x16xf32> to vector<16xf32>
        %get3A_527 = arith.constant 1 : i32
        %get3A_528 = arith.index_cast %get3A_527 : i32 to index
        %get3A_529 = arith.index_cast %add3A_514 : i32 to index
        %get3A_530 = arith.constant 32 : index
        %get3A_531 = tpu.vector_load %arg6[%get3A_528, %get3A_529, %get3A_530] {strides = array<i32>} : memref<4x200x64xf32, #tpu.memory_space<vmem>>, vector<1x1x16xf32>,
        %get3A_532 = vector.shape_cast %get3A_531 : vector<1x1x16xf32> to vector<16xf32>
        %get3A_533 = arith.constant 1 : i32
        %get3A_534 = arith.index_cast %get3A_533 : i32 to index
        %get3A_535 = arith.index_cast %add3A_514 : i32 to index
        %get3A_536 = arith.constant 48 : index
        %get3A_537 = tpu.vector_load %arg6[%get3A_534, %get3A_535, %get3A_536] {strides = array<i32>} : memref<4x200x64xf32, #tpu.memory_space<vmem>>, vector<1x1x16xf32>,
        %get3A_538 = vector.shape_cast %get3A_537 : vector<1x1x16xf32> to vector<16xf32>
        %add3A_539 = arith.addf %get3A_520, %get3A_526 : vector<16xf32>
        %add3A_540 = arith.addf %get3A_532, %get3A_538 : vector<16xf32>
        %add3A_541 = arith.addf %add3A_539, %add3A_540 : vector<16xf32>
        %gather3A_542 = vector.shape_cast %reshape3A : vector<16x1xi32> to vector<16xi32>
        %gather3A_543 = tpu.dynamic_gather %add3A_541[%gather3A_542] in [0] : vector<16xf32>, vector<16xi32> -> vector<16xf32>
        %add3A_544 = arith.addf %add3A_541, %gather3A_543 : vector<16xf32>
        %gather3A_545 = vector.shape_cast %reshape3A_8 : vector<16x1xi32> to vector<16xi32>
        %gather3A_546 = tpu.dynamic_gather %add3A_544[%gather3A_545] in [0] : vector<16xf32>, vector<16xi32> -> vector<16xf32>
        %add3A_547 = arith.addf %add3A_544, %gather3A_546 : vector<16xf32>
        %gather3A_548 = vector.shape_cast %reshape3A_12 : vector<16x1xi32> to vector<16xi32>
        %gather3A_549 = tpu.dynamic_gather %add3A_547[%gather3A_548] in [0] : vector<16xf32>, vector<16xi32> -> vector<16xf32>
        %add3A_550 = arith.addf %add3A_547, %gather3A_549 : vector<16xf32>
        %gather3A_551 = vector.shape_cast %reshape3A_16 : vector<16x1xi32> to vector<16xi32>
        %gather3A_552 = tpu.dynamic_gather %add3A_550[%gather3A_551] in [0] : vector<16xf32>, vector<16xi32> -> vector<16xf32>
        %add3A_553 = arith.addf %add3A_550, %gather3A_552 : vector<16xf32>
        %ne3A_554 = arith.constant 0.000000e+00 : f32
        %ne3A_555 = vector.broadcast %ne3A_554 : f32 to vector<16xf32>
        %ne3A_556 = arith.cmpf one, %add3A_553, %ne3A_555 : vector<16xf32>
        %add3A_557 = arith.addf %select_n3A_502, %get3A_520 : vector<16xf32>
        %select_n3A_558 = arith.select %ne3A_556, %add3A_557, %select_n3A_502 : vector<16xi1>, vector<16xf32>
        %add3A_559 = arith.addf %select_n3A_504, %get3A_526 : vector<16xf32>
        %select_n3A_560 = arith.select %ne3A_556, %add3A_559, %select_n3A_504 : vector<16xi1>, vector<16xf32>
        %add3A_561 = arith.addf %select_n3A_506, %get3A_532 : vector<16xf32>
        %select_n3A_562 = arith.select %ne3A_556, %add3A_561, %select_n3A_506 : vector<16xi1>, vector<16xf32>
        %add3A_563 = arith.addf %select_n3A_508, %get3A_538 : vector<16xf32>
        %select_n3A_564 = arith.select %ne3A_556, %add3A_563, %select_n3A_508 : vector<16xi1>, vector<16xf32>
        %add3A_565 = arith.constant 1.000000e+00 : f32
        %add3A_566 = vector.broadcast %add3A_565 : f32 to vector<16xf32>
        %add3A_567 = arith.addf %select_n3A_512, %add3A_566 : vector<16xf32>
        %select_n3A_568 = arith.select %ne3A_556, %add3A_567, %select_n3A_512 : vector<16xi1>, vector<16xf32>
        %add3A_569 = arith.constant 3 : i32
        %add3A_570 = arith.addi %add3A_404, %add3A_569 : i32
        %get3A_571 = arith.constant 1 : i32
        %get3A_572 = arith.index_cast %get3A_571 : i32 to index
        %get3A_573 = arith.index_cast %add3A_570 : i32 to index
        %get3A_574 = arith.constant 0 : index
        %get3A_575 = tpu.vector_load %arg6[%get3A_572, %get3A_573, %get3A_574] {strides = array<i32>} : memref<4x200x64xf32, #tpu.memory_space<vmem>>, vector<1x1x16xf32>,
        %get3A_576 = vector.shape_cast %get3A_575 : vector<1x1x16xf32> to vector<16xf32>
        %get3A_577 = arith.constant 1 : i32
        %get3A_578 = arith.index_cast %get3A_577 : i32 to index
        %get3A_579 = arith.index_cast %add3A_570 : i32 to index
        %get3A_580 = arith.constant 16 : index
        %get3A_581 = tpu.vector_load %arg6[%get3A_578, %get3A_579, %get3A_580] {strides = array<i32>} : memref<4x200x64xf32, #tpu.memory_space<vmem>>, vector<1x1x16xf32>,
        %get3A_582 = vector.shape_cast %get3A_581 : vector<1x1x16xf32> to vector<16xf32>
        %get3A_583 = arith.constant 1 : i32
        %get3A_584 = arith.index_cast %get3A_583 : i32 to index
        %get3A_585 = arith.index_cast %add3A_570 : i32 to index
        %get3A_586 = arith.constant 32 : index
        %get3A_587 = tpu.vector_load %arg6[%get3A_584, %get3A_585, %get3A_586] {strides = array<i32>} : memref<4x200x64xf32, #tpu.memory_space<vmem>>, vector<1x1x16xf32>,
        %get3A_588 = vector.shape_cast %get3A_587 : vector<1x1x16xf32> to vector<16xf32>
        %get3A_589 = arith.constant 1 : i32
        %get3A_590 = arith.index_cast %get3A_589 : i32 to index
        %get3A_591 = arith.index_cast %add3A_570 : i32 to index
        %get3A_592 = arith.constant 48 : index
        %get3A_593 = tpu.vector_load %arg6[%get3A_590, %get3A_591, %get3A_592] {strides = array<i32>} : memref<4x200x64xf32, #tpu.memory_space<vmem>>, vector<1x1x16xf32>,
        %get3A_594 = vector.shape_cast %get3A_593 : vector<1x1x16xf32> to vector<16xf32>
        %add3A_595 = arith.addf %get3A_576, %get3A_582 : vector<16xf32>
        %add3A_596 = arith.addf %get3A_588, %get3A_594 : vector<16xf32>
        %add3A_597 = arith.addf %add3A_595, %add3A_596 : vector<16xf32>
        %gather3A_598 = vector.shape_cast %reshape3A : vector<16x1xi32> to vector<16xi32>
        %gather3A_599 = tpu.dynamic_gather %add3A_597[%gather3A_598] in [0] : vector<16xf32>, vector<16xi32> -> vector<16xf32>
        %add3A_600 = arith.addf %add3A_597, %gather3A_599 : vector<16xf32>
        %gather3A_601 = vector.shape_cast %reshape3A_8 : vector<16x1xi32> to vector<16xi32>
        %gather3A_602 = tpu.dynamic_gather %add3A_600[%gather3A_601] in [0] : vector<16xf32>, vector<16xi32> -> vector<16xf32>
        %add3A_603 = arith.addf %add3A_600, %gather3A_602 : vector<16xf32>
        %gather3A_604 = vector.shape_cast %reshape3A_12 : vector<16x1xi32> to vector<16xi32>
        %gather3A_605 = tpu.dynamic_gather %add3A_603[%gather3A_604] in [0] : vector<16xf32>, vector<16xi32> -> vector<16xf32>
        %add3A_606 = arith.addf %add3A_603, %gather3A_605 : vector<16xf32>
        %gather3A_607 = vector.shape_cast %reshape3A_16 : vector<16x1xi32> to vector<16xi32>
        %gather3A_608 = tpu.dynamic_gather %add3A_606[%gather3A_607] in [0] : vector<16xf32>, vector<16xi32> -> vector<16xf32>
        %add3A_609 = arith.addf %add3A_606, %gather3A_608 : vector<16xf32>
        %ne3A_610 = arith.constant 0.000000e+00 : f32
        %ne3A_611 = vector.broadcast %ne3A_610 : f32 to vector<16xf32>
        %ne3A_612 = arith.cmpf one, %add3A_609, %ne3A_611 : vector<16xf32>
        %add3A_613 = arith.addf %select_n3A_558, %get3A_576 : vector<16xf32>
        %select_n3A_614 = arith.select %ne3A_612, %add3A_613, %select_n3A_558 : vector<16xi1>, vector<16xf32>
        %add3A_615 = arith.addf %select_n3A_560, %get3A_582 : vector<16xf32>
        %select_n3A_616 = arith.select %ne3A_612, %add3A_615, %select_n3A_560 : vector<16xi1>, vector<16xf32>
        %add3A_617 = arith.addf %select_n3A_562, %get3A_588 : vector<16xf32>
        %select_n3A_618 = arith.select %ne3A_612, %add3A_617, %select_n3A_562 : vector<16xi1>, vector<16xf32>
        %add3A_619 = arith.addf %select_n3A_564, %get3A_594 : vector<16xf32>
        %select_n3A_620 = arith.select %ne3A_612, %add3A_619, %select_n3A_564 : vector<16xi1>, vector<16xf32>
        %add3A_621 = arith.constant 1.000000e+00 : f32
        %add3A_622 = vector.broadcast %add3A_621 : f32 to vector<16xf32>
        %add3A_623 = arith.addf %select_n3A_568, %add3A_622 : vector<16xf32>
        %select_n3A_624 = arith.select %ne3A_612, %add3A_623, %select_n3A_568 : vector<16xi1>, vector<16xf32>
        %add3A_625 = arith.constant 4 : i32
        %add3A_626 = arith.addi %add3A_404, %add3A_625 : i32
        %get3A_627 = arith.constant 1 : i32
        %get3A_628 = arith.index_cast %get3A_627 : i32 to index
        %get3A_629 = arith.index_cast %add3A_626 : i32 to index
        %get3A_630 = arith.constant 0 : index
        %get3A_631 = tpu.vector_load %arg6[%get3A_628, %get3A_629, %get3A_630] {strides = array<i32>} : memref<4x200x64xf32, #tpu.memory_space<vmem>>, vector<1x1x16xf32>,
        %get3A_632 = vector.shape_cast %get3A_631 : vector<1x1x16xf32> to vector<16xf32>
        %get3A_633 = arith.constant 1 : i32
        %get3A_634 = arith.index_cast %get3A_633 : i32 to index
        %get3A_635 = arith.index_cast %add3A_626 : i32 to index
        %get3A_636 = arith.constant 16 : index
        %get3A_637 = tpu.vector_load %arg6[%get3A_634, %get3A_635, %get3A_636] {strides = array<i32>} : memref<4x200x64xf32, #tpu.memory_space<vmem>>, vector<1x1x16xf32>,
        %get3A_638 = vector.shape_cast %get3A_637 : vector<1x1x16xf32> to vector<16xf32>
        %get3A_639 = arith.constant 1 : i32
        %get3A_640 = arith.index_cast %get3A_639 : i32 to index
        %get3A_641 = arith.index_cast %add3A_626 : i32 to index
        %get3A_642 = arith.constant 32 : index
        %get3A_643 = tpu.vector_load %arg6[%get3A_640, %get3A_641, %get3A_642] {strides = array<i32>} : memref<4x200x64xf32, #tpu.memory_space<vmem>>, vector<1x1x16xf32>,
        %get3A_644 = vector.shape_cast %get3A_643 : vector<1x1x16xf32> to vector<16xf32>
        %get3A_645 = arith.constant 1 : i32
        %get3A_646 = arith.index_cast %get3A_645 : i32 to index
        %get3A_647 = arith.index_cast %add3A_626 : i32 to index
        %get3A_648 = arith.constant 48 : index
        %get3A_649 = tpu.vector_load %arg6[%get3A_646, %get3A_647, %get3A_648] {strides = array<i32>} : memref<4x200x64xf32, #tpu.memory_space<vmem>>, vector<1x1x16xf32>,
        %get3A_650 = vector.shape_cast %get3A_649 : vector<1x1x16xf32> to vector<16xf32>
        %add3A_651 = arith.addf %get3A_632, %get3A_638 : vector<16xf32>
        %add3A_652 = arith.addf %get3A_644, %get3A_650 : vector<16xf32>
        %add3A_653 = arith.addf %add3A_651, %add3A_652 : vector<16xf32>
        %gather3A_654 = vector.shape_cast %reshape3A : vector<16x1xi32> to vector<16xi32>
        %gather3A_655 = tpu.dynamic_gather %add3A_653[%gather3A_654] in [0] : vector<16xf32>, vector<16xi32> -> vector<16xf32>
        %add3A_656 = arith.addf %add3A_653, %gather3A_655 : vector<16xf32>
        %gather3A_657 = vector.shape_cast %reshape3A_8 : vector<16x1xi32> to vector<16xi32>
        %gather3A_658 = tpu.dynamic_gather %add3A_656[%gather3A_657] in [0] : vector<16xf32>, vector<16xi32> -> vector<16xf32>
        %add3A_659 = arith.addf %add3A_656, %gather3A_658 : vector<16xf32>
        %gather3A_660 = vector.shape_cast %reshape3A_12 : vector<16x1xi32> to vector<16xi32>
        %gather3A_661 = tpu.dynamic_gather %add3A_659[%gather3A_660] in [0] : vector<16xf32>, vector<16xi32> -> vector<16xf32>
        %add3A_662 = arith.addf %add3A_659, %gather3A_661 : vector<16xf32>
        %gather3A_663 = vector.shape_cast %reshape3A_16 : vector<16x1xi32> to vector<16xi32>
        %gather3A_664 = tpu.dynamic_gather %add3A_662[%gather3A_663] in [0] : vector<16xf32>, vector<16xi32> -> vector<16xf32>
        %add3A_665 = arith.addf %add3A_662, %gather3A_664 : vector<16xf32>
        %ne3A_666 = arith.constant 0.000000e+00 : f32
        %ne3A_667 = vector.broadcast %ne3A_666 : f32 to vector<16xf32>
        %ne3A_668 = arith.cmpf one, %add3A_665, %ne3A_667 : vector<16xf32>
        %add3A_669 = arith.addf %select_n3A_614, %get3A_632 : vector<16xf32>
        %select_n3A_670 = arith.select %ne3A_668, %add3A_669, %select_n3A_614 : vector<16xi1>, vector<16xf32>
        %add3A_671 = arith.addf %select_n3A_616, %get3A_638 : vector<16xf32>
        %select_n3A_672 = arith.select %ne3A_668, %add3A_671, %select_n3A_616 : vector<16xi1>, vector<16xf32>
        %add3A_673 = arith.addf %select_n3A_618, %get3A_644 : vector<16xf32>
        %select_n3A_674 = arith.select %ne3A_668, %add3A_673, %select_n3A_618 : vector<16xi1>, vector<16xf32>
        %add3A_675 = arith.addf %select_n3A_620, %get3A_650 : vector<16xf32>
        %select_n3A_676 = arith.select %ne3A_668, %add3A_675, %select_n3A_620 : vector<16xi1>, vector<16xf32>
        %add3A_677 = arith.constant 1.000000e+00 : f32
        %add3A_678 = vector.broadcast %add3A_677 : f32 to vector<16xf32>
        %add3A_679 = arith.addf %select_n3A_624, %add3A_678 : vector<16xf32>
        %select_n3A_680 = arith.select %ne3A_668, %add3A_679, %select_n3A_624 : vector<16xi1>, vector<16xf32>
        %add3A_681 = arith.constant 5 : i32
        %add3A_682 = arith.addi %add3A_404, %add3A_681 : i32
        %get3A_683 = arith.constant 1 : i32
        %get3A_684 = arith.index_cast %get3A_683 : i32 to index
        %get3A_685 = arith.index_cast %add3A_682 : i32 to index
        %get3A_686 = arith.constant 0 : index
        %get3A_687 = tpu.vector_load %arg6[%get3A_684, %get3A_685, %get3A_686] {strides = array<i32>} : memref<4x200x64xf32, #tpu.memory_space<vmem>>, vector<1x1x16xf32>,
        %get3A_688 = vector.shape_cast %get3A_687 : vector<1x1x16xf32> to vector<16xf32>
        %get3A_689 = arith.constant 1 : i32
        %get3A_690 = arith.index_cast %get3A_689 : i32 to index
        %get3A_691 = arith.index_cast %add3A_682 : i32 to index
        %get3A_692 = arith.constant 16 : index
        %get3A_693 = tpu.vector_load %arg6[%get3A_690, %get3A_691, %get3A_692] {strides = array<i32>} : memref<4x200x64xf32, #tpu.memory_space<vmem>>, vector<1x1x16xf32>,
        %get3A_694 = vector.shape_cast %get3A_693 : vector<1x1x16xf32> to vector<16xf32>
        %get3A_695 = arith.constant 1 : i32
        %get3A_696 = arith.index_cast %get3A_695 : i32 to index
        %get3A_697 = arith.index_cast %add3A_682 : i32 to index
        %get3A_698 = arith.constant 32 : index
        %get3A_699 = tpu.vector_load %arg6[%get3A_696, %get3A_697, %get3A_698] {strides = array<i32>} : memref<4x200x64xf32, #tpu.memory_space<vmem>>, vector<1x1x16xf32>,
        %get3A_700 = vector.shape_cast %get3A_699 : vector<1x1x16xf32> to vector<16xf32>
        %get3A_701 = arith.constant 1 : i32
        %get3A_702 = arith.index_cast %get3A_701 : i32 to index
        %get3A_703 = arith.index_cast %add3A_682 : i32 to index
        %get3A_704 = arith.constant 48 : index
        %get3A_705 = tpu.vector_load %arg6[%get3A_702, %get3A_703, %get3A_704] {strides = array<i32>} : memref<4x200x64xf32, #tpu.memory_space<vmem>>, vector<1x1x16xf32>,
        %get3A_706 = vector.shape_cast %get3A_705 : vector<1x1x16xf32> to vector<16xf32>
        %add3A_707 = arith.addf %get3A_688, %get3A_694 : vector<16xf32>
        %add3A_708 = arith.addf %get3A_700, %get3A_706 : vector<16xf32>
        %add3A_709 = arith.addf %add3A_707, %add3A_708 : vector<16xf32>
        %gather3A_710 = vector.shape_cast %reshape3A : vector<16x1xi32> to vector<16xi32>
        %gather3A_711 = tpu.dynamic_gather %add3A_709[%gather3A_710] in [0] : vector<16xf32>, vector<16xi32> -> vector<16xf32>
        %add3A_712 = arith.addf %add3A_709, %gather3A_711 : vector<16xf32>
        %gather3A_713 = vector.shape_cast %reshape3A_8 : vector<16x1xi32> to vector<16xi32>
        %gather3A_714 = tpu.dynamic_gather %add3A_712[%gather3A_713] in [0] : vector<16xf32>, vector<16xi32> -> vector<16xf32>
        %add3A_715 = arith.addf %add3A_712, %gather3A_714 : vector<16xf32>
        %gather3A_716 = vector.shape_cast %reshape3A_12 : vector<16x1xi32> to vector<16xi32>
        %gather3A_717 = tpu.dynamic_gather %add3A_715[%gather3A_716] in [0] : vector<16xf32>, vector<16xi32> -> vector<16xf32>
        %add3A_718 = arith.addf %add3A_715, %gather3A_717 : vector<16xf32>
        %gather3A_719 = vector.shape_cast %reshape3A_16 : vector<16x1xi32> to vector<16xi32>
        %gather3A_720 = tpu.dynamic_gather %add3A_718[%gather3A_719] in [0] : vector<16xf32>, vector<16xi32> -> vector<16xf32>
        %add3A_721 = arith.addf %add3A_718, %gather3A_720 : vector<16xf32>
        %ne3A_722 = arith.constant 0.000000e+00 : f32
        %ne3A_723 = vector.broadcast %ne3A_722 : f32 to vector<16xf32>
        %ne3A_724 = arith.cmpf one, %add3A_721, %ne3A_723 : vector<16xf32>
        %add3A_725 = arith.addf %select_n3A_670, %get3A_688 : vector<16xf32>
        %select_n3A_726 = arith.select %ne3A_724, %add3A_725, %select_n3A_670 : vector<16xi1>, vector<16xf32>
        %add3A_727 = arith.addf %select_n3A_672, %get3A_694 : vector<16xf32>
        %select_n3A_728 = arith.select %ne3A_724, %add3A_727, %select_n3A_672 : vector<16xi1>, vector<16xf32>
        %add3A_729 = arith.addf %select_n3A_674, %get3A_700 : vector<16xf32>
        %select_n3A_730 = arith.select %ne3A_724, %add3A_729, %select_n3A_674 : vector<16xi1>, vector<16xf32>
        %add3A_731 = arith.addf %select_n3A_676, %get3A_706 : vector<16xf32>
        %select_n3A_732 = arith.select %ne3A_724, %add3A_731, %select_n3A_676 : vector<16xi1>, vector<16xf32>
        %add3A_733 = arith.constant 1.000000e+00 : f32
        %add3A_734 = vector.broadcast %add3A_733 : f32 to vector<16xf32>
        %add3A_735 = arith.addf %select_n3A_680, %add3A_734 : vector<16xf32>
        %select_n3A_736 = arith.select %ne3A_724, %add3A_735, %select_n3A_680 : vector<16xi1>, vector<16xf32>
        %add3A_737 = arith.constant 6 : i32
        %add3A_738 = arith.addi %add3A_404, %add3A_737 : i32
        %get3A_739 = arith.constant 1 : i32
        %get3A_740 = arith.index_cast %get3A_739 : i32 to index
        %get3A_741 = arith.index_cast %add3A_738 : i32 to index
        %get3A_742 = arith.constant 0 : index
        %get3A_743 = tpu.vector_load %arg6[%get3A_740, %get3A_741, %get3A_742] {strides = array<i32>} : memref<4x200x64xf32, #tpu.memory_space<vmem>>, vector<1x1x16xf32>,
        %get3A_744 = vector.shape_cast %get3A_743 : vector<1x1x16xf32> to vector<16xf32>
        %get3A_745 = arith.constant 1 : i32
        %get3A_746 = arith.index_cast %get3A_745 : i32 to index
        %get3A_747 = arith.index_cast %add3A_738 : i32 to index
        %get3A_748 = arith.constant 16 : index
        %get3A_749 = tpu.vector_load %arg6[%get3A_746, %get3A_747, %get3A_748] {strides = array<i32>} : memref<4x200x64xf32, #tpu.memory_space<vmem>>, vector<1x1x16xf32>,
        %get3A_750 = vector.shape_cast %get3A_749 : vector<1x1x16xf32> to vector<16xf32>
        %get3A_751 = arith.constant 1 : i32
        %get3A_752 = arith.index_cast %get3A_751 : i32 to index
        %get3A_753 = arith.index_cast %add3A_738 : i32 to index
        %get3A_754 = arith.constant 32 : index
        %get3A_755 = tpu.vector_load %arg6[%get3A_752, %get3A_753, %get3A_754] {strides = array<i32>} : memref<4x200x64xf32, #tpu.memory_space<vmem>>, vector<1x1x16xf32>,
        %get3A_756 = vector.shape_cast %get3A_755 : vector<1x1x16xf32> to vector<16xf32>
        %get3A_757 = arith.constant 1 : i32
        %get3A_758 = arith.index_cast %get3A_757 : i32 to index
        %get3A_759 = arith.index_cast %add3A_738 : i32 to index
        %get3A_760 = arith.constant 48 : index
        %get3A_761 = tpu.vector_load %arg6[%get3A_758, %get3A_759, %get3A_760] {strides = array<i32>} : memref<4x200x64xf32, #tpu.memory_space<vmem>>, vector<1x1x16xf32>,
        %get3A_762 = vector.shape_cast %get3A_761 : vector<1x1x16xf32> to vector<16xf32>
        %add3A_763 = arith.addf %get3A_744, %get3A_750 : vector<16xf32>
        %add3A_764 = arith.addf %get3A_756, %get3A_762 : vector<16xf32>
        %add3A_765 = arith.addf %add3A_763, %add3A_764 : vector<16xf32>
        %gather3A_766 = vector.shape_cast %reshape3A : vector<16x1xi32> to vector<16xi32>
        %gather3A_767 = tpu.dynamic_gather %add3A_765[%gather3A_766] in [0] : vector<16xf32>, vector<16xi32> -> vector<16xf32>
        %add3A_768 = arith.addf %add3A_765, %gather3A_767 : vector<16xf32>
        %gather3A_769 = vector.shape_cast %reshape3A_8 : vector<16x1xi32> to vector<16xi32>
        %gather3A_770 = tpu.dynamic_gather %add3A_768[%gather3A_769] in [0] : vector<16xf32>, vector<16xi32> -> vector<16xf32>
        %add3A_771 = arith.addf %add3A_768, %gather3A_770 : vector<16xf32>
        %gather3A_772 = vector.shape_cast %reshape3A_12 : vector<16x1xi32> to vector<16xi32>
        %gather3A_773 = tpu.dynamic_gather %add3A_771[%gather3A_772] in [0] : vector<16xf32>, vector<16xi32> -> vector<16xf32>
        %add3A_774 = arith.addf %add3A_771, %gather3A_773 : vector<16xf32>
        %gather3A_775 = vector.shape_cast %reshape3A_16 : vector<16x1xi32> to vector<16xi32>
        %gather3A_776 = tpu.dynamic_gather %add3A_774[%gather3A_775] in [0] : vector<16xf32>, vector<16xi32> -> vector<16xf32>
        %add3A_777 = arith.addf %add3A_774, %gather3A_776 : vector<16xf32>
        %ne3A_778 = arith.constant 0.000000e+00 : f32
        %ne3A_779 = vector.broadcast %ne3A_778 : f32 to vector<16xf32>
        %ne3A_780 = arith.cmpf one, %add3A_777, %ne3A_779 : vector<16xf32>
        %add3A_781 = arith.addf %select_n3A_726, %get3A_744 : vector<16xf32>
        %select_n3A_782 = arith.select %ne3A_780, %add3A_781, %select_n3A_726 : vector<16xi1>, vector<16xf32>
        %add3A_783 = arith.addf %select_n3A_728, %get3A_750 : vector<16xf32>
        %select_n3A_784 = arith.select %ne3A_780, %add3A_783, %select_n3A_728 : vector<16xi1>, vector<16xf32>
        %add3A_785 = arith.addf %select_n3A_730, %get3A_756 : vector<16xf32>
        %select_n3A_786 = arith.select %ne3A_780, %add3A_785, %select_n3A_730 : vector<16xi1>, vector<16xf32>
        %add3A_787 = arith.addf %select_n3A_732, %get3A_762 : vector<16xf32>
        %select_n3A_788 = arith.select %ne3A_780, %add3A_787, %select_n3A_732 : vector<16xi1>, vector<16xf32>
        %add3A_789 = arith.constant 1.000000e+00 : f32
        %add3A_790 = vector.broadcast %add3A_789 : f32 to vector<16xf32>
        %add3A_791 = arith.addf %select_n3A_736, %add3A_790 : vector<16xf32>
        %select_n3A_792 = arith.select %ne3A_780, %add3A_791, %select_n3A_736 : vector<16xi1>, vector<16xf32>
        %add3A_793 = arith.constant 7 : i32
        %add3A_794 = arith.addi %add3A_404, %add3A_793 : i32
        %get3A_795 = arith.constant 1 : i32
        %get3A_796 = arith.index_cast %get3A_795 : i32 to index
        %get3A_797 = arith.index_cast %add3A_794 : i32 to index
        %get3A_798 = arith.constant 0 : index
        %get3A_799 = tpu.vector_load %arg6[%get3A_796, %get3A_797, %get3A_798] {strides = array<i32>} : memref<4x200x64xf32, #tpu.memory_space<vmem>>, vector<1x1x16xf32>,
        %get3A_800 = vector.shape_cast %get3A_799 : vector<1x1x16xf32> to vector<16xf32>
        %get3A_801 = arith.constant 1 : i32
        %get3A_802 = arith.index_cast %get3A_801 : i32 to index
        %get3A_803 = arith.index_cast %add3A_794 : i32 to index
        %get3A_804 = arith.constant 16 : index
        %get3A_805 = tpu.vector_load %arg6[%get3A_802, %get3A_803, %get3A_804] {strides = array<i32>} : memref<4x200x64xf32, #tpu.memory_space<vmem>>, vector<1x1x16xf32>,
        %get3A_806 = vector.shape_cast %get3A_805 : vector<1x1x16xf32> to vector<16xf32>
        %get3A_807 = arith.constant 1 : i32
        %get3A_808 = arith.index_cast %get3A_807 : i32 to index
        %get3A_809 = arith.index_cast %add3A_794 : i32 to index
        %get3A_810 = arith.constant 32 : index
        %get3A_811 = tpu.vector_load %arg6[%get3A_808, %get3A_809, %get3A_810] {strides = array<i32>} : memref<4x200x64xf32, #tpu.memory_space<vmem>>, vector<1x1x16xf32>,
        %get3A_812 = vector.shape_cast %get3A_811 : vector<1x1x16xf32> to vector<16xf32>
        %get3A_813 = arith.constant 1 : i32
        %get3A_814 = arith.index_cast %get3A_813 : i32 to index
        %get3A_815 = arith.index_cast %add3A_794 : i32 to index
        %get3A_816 = arith.constant 48 : index
        %get3A_817 = tpu.vector_load %arg6[%get3A_814, %get3A_815, %get3A_816] {strides = array<i32>} : memref<4x200x64xf32, #tpu.memory_space<vmem>>, vector<1x1x16xf32>,
        %get3A_818 = vector.shape_cast %get3A_817 : vector<1x1x16xf32> to vector<16xf32>
        %add3A_819 = arith.addf %get3A_800, %get3A_806 : vector<16xf32>
        %add3A_820 = arith.addf %get3A_812, %get3A_818 : vector<16xf32>
        %add3A_821 = arith.addf %add3A_819, %add3A_820 : vector<16xf32>
        %gather3A_822 = vector.shape_cast %reshape3A : vector<16x1xi32> to vector<16xi32>
        %gather3A_823 = tpu.dynamic_gather %add3A_821[%gather3A_822] in [0] : vector<16xf32>, vector<16xi32> -> vector<16xf32>
        %add3A_824 = arith.addf %add3A_821, %gather3A_823 : vector<16xf32>
        %gather3A_825 = vector.shape_cast %reshape3A_8 : vector<16x1xi32> to vector<16xi32>
        %gather3A_826 = tpu.dynamic_gather %add3A_824[%gather3A_825] in [0] : vector<16xf32>, vector<16xi32> -> vector<16xf32>
        %add3A_827 = arith.addf %add3A_824, %gather3A_826 : vector<16xf32>
        %gather3A_828 = vector.shape_cast %reshape3A_12 : vector<16x1xi32> to vector<16xi32>
        %gather3A_829 = tpu.dynamic_gather %add3A_827[%gather3A_828] in [0] : vector<16xf32>, vector<16xi32> -> vector<16xf32>
        %add3A_830 = arith.addf %add3A_827, %gather3A_829 : vector<16xf32>
        %gather3A_831 = vector.shape_cast %reshape3A_16 : vector<16x1xi32> to vector<16xi32>
        %gather3A_832 = tpu.dynamic_gather %add3A_830[%gather3A_831] in [0] : vector<16xf32>, vector<16xi32> -> vector<16xf32>
        %add3A_833 = arith.addf %add3A_830, %gather3A_832 : vector<16xf32>
        %ne3A_834 = arith.constant 0.000000e+00 : f32
        %ne3A_835 = vector.broadcast %ne3A_834 : f32 to vector<16xf32>
        %ne3A_836 = arith.cmpf one, %add3A_833, %ne3A_835 : vector<16xf32>
        %add3A_837 = arith.addf %select_n3A_782, %get3A_800 : vector<16xf32>
        %select_n3A_838 = arith.select %ne3A_836, %add3A_837, %select_n3A_782 : vector<16xi1>, vector<16xf32>
        %add3A_839 = arith.addf %select_n3A_784, %get3A_806 : vector<16xf32>
        %select_n3A_840 = arith.select %ne3A_836, %add3A_839, %select_n3A_784 : vector<16xi1>, vector<16xf32>
        %add3A_841 = arith.addf %select_n3A_786, %get3A_812 : vector<16xf32>
        %select_n3A_842 = arith.select %ne3A_836, %add3A_841, %select_n3A_786 : vector<16xi1>, vector<16xf32>
        %add3A_843 = arith.addf %select_n3A_788, %get3A_818 : vector<16xf32>
        %select_n3A_844 = arith.select %ne3A_836, %add3A_843, %select_n3A_788 : vector<16xi1>, vector<16xf32>
        %add3A_845 = arith.constant 1.000000e+00 : f32
        %add3A_846 = vector.broadcast %add3A_845 : f32 to vector<16xf32>
        %add3A_847 = arith.addf %select_n3A_792, %add3A_846 : vector<16xf32>
        %select_n3A_848 = arith.select %ne3A_836, %add3A_847, %select_n3A_792 : vector<16xi1>, vector<16xf32>
        scf.yield %select_n3A_838, %select_n3A_840, %select_n3A_842, %select_n3A_844, %select_n3A_848 : vector<16xf32>, vector<16xf32>, vector<16xf32>, vector<16xf32>, vector<16xf32>
      }
      %scan3A_193 = arith.constant 16 : i32
      %dma_wait3A_194 = arith.constant 1 : i32
      %dma_wait3A_195 = arith.constant 128 : i32
      %dma_wait3A_196 = arith.constant 0 : i32
      %dma_wait3A_197 = tpu.memref_slice %arg6[%dma_wait3A_194, %dma_wait3A_195, %dma_wait3A_196] : memref<4x200x64xf32, #tpu.memory_space<vmem>> -> memref<1x72x64xf32, #tpu.memory_space<vmem>>
      %dma_wait3A_198 = tpu.memref_squeeze %dma_wait3A_197 : memref<1x72x64xf32, #tpu.memory_space<vmem>> -> memref<72x64xf32, #tpu.memory_space<vmem>>
      %dma_wait3A_199 = arith.constant 128 : i32
      %dma_wait3A_200 = tpu.memref_slice %arg5[%add3A_165, %dma_wait3A_199] : memref<128x200xi32, #tpu.memory_space<vmem>> -> memref<1x72xi32, #tpu.memory_space<vmem>>
      %dma_wait3A_201 = tpu.memref_squeeze %dma_wait3A_200 : memref<1x72xi32, #tpu.memory_space<vmem>> -> memref<72xi32, #tpu.memory_space<vmem>>
      %dma_wait3A_202 = arith.constant 0 : i32
      %dma_wait3A_203 = arith.constant 0 : i32
      %dma_wait3A_204 = tpu.memref_slice %arg2[%dma_wait3A_202, %dma_wait3A_203] : memref<1000000x64xf32, #tpu.memory_space<hbm>> -> memref<1000000x64xf32, #tpu.memory_space<hbm>>
      tpu.wait_indirect_dma semaphore(%arg11 : memref<!tpu.dma_semaphore, #tpu.memory_space<semaphore_mem>>) src(%dma_wait3A_204 : memref<1000000x64xf32, #tpu.memory_space<hbm>>) dst(%dma_wait3A_198 : memref<72x64xf32, #tpu.memory_space<vmem>>)
      %scan3A_205 = arith.constant 0 : i32
      %scan3A_206 = arith.constant 9 : i32
      %scan3A_207 = arith.addi %scan3A_205, %scan3A_206 : i32
      %scan3A_208 = arith.constant 1 : i32
      %scan3A_209:5 = scf.for %scan3A_395 = %scan3A_205 to %scan3A_207 step %scan3A_208 iter_args(%scan3A_396 = %scan3A_192#0, %scan3A_397 = %scan3A_192#1, %scan3A_398 = %scan3A_192#2, %scan3A_399 = %scan3A_192#3, %scan3A_400 = %scan3A_192#4) -> (vector<16xf32>, vector<16xf32>, vector<16xf32>, vector<16xf32>, vector<16xf32>)  : i32 {
        %mul3A_401 = arith.constant 8 : i32
        %mul3A_402 = arith.muli %scan3A_395, %mul3A_401 : i32
        %add3A_403 = arith.constant 128 : i32
        %add3A_404 = arith.addi %add3A_403, %mul3A_402 : i32
        %add3A_405 = arith.constant 0 : i32
        %add3A_406 = arith.addi %add3A_404, %add3A_405 : i32
        %get3A = arith.constant 1 : i32
        %get3A_407 = arith.index_cast %get3A : i32 to index
        %get3A_408 = arith.index_cast %add3A_406 : i32 to index
        %get3A_409 = arith.constant 0 : index
        %get3A_410 = tpu.vector_load %arg6[%get3A_407, %get3A_408, %get3A_409] {strides = array<i32>} : memref<4x200x64xf32, #tpu.memory_space<vmem>>, vector<1x1x16xf32>,
        %get3A_411 = vector.shape_cast %get3A_410 : vector<1x1x16xf32> to vector<16xf32>
        %get3A_412 = arith.constant 1 : i32
        %get3A_413 = arith.index_cast %get3A_412 : i32 to index
        %get3A_414 = arith.index_cast %add3A_406 : i32 to index
        %get3A_415 = arith.constant 16 : index
        %get3A_416 = tpu.vector_load %arg6[%get3A_413, %get3A_414, %get3A_415] {strides = array<i32>} : memref<4x200x64xf32, #tpu.memory_space<vmem>>, vector<1x1x16xf32>,
        %get3A_417 = vector.shape_cast %get3A_416 : vector<1x1x16xf32> to vector<16xf32>
        %get3A_418 = arith.constant 1 : i32
        %get3A_419 = arith.index_cast %get3A_418 : i32 to index
        %get3A_420 = arith.index_cast %add3A_406 : i32 to index
        %get3A_421 = arith.constant 32 : index
        %get3A_422 = tpu.vector_load %arg6[%get3A_419, %get3A_420, %get3A_421] {strides = array<i32>} : memref<4x200x64xf32, #tpu.memory_space<vmem>>, vector<1x1x16xf32>,
        %get3A_423 = vector.shape_cast %get3A_422 : vector<1x1x16xf32> to vector<16xf32>
        %get3A_424 = arith.constant 1 : i32
        %get3A_425 = arith.index_cast %get3A_424 : i32 to index
        %get3A_426 = arith.index_cast %add3A_406 : i32 to index
        %get3A_427 = arith.constant 48 : index
        %get3A_428 = tpu.vector_load %arg6[%get3A_425, %get3A_426, %get3A_427] {strides = array<i32>} : memref<4x200x64xf32, #tpu.memory_space<vmem>>, vector<1x1x16xf32>,
        %get3A_429 = vector.shape_cast %get3A_428 : vector<1x1x16xf32> to vector<16xf32>
        %add3A_430 = arith.addf %get3A_411, %get3A_417 : vector<16xf32>
        %add3A_431 = arith.addf %get3A_423, %get3A_429 : vector<16xf32>
        %add3A_432 = arith.addf %add3A_430, %add3A_431 : vector<16xf32>
        %gather3A = vector.shape_cast %reshape3A : vector<16x1xi32> to vector<16xi32>
        %gather3A_433 = tpu.dynamic_gather %add3A_432[%gather3A] in [0] : vector<16xf32>, vector<16xi32> -> vector<16xf32>
        %add3A_434 = arith.addf %add3A_432, %gather3A_433 : vector<16xf32>
        %gather3A_435 = vector.shape_cast %reshape3A_8 : vector<16x1xi32> to vector<16xi32>
        %gather3A_436 = tpu.dynamic_gather %add3A_434[%gather3A_435] in [0] : vector<16xf32>, vector<16xi32> -> vector<16xf32>
        %add3A_437 = arith.addf %add3A_434, %gather3A_436 : vector<16xf32>
        %gather3A_438 = vector.shape_cast %reshape3A_12 : vector<16x1xi32> to vector<16xi32>
        %gather3A_439 = tpu.dynamic_gather %add3A_437[%gather3A_438] in [0] : vector<16xf32>, vector<16xi32> -> vector<16xf32>
        %add3A_440 = arith.addf %add3A_437, %gather3A_439 : vector<16xf32>
        %gather3A_441 = vector.shape_cast %reshape3A_16 : vector<16x1xi32> to vector<16xi32>
        %gather3A_442 = tpu.dynamic_gather %add3A_440[%gather3A_441] in [0] : vector<16xf32>, vector<16xi32> -> vector<16xf32>
        %add3A_443 = arith.addf %add3A_440, %gather3A_442 : vector<16xf32>
        %ne3A = arith.constant 0.000000e+00 : f32
        %ne3A_444 = vector.broadcast %ne3A : f32 to vector<16xf32>
        %ne3A_445 = arith.cmpf one, %add3A_443, %ne3A_444 : vector<16xf32>
        %add3A_446 = arith.addf %scan3A_396, %get3A_411 : vector<16xf32>
        %select_n3A = arith.select %ne3A_445, %add3A_446, %scan3A_396 : vector<16xi1>, vector<16xf32>
        %add3A_447 = arith.addf %scan3A_397, %get3A_417 : vector<16xf32>
        %select_n3A_448 = arith.select %ne3A_445, %add3A_447, %scan3A_397 : vector<16xi1>, vector<16xf32>
        %add3A_449 = arith.addf %scan3A_398, %get3A_423 : vector<16xf32>
        %select_n3A_450 = arith.select %ne3A_445, %add3A_449, %scan3A_398 : vector<16xi1>, vector<16xf32>
        %add3A_451 = arith.addf %scan3A_399, %get3A_429 : vector<16xf32>
        %select_n3A_452 = arith.select %ne3A_445, %add3A_451, %scan3A_399 : vector<16xi1>, vector<16xf32>
        %add3A_453 = arith.constant 1.000000e+00 : f32
        %add3A_454 = vector.broadcast %add3A_453 : f32 to vector<16xf32>
        %add3A_455 = arith.addf %scan3A_400, %add3A_454 : vector<16xf32>
        %select_n3A_456 = arith.select %ne3A_445, %add3A_455, %scan3A_400 : vector<16xi1>, vector<16xf32>
        %add3A_457 = arith.constant 1 : i32
        %add3A_458 = arith.addi %add3A_404, %add3A_457 : i32
        %get3A_459 = arith.constant 1 : i32
        %get3A_460 = arith.index_cast %get3A_459 : i32 to index
        %get3A_461 = arith.index_cast %add3A_458 : i32 to index
        %get3A_462 = arith.constant 0 : index
        %get3A_463 = tpu.vector_load %arg6[%get3A_460, %get3A_461, %get3A_462] {strides = array<i32>} : memref<4x200x64xf32, #tpu.memory_space<vmem>>, vector<1x1x16xf32>,
        %get3A_464 = vector.shape_cast %get3A_463 : vector<1x1x16xf32> to vector<16xf32>
        %get3A_465 = arith.constant 1 : i32
        %get3A_466 = arith.index_cast %get3A_465 : i32 to index
        %get3A_467 = arith.index_cast %add3A_458 : i32 to index
        %get3A_468 = arith.constant 16 : index
        %get3A_469 = tpu.vector_load %arg6[%get3A_466, %get3A_467, %get3A_468] {strides = array<i32>} : memref<4x200x64xf32, #tpu.memory_space<vmem>>, vector<1x1x16xf32>,
        %get3A_470 = vector.shape_cast %get3A_469 : vector<1x1x16xf32> to vector<16xf32>
        %get3A_471 = arith.constant 1 : i32
        %get3A_472 = arith.index_cast %get3A_471 : i32 to index
        %get3A_473 = arith.index_cast %add3A_458 : i32 to index
        %get3A_474 = arith.constant 32 : index
        %get3A_475 = tpu.vector_load %arg6[%get3A_472, %get3A_473, %get3A_474] {strides = array<i32>} : memref<4x200x64xf32, #tpu.memory_space<vmem>>, vector<1x1x16xf32>,
        %get3A_476 = vector.shape_cast %get3A_475 : vector<1x1x16xf32> to vector<16xf32>
        %get3A_477 = arith.constant 1 : i32
        %get3A_478 = arith.index_cast %get3A_477 : i32 to index
        %get3A_479 = arith.index_cast %add3A_458 : i32 to index
        %get3A_480 = arith.constant 48 : index
        %get3A_481 = tpu.vector_load %arg6[%get3A_478, %get3A_479, %get3A_480] {strides = array<i32>} : memref<4x200x64xf32, #tpu.memory_space<vmem>>, vector<1x1x16xf32>,
        %get3A_482 = vector.shape_cast %get3A_481 : vector<1x1x16xf32> to vector<16xf32>
        %add3A_483 = arith.addf %get3A_464, %get3A_470 : vector<16xf32>
        %add3A_484 = arith.addf %get3A_476, %get3A_482 : vector<16xf32>
        %add3A_485 = arith.addf %add3A_483, %add3A_484 : vector<16xf32>
        %gather3A_486 = vector.shape_cast %reshape3A : vector<16x1xi32> to vector<16xi32>
        %gather3A_487 = tpu.dynamic_gather %add3A_485[%gather3A_486] in [0] : vector<16xf32>, vector<16xi32> -> vector<16xf32>
        %add3A_488 = arith.addf %add3A_485, %gather3A_487 : vector<16xf32>
        %gather3A_489 = vector.shape_cast %reshape3A_8 : vector<16x1xi32> to vector<16xi32>
        %gather3A_490 = tpu.dynamic_gather %add3A_488[%gather3A_489] in [0] : vector<16xf32>, vector<16xi32> -> vector<16xf32>
        %add3A_491 = arith.addf %add3A_488, %gather3A_490 : vector<16xf32>
        %gather3A_492 = vector.shape_cast %reshape3A_12 : vector<16x1xi32> to vector<16xi32>
        %gather3A_493 = tpu.dynamic_gather %add3A_491[%gather3A_492] in [0] : vector<16xf32>, vector<16xi32> -> vector<16xf32>
        %add3A_494 = arith.addf %add3A_491, %gather3A_493 : vector<16xf32>
        %gather3A_495 = vector.shape_cast %reshape3A_16 : vector<16x1xi32> to vector<16xi32>
        %gather3A_496 = tpu.dynamic_gather %add3A_494[%gather3A_495] in [0] : vector<16xf32>, vector<16xi32> -> vector<16xf32>
        %add3A_497 = arith.addf %add3A_494, %gather3A_496 : vector<16xf32>
        %ne3A_498 = arith.constant 0.000000e+00 : f32
        %ne3A_499 = vector.broadcast %ne3A_498 : f32 to vector<16xf32>
        %ne3A_500 = arith.cmpf one, %add3A_497, %ne3A_499 : vector<16xf32>
        %add3A_501 = arith.addf %select_n3A, %get3A_464 : vector<16xf32>
        %select_n3A_502 = arith.select %ne3A_500, %add3A_501, %select_n3A : vector<16xi1>, vector<16xf32>
        %add3A_503 = arith.addf %select_n3A_448, %get3A_470 : vector<16xf32>
        %select_n3A_504 = arith.select %ne3A_500, %add3A_503, %select_n3A_448 : vector<16xi1>, vector<16xf32>
        %add3A_505 = arith.addf %select_n3A_450, %get3A_476 : vector<16xf32>
        %select_n3A_506 = arith.select %ne3A_500, %add3A_505, %select_n3A_450 : vector<16xi1>, vector<16xf32>
        %add3A_507 = arith.addf %select_n3A_452, %get3A_482 : vector<16xf32>
        %select_n3A_508 = arith.select %ne3A_500, %add3A_507, %select_n3A_452 : vector<16xi1>, vector<16xf32>
        %add3A_509 = arith.constant 1.000000e+00 : f32
        %add3A_510 = vector.broadcast %add3A_509 : f32 to vector<16xf32>
        %add3A_511 = arith.addf %select_n3A_456, %add3A_510 : vector<16xf32>
        %select_n3A_512 = arith.select %ne3A_500, %add3A_511, %select_n3A_456 : vector<16xi1>, vector<16xf32>
        %add3A_513 = arith.constant 2 : i32
        %add3A_514 = arith.addi %add3A_404, %add3A_513 : i32
        %get3A_515 = arith.constant 1 : i32
        %get3A_516 = arith.index_cast %get3A_515 : i32 to index
        %get3A_517 = arith.index_cast %add3A_514 : i32 to index
        %get3A_518 = arith.constant 0 : index
        %get3A_519 = tpu.vector_load %arg6[%get3A_516, %get3A_517, %get3A_518] {strides = array<i32>} : memref<4x200x64xf32, #tpu.memory_space<vmem>>, vector<1x1x16xf32>,
        %get3A_520 = vector.shape_cast %get3A_519 : vector<1x1x16xf32> to vector<16xf32>
        %get3A_521 = arith.constant 1 : i32
        %get3A_522 = arith.index_cast %get3A_521 : i32 to index
        %get3A_523 = arith.index_cast %add3A_514 : i32 to index
        %get3A_524 = arith.constant 16 : index
        %get3A_525 = tpu.vector_load %arg6[%get3A_522, %get3A_523, %get3A_524] {strides = array<i32>} : memref<4x200x64xf32, #tpu.memory_space<vmem>>, vector<1x1x16xf32>,
        %get3A_526 = vector.shape_cast %get3A_525 : vector<1x1x16xf32> to vector<16xf32>
        %get3A_527 = arith.constant 1 : i32
        %get3A_528 = arith.index_cast %get3A_527 : i32 to index
        %get3A_529 = arith.index_cast %add3A_514 : i32 to index
        %get3A_530 = arith.constant 32 : index
        %get3A_531 = tpu.vector_load %arg6[%get3A_528, %get3A_529, %get3A_530] {strides = array<i32>} : memref<4x200x64xf32, #tpu.memory_space<vmem>>, vector<1x1x16xf32>,
        %get3A_532 = vector.shape_cast %get3A_531 : vector<1x1x16xf32> to vector<16xf32>
        %get3A_533 = arith.constant 1 : i32
        %get3A_534 = arith.index_cast %get3A_533 : i32 to index
        %get3A_535 = arith.index_cast %add3A_514 : i32 to index
        %get3A_536 = arith.constant 48 : index
        %get3A_537 = tpu.vector_load %arg6[%get3A_534, %get3A_535, %get3A_536] {strides = array<i32>} : memref<4x200x64xf32, #tpu.memory_space<vmem>>, vector<1x1x16xf32>,
        %get3A_538 = vector.shape_cast %get3A_537 : vector<1x1x16xf32> to vector<16xf32>
        %add3A_539 = arith.addf %get3A_520, %get3A_526 : vector<16xf32>
        %add3A_540 = arith.addf %get3A_532, %get3A_538 : vector<16xf32>
        %add3A_541 = arith.addf %add3A_539, %add3A_540 : vector<16xf32>
        %gather3A_542 = vector.shape_cast %reshape3A : vector<16x1xi32> to vector<16xi32>
        %gather3A_543 = tpu.dynamic_gather %add3A_541[%gather3A_542] in [0] : vector<16xf32>, vector<16xi32> -> vector<16xf32>
        %add3A_544 = arith.addf %add3A_541, %gather3A_543 : vector<16xf32>
        %gather3A_545 = vector.shape_cast %reshape3A_8 : vector<16x1xi32> to vector<16xi32>
        %gather3A_546 = tpu.dynamic_gather %add3A_544[%gather3A_545] in [0] : vector<16xf32>, vector<16xi32> -> vector<16xf32>
        %add3A_547 = arith.addf %add3A_544, %gather3A_546 : vector<16xf32>
        %gather3A_548 = vector.shape_cast %reshape3A_12 : vector<16x1xi32> to vector<16xi32>
        %gather3A_549 = tpu.dynamic_gather %add3A_547[%gather3A_548] in [0] : vector<16xf32>, vector<16xi32> -> vector<16xf32>
        %add3A_550 = arith.addf %add3A_547, %gather3A_549 : vector<16xf32>
        %gather3A_551 = vector.shape_cast %reshape3A_16 : vector<16x1xi32> to vector<16xi32>
        %gather3A_552 = tpu.dynamic_gather %add3A_550[%gather3A_551] in [0] : vector<16xf32>, vector<16xi32> -> vector<16xf32>
        %add3A_553 = arith.addf %add3A_550, %gather3A_552 : vector<16xf32>
        %ne3A_554 = arith.constant 0.000000e+00 : f32
        %ne3A_555 = vector.broadcast %ne3A_554 : f32 to vector<16xf32>
        %ne3A_556 = arith.cmpf one, %add3A_553, %ne3A_555 : vector<16xf32>
        %add3A_557 = arith.addf %select_n3A_502, %get3A_520 : vector<16xf32>
        %select_n3A_558 = arith.select %ne3A_556, %add3A_557, %select_n3A_502 : vector<16xi1>, vector<16xf32>
        %add3A_559 = arith.addf %select_n3A_504, %get3A_526 : vector<16xf32>
        %select_n3A_560 = arith.select %ne3A_556, %add3A_559, %select_n3A_504 : vector<16xi1>, vector<16xf32>
        %add3A_561 = arith.addf %select_n3A_506, %get3A_532 : vector<16xf32>
        %select_n3A_562 = arith.select %ne3A_556, %add3A_561, %select_n3A_506 : vector<16xi1>, vector<16xf32>
        %add3A_563 = arith.addf %select_n3A_508, %get3A_538 : vector<16xf32>
        %select_n3A_564 = arith.select %ne3A_556, %add3A_563, %select_n3A_508 : vector<16xi1>, vector<16xf32>
        %add3A_565 = arith.constant 1.000000e+00 : f32
        %add3A_566 = vector.broadcast %add3A_565 : f32 to vector<16xf32>
        %add3A_567 = arith.addf %select_n3A_512, %add3A_566 : vector<16xf32>
        %select_n3A_568 = arith.select %ne3A_556, %add3A_567, %select_n3A_512 : vector<16xi1>, vector<16xf32>
        %add3A_569 = arith.constant 3 : i32
        %add3A_570 = arith.addi %add3A_404, %add3A_569 : i32
        %get3A_571 = arith.constant 1 : i32
        %get3A_572 = arith.index_cast %get3A_571 : i32 to index
        %get3A_573 = arith.index_cast %add3A_570 : i32 to index
        %get3A_574 = arith.constant 0 : index
        %get3A_575 = tpu.vector_load %arg6[%get3A_572, %get3A_573, %get3A_574] {strides = array<i32>} : memref<4x200x64xf32, #tpu.memory_space<vmem>>, vector<1x1x16xf32>,
        %get3A_576 = vector.shape_cast %get3A_575 : vector<1x1x16xf32> to vector<16xf32>
        %get3A_577 = arith.constant 1 : i32
        %get3A_578 = arith.index_cast %get3A_577 : i32 to index
        %get3A_579 = arith.index_cast %add3A_570 : i32 to index
        %get3A_580 = arith.constant 16 : index
        %get3A_581 = tpu.vector_load %arg6[%get3A_578, %get3A_579, %get3A_580] {strides = array<i32>} : memref<4x200x64xf32, #tpu.memory_space<vmem>>, vector<1x1x16xf32>,
        %get3A_582 = vector.shape_cast %get3A_581 : vector<1x1x16xf32> to vector<16xf32>
        %get3A_583 = arith.constant 1 : i32
        %get3A_584 = arith.index_cast %get3A_583 : i32 to index
        %get3A_585 = arith.index_cast %add3A_570 : i32 to index
        %get3A_586 = arith.constant 32 : index
        %get3A_587 = tpu.vector_load %arg6[%get3A_584, %get3A_585, %get3A_586] {strides = array<i32>} : memref<4x200x64xf32, #tpu.memory_space<vmem>>, vector<1x1x16xf32>,
        %get3A_588 = vector.shape_cast %get3A_587 : vector<1x1x16xf32> to vector<16xf32>
        %get3A_589 = arith.constant 1 : i32
        %get3A_590 = arith.index_cast %get3A_589 : i32 to index
        %get3A_591 = arith.index_cast %add3A_570 : i32 to index
        %get3A_592 = arith.constant 48 : index
        %get3A_593 = tpu.vector_load %arg6[%get3A_590, %get3A_591, %get3A_592] {strides = array<i32>} : memref<4x200x64xf32, #tpu.memory_space<vmem>>, vector<1x1x16xf32>,
        %get3A_594 = vector.shape_cast %get3A_593 : vector<1x1x16xf32> to vector<16xf32>
        %add3A_595 = arith.addf %get3A_576, %get3A_582 : vector<16xf32>
        %add3A_596 = arith.addf %get3A_588, %get3A_594 : vector<16xf32>
        %add3A_597 = arith.addf %add3A_595, %add3A_596 : vector<16xf32>
        %gather3A_598 = vector.shape_cast %reshape3A : vector<16x1xi32> to vector<16xi32>
        %gather3A_599 = tpu.dynamic_gather %add3A_597[%gather3A_598] in [0] : vector<16xf32>, vector<16xi32> -> vector<16xf32>
        %add3A_600 = arith.addf %add3A_597, %gather3A_599 : vector<16xf32>
        %gather3A_601 = vector.shape_cast %reshape3A_8 : vector<16x1xi32> to vector<16xi32>
        %gather3A_602 = tpu.dynamic_gather %add3A_600[%gather3A_601] in [0] : vector<16xf32>, vector<16xi32> -> vector<16xf32>
        %add3A_603 = arith.addf %add3A_600, %gather3A_602 : vector<16xf32>
        %gather3A_604 = vector.shape_cast %reshape3A_12 : vector<16x1xi32> to vector<16xi32>
        %gather3A_605 = tpu.dynamic_gather %add3A_603[%gather3A_604] in [0] : vector<16xf32>, vector<16xi32> -> vector<16xf32>
        %add3A_606 = arith.addf %add3A_603, %gather3A_605 : vector<16xf32>
        %gather3A_607 = vector.shape_cast %reshape3A_16 : vector<16x1xi32> to vector<16xi32>
        %gather3A_608 = tpu.dynamic_gather %add3A_606[%gather3A_607] in [0] : vector<16xf32>, vector<16xi32> -> vector<16xf32>
        %add3A_609 = arith.addf %add3A_606, %gather3A_608 : vector<16xf32>
        %ne3A_610 = arith.constant 0.000000e+00 : f32
        %ne3A_611 = vector.broadcast %ne3A_610 : f32 to vector<16xf32>
        %ne3A_612 = arith.cmpf one, %add3A_609, %ne3A_611 : vector<16xf32>
        %add3A_613 = arith.addf %select_n3A_558, %get3A_576 : vector<16xf32>
        %select_n3A_614 = arith.select %ne3A_612, %add3A_613, %select_n3A_558 : vector<16xi1>, vector<16xf32>
        %add3A_615 = arith.addf %select_n3A_560, %get3A_582 : vector<16xf32>
        %select_n3A_616 = arith.select %ne3A_612, %add3A_615, %select_n3A_560 : vector<16xi1>, vector<16xf32>
        %add3A_617 = arith.addf %select_n3A_562, %get3A_588 : vector<16xf32>
        %select_n3A_618 = arith.select %ne3A_612, %add3A_617, %select_n3A_562 : vector<16xi1>, vector<16xf32>
        %add3A_619 = arith.addf %select_n3A_564, %get3A_594 : vector<16xf32>
        %select_n3A_620 = arith.select %ne3A_612, %add3A_619, %select_n3A_564 : vector<16xi1>, vector<16xf32>
        %add3A_621 = arith.constant 1.000000e+00 : f32
        %add3A_622 = vector.broadcast %add3A_621 : f32 to vector<16xf32>
        %add3A_623 = arith.addf %select_n3A_568, %add3A_622 : vector<16xf32>
        %select_n3A_624 = arith.select %ne3A_612, %add3A_623, %select_n3A_568 : vector<16xi1>, vector<16xf32>
        %add3A_625 = arith.constant 4 : i32
        %add3A_626 = arith.addi %add3A_404, %add3A_625 : i32
        %get3A_627 = arith.constant 1 : i32
        %get3A_628 = arith.index_cast %get3A_627 : i32 to index
        %get3A_629 = arith.index_cast %add3A_626 : i32 to index
        %get3A_630 = arith.constant 0 : index
        %get3A_631 = tpu.vector_load %arg6[%get3A_628, %get3A_629, %get3A_630] {strides = array<i32>} : memref<4x200x64xf32, #tpu.memory_space<vmem>>, vector<1x1x16xf32>,
        %get3A_632 = vector.shape_cast %get3A_631 : vector<1x1x16xf32> to vector<16xf32>
        %get3A_633 = arith.constant 1 : i32
        %get3A_634 = arith.index_cast %get3A_633 : i32 to index
        %get3A_635 = arith.index_cast %add3A_626 : i32 to index
        %get3A_636 = arith.constant 16 : index
        %get3A_637 = tpu.vector_load %arg6[%get3A_634, %get3A_635, %get3A_636] {strides = array<i32>} : memref<4x200x64xf32, #tpu.memory_space<vmem>>, vector<1x1x16xf32>,
        %get3A_638 = vector.shape_cast %get3A_637 : vector<1x1x16xf32> to vector<16xf32>
        %get3A_639 = arith.constant 1 : i32
        %get3A_640 = arith.index_cast %get3A_639 : i32 to index
        %get3A_641 = arith.index_cast %add3A_626 : i32 to index
        %get3A_642 = arith.constant 32 : index
        %get3A_643 = tpu.vector_load %arg6[%get3A_640, %get3A_641, %get3A_642] {strides = array<i32>} : memref<4x200x64xf32, #tpu.memory_space<vmem>>, vector<1x1x16xf32>,
        %get3A_644 = vector.shape_cast %get3A_643 : vector<1x1x16xf32> to vector<16xf32>
        %get3A_645 = arith.constant 1 : i32
        %get3A_646 = arith.index_cast %get3A_645 : i32 to index
        %get3A_647 = arith.index_cast %add3A_626 : i32 to index
        %get3A_648 = arith.constant 48 : index
        %get3A_649 = tpu.vector_load %arg6[%get3A_646, %get3A_647, %get3A_648] {strides = array<i32>} : memref<4x200x64xf32, #tpu.memory_space<vmem>>, vector<1x1x16xf32>,
        %get3A_650 = vector.shape_cast %get3A_649 : vector<1x1x16xf32> to vector<16xf32>
        %add3A_651 = arith.addf %get3A_632, %get3A_638 : vector<16xf32>
        %add3A_652 = arith.addf %get3A_644, %get3A_650 : vector<16xf32>
        %add3A_653 = arith.addf %add3A_651, %add3A_652 : vector<16xf32>
        %gather3A_654 = vector.shape_cast %reshape3A : vector<16x1xi32> to vector<16xi32>
        %gather3A_655 = tpu.dynamic_gather %add3A_653[%gather3A_654] in [0] : vector<16xf32>, vector<16xi32> -> vector<16xf32>
        %add3A_656 = arith.addf %add3A_653, %gather3A_655 : vector<16xf32>
        %gather3A_657 = vector.shape_cast %reshape3A_8 : vector<16x1xi32> to vector<16xi32>
        %gather3A_658 = tpu.dynamic_gather %add3A_656[%gather3A_657] in [0] : vector<16xf32>, vector<16xi32> -> vector<16xf32>
        %add3A_659 = arith.addf %add3A_656, %gather3A_658 : vector<16xf32>
        %gather3A_660 = vector.shape_cast %reshape3A_12 : vector<16x1xi32> to vector<16xi32>
        %gather3A_661 = tpu.dynamic_gather %add3A_659[%gather3A_660] in [0] : vector<16xf32>, vector<16xi32> -> vector<16xf32>
        %add3A_662 = arith.addf %add3A_659, %gather3A_661 : vector<16xf32>
        %gather3A_663 = vector.shape_cast %reshape3A_16 : vector<16x1xi32> to vector<16xi32>
        %gather3A_664 = tpu.dynamic_gather %add3A_662[%gather3A_663] in [0] : vector<16xf32>, vector<16xi32> -> vector<16xf32>
        %add3A_665 = arith.addf %add3A_662, %gather3A_664 : vector<16xf32>
        %ne3A_666 = arith.constant 0.000000e+00 : f32
        %ne3A_667 = vector.broadcast %ne3A_666 : f32 to vector<16xf32>
        %ne3A_668 = arith.cmpf one, %add3A_665, %ne3A_667 : vector<16xf32>
        %add3A_669 = arith.addf %select_n3A_614, %get3A_632 : vector<16xf32>
        %select_n3A_670 = arith.select %ne3A_668, %add3A_669, %select_n3A_614 : vector<16xi1>, vector<16xf32>
        %add3A_671 = arith.addf %select_n3A_616, %get3A_638 : vector<16xf32>
        %select_n3A_672 = arith.select %ne3A_668, %add3A_671, %select_n3A_616 : vector<16xi1>, vector<16xf32>
        %add3A_673 = arith.addf %select_n3A_618, %get3A_644 : vector<16xf32>
        %select_n3A_674 = arith.select %ne3A_668, %add3A_673, %select_n3A_618 : vector<16xi1>, vector<16xf32>
        %add3A_675 = arith.addf %select_n3A_620, %get3A_650 : vector<16xf32>
        %select_n3A_676 = arith.select %ne3A_668, %add3A_675, %select_n3A_620 : vector<16xi1>, vector<16xf32>
        %add3A_677 = arith.constant 1.000000e+00 : f32
        %add3A_678 = vector.broadcast %add3A_677 : f32 to vector<16xf32>
        %add3A_679 = arith.addf %select_n3A_624, %add3A_678 : vector<16xf32>
        %select_n3A_680 = arith.select %ne3A_668, %add3A_679, %select_n3A_624 : vector<16xi1>, vector<16xf32>
        %add3A_681 = arith.constant 5 : i32
        %add3A_682 = arith.addi %add3A_404, %add3A_681 : i32
        %get3A_683 = arith.constant 1 : i32
        %get3A_684 = arith.index_cast %get3A_683 : i32 to index
        %get3A_685 = arith.index_cast %add3A_682 : i32 to index
        %get3A_686 = arith.constant 0 : index
        %get3A_687 = tpu.vector_load %arg6[%get3A_684, %get3A_685, %get3A_686] {strides = array<i32>} : memref<4x200x64xf32, #tpu.memory_space<vmem>>, vector<1x1x16xf32>,
        %get3A_688 = vector.shape_cast %get3A_687 : vector<1x1x16xf32> to vector<16xf32>
        %get3A_689 = arith.constant 1 : i32
        %get3A_690 = arith.index_cast %get3A_689 : i32 to index
        %get3A_691 = arith.index_cast %add3A_682 : i32 to index
        %get3A_692 = arith.constant 16 : index
        %get3A_693 = tpu.vector_load %arg6[%get3A_690, %get3A_691, %get3A_692] {strides = array<i32>} : memref<4x200x64xf32, #tpu.memory_space<vmem>>, vector<1x1x16xf32>,
        %get3A_694 = vector.shape_cast %get3A_693 : vector<1x1x16xf32> to vector<16xf32>
        %get3A_695 = arith.constant 1 : i32
        %get3A_696 = arith.index_cast %get3A_695 : i32 to index
        %get3A_697 = arith.index_cast %add3A_682 : i32 to index
        %get3A_698 = arith.constant 32 : index
        %get3A_699 = tpu.vector_load %arg6[%get3A_696, %get3A_697, %get3A_698] {strides = array<i32>} : memref<4x200x64xf32, #tpu.memory_space<vmem>>, vector<1x1x16xf32>,
        %get3A_700 = vector.shape_cast %get3A_699 : vector<1x1x16xf32> to vector<16xf32>
        %get3A_701 = arith.constant 1 : i32
        %get3A_702 = arith.index_cast %get3A_701 : i32 to index
        %get3A_703 = arith.index_cast %add3A_682 : i32 to index
        %get3A_704 = arith.constant 48 : index
        %get3A_705 = tpu.vector_load %arg6[%get3A_702, %get3A_703, %get3A_704] {strides = array<i32>} : memref<4x200x64xf32, #tpu.memory_space<vmem>>, vector<1x1x16xf32>,
        %get3A_706 = vector.shape_cast %get3A_705 : vector<1x1x16xf32> to vector<16xf32>
        %add3A_707 = arith.addf %get3A_688, %get3A_694 : vector<16xf32>
        %add3A_708 = arith.addf %get3A_700, %get3A_706 : vector<16xf32>
        %add3A_709 = arith.addf %add3A_707, %add3A_708 : vector<16xf32>
        %gather3A_710 = vector.shape_cast %reshape3A : vector<16x1xi32> to vector<16xi32>
        %gather3A_711 = tpu.dynamic_gather %add3A_709[%gather3A_710] in [0] : vector<16xf32>, vector<16xi32> -> vector<16xf32>
        %add3A_712 = arith.addf %add3A_709, %gather3A_711 : vector<16xf32>
        %gather3A_713 = vector.shape_cast %reshape3A_8 : vector<16x1xi32> to vector<16xi32>
        %gather3A_714 = tpu.dynamic_gather %add3A_712[%gather3A_713] in [0] : vector<16xf32>, vector<16xi32> -> vector<16xf32>
        %add3A_715 = arith.addf %add3A_712, %gather3A_714 : vector<16xf32>
        %gather3A_716 = vector.shape_cast %reshape3A_12 : vector<16x1xi32> to vector<16xi32>
        %gather3A_717 = tpu.dynamic_gather %add3A_715[%gather3A_716] in [0] : vector<16xf32>, vector<16xi32> -> vector<16xf32>
        %add3A_718 = arith.addf %add3A_715, %gather3A_717 : vector<16xf32>
        %gather3A_719 = vector.shape_cast %reshape3A_16 : vector<16x1xi32> to vector<16xi32>
        %gather3A_720 = tpu.dynamic_gather %add3A_718[%gather3A_719] in [0] : vector<16xf32>, vector<16xi32> -> vector<16xf32>
        %add3A_721 = arith.addf %add3A_718, %gather3A_720 : vector<16xf32>
        %ne3A_722 = arith.constant 0.000000e+00 : f32
        %ne3A_723 = vector.broadcast %ne3A_722 : f32 to vector<16xf32>
        %ne3A_724 = arith.cmpf one, %add3A_721, %ne3A_723 : vector<16xf32>
        %add3A_725 = arith.addf %select_n3A_670, %get3A_688 : vector<16xf32>
        %select_n3A_726 = arith.select %ne3A_724, %add3A_725, %select_n3A_670 : vector<16xi1>, vector<16xf32>
        %add3A_727 = arith.addf %select_n3A_672, %get3A_694 : vector<16xf32>
        %select_n3A_728 = arith.select %ne3A_724, %add3A_727, %select_n3A_672 : vector<16xi1>, vector<16xf32>
        %add3A_729 = arith.addf %select_n3A_674, %get3A_700 : vector<16xf32>
        %select_n3A_730 = arith.select %ne3A_724, %add3A_729, %select_n3A_674 : vector<16xi1>, vector<16xf32>
        %add3A_731 = arith.addf %select_n3A_676, %get3A_706 : vector<16xf32>
        %select_n3A_732 = arith.select %ne3A_724, %add3A_731, %select_n3A_676 : vector<16xi1>, vector<16xf32>
        %add3A_733 = arith.constant 1.000000e+00 : f32
        %add3A_734 = vector.broadcast %add3A_733 : f32 to vector<16xf32>
        %add3A_735 = arith.addf %select_n3A_680, %add3A_734 : vector<16xf32>
        %select_n3A_736 = arith.select %ne3A_724, %add3A_735, %select_n3A_680 : vector<16xi1>, vector<16xf32>
        %add3A_737 = arith.constant 6 : i32
        %add3A_738 = arith.addi %add3A_404, %add3A_737 : i32
        %get3A_739 = arith.constant 1 : i32
        %get3A_740 = arith.index_cast %get3A_739 : i32 to index
        %get3A_741 = arith.index_cast %add3A_738 : i32 to index
        %get3A_742 = arith.constant 0 : index
        %get3A_743 = tpu.vector_load %arg6[%get3A_740, %get3A_741, %get3A_742] {strides = array<i32>} : memref<4x200x64xf32, #tpu.memory_space<vmem>>, vector<1x1x16xf32>,
        %get3A_744 = vector.shape_cast %get3A_743 : vector<1x1x16xf32> to vector<16xf32>
        %get3A_745 = arith.constant 1 : i32
        %get3A_746 = arith.index_cast %get3A_745 : i32 to index
        %get3A_747 = arith.index_cast %add3A_738 : i32 to index
        %get3A_748 = arith.constant 16 : index
        %get3A_749 = tpu.vector_load %arg6[%get3A_746, %get3A_747, %get3A_748] {strides = array<i32>} : memref<4x200x64xf32, #tpu.memory_space<vmem>>, vector<1x1x16xf32>,
        %get3A_750 = vector.shape_cast %get3A_749 : vector<1x1x16xf32> to vector<16xf32>
        %get3A_751 = arith.constant 1 : i32
        %get3A_752 = arith.index_cast %get3A_751 : i32 to index
        %get3A_753 = arith.index_cast %add3A_738 : i32 to index
        %get3A_754 = arith.constant 32 : index
        %get3A_755 = tpu.vector_load %arg6[%get3A_752, %get3A_753, %get3A_754] {strides = array<i32>} : memref<4x200x64xf32, #tpu.memory_space<vmem>>, vector<1x1x16xf32>,
        %get3A_756 = vector.shape_cast %get3A_755 : vector<1x1x16xf32> to vector<16xf32>
        %get3A_757 = arith.constant 1 : i32
        %get3A_758 = arith.index_cast %get3A_757 : i32 to index
        %get3A_759 = arith.index_cast %add3A_738 : i32 to index
        %get3A_760 = arith.constant 48 : index
        %get3A_761 = tpu.vector_load %arg6[%get3A_758, %get3A_759, %get3A_760] {strides = array<i32>} : memref<4x200x64xf32, #tpu.memory_space<vmem>>, vector<1x1x16xf32>,
        %get3A_762 = vector.shape_cast %get3A_761 : vector<1x1x16xf32> to vector<16xf32>
        %add3A_763 = arith.addf %get3A_744, %get3A_750 : vector<16xf32>
        %add3A_764 = arith.addf %get3A_756, %get3A_762 : vector<16xf32>
        %add3A_765 = arith.addf %add3A_763, %add3A_764 : vector<16xf32>
        %gather3A_766 = vector.shape_cast %reshape3A : vector<16x1xi32> to vector<16xi32>
        %gather3A_767 = tpu.dynamic_gather %add3A_765[%gather3A_766] in [0] : vector<16xf32>, vector<16xi32> -> vector<16xf32>
        %add3A_768 = arith.addf %add3A_765, %gather3A_767 : vector<16xf32>
        %gather3A_769 = vector.shape_cast %reshape3A_8 : vector<16x1xi32> to vector<16xi32>
        %gather3A_770 = tpu.dynamic_gather %add3A_768[%gather3A_769] in [0] : vector<16xf32>, vector<16xi32> -> vector<16xf32>
        %add3A_771 = arith.addf %add3A_768, %gather3A_770 : vector<16xf32>
        %gather3A_772 = vector.shape_cast %reshape3A_12 : vector<16x1xi32> to vector<16xi32>
        %gather3A_773 = tpu.dynamic_gather %add3A_771[%gather3A_772] in [0] : vector<16xf32>, vector<16xi32> -> vector<16xf32>
        %add3A_774 = arith.addf %add3A_771, %gather3A_773 : vector<16xf32>
        %gather3A_775 = vector.shape_cast %reshape3A_16 : vector<16x1xi32> to vector<16xi32>
        %gather3A_776 = tpu.dynamic_gather %add3A_774[%gather3A_775] in [0] : vector<16xf32>, vector<16xi32> -> vector<16xf32>
        %add3A_777 = arith.addf %add3A_774, %gather3A_776 : vector<16xf32>
        %ne3A_778 = arith.constant 0.000000e+00 : f32
        %ne3A_779 = vector.broadcast %ne3A_778 : f32 to vector<16xf32>
        %ne3A_780 = arith.cmpf one, %add3A_777, %ne3A_779 : vector<16xf32>
        %add3A_781 = arith.addf %select_n3A_726, %get3A_744 : vector<16xf32>
        %select_n3A_782 = arith.select %ne3A_780, %add3A_781, %select_n3A_726 : vector<16xi1>, vector<16xf32>
        %add3A_783 = arith.addf %select_n3A_728, %get3A_750 : vector<16xf32>
        %select_n3A_784 = arith.select %ne3A_780, %add3A_783, %select_n3A_728 : vector<16xi1>, vector<16xf32>
        %add3A_785 = arith.addf %select_n3A_730, %get3A_756 : vector<16xf32>
        %select_n3A_786 = arith.select %ne3A_780, %add3A_785, %select_n3A_730 : vector<16xi1>, vector<16xf32>
        %add3A_787 = arith.addf %select_n3A_732, %get3A_762 : vector<16xf32>
        %select_n3A_788 = arith.select %ne3A_780, %add3A_787, %select_n3A_732 : vector<16xi1>, vector<16xf32>
        %add3A_789 = arith.constant 1.000000e+00 : f32
        %add3A_790 = vector.broadcast %add3A_789 : f32 to vector<16xf32>
        %add3A_791 = arith.addf %select_n3A_736, %add3A_790 : vector<16xf32>
        %select_n3A_792 = arith.select %ne3A_780, %add3A_791, %select_n3A_736 : vector<16xi1>, vector<16xf32>
        %add3A_793 = arith.constant 7 : i32
        %add3A_794 = arith.addi %add3A_404, %add3A_793 : i32
        %get3A_795 = arith.constant 1 : i32
        %get3A_796 = arith.index_cast %get3A_795 : i32 to index
        %get3A_797 = arith.index_cast %add3A_794 : i32 to index
        %get3A_798 = arith.constant 0 : index
        %get3A_799 = tpu.vector_load %arg6[%get3A_796, %get3A_797, %get3A_798] {strides = array<i32>} : memref<4x200x64xf32, #tpu.memory_space<vmem>>, vector<1x1x16xf32>,
        %get3A_800 = vector.shape_cast %get3A_799 : vector<1x1x16xf32> to vector<16xf32>
        %get3A_801 = arith.constant 1 : i32
        %get3A_802 = arith.index_cast %get3A_801 : i32 to index
        %get3A_803 = arith.index_cast %add3A_794 : i32 to index
        %get3A_804 = arith.constant 16 : index
        %get3A_805 = tpu.vector_load %arg6[%get3A_802, %get3A_803, %get3A_804] {strides = array<i32>} : memref<4x200x64xf32, #tpu.memory_space<vmem>>, vector<1x1x16xf32>,
        %get3A_806 = vector.shape_cast %get3A_805 : vector<1x1x16xf32> to vector<16xf32>
        %get3A_807 = arith.constant 1 : i32
        %get3A_808 = arith.index_cast %get3A_807 : i32 to index
        %get3A_809 = arith.index_cast %add3A_794 : i32 to index
        %get3A_810 = arith.constant 32 : index
        %get3A_811 = tpu.vector_load %arg6[%get3A_808, %get3A_809, %get3A_810] {strides = array<i32>} : memref<4x200x64xf32, #tpu.memory_space<vmem>>, vector<1x1x16xf32>,
        %get3A_812 = vector.shape_cast %get3A_811 : vector<1x1x16xf32> to vector<16xf32>
        %get3A_813 = arith.constant 1 : i32
        %get3A_814 = arith.index_cast %get3A_813 : i32 to index
        %get3A_815 = arith.index_cast %add3A_794 : i32 to index
        %get3A_816 = arith.constant 48 : index
        %get3A_817 = tpu.vector_load %arg6[%get3A_814, %get3A_815, %get3A_816] {strides = array<i32>} : memref<4x200x64xf32, #tpu.memory_space<vmem>>, vector<1x1x16xf32>,
        %get3A_818 = vector.shape_cast %get3A_817 : vector<1x1x16xf32> to vector<16xf32>
        %add3A_819 = arith.addf %get3A_800, %get3A_806 : vector<16xf32>
        %add3A_820 = arith.addf %get3A_812, %get3A_818 : vector<16xf32>
        %add3A_821 = arith.addf %add3A_819, %add3A_820 : vector<16xf32>
        %gather3A_822 = vector.shape_cast %reshape3A : vector<16x1xi32> to vector<16xi32>
        %gather3A_823 = tpu.dynamic_gather %add3A_821[%gather3A_822] in [0] : vector<16xf32>, vector<16xi32> -> vector<16xf32>
        %add3A_824 = arith.addf %add3A_821, %gather3A_823 : vector<16xf32>
        %gather3A_825 = vector.shape_cast %reshape3A_8 : vector<16x1xi32> to vector<16xi32>
        %gather3A_826 = tpu.dynamic_gather %add3A_824[%gather3A_825] in [0] : vector<16xf32>, vector<16xi32> -> vector<16xf32>
        %add3A_827 = arith.addf %add3A_824, %gather3A_826 : vector<16xf32>
        %gather3A_828 = vector.shape_cast %reshape3A_12 : vector<16x1xi32> to vector<16xi32>
        %gather3A_829 = tpu.dynamic_gather %add3A_827[%gather3A_828] in [0] : vector<16xf32>, vector<16xi32> -> vector<16xf32>
        %add3A_830 = arith.addf %add3A_827, %gather3A_829 : vector<16xf32>
        %gather3A_831 = vector.shape_cast %reshape3A_16 : vector<16x1xi32> to vector<16xi32>
        %gather3A_832 = tpu.dynamic_gather %add3A_830[%gather3A_831] in [0] : vector<16xf32>, vector<16xi32> -> vector<16xf32>
        %add3A_833 = arith.addf %add3A_830, %gather3A_832 : vector<16xf32>
        %ne3A_834 = arith.constant 0.000000e+00 : f32
        %ne3A_835 = vector.broadcast %ne3A_834 : f32 to vector<16xf32>
        %ne3A_836 = arith.cmpf one, %add3A_833, %ne3A_835 : vector<16xf32>
        %add3A_837 = arith.addf %select_n3A_782, %get3A_800 : vector<16xf32>
        %select_n3A_838 = arith.select %ne3A_836, %add3A_837, %select_n3A_782 : vector<16xi1>, vector<16xf32>
        %add3A_839 = arith.addf %select_n3A_784, %get3A_806 : vector<16xf32>
        %select_n3A_840 = arith.select %ne3A_836, %add3A_839, %select_n3A_784 : vector<16xi1>, vector<16xf32>
        %add3A_841 = arith.addf %select_n3A_786, %get3A_812 : vector<16xf32>
        %select_n3A_842 = arith.select %ne3A_836, %add3A_841, %select_n3A_786 : vector<16xi1>, vector<16xf32>
        %add3A_843 = arith.addf %select_n3A_788, %get3A_818 : vector<16xf32>
        %select_n3A_844 = arith.select %ne3A_836, %add3A_843, %select_n3A_788 : vector<16xi1>, vector<16xf32>
        %add3A_845 = arith.constant 1.000000e+00 : f32
        %add3A_846 = vector.broadcast %add3A_845 : f32 to vector<16xf32>
        %add3A_847 = arith.addf %select_n3A_792, %add3A_846 : vector<16xf32>
        %select_n3A_848 = arith.select %ne3A_836, %add3A_847, %select_n3A_792 : vector<16xi1>, vector<16xf32>
        scf.yield %select_n3A_838, %select_n3A_840, %select_n3A_842, %select_n3A_844, %select_n3A_848 : vector<16xf32>, vector<16xf32>, vector<16xf32>, vector<16xf32>, vector<16xf32>
      }
      %scan3A_210 = arith.constant 9 : i32
      %max3A_211 = arith.constant 1.000000e+00 : f32
      %max3A_212 = vector.broadcast %max3A_211 : f32 to vector<16xf32>
      %max3A_213 = arith.maximumf %scan3A_209#4, %max3A_212 : vector<16xf32>
      %div3A_214 = arith.constant 1.000000e+00 : f32
      %div3A_215 = vector.broadcast %div3A_214 : f32 to vector<16xf32>
      %div3A_216 = arith.divf %div3A_215, %max3A_213 : vector<16xf32>
      %mul3A_217 = arith.mulf %scan3A_209#0, %div3A_216 : vector<16xf32>
      %swap3A_218 = arith.index_cast %add3A_165 : i32 to index
      %swap3A_219 = arith.constant 0 : index
      %swap3A_220 = tpu.vector_load %arg7[%swap3A_218, %swap3A_219] {strides = array<i32>} : memref<128x64xf32, #tpu.memory_space<vmem>>, vector<1x16xf32>,
      %swap3A_221 = vector.shape_cast %swap3A_220 : vector<1x16xf32> to vector<16xf32>
      %swap3A_222 = vector.shape_cast %mul3A_217 : vector<16xf32> to vector<1x16xf32>
      tpu.vector_store %arg7[%swap3A_218, %swap3A_219], %swap3A_222 {strides = array<i32>} : memref<128x64xf32, #tpu.memory_space<vmem>>, vector<1x16xf32>,
      %mul3A_223 = arith.mulf %scan3A_209#1, %div3A_216 : vector<16xf32>
      %swap3A_224 = arith.index_cast %add3A_165 : i32 to index
      %swap3A_225 = arith.constant 16 : index
      %swap3A_226 = tpu.vector_load %arg7[%swap3A_224, %swap3A_225] {strides = array<i32>} : memref<128x64xf32, #tpu.memory_space<vmem>>, vector<1x16xf32>,
      %swap3A_227 = vector.shape_cast %swap3A_226 : vector<1x16xf32> to vector<16xf32>
      %swap3A_228 = vector.shape_cast %mul3A_223 : vector<16xf32> to vector<1x16xf32>
      tpu.vector_store %arg7[%swap3A_224, %swap3A_225], %swap3A_228 {strides = array<i32>} : memref<128x64xf32, #tpu.memory_space<vmem>>, vector<1x16xf32>,
      %mul3A_229 = arith.mulf %scan3A_209#2, %div3A_216 : vector<16xf32>
      %swap3A_230 = arith.index_cast %add3A_165 : i32 to index
      %swap3A_231 = arith.constant 32 : index
      %swap3A_232 = tpu.vector_load %arg7[%swap3A_230, %swap3A_231] {strides = array<i32>} : memref<128x64xf32, #tpu.memory_space<vmem>>, vector<1x16xf32>,
      %swap3A_233 = vector.shape_cast %swap3A_232 : vector<1x16xf32> to vector<16xf32>
      %swap3A_234 = vector.shape_cast %mul3A_229 : vector<16xf32> to vector<1x16xf32>
      tpu.vector_store %arg7[%swap3A_230, %swap3A_231], %swap3A_234 {strides = array<i32>} : memref<128x64xf32, #tpu.memory_space<vmem>>, vector<1x16xf32>,
      %mul3A_235 = arith.mulf %scan3A_209#3, %div3A_216 : vector<16xf32>
      %swap3A_236 = arith.index_cast %add3A_165 : i32 to index
      %swap3A_237 = arith.constant 48 : index
      %swap3A_238 = tpu.vector_load %arg7[%swap3A_236, %swap3A_237] {strides = array<i32>} : memref<128x64xf32, #tpu.memory_space<vmem>>, vector<1x16xf32>,
      %swap3A_239 = vector.shape_cast %swap3A_238 : vector<1x16xf32> to vector<16xf32>
      %swap3A_240 = vector.shape_cast %mul3A_235 : vector<16xf32> to vector<1x16xf32>
      tpu.vector_store %arg7[%swap3A_236, %swap3A_237], %swap3A_240 {strides = array<i32>} : memref<128x64xf32, #tpu.memory_space<vmem>>, vector<1x16xf32>,
      %add3A_241 = arith.constant 2 : i32
      %add3A_242 = arith.addi %mul3A_95, %add3A_241 : i32
      %add3A_243 = arith.constant 4 : i32
      %add3A_244 = arith.addi %add3A_242, %add3A_243 : i32
      %sub3A_245 = arith.constant 1 : i32
      %sub3A_246 = arith.subi %add3A_244, %sub3A_245 : i32
      %lt3A_247 = arith.constant 128 : i32
      %lt3A_248 = arith.cmpi slt, %sub3A_246, %lt3A_247 : i32
      %convert_element_type3A_249 = arith.extui %lt3A_248 : i1 to i32
      %cond3A_250 = arith.constant 0 : i32
      %cond3A_251 = arith.cmpi ne, %convert_element_type3A_249, %cond3A_250 : i32
      scf.if %cond3A_251 {
        %dma_start3A_395 = arith.constant 1 : i32
        %dma_start3A_396 = arith.constant 0 : i32
        %dma_start3A_397 = arith.constant 0 : i32
        %dma_start3A_398 = tpu.memref_slice %arg6[%dma_start3A_395, %dma_start3A_396, %dma_start3A_397] : memref<4x200x64xf32, #tpu.memory_space<vmem>> -> memref<1x128x64xf32, #tpu.memory_space<vmem>>
        %dma_start3A_399 = tpu.memref_squeeze %dma_start3A_398 : memref<1x128x64xf32, #tpu.memory_space<vmem>> -> memref<128x64xf32, #tpu.memory_space<vmem>>
        %dma_start3A_400 = arith.constant 0 : i32
        %dma_start3A_401 = tpu.memref_slice %arg5[%sub3A_246, %dma_start3A_400] : memref<128x200xi32, #tpu.memory_space<vmem>> -> memref<1x128xi32, #tpu.memory_space<vmem>>
        %dma_start3A_402 = tpu.memref_squeeze %dma_start3A_401 : memref<1x128xi32, #tpu.memory_space<vmem>> -> memref<128xi32, #tpu.memory_space<vmem>>
        %dma_start3A_403 = arith.constant 0 : i32
        %dma_start3A_404 = arith.constant 0 : i32
        %dma_start3A_405 = tpu.memref_slice %arg2[%dma_start3A_403, %dma_start3A_404] : memref<1000000x64xf32, #tpu.memory_space<hbm>> -> memref<1000000x64xf32, #tpu.memory_space<hbm>>
        tpu.enqueue_indirect_dma source(%dma_start3A_405 : memref<1000000x64xf32, #tpu.memory_space<hbm>>) target(%dma_start3A_399 : memref<128x64xf32, #tpu.memory_space<vmem>>) offsets(%dma_start3A_402 : memref<128xi32, #tpu.memory_space<vmem>>) semaphore(%arg10 : memref<!tpu.dma_semaphore, #tpu.memory_space<semaphore_mem>>)
        %dma_start3A_406 = arith.constant 1 : i32
        %dma_start3A_407 = arith.constant 128 : i32
        %dma_start3A_408 = arith.constant 0 : i32
        %dma_start3A_409 = tpu.memref_slice %arg6[%dma_start3A_406, %dma_start3A_407, %dma_start3A_408] : memref<4x200x64xf32, #tpu.memory_space<vmem>> -> memref<1x72x64xf32, #tpu.memory_space<vmem>>
        %dma_start3A_410 = tpu.memref_squeeze %dma_start3A_409 : memref<1x72x64xf32, #tpu.memory_space<vmem>> -> memref<72x64xf32, #tpu.memory_space<vmem>>
        %dma_start3A_411 = arith.constant 128 : i32
        %dma_start3A_412 = tpu.memref_slice %arg5[%sub3A_246, %dma_start3A_411] : memref<128x200xi32, #tpu.memory_space<vmem>> -> memref<1x72xi32, #tpu.memory_space<vmem>>
        %dma_start3A_413 = tpu.memref_squeeze %dma_start3A_412 : memref<1x72xi32, #tpu.memory_space<vmem>> -> memref<72xi32, #tpu.memory_space<vmem>>
        %dma_start3A_414 = arith.constant 0 : i32
        %dma_start3A_415 = arith.constant 0 : i32
        %dma_start3A_416 = tpu.memref_slice %arg2[%dma_start3A_414, %dma_start3A_415] : memref<1000000x64xf32, #tpu.memory_space<hbm>> -> memref<1000000x64xf32, #tpu.memory_space<hbm>>
        tpu.enqueue_indirect_dma source(%dma_start3A_416 : memref<1000000x64xf32, #tpu.memory_space<hbm>>) target(%dma_start3A_410 : memref<72x64xf32, #tpu.memory_space<vmem>>) offsets(%dma_start3A_413 : memref<72xi32, #tpu.memory_space<vmem>>) semaphore(%arg11 : memref<!tpu.dma_semaphore, #tpu.memory_space<semaphore_mem>>)
      } else {
      }
      %broadcast_in_dim3A_252 = arith.constant 0.000000e+00 : f32
      %broadcast_in_dim3A_253 = vector.broadcast %broadcast_in_dim3A_252 : f32 to vector<16xf32>
      %dma_wait3A_254 = arith.constant 2 : i32
      %dma_wait3A_255 = arith.constant 0 : i32
      %dma_wait3A_256 = arith.constant 0 : i32
      %dma_wait3A_257 = tpu.memref_slice %arg6[%dma_wait3A_254, %dma_wait3A_255, %dma_wait3A_256] : memref<4x200x64xf32, #tpu.memory_space<vmem>> -> memref<1x128x64xf32, #tpu.memory_space<vmem>>
      %dma_wait3A_258 = tpu.memref_squeeze %dma_wait3A_257 : memref<1x128x64xf32, #tpu.memory_space<vmem>> -> memref<128x64xf32, #tpu.memory_space<vmem>>
      %dma_wait3A_259 = arith.constant 0 : i32
      %dma_wait3A_260 = tpu.memref_slice %arg5[%add3A_242, %dma_wait3A_259] : memref<128x200xi32, #tpu.memory_space<vmem>> -> memref<1x128xi32, #tpu.memory_space<vmem>>
      %dma_wait3A_261 = tpu.memref_squeeze %dma_wait3A_260 : memref<1x128xi32, #tpu.memory_space<vmem>> -> memref<128xi32, #tpu.memory_space<vmem>>
      %dma_wait3A_262 = arith.constant 0 : i32
      %dma_wait3A_263 = arith.constant 0 : i32
      %dma_wait3A_264 = tpu.memref_slice %arg2[%dma_wait3A_262, %dma_wait3A_263] : memref<1000000x64xf32, #tpu.memory_space<hbm>> -> memref<1000000x64xf32, #tpu.memory_space<hbm>>
      tpu.wait_indirect_dma semaphore(%arg12 : memref<!tpu.dma_semaphore, #tpu.memory_space<semaphore_mem>>) src(%dma_wait3A_264 : memref<1000000x64xf32, #tpu.memory_space<hbm>>) dst(%dma_wait3A_258 : memref<128x64xf32, #tpu.memory_space<vmem>>)
      %scan3A_265 = arith.constant 0 : i32
      %scan3A_266 = arith.constant 16 : i32
      %scan3A_267 = arith.addi %scan3A_265, %scan3A_266 : i32
      %scan3A_268 = arith.constant 1 : i32
      %scan3A_269:5 = scf.for %scan3A_395 = %scan3A_265 to %scan3A_267 step %scan3A_268 iter_args(%scan3A_396 = %broadcast_in_dim3A_253, %scan3A_397 = %broadcast_in_dim3A_253, %scan3A_398 = %broadcast_in_dim3A_253, %scan3A_399 = %broadcast_in_dim3A_253, %scan3A_400 = %broadcast_in_dim3A_253) -> (vector<16xf32>, vector<16xf32>, vector<16xf32>, vector<16xf32>, vector<16xf32>)  : i32 {
        %mul3A_401 = arith.constant 8 : i32
        %mul3A_402 = arith.muli %scan3A_395, %mul3A_401 : i32
        %add3A_403 = arith.constant 0 : i32
        %add3A_404 = arith.addi %add3A_403, %mul3A_402 : i32
        %add3A_405 = arith.constant 0 : i32
        %add3A_406 = arith.addi %add3A_404, %add3A_405 : i32
        %get3A = arith.constant 2 : i32
        %get3A_407 = arith.index_cast %get3A : i32 to index
        %get3A_408 = arith.index_cast %add3A_406 : i32 to index
        %get3A_409 = arith.constant 0 : index
        %get3A_410 = tpu.vector_load %arg6[%get3A_407, %get3A_408, %get3A_409] {strides = array<i32>} : memref<4x200x64xf32, #tpu.memory_space<vmem>>, vector<1x1x16xf32>,
        %get3A_411 = vector.shape_cast %get3A_410 : vector<1x1x16xf32> to vector<16xf32>
        %get3A_412 = arith.constant 2 : i32
        %get3A_413 = arith.index_cast %get3A_412 : i32 to index
        %get3A_414 = arith.index_cast %add3A_406 : i32 to index
        %get3A_415 = arith.constant 16 : index
        %get3A_416 = tpu.vector_load %arg6[%get3A_413, %get3A_414, %get3A_415] {strides = array<i32>} : memref<4x200x64xf32, #tpu.memory_space<vmem>>, vector<1x1x16xf32>,
        %get3A_417 = vector.shape_cast %get3A_416 : vector<1x1x16xf32> to vector<16xf32>
        %get3A_418 = arith.constant 2 : i32
        %get3A_419 = arith.index_cast %get3A_418 : i32 to index
        %get3A_420 = arith.index_cast %add3A_406 : i32 to index
        %get3A_421 = arith.constant 32 : index
        %get3A_422 = tpu.vector_load %arg6[%get3A_419, %get3A_420, %get3A_421] {strides = array<i32>} : memref<4x200x64xf32, #tpu.memory_space<vmem>>, vector<1x1x16xf32>,
        %get3A_423 = vector.shape_cast %get3A_422 : vector<1x1x16xf32> to vector<16xf32>
        %get3A_424 = arith.constant 2 : i32
        %get3A_425 = arith.index_cast %get3A_424 : i32 to index
        %get3A_426 = arith.index_cast %add3A_406 : i32 to index
        %get3A_427 = arith.constant 48 : index
        %get3A_428 = tpu.vector_load %arg6[%get3A_425, %get3A_426, %get3A_427] {strides = array<i32>} : memref<4x200x64xf32, #tpu.memory_space<vmem>>, vector<1x1x16xf32>,
        %get3A_429 = vector.shape_cast %get3A_428 : vector<1x1x16xf32> to vector<16xf32>
        %add3A_430 = arith.addf %get3A_411, %get3A_417 : vector<16xf32>
        %add3A_431 = arith.addf %get3A_423, %get3A_429 : vector<16xf32>
        %add3A_432 = arith.addf %add3A_430, %add3A_431 : vector<16xf32>
        %gather3A = vector.shape_cast %reshape3A : vector<16x1xi32> to vector<16xi32>
        %gather3A_433 = tpu.dynamic_gather %add3A_432[%gather3A] in [0] : vector<16xf32>, vector<16xi32> -> vector<16xf32>
        %add3A_434 = arith.addf %add3A_432, %gather3A_433 : vector<16xf32>
        %gather3A_435 = vector.shape_cast %reshape3A_8 : vector<16x1xi32> to vector<16xi32>
        %gather3A_436 = tpu.dynamic_gather %add3A_434[%gather3A_435] in [0] : vector<16xf32>, vector<16xi32> -> vector<16xf32>
        %add3A_437 = arith.addf %add3A_434, %gather3A_436 : vector<16xf32>
        %gather3A_438 = vector.shape_cast %reshape3A_12 : vector<16x1xi32> to vector<16xi32>
        %gather3A_439 = tpu.dynamic_gather %add3A_437[%gather3A_438] in [0] : vector<16xf32>, vector<16xi32> -> vector<16xf32>
        %add3A_440 = arith.addf %add3A_437, %gather3A_439 : vector<16xf32>
        %gather3A_441 = vector.shape_cast %reshape3A_16 : vector<16x1xi32> to vector<16xi32>
        %gather3A_442 = tpu.dynamic_gather %add3A_440[%gather3A_441] in [0] : vector<16xf32>, vector<16xi32> -> vector<16xf32>
        %add3A_443 = arith.addf %add3A_440, %gather3A_442 : vector<16xf32>
        %ne3A = arith.constant 0.000000e+00 : f32
        %ne3A_444 = vector.broadcast %ne3A : f32 to vector<16xf32>
        %ne3A_445 = arith.cmpf one, %add3A_443, %ne3A_444 : vector<16xf32>
        %add3A_446 = arith.addf %scan3A_396, %get3A_411 : vector<16xf32>
        %select_n3A = arith.select %ne3A_445, %add3A_446, %scan3A_396 : vector<16xi1>, vector<16xf32>
        %add3A_447 = arith.addf %scan3A_397, %get3A_417 : vector<16xf32>
        %select_n3A_448 = arith.select %ne3A_445, %add3A_447, %scan3A_397 : vector<16xi1>, vector<16xf32>
        %add3A_449 = arith.addf %scan3A_398, %get3A_423 : vector<16xf32>
        %select_n3A_450 = arith.select %ne3A_445, %add3A_449, %scan3A_398 : vector<16xi1>, vector<16xf32>
        %add3A_451 = arith.addf %scan3A_399, %get3A_429 : vector<16xf32>
        %select_n3A_452 = arith.select %ne3A_445, %add3A_451, %scan3A_399 : vector<16xi1>, vector<16xf32>
        %add3A_453 = arith.constant 1.000000e+00 : f32
        %add3A_454 = vector.broadcast %add3A_453 : f32 to vector<16xf32>
        %add3A_455 = arith.addf %scan3A_400, %add3A_454 : vector<16xf32>
        %select_n3A_456 = arith.select %ne3A_445, %add3A_455, %scan3A_400 : vector<16xi1>, vector<16xf32>
        %add3A_457 = arith.constant 1 : i32
        %add3A_458 = arith.addi %add3A_404, %add3A_457 : i32
        %get3A_459 = arith.constant 2 : i32
        %get3A_460 = arith.index_cast %get3A_459 : i32 to index
        %get3A_461 = arith.index_cast %add3A_458 : i32 to index
        %get3A_462 = arith.constant 0 : index
        %get3A_463 = tpu.vector_load %arg6[%get3A_460, %get3A_461, %get3A_462] {strides = array<i32>} : memref<4x200x64xf32, #tpu.memory_space<vmem>>, vector<1x1x16xf32>,
        %get3A_464 = vector.shape_cast %get3A_463 : vector<1x1x16xf32> to vector<16xf32>
        %get3A_465 = arith.constant 2 : i32
        %get3A_466 = arith.index_cast %get3A_465 : i32 to index
        %get3A_467 = arith.index_cast %add3A_458 : i32 to index
        %get3A_468 = arith.constant 16 : index
        %get3A_469 = tpu.vector_load %arg6[%get3A_466, %get3A_467, %get3A_468] {strides = array<i32>} : memref<4x200x64xf32, #tpu.memory_space<vmem>>, vector<1x1x16xf32>,
        %get3A_470 = vector.shape_cast %get3A_469 : vector<1x1x16xf32> to vector<16xf32>
        %get3A_471 = arith.constant 2 : i32
        %get3A_472 = arith.index_cast %get3A_471 : i32 to index
        %get3A_473 = arith.index_cast %add3A_458 : i32 to index
        %get3A_474 = arith.constant 32 : index
        %get3A_475 = tpu.vector_load %arg6[%get3A_472, %get3A_473, %get3A_474] {strides = array<i32>} : memref<4x200x64xf32, #tpu.memory_space<vmem>>, vector<1x1x16xf32>,
        %get3A_476 = vector.shape_cast %get3A_475 : vector<1x1x16xf32> to vector<16xf32>
        %get3A_477 = arith.constant 2 : i32
        %get3A_478 = arith.index_cast %get3A_477 : i32 to index
        %get3A_479 = arith.index_cast %add3A_458 : i32 to index
        %get3A_480 = arith.constant 48 : index
        %get3A_481 = tpu.vector_load %arg6[%get3A_478, %get3A_479, %get3A_480] {strides = array<i32>} : memref<4x200x64xf32, #tpu.memory_space<vmem>>, vector<1x1x16xf32>,
        %get3A_482 = vector.shape_cast %get3A_481 : vector<1x1x16xf32> to vector<16xf32>
        %add3A_483 = arith.addf %get3A_464, %get3A_470 : vector<16xf32>
        %add3A_484 = arith.addf %get3A_476, %get3A_482 : vector<16xf32>
        %add3A_485 = arith.addf %add3A_483, %add3A_484 : vector<16xf32>
        %gather3A_486 = vector.shape_cast %reshape3A : vector<16x1xi32> to vector<16xi32>
        %gather3A_487 = tpu.dynamic_gather %add3A_485[%gather3A_486] in [0] : vector<16xf32>, vector<16xi32> -> vector<16xf32>
        %add3A_488 = arith.addf %add3A_485, %gather3A_487 : vector<16xf32>
        %gather3A_489 = vector.shape_cast %reshape3A_8 : vector<16x1xi32> to vector<16xi32>
        %gather3A_490 = tpu.dynamic_gather %add3A_488[%gather3A_489] in [0] : vector<16xf32>, vector<16xi32> -> vector<16xf32>
        %add3A_491 = arith.addf %add3A_488, %gather3A_490 : vector<16xf32>
        %gather3A_492 = vector.shape_cast %reshape3A_12 : vector<16x1xi32> to vector<16xi32>
        %gather3A_493 = tpu.dynamic_gather %add3A_491[%gather3A_492] in [0] : vector<16xf32>, vector<16xi32> -> vector<16xf32>
        %add3A_494 = arith.addf %add3A_491, %gather3A_493 : vector<16xf32>
        %gather3A_495 = vector.shape_cast %reshape3A_16 : vector<16x1xi32> to vector<16xi32>
        %gather3A_496 = tpu.dynamic_gather %add3A_494[%gather3A_495] in [0] : vector<16xf32>, vector<16xi32> -> vector<16xf32>
        %add3A_497 = arith.addf %add3A_494, %gather3A_496 : vector<16xf32>
        %ne3A_498 = arith.constant 0.000000e+00 : f32
        %ne3A_499 = vector.broadcast %ne3A_498 : f32 to vector<16xf32>
        %ne3A_500 = arith.cmpf one, %add3A_497, %ne3A_499 : vector<16xf32>
        %add3A_501 = arith.addf %select_n3A, %get3A_464 : vector<16xf32>
        %select_n3A_502 = arith.select %ne3A_500, %add3A_501, %select_n3A : vector<16xi1>, vector<16xf32>
        %add3A_503 = arith.addf %select_n3A_448, %get3A_470 : vector<16xf32>
        %select_n3A_504 = arith.select %ne3A_500, %add3A_503, %select_n3A_448 : vector<16xi1>, vector<16xf32>
        %add3A_505 = arith.addf %select_n3A_450, %get3A_476 : vector<16xf32>
        %select_n3A_506 = arith.select %ne3A_500, %add3A_505, %select_n3A_450 : vector<16xi1>, vector<16xf32>
        %add3A_507 = arith.addf %select_n3A_452, %get3A_482 : vector<16xf32>
        %select_n3A_508 = arith.select %ne3A_500, %add3A_507, %select_n3A_452 : vector<16xi1>, vector<16xf32>
        %add3A_509 = arith.constant 1.000000e+00 : f32
        %add3A_510 = vector.broadcast %add3A_509 : f32 to vector<16xf32>
        %add3A_511 = arith.addf %select_n3A_456, %add3A_510 : vector<16xf32>
        %select_n3A_512 = arith.select %ne3A_500, %add3A_511, %select_n3A_456 : vector<16xi1>, vector<16xf32>
        %add3A_513 = arith.constant 2 : i32
        %add3A_514 = arith.addi %add3A_404, %add3A_513 : i32
        %get3A_515 = arith.constant 2 : i32
        %get3A_516 = arith.index_cast %get3A_515 : i32 to index
        %get3A_517 = arith.index_cast %add3A_514 : i32 to index
        %get3A_518 = arith.constant 0 : index
        %get3A_519 = tpu.vector_load %arg6[%get3A_516, %get3A_517, %get3A_518] {strides = array<i32>} : memref<4x200x64xf32, #tpu.memory_space<vmem>>, vector<1x1x16xf32>,
        %get3A_520 = vector.shape_cast %get3A_519 : vector<1x1x16xf32> to vector<16xf32>
        %get3A_521 = arith.constant 2 : i32
        %get3A_522 = arith.index_cast %get3A_521 : i32 to index
        %get3A_523 = arith.index_cast %add3A_514 : i32 to index
        %get3A_524 = arith.constant 16 : index
        %get3A_525 = tpu.vector_load %arg6[%get3A_522, %get3A_523, %get3A_524] {strides = array<i32>} : memref<4x200x64xf32, #tpu.memory_space<vmem>>, vector<1x1x16xf32>,
        %get3A_526 = vector.shape_cast %get3A_525 : vector<1x1x16xf32> to vector<16xf32>
        %get3A_527 = arith.constant 2 : i32
        %get3A_528 = arith.index_cast %get3A_527 : i32 to index
        %get3A_529 = arith.index_cast %add3A_514 : i32 to index
        %get3A_530 = arith.constant 32 : index
        %get3A_531 = tpu.vector_load %arg6[%get3A_528, %get3A_529, %get3A_530] {strides = array<i32>} : memref<4x200x64xf32, #tpu.memory_space<vmem>>, vector<1x1x16xf32>,
        %get3A_532 = vector.shape_cast %get3A_531 : vector<1x1x16xf32> to vector<16xf32>
        %get3A_533 = arith.constant 2 : i32
        %get3A_534 = arith.index_cast %get3A_533 : i32 to index
        %get3A_535 = arith.index_cast %add3A_514 : i32 to index
        %get3A_536 = arith.constant 48 : index
        %get3A_537 = tpu.vector_load %arg6[%get3A_534, %get3A_535, %get3A_536] {strides = array<i32>} : memref<4x200x64xf32, #tpu.memory_space<vmem>>, vector<1x1x16xf32>,
        %get3A_538 = vector.shape_cast %get3A_537 : vector<1x1x16xf32> to vector<16xf32>
        %add3A_539 = arith.addf %get3A_520, %get3A_526 : vector<16xf32>
        %add3A_540 = arith.addf %get3A_532, %get3A_538 : vector<16xf32>
        %add3A_541 = arith.addf %add3A_539, %add3A_540 : vector<16xf32>
        %gather3A_542 = vector.shape_cast %reshape3A : vector<16x1xi32> to vector<16xi32>
        %gather3A_543 = tpu.dynamic_gather %add3A_541[%gather3A_542] in [0] : vector<16xf32>, vector<16xi32> -> vector<16xf32>
        %add3A_544 = arith.addf %add3A_541, %gather3A_543 : vector<16xf32>
        %gather3A_545 = vector.shape_cast %reshape3A_8 : vector<16x1xi32> to vector<16xi32>
        %gather3A_546 = tpu.dynamic_gather %add3A_544[%gather3A_545] in [0] : vector<16xf32>, vector<16xi32> -> vector<16xf32>
        %add3A_547 = arith.addf %add3A_544, %gather3A_546 : vector<16xf32>
        %gather3A_548 = vector.shape_cast %reshape3A_12 : vector<16x1xi32> to vector<16xi32>
        %gather3A_549 = tpu.dynamic_gather %add3A_547[%gather3A_548] in [0] : vector<16xf32>, vector<16xi32> -> vector<16xf32>
        %add3A_550 = arith.addf %add3A_547, %gather3A_549 : vector<16xf32>
        %gather3A_551 = vector.shape_cast %reshape3A_16 : vector<16x1xi32> to vector<16xi32>
        %gather3A_552 = tpu.dynamic_gather %add3A_550[%gather3A_551] in [0] : vector<16xf32>, vector<16xi32> -> vector<16xf32>
        %add3A_553 = arith.addf %add3A_550, %gather3A_552 : vector<16xf32>
        %ne3A_554 = arith.constant 0.000000e+00 : f32
        %ne3A_555 = vector.broadcast %ne3A_554 : f32 to vector<16xf32>
        %ne3A_556 = arith.cmpf one, %add3A_553, %ne3A_555 : vector<16xf32>
        %add3A_557 = arith.addf %select_n3A_502, %get3A_520 : vector<16xf32>
        %select_n3A_558 = arith.select %ne3A_556, %add3A_557, %select_n3A_502 : vector<16xi1>, vector<16xf32>
        %add3A_559 = arith.addf %select_n3A_504, %get3A_526 : vector<16xf32>
        %select_n3A_560 = arith.select %ne3A_556, %add3A_559, %select_n3A_504 : vector<16xi1>, vector<16xf32>
        %add3A_561 = arith.addf %select_n3A_506, %get3A_532 : vector<16xf32>
        %select_n3A_562 = arith.select %ne3A_556, %add3A_561, %select_n3A_506 : vector<16xi1>, vector<16xf32>
        %add3A_563 = arith.addf %select_n3A_508, %get3A_538 : vector<16xf32>
        %select_n3A_564 = arith.select %ne3A_556, %add3A_563, %select_n3A_508 : vector<16xi1>, vector<16xf32>
        %add3A_565 = arith.constant 1.000000e+00 : f32
        %add3A_566 = vector.broadcast %add3A_565 : f32 to vector<16xf32>
        %add3A_567 = arith.addf %select_n3A_512, %add3A_566 : vector<16xf32>
        %select_n3A_568 = arith.select %ne3A_556, %add3A_567, %select_n3A_512 : vector<16xi1>, vector<16xf32>
        %add3A_569 = arith.constant 3 : i32
        %add3A_570 = arith.addi %add3A_404, %add3A_569 : i32
        %get3A_571 = arith.constant 2 : i32
        %get3A_572 = arith.index_cast %get3A_571 : i32 to index
        %get3A_573 = arith.index_cast %add3A_570 : i32 to index
        %get3A_574 = arith.constant 0 : index
        %get3A_575 = tpu.vector_load %arg6[%get3A_572, %get3A_573, %get3A_574] {strides = array<i32>} : memref<4x200x64xf32, #tpu.memory_space<vmem>>, vector<1x1x16xf32>,
        %get3A_576 = vector.shape_cast %get3A_575 : vector<1x1x16xf32> to vector<16xf32>
        %get3A_577 = arith.constant 2 : i32
        %get3A_578 = arith.index_cast %get3A_577 : i32 to index
        %get3A_579 = arith.index_cast %add3A_570 : i32 to index
        %get3A_580 = arith.constant 16 : index
        %get3A_581 = tpu.vector_load %arg6[%get3A_578, %get3A_579, %get3A_580] {strides = array<i32>} : memref<4x200x64xf32, #tpu.memory_space<vmem>>, vector<1x1x16xf32>,
        %get3A_582 = vector.shape_cast %get3A_581 : vector<1x1x16xf32> to vector<16xf32>
        %get3A_583 = arith.constant 2 : i32
        %get3A_584 = arith.index_cast %get3A_583 : i32 to index
        %get3A_585 = arith.index_cast %add3A_570 : i32 to index
        %get3A_586 = arith.constant 32 : index
        %get3A_587 = tpu.vector_load %arg6[%get3A_584, %get3A_585, %get3A_586] {strides = array<i32>} : memref<4x200x64xf32, #tpu.memory_space<vmem>>, vector<1x1x16xf32>,
        %get3A_588 = vector.shape_cast %get3A_587 : vector<1x1x16xf32> to vector<16xf32>
        %get3A_589 = arith.constant 2 : i32
        %get3A_590 = arith.index_cast %get3A_589 : i32 to index
        %get3A_591 = arith.index_cast %add3A_570 : i32 to index
        %get3A_592 = arith.constant 48 : index
        %get3A_593 = tpu.vector_load %arg6[%get3A_590, %get3A_591, %get3A_592] {strides = array<i32>} : memref<4x200x64xf32, #tpu.memory_space<vmem>>, vector<1x1x16xf32>,
        %get3A_594 = vector.shape_cast %get3A_593 : vector<1x1x16xf32> to vector<16xf32>
        %add3A_595 = arith.addf %get3A_576, %get3A_582 : vector<16xf32>
        %add3A_596 = arith.addf %get3A_588, %get3A_594 : vector<16xf32>
        %add3A_597 = arith.addf %add3A_595, %add3A_596 : vector<16xf32>
        %gather3A_598 = vector.shape_cast %reshape3A : vector<16x1xi32> to vector<16xi32>
        %gather3A_599 = tpu.dynamic_gather %add3A_597[%gather3A_598] in [0] : vector<16xf32>, vector<16xi32> -> vector<16xf32>
        %add3A_600 = arith.addf %add3A_597, %gather3A_599 : vector<16xf32>
        %gather3A_601 = vector.shape_cast %reshape3A_8 : vector<16x1xi32> to vector<16xi32>
        %gather3A_602 = tpu.dynamic_gather %add3A_600[%gather3A_601] in [0] : vector<16xf32>, vector<16xi32> -> vector<16xf32>
        %add3A_603 = arith.addf %add3A_600, %gather3A_602 : vector<16xf32>
        %gather3A_604 = vector.shape_cast %reshape3A_12 : vector<16x1xi32> to vector<16xi32>
        %gather3A_605 = tpu.dynamic_gather %add3A_603[%gather3A_604] in [0] : vector<16xf32>, vector<16xi32> -> vector<16xf32>
        %add3A_606 = arith.addf %add3A_603, %gather3A_605 : vector<16xf32>
        %gather3A_607 = vector.shape_cast %reshape3A_16 : vector<16x1xi32> to vector<16xi32>
        %gather3A_608 = tpu.dynamic_gather %add3A_606[%gather3A_607] in [0] : vector<16xf32>, vector<16xi32> -> vector<16xf32>
        %add3A_609 = arith.addf %add3A_606, %gather3A_608 : vector<16xf32>
        %ne3A_610 = arith.constant 0.000000e+00 : f32
        %ne3A_611 = vector.broadcast %ne3A_610 : f32 to vector<16xf32>
        %ne3A_612 = arith.cmpf one, %add3A_609, %ne3A_611 : vector<16xf32>
        %add3A_613 = arith.addf %select_n3A_558, %get3A_576 : vector<16xf32>
        %select_n3A_614 = arith.select %ne3A_612, %add3A_613, %select_n3A_558 : vector<16xi1>, vector<16xf32>
        %add3A_615 = arith.addf %select_n3A_560, %get3A_582 : vector<16xf32>
        %select_n3A_616 = arith.select %ne3A_612, %add3A_615, %select_n3A_560 : vector<16xi1>, vector<16xf32>
        %add3A_617 = arith.addf %select_n3A_562, %get3A_588 : vector<16xf32>
        %select_n3A_618 = arith.select %ne3A_612, %add3A_617, %select_n3A_562 : vector<16xi1>, vector<16xf32>
        %add3A_619 = arith.addf %select_n3A_564, %get3A_594 : vector<16xf32>
        %select_n3A_620 = arith.select %ne3A_612, %add3A_619, %select_n3A_564 : vector<16xi1>, vector<16xf32>
        %add3A_621 = arith.constant 1.000000e+00 : f32
        %add3A_622 = vector.broadcast %add3A_621 : f32 to vector<16xf32>
        %add3A_623 = arith.addf %select_n3A_568, %add3A_622 : vector<16xf32>
        %select_n3A_624 = arith.select %ne3A_612, %add3A_623, %select_n3A_568 : vector<16xi1>, vector<16xf32>
        %add3A_625 = arith.constant 4 : i32
        %add3A_626 = arith.addi %add3A_404, %add3A_625 : i32
        %get3A_627 = arith.constant 2 : i32
        %get3A_628 = arith.index_cast %get3A_627 : i32 to index
        %get3A_629 = arith.index_cast %add3A_626 : i32 to index
        %get3A_630 = arith.constant 0 : index
        %get3A_631 = tpu.vector_load %arg6[%get3A_628, %get3A_629, %get3A_630] {strides = array<i32>} : memref<4x200x64xf32, #tpu.memory_space<vmem>>, vector<1x1x16xf32>,
        %get3A_632 = vector.shape_cast %get3A_631 : vector<1x1x16xf32> to vector<16xf32>
        %get3A_633 = arith.constant 2 : i32
        %get3A_634 = arith.index_cast %get3A_633 : i32 to index
        %get3A_635 = arith.index_cast %add3A_626 : i32 to index
        %get3A_636 = arith.constant 16 : index
        %get3A_637 = tpu.vector_load %arg6[%get3A_634, %get3A_635, %get3A_636] {strides = array<i32>} : memref<4x200x64xf32, #tpu.memory_space<vmem>>, vector<1x1x16xf32>,
        %get3A_638 = vector.shape_cast %get3A_637 : vector<1x1x16xf32> to vector<16xf32>
        %get3A_639 = arith.constant 2 : i32
        %get3A_640 = arith.index_cast %get3A_639 : i32 to index
        %get3A_641 = arith.index_cast %add3A_626 : i32 to index
        %get3A_642 = arith.constant 32 : index
        %get3A_643 = tpu.vector_load %arg6[%get3A_640, %get3A_641, %get3A_642] {strides = array<i32>} : memref<4x200x64xf32, #tpu.memory_space<vmem>>, vector<1x1x16xf32>,
        %get3A_644 = vector.shape_cast %get3A_643 : vector<1x1x16xf32> to vector<16xf32>
        %get3A_645 = arith.constant 2 : i32
        %get3A_646 = arith.index_cast %get3A_645 : i32 to index
        %get3A_647 = arith.index_cast %add3A_626 : i32 to index
        %get3A_648 = arith.constant 48 : index
        %get3A_649 = tpu.vector_load %arg6[%get3A_646, %get3A_647, %get3A_648] {strides = array<i32>} : memref<4x200x64xf32, #tpu.memory_space<vmem>>, vector<1x1x16xf32>,
        %get3A_650 = vector.shape_cast %get3A_649 : vector<1x1x16xf32> to vector<16xf32>
        %add3A_651 = arith.addf %get3A_632, %get3A_638 : vector<16xf32>
        %add3A_652 = arith.addf %get3A_644, %get3A_650 : vector<16xf32>
        %add3A_653 = arith.addf %add3A_651, %add3A_652 : vector<16xf32>
        %gather3A_654 = vector.shape_cast %reshape3A : vector<16x1xi32> to vector<16xi32>
        %gather3A_655 = tpu.dynamic_gather %add3A_653[%gather3A_654] in [0] : vector<16xf32>, vector<16xi32> -> vector<16xf32>
        %add3A_656 = arith.addf %add3A_653, %gather3A_655 : vector<16xf32>
        %gather3A_657 = vector.shape_cast %reshape3A_8 : vector<16x1xi32> to vector<16xi32>
        %gather3A_658 = tpu.dynamic_gather %add3A_656[%gather3A_657] in [0] : vector<16xf32>, vector<16xi32> -> vector<16xf32>
        %add3A_659 = arith.addf %add3A_656, %gather3A_658 : vector<16xf32>
        %gather3A_660 = vector.shape_cast %reshape3A_12 : vector<16x1xi32> to vector<16xi32>
        %gather3A_661 = tpu.dynamic_gather %add3A_659[%gather3A_660] in [0] : vector<16xf32>, vector<16xi32> -> vector<16xf32>
        %add3A_662 = arith.addf %add3A_659, %gather3A_661 : vector<16xf32>
        %gather3A_663 = vector.shape_cast %reshape3A_16 : vector<16x1xi32> to vector<16xi32>
        %gather3A_664 = tpu.dynamic_gather %add3A_662[%gather3A_663] in [0] : vector<16xf32>, vector<16xi32> -> vector<16xf32>
        %add3A_665 = arith.addf %add3A_662, %gather3A_664 : vector<16xf32>
        %ne3A_666 = arith.constant 0.000000e+00 : f32
        %ne3A_667 = vector.broadcast %ne3A_666 : f32 to vector<16xf32>
        %ne3A_668 = arith.cmpf one, %add3A_665, %ne3A_667 : vector<16xf32>
        %add3A_669 = arith.addf %select_n3A_614, %get3A_632 : vector<16xf32>
        %select_n3A_670 = arith.select %ne3A_668, %add3A_669, %select_n3A_614 : vector<16xi1>, vector<16xf32>
        %add3A_671 = arith.addf %select_n3A_616, %get3A_638 : vector<16xf32>
        %select_n3A_672 = arith.select %ne3A_668, %add3A_671, %select_n3A_616 : vector<16xi1>, vector<16xf32>
        %add3A_673 = arith.addf %select_n3A_618, %get3A_644 : vector<16xf32>
        %select_n3A_674 = arith.select %ne3A_668, %add3A_673, %select_n3A_618 : vector<16xi1>, vector<16xf32>
        %add3A_675 = arith.addf %select_n3A_620, %get3A_650 : vector<16xf32>
        %select_n3A_676 = arith.select %ne3A_668, %add3A_675, %select_n3A_620 : vector<16xi1>, vector<16xf32>
        %add3A_677 = arith.constant 1.000000e+00 : f32
        %add3A_678 = vector.broadcast %add3A_677 : f32 to vector<16xf32>
        %add3A_679 = arith.addf %select_n3A_624, %add3A_678 : vector<16xf32>
        %select_n3A_680 = arith.select %ne3A_668, %add3A_679, %select_n3A_624 : vector<16xi1>, vector<16xf32>
        %add3A_681 = arith.constant 5 : i32
        %add3A_682 = arith.addi %add3A_404, %add3A_681 : i32
        %get3A_683 = arith.constant 2 : i32
        %get3A_684 = arith.index_cast %get3A_683 : i32 to index
        %get3A_685 = arith.index_cast %add3A_682 : i32 to index
        %get3A_686 = arith.constant 0 : index
        %get3A_687 = tpu.vector_load %arg6[%get3A_684, %get3A_685, %get3A_686] {strides = array<i32>} : memref<4x200x64xf32, #tpu.memory_space<vmem>>, vector<1x1x16xf32>,
        %get3A_688 = vector.shape_cast %get3A_687 : vector<1x1x16xf32> to vector<16xf32>
        %get3A_689 = arith.constant 2 : i32
        %get3A_690 = arith.index_cast %get3A_689 : i32 to index
        %get3A_691 = arith.index_cast %add3A_682 : i32 to index
        %get3A_692 = arith.constant 16 : index
        %get3A_693 = tpu.vector_load %arg6[%get3A_690, %get3A_691, %get3A_692] {strides = array<i32>} : memref<4x200x64xf32, #tpu.memory_space<vmem>>, vector<1x1x16xf32>,
        %get3A_694 = vector.shape_cast %get3A_693 : vector<1x1x16xf32> to vector<16xf32>
        %get3A_695 = arith.constant 2 : i32
        %get3A_696 = arith.index_cast %get3A_695 : i32 to index
        %get3A_697 = arith.index_cast %add3A_682 : i32 to index
        %get3A_698 = arith.constant 32 : index
        %get3A_699 = tpu.vector_load %arg6[%get3A_696, %get3A_697, %get3A_698] {strides = array<i32>} : memref<4x200x64xf32, #tpu.memory_space<vmem>>, vector<1x1x16xf32>,
        %get3A_700 = vector.shape_cast %get3A_699 : vector<1x1x16xf32> to vector<16xf32>
        %get3A_701 = arith.constant 2 : i32
        %get3A_702 = arith.index_cast %get3A_701 : i32 to index
        %get3A_703 = arith.index_cast %add3A_682 : i32 to index
        %get3A_704 = arith.constant 48 : index
        %get3A_705 = tpu.vector_load %arg6[%get3A_702, %get3A_703, %get3A_704] {strides = array<i32>} : memref<4x200x64xf32, #tpu.memory_space<vmem>>, vector<1x1x16xf32>,
        %get3A_706 = vector.shape_cast %get3A_705 : vector<1x1x16xf32> to vector<16xf32>
        %add3A_707 = arith.addf %get3A_688, %get3A_694 : vector<16xf32>
        %add3A_708 = arith.addf %get3A_700, %get3A_706 : vector<16xf32>
        %add3A_709 = arith.addf %add3A_707, %add3A_708 : vector<16xf32>
        %gather3A_710 = vector.shape_cast %reshape3A : vector<16x1xi32> to vector<16xi32>
        %gather3A_711 = tpu.dynamic_gather %add3A_709[%gather3A_710] in [0] : vector<16xf32>, vector<16xi32> -> vector<16xf32>
        %add3A_712 = arith.addf %add3A_709, %gather3A_711 : vector<16xf32>
        %gather3A_713 = vector.shape_cast %reshape3A_8 : vector<16x1xi32> to vector<16xi32>
        %gather3A_714 = tpu.dynamic_gather %add3A_712[%gather3A_713] in [0] : vector<16xf32>, vector<16xi32> -> vector<16xf32>
        %add3A_715 = arith.addf %add3A_712, %gather3A_714 : vector<16xf32>
        %gather3A_716 = vector.shape_cast %reshape3A_12 : vector<16x1xi32> to vector<16xi32>
        %gather3A_717 = tpu.dynamic_gather %add3A_715[%gather3A_716] in [0] : vector<16xf32>, vector<16xi32> -> vector<16xf32>
        %add3A_718 = arith.addf %add3A_715, %gather3A_717 : vector<16xf32>
        %gather3A_719 = vector.shape_cast %reshape3A_16 : vector<16x1xi32> to vector<16xi32>
        %gather3A_720 = tpu.dynamic_gather %add3A_718[%gather3A_719] in [0] : vector<16xf32>, vector<16xi32> -> vector<16xf32>
        %add3A_721 = arith.addf %add3A_718, %gather3A_720 : vector<16xf32>
        %ne3A_722 = arith.constant 0.000000e+00 : f32
        %ne3A_723 = vector.broadcast %ne3A_722 : f32 to vector<16xf32>
        %ne3A_724 = arith.cmpf one, %add3A_721, %ne3A_723 : vector<16xf32>
        %add3A_725 = arith.addf %select_n3A_670, %get3A_688 : vector<16xf32>
        %select_n3A_726 = arith.select %ne3A_724, %add3A_725, %select_n3A_670 : vector<16xi1>, vector<16xf32>
        %add3A_727 = arith.addf %select_n3A_672, %get3A_694 : vector<16xf32>
        %select_n3A_728 = arith.select %ne3A_724, %add3A_727, %select_n3A_672 : vector<16xi1>, vector<16xf32>
        %add3A_729 = arith.addf %select_n3A_674, %get3A_700 : vector<16xf32>
        %select_n3A_730 = arith.select %ne3A_724, %add3A_729, %select_n3A_674 : vector<16xi1>, vector<16xf32>
        %add3A_731 = arith.addf %select_n3A_676, %get3A_706 : vector<16xf32>
        %select_n3A_732 = arith.select %ne3A_724, %add3A_731, %select_n3A_676 : vector<16xi1>, vector<16xf32>
        %add3A_733 = arith.constant 1.000000e+00 : f32
        %add3A_734 = vector.broadcast %add3A_733 : f32 to vector<16xf32>
        %add3A_735 = arith.addf %select_n3A_680, %add3A_734 : vector<16xf32>
        %select_n3A_736 = arith.select %ne3A_724, %add3A_735, %select_n3A_680 : vector<16xi1>, vector<16xf32>
        %add3A_737 = arith.constant 6 : i32
        %add3A_738 = arith.addi %add3A_404, %add3A_737 : i32
        %get3A_739 = arith.constant 2 : i32
        %get3A_740 = arith.index_cast %get3A_739 : i32 to index
        %get3A_741 = arith.index_cast %add3A_738 : i32 to index
        %get3A_742 = arith.constant 0 : index
        %get3A_743 = tpu.vector_load %arg6[%get3A_740, %get3A_741, %get3A_742] {strides = array<i32>} : memref<4x200x64xf32, #tpu.memory_space<vmem>>, vector<1x1x16xf32>,
        %get3A_744 = vector.shape_cast %get3A_743 : vector<1x1x16xf32> to vector<16xf32>
        %get3A_745 = arith.constant 2 : i32
        %get3A_746 = arith.index_cast %get3A_745 : i32 to index
        %get3A_747 = arith.index_cast %add3A_738 : i32 to index
        %get3A_748 = arith.constant 16 : index
        %get3A_749 = tpu.vector_load %arg6[%get3A_746, %get3A_747, %get3A_748] {strides = array<i32>} : memref<4x200x64xf32, #tpu.memory_space<vmem>>, vector<1x1x16xf32>,
        %get3A_750 = vector.shape_cast %get3A_749 : vector<1x1x16xf32> to vector<16xf32>
        %get3A_751 = arith.constant 2 : i32
        %get3A_752 = arith.index_cast %get3A_751 : i32 to index
        %get3A_753 = arith.index_cast %add3A_738 : i32 to index
        %get3A_754 = arith.constant 32 : index
        %get3A_755 = tpu.vector_load %arg6[%get3A_752, %get3A_753, %get3A_754] {strides = array<i32>} : memref<4x200x64xf32, #tpu.memory_space<vmem>>, vector<1x1x16xf32>,
        %get3A_756 = vector.shape_cast %get3A_755 : vector<1x1x16xf32> to vector<16xf32>
        %get3A_757 = arith.constant 2 : i32
        %get3A_758 = arith.index_cast %get3A_757 : i32 to index
        %get3A_759 = arith.index_cast %add3A_738 : i32 to index
        %get3A_760 = arith.constant 48 : index
        %get3A_761 = tpu.vector_load %arg6[%get3A_758, %get3A_759, %get3A_760] {strides = array<i32>} : memref<4x200x64xf32, #tpu.memory_space<vmem>>, vector<1x1x16xf32>,
        %get3A_762 = vector.shape_cast %get3A_761 : vector<1x1x16xf32> to vector<16xf32>
        %add3A_763 = arith.addf %get3A_744, %get3A_750 : vector<16xf32>
        %add3A_764 = arith.addf %get3A_756, %get3A_762 : vector<16xf32>
        %add3A_765 = arith.addf %add3A_763, %add3A_764 : vector<16xf32>
        %gather3A_766 = vector.shape_cast %reshape3A : vector<16x1xi32> to vector<16xi32>
        %gather3A_767 = tpu.dynamic_gather %add3A_765[%gather3A_766] in [0] : vector<16xf32>, vector<16xi32> -> vector<16xf32>
        %add3A_768 = arith.addf %add3A_765, %gather3A_767 : vector<16xf32>
        %gather3A_769 = vector.shape_cast %reshape3A_8 : vector<16x1xi32> to vector<16xi32>
        %gather3A_770 = tpu.dynamic_gather %add3A_768[%gather3A_769] in [0] : vector<16xf32>, vector<16xi32> -> vector<16xf32>
        %add3A_771 = arith.addf %add3A_768, %gather3A_770 : vector<16xf32>
        %gather3A_772 = vector.shape_cast %reshape3A_12 : vector<16x1xi32> to vector<16xi32>
        %gather3A_773 = tpu.dynamic_gather %add3A_771[%gather3A_772] in [0] : vector<16xf32>, vector<16xi32> -> vector<16xf32>
        %add3A_774 = arith.addf %add3A_771, %gather3A_773 : vector<16xf32>
        %gather3A_775 = vector.shape_cast %reshape3A_16 : vector<16x1xi32> to vector<16xi32>
        %gather3A_776 = tpu.dynamic_gather %add3A_774[%gather3A_775] in [0] : vector<16xf32>, vector<16xi32> -> vector<16xf32>
        %add3A_777 = arith.addf %add3A_774, %gather3A_776 : vector<16xf32>
        %ne3A_778 = arith.constant 0.000000e+00 : f32
        %ne3A_779 = vector.broadcast %ne3A_778 : f32 to vector<16xf32>
        %ne3A_780 = arith.cmpf one, %add3A_777, %ne3A_779 : vector<16xf32>
        %add3A_781 = arith.addf %select_n3A_726, %get3A_744 : vector<16xf32>
        %select_n3A_782 = arith.select %ne3A_780, %add3A_781, %select_n3A_726 : vector<16xi1>, vector<16xf32>
        %add3A_783 = arith.addf %select_n3A_728, %get3A_750 : vector<16xf32>
        %select_n3A_784 = arith.select %ne3A_780, %add3A_783, %select_n3A_728 : vector<16xi1>, vector<16xf32>
        %add3A_785 = arith.addf %select_n3A_730, %get3A_756 : vector<16xf32>
        %select_n3A_786 = arith.select %ne3A_780, %add3A_785, %select_n3A_730 : vector<16xi1>, vector<16xf32>
        %add3A_787 = arith.addf %select_n3A_732, %get3A_762 : vector<16xf32>
        %select_n3A_788 = arith.select %ne3A_780, %add3A_787, %select_n3A_732 : vector<16xi1>, vector<16xf32>
        %add3A_789 = arith.constant 1.000000e+00 : f32
        %add3A_790 = vector.broadcast %add3A_789 : f32 to vector<16xf32>
        %add3A_791 = arith.addf %select_n3A_736, %add3A_790 : vector<16xf32>
        %select_n3A_792 = arith.select %ne3A_780, %add3A_791, %select_n3A_736 : vector<16xi1>, vector<16xf32>
        %add3A_793 = arith.constant 7 : i32
        %add3A_794 = arith.addi %add3A_404, %add3A_793 : i32
        %get3A_795 = arith.constant 2 : i32
        %get3A_796 = arith.index_cast %get3A_795 : i32 to index
        %get3A_797 = arith.index_cast %add3A_794 : i32 to index
        %get3A_798 = arith.constant 0 : index
        %get3A_799 = tpu.vector_load %arg6[%get3A_796, %get3A_797, %get3A_798] {strides = array<i32>} : memref<4x200x64xf32, #tpu.memory_space<vmem>>, vector<1x1x16xf32>,
        %get3A_800 = vector.shape_cast %get3A_799 : vector<1x1x16xf32> to vector<16xf32>
        %get3A_801 = arith.constant 2 : i32
        %get3A_802 = arith.index_cast %get3A_801 : i32 to index
        %get3A_803 = arith.index_cast %add3A_794 : i32 to index
        %get3A_804 = arith.constant 16 : index
        %get3A_805 = tpu.vector_load %arg6[%get3A_802, %get3A_803, %get3A_804] {strides = array<i32>} : memref<4x200x64xf32, #tpu.memory_space<vmem>>, vector<1x1x16xf32>,
        %get3A_806 = vector.shape_cast %get3A_805 : vector<1x1x16xf32> to vector<16xf32>
        %get3A_807 = arith.constant 2 : i32
        %get3A_808 = arith.index_cast %get3A_807 : i32 to index
        %get3A_809 = arith.index_cast %add3A_794 : i32 to index
        %get3A_810 = arith.constant 32 : index
        %get3A_811 = tpu.vector_load %arg6[%get3A_808, %get3A_809, %get3A_810] {strides = array<i32>} : memref<4x200x64xf32, #tpu.memory_space<vmem>>, vector<1x1x16xf32>,
        %get3A_812 = vector.shape_cast %get3A_811 : vector<1x1x16xf32> to vector<16xf32>
        %get3A_813 = arith.constant 2 : i32
        %get3A_814 = arith.index_cast %get3A_813 : i32 to index
        %get3A_815 = arith.index_cast %add3A_794 : i32 to index
        %get3A_816 = arith.constant 48 : index
        %get3A_817 = tpu.vector_load %arg6[%get3A_814, %get3A_815, %get3A_816] {strides = array<i32>} : memref<4x200x64xf32, #tpu.memory_space<vmem>>, vector<1x1x16xf32>,
        %get3A_818 = vector.shape_cast %get3A_817 : vector<1x1x16xf32> to vector<16xf32>
        %add3A_819 = arith.addf %get3A_800, %get3A_806 : vector<16xf32>
        %add3A_820 = arith.addf %get3A_812, %get3A_818 : vector<16xf32>
        %add3A_821 = arith.addf %add3A_819, %add3A_820 : vector<16xf32>
        %gather3A_822 = vector.shape_cast %reshape3A : vector<16x1xi32> to vector<16xi32>
        %gather3A_823 = tpu.dynamic_gather %add3A_821[%gather3A_822] in [0] : vector<16xf32>, vector<16xi32> -> vector<16xf32>
        %add3A_824 = arith.addf %add3A_821, %gather3A_823 : vector<16xf32>
        %gather3A_825 = vector.shape_cast %reshape3A_8 : vector<16x1xi32> to vector<16xi32>
        %gather3A_826 = tpu.dynamic_gather %add3A_824[%gather3A_825] in [0] : vector<16xf32>, vector<16xi32> -> vector<16xf32>
        %add3A_827 = arith.addf %add3A_824, %gather3A_826 : vector<16xf32>
        %gather3A_828 = vector.shape_cast %reshape3A_12 : vector<16x1xi32> to vector<16xi32>
        %gather3A_829 = tpu.dynamic_gather %add3A_827[%gather3A_828] in [0] : vector<16xf32>, vector<16xi32> -> vector<16xf32>
        %add3A_830 = arith.addf %add3A_827, %gather3A_829 : vector<16xf32>
        %gather3A_831 = vector.shape_cast %reshape3A_16 : vector<16x1xi32> to vector<16xi32>
        %gather3A_832 = tpu.dynamic_gather %add3A_830[%gather3A_831] in [0] : vector<16xf32>, vector<16xi32> -> vector<16xf32>
        %add3A_833 = arith.addf %add3A_830, %gather3A_832 : vector<16xf32>
        %ne3A_834 = arith.constant 0.000000e+00 : f32
        %ne3A_835 = vector.broadcast %ne3A_834 : f32 to vector<16xf32>
        %ne3A_836 = arith.cmpf one, %add3A_833, %ne3A_835 : vector<16xf32>
        %add3A_837 = arith.addf %select_n3A_782, %get3A_800 : vector<16xf32>
        %select_n3A_838 = arith.select %ne3A_836, %add3A_837, %select_n3A_782 : vector<16xi1>, vector<16xf32>
        %add3A_839 = arith.addf %select_n3A_784, %get3A_806 : vector<16xf32>
        %select_n3A_840 = arith.select %ne3A_836, %add3A_839, %select_n3A_784 : vector<16xi1>, vector<16xf32>
        %add3A_841 = arith.addf %select_n3A_786, %get3A_812 : vector<16xf32>
        %select_n3A_842 = arith.select %ne3A_836, %add3A_841, %select_n3A_786 : vector<16xi1>, vector<16xf32>
        %add3A_843 = arith.addf %select_n3A_788, %get3A_818 : vector<16xf32>
        %select_n3A_844 = arith.select %ne3A_836, %add3A_843, %select_n3A_788 : vector<16xi1>, vector<16xf32>
        %add3A_845 = arith.constant 1.000000e+00 : f32
        %add3A_846 = vector.broadcast %add3A_845 : f32 to vector<16xf32>
        %add3A_847 = arith.addf %select_n3A_792, %add3A_846 : vector<16xf32>
        %select_n3A_848 = arith.select %ne3A_836, %add3A_847, %select_n3A_792 : vector<16xi1>, vector<16xf32>
        scf.yield %select_n3A_838, %select_n3A_840, %select_n3A_842, %select_n3A_844, %select_n3A_848 : vector<16xf32>, vector<16xf32>, vector<16xf32>, vector<16xf32>, vector<16xf32>
      }
      %scan3A_270 = arith.constant 16 : i32
      %dma_wait3A_271 = arith.constant 2 : i32
      %dma_wait3A_272 = arith.constant 128 : i32
      %dma_wait3A_273 = arith.constant 0 : i32
      %dma_wait3A_274 = tpu.memref_slice %arg6[%dma_wait3A_271, %dma_wait3A_272, %dma_wait3A_273] : memref<4x200x64xf32, #tpu.memory_space<vmem>> -> memref<1x72x64xf32, #tpu.memory_space<vmem>>
      %dma_wait3A_275 = tpu.memref_squeeze %dma_wait3A_274 : memref<1x72x64xf32, #tpu.memory_space<vmem>> -> memref<72x64xf32, #tpu.memory_space<vmem>>
      %dma_wait3A_276 = arith.constant 128 : i32
      %dma_wait3A_277 = tpu.memref_slice %arg5[%add3A_242, %dma_wait3A_276] : memref<128x200xi32, #tpu.memory_space<vmem>> -> memref<1x72xi32, #tpu.memory_space<vmem>>
      %dma_wait3A_278 = tpu.memref_squeeze %dma_wait3A_277 : memref<1x72xi32, #tpu.memory_space<vmem>> -> memref<72xi32, #tpu.memory_space<vmem>>
      %dma_wait3A_279 = arith.constant 0 : i32
      %dma_wait3A_280 = arith.constant 0 : i32
      %dma_wait3A_281 = tpu.memref_slice %arg2[%dma_wait3A_279, %dma_wait3A_280] : memref<1000000x64xf32, #tpu.memory_space<hbm>> -> memref<1000000x64xf32, #tpu.memory_space<hbm>>
      tpu.wait_indirect_dma semaphore(%arg13 : memref<!tpu.dma_semaphore, #tpu.memory_space<semaphore_mem>>) src(%dma_wait3A_281 : memref<1000000x64xf32, #tpu.memory_space<hbm>>) dst(%dma_wait3A_275 : memref<72x64xf32, #tpu.memory_space<vmem>>)
      %scan3A_282 = arith.constant 0 : i32
      %scan3A_283 = arith.constant 9 : i32
      %scan3A_284 = arith.addi %scan3A_282, %scan3A_283 : i32
      %scan3A_285 = arith.constant 1 : i32
      %scan3A_286:5 = scf.for %scan3A_395 = %scan3A_282 to %scan3A_284 step %scan3A_285 iter_args(%scan3A_396 = %scan3A_269#0, %scan3A_397 = %scan3A_269#1, %scan3A_398 = %scan3A_269#2, %scan3A_399 = %scan3A_269#3, %scan3A_400 = %scan3A_269#4) -> (vector<16xf32>, vector<16xf32>, vector<16xf32>, vector<16xf32>, vector<16xf32>)  : i32 {
        %mul3A_401 = arith.constant 8 : i32
        %mul3A_402 = arith.muli %scan3A_395, %mul3A_401 : i32
        %add3A_403 = arith.constant 128 : i32
        %add3A_404 = arith.addi %add3A_403, %mul3A_402 : i32
        %add3A_405 = arith.constant 0 : i32
        %add3A_406 = arith.addi %add3A_404, %add3A_405 : i32
        %get3A = arith.constant 2 : i32
        %get3A_407 = arith.index_cast %get3A : i32 to index
        %get3A_408 = arith.index_cast %add3A_406 : i32 to index
        %get3A_409 = arith.constant 0 : index
        %get3A_410 = tpu.vector_load %arg6[%get3A_407, %get3A_408, %get3A_409] {strides = array<i32>} : memref<4x200x64xf32, #tpu.memory_space<vmem>>, vector<1x1x16xf32>,
        %get3A_411 = vector.shape_cast %get3A_410 : vector<1x1x16xf32> to vector<16xf32>
        %get3A_412 = arith.constant 2 : i32
        %get3A_413 = arith.index_cast %get3A_412 : i32 to index
        %get3A_414 = arith.index_cast %add3A_406 : i32 to index
        %get3A_415 = arith.constant 16 : index
        %get3A_416 = tpu.vector_load %arg6[%get3A_413, %get3A_414, %get3A_415] {strides = array<i32>} : memref<4x200x64xf32, #tpu.memory_space<vmem>>, vector<1x1x16xf32>,
        %get3A_417 = vector.shape_cast %get3A_416 : vector<1x1x16xf32> to vector<16xf32>
        %get3A_418 = arith.constant 2 : i32
        %get3A_419 = arith.index_cast %get3A_418 : i32 to index
        %get3A_420 = arith.index_cast %add3A_406 : i32 to index
        %get3A_421 = arith.constant 32 : index
        %get3A_422 = tpu.vector_load %arg6[%get3A_419, %get3A_420, %get3A_421] {strides = array<i32>} : memref<4x200x64xf32, #tpu.memory_space<vmem>>, vector<1x1x16xf32>,
        %get3A_423 = vector.shape_cast %get3A_422 : vector<1x1x16xf32> to vector<16xf32>
        %get3A_424 = arith.constant 2 : i32
        %get3A_425 = arith.index_cast %get3A_424 : i32 to index
        %get3A_426 = arith.index_cast %add3A_406 : i32 to index
        %get3A_427 = arith.constant 48 : index
        %get3A_428 = tpu.vector_load %arg6[%get3A_425, %get3A_426, %get3A_427] {strides = array<i32>} : memref<4x200x64xf32, #tpu.memory_space<vmem>>, vector<1x1x16xf32>,
        %get3A_429 = vector.shape_cast %get3A_428 : vector<1x1x16xf32> to vector<16xf32>
        %add3A_430 = arith.addf %get3A_411, %get3A_417 : vector<16xf32>
        %add3A_431 = arith.addf %get3A_423, %get3A_429 : vector<16xf32>
        %add3A_432 = arith.addf %add3A_430, %add3A_431 : vector<16xf32>
        %gather3A = vector.shape_cast %reshape3A : vector<16x1xi32> to vector<16xi32>
        %gather3A_433 = tpu.dynamic_gather %add3A_432[%gather3A] in [0] : vector<16xf32>, vector<16xi32> -> vector<16xf32>
        %add3A_434 = arith.addf %add3A_432, %gather3A_433 : vector<16xf32>
        %gather3A_435 = vector.shape_cast %reshape3A_8 : vector<16x1xi32> to vector<16xi32>
        %gather3A_436 = tpu.dynamic_gather %add3A_434[%gather3A_435] in [0] : vector<16xf32>, vector<16xi32> -> vector<16xf32>
        %add3A_437 = arith.addf %add3A_434, %gather3A_436 : vector<16xf32>
        %gather3A_438 = vector.shape_cast %reshape3A_12 : vector<16x1xi32> to vector<16xi32>
        %gather3A_439 = tpu.dynamic_gather %add3A_437[%gather3A_438] in [0] : vector<16xf32>, vector<16xi32> -> vector<16xf32>
        %add3A_440 = arith.addf %add3A_437, %gather3A_439 : vector<16xf32>
        %gather3A_441 = vector.shape_cast %reshape3A_16 : vector<16x1xi32> to vector<16xi32>
        %gather3A_442 = tpu.dynamic_gather %add3A_440[%gather3A_441] in [0] : vector<16xf32>, vector<16xi32> -> vector<16xf32>
        %add3A_443 = arith.addf %add3A_440, %gather3A_442 : vector<16xf32>
        %ne3A = arith.constant 0.000000e+00 : f32
        %ne3A_444 = vector.broadcast %ne3A : f32 to vector<16xf32>
        %ne3A_445 = arith.cmpf one, %add3A_443, %ne3A_444 : vector<16xf32>
        %add3A_446 = arith.addf %scan3A_396, %get3A_411 : vector<16xf32>
        %select_n3A = arith.select %ne3A_445, %add3A_446, %scan3A_396 : vector<16xi1>, vector<16xf32>
        %add3A_447 = arith.addf %scan3A_397, %get3A_417 : vector<16xf32>
        %select_n3A_448 = arith.select %ne3A_445, %add3A_447, %scan3A_397 : vector<16xi1>, vector<16xf32>
        %add3A_449 = arith.addf %scan3A_398, %get3A_423 : vector<16xf32>
        %select_n3A_450 = arith.select %ne3A_445, %add3A_449, %scan3A_398 : vector<16xi1>, vector<16xf32>
        %add3A_451 = arith.addf %scan3A_399, %get3A_429 : vector<16xf32>
        %select_n3A_452 = arith.select %ne3A_445, %add3A_451, %scan3A_399 : vector<16xi1>, vector<16xf32>
        %add3A_453 = arith.constant 1.000000e+00 : f32
        %add3A_454 = vector.broadcast %add3A_453 : f32 to vector<16xf32>
        %add3A_455 = arith.addf %scan3A_400, %add3A_454 : vector<16xf32>
        %select_n3A_456 = arith.select %ne3A_445, %add3A_455, %scan3A_400 : vector<16xi1>, vector<16xf32>
        %add3A_457 = arith.constant 1 : i32
        %add3A_458 = arith.addi %add3A_404, %add3A_457 : i32
        %get3A_459 = arith.constant 2 : i32
        %get3A_460 = arith.index_cast %get3A_459 : i32 to index
        %get3A_461 = arith.index_cast %add3A_458 : i32 to index
        %get3A_462 = arith.constant 0 : index
        %get3A_463 = tpu.vector_load %arg6[%get3A_460, %get3A_461, %get3A_462] {strides = array<i32>} : memref<4x200x64xf32, #tpu.memory_space<vmem>>, vector<1x1x16xf32>,
        %get3A_464 = vector.shape_cast %get3A_463 : vector<1x1x16xf32> to vector<16xf32>
        %get3A_465 = arith.constant 2 : i32
        %get3A_466 = arith.index_cast %get3A_465 : i32 to index
        %get3A_467 = arith.index_cast %add3A_458 : i32 to index
        %get3A_468 = arith.constant 16 : index
        %get3A_469 = tpu.vector_load %arg6[%get3A_466, %get3A_467, %get3A_468] {strides = array<i32>} : memref<4x200x64xf32, #tpu.memory_space<vmem>>, vector<1x1x16xf32>,
        %get3A_470 = vector.shape_cast %get3A_469 : vector<1x1x16xf32> to vector<16xf32>
        %get3A_471 = arith.constant 2 : i32
        %get3A_472 = arith.index_cast %get3A_471 : i32 to index
        %get3A_473 = arith.index_cast %add3A_458 : i32 to index
        %get3A_474 = arith.constant 32 : index
        %get3A_475 = tpu.vector_load %arg6[%get3A_472, %get3A_473, %get3A_474] {strides = array<i32>} : memref<4x200x64xf32, #tpu.memory_space<vmem>>, vector<1x1x16xf32>,
        %get3A_476 = vector.shape_cast %get3A_475 : vector<1x1x16xf32> to vector<16xf32>
        %get3A_477 = arith.constant 2 : i32
        %get3A_478 = arith.index_cast %get3A_477 : i32 to index
        %get3A_479 = arith.index_cast %add3A_458 : i32 to index
        %get3A_480 = arith.constant 48 : index
        %get3A_481 = tpu.vector_load %arg6[%get3A_478, %get3A_479, %get3A_480] {strides = array<i32>} : memref<4x200x64xf32, #tpu.memory_space<vmem>>, vector<1x1x16xf32>,
        %get3A_482 = vector.shape_cast %get3A_481 : vector<1x1x16xf32> to vector<16xf32>
        %add3A_483 = arith.addf %get3A_464, %get3A_470 : vector<16xf32>
        %add3A_484 = arith.addf %get3A_476, %get3A_482 : vector<16xf32>
        %add3A_485 = arith.addf %add3A_483, %add3A_484 : vector<16xf32>
        %gather3A_486 = vector.shape_cast %reshape3A : vector<16x1xi32> to vector<16xi32>
        %gather3A_487 = tpu.dynamic_gather %add3A_485[%gather3A_486] in [0] : vector<16xf32>, vector<16xi32> -> vector<16xf32>
        %add3A_488 = arith.addf %add3A_485, %gather3A_487 : vector<16xf32>
        %gather3A_489 = vector.shape_cast %reshape3A_8 : vector<16x1xi32> to vector<16xi32>
        %gather3A_490 = tpu.dynamic_gather %add3A_488[%gather3A_489] in [0] : vector<16xf32>, vector<16xi32> -> vector<16xf32>
        %add3A_491 = arith.addf %add3A_488, %gather3A_490 : vector<16xf32>
        %gather3A_492 = vector.shape_cast %reshape3A_12 : vector<16x1xi32> to vector<16xi32>
        %gather3A_493 = tpu.dynamic_gather %add3A_491[%gather3A_492] in [0] : vector<16xf32>, vector<16xi32> -> vector<16xf32>
        %add3A_494 = arith.addf %add3A_491, %gather3A_493 : vector<16xf32>
        %gather3A_495 = vector.shape_cast %reshape3A_16 : vector<16x1xi32> to vector<16xi32>
        %gather3A_496 = tpu.dynamic_gather %add3A_494[%gather3A_495] in [0] : vector<16xf32>, vector<16xi32> -> vector<16xf32>
        %add3A_497 = arith.addf %add3A_494, %gather3A_496 : vector<16xf32>
        %ne3A_498 = arith.constant 0.000000e+00 : f32
        %ne3A_499 = vector.broadcast %ne3A_498 : f32 to vector<16xf32>
        %ne3A_500 = arith.cmpf one, %add3A_497, %ne3A_499 : vector<16xf32>
        %add3A_501 = arith.addf %select_n3A, %get3A_464 : vector<16xf32>
        %select_n3A_502 = arith.select %ne3A_500, %add3A_501, %select_n3A : vector<16xi1>, vector<16xf32>
        %add3A_503 = arith.addf %select_n3A_448, %get3A_470 : vector<16xf32>
        %select_n3A_504 = arith.select %ne3A_500, %add3A_503, %select_n3A_448 : vector<16xi1>, vector<16xf32>
        %add3A_505 = arith.addf %select_n3A_450, %get3A_476 : vector<16xf32>
        %select_n3A_506 = arith.select %ne3A_500, %add3A_505, %select_n3A_450 : vector<16xi1>, vector<16xf32>
        %add3A_507 = arith.addf %select_n3A_452, %get3A_482 : vector<16xf32>
        %select_n3A_508 = arith.select %ne3A_500, %add3A_507, %select_n3A_452 : vector<16xi1>, vector<16xf32>
        %add3A_509 = arith.constant 1.000000e+00 : f32
        %add3A_510 = vector.broadcast %add3A_509 : f32 to vector<16xf32>
        %add3A_511 = arith.addf %select_n3A_456, %add3A_510 : vector<16xf32>
        %select_n3A_512 = arith.select %ne3A_500, %add3A_511, %select_n3A_456 : vector<16xi1>, vector<16xf32>
        %add3A_513 = arith.constant 2 : i32
        %add3A_514 = arith.addi %add3A_404, %add3A_513 : i32
        %get3A_515 = arith.constant 2 : i32
        %get3A_516 = arith.index_cast %get3A_515 : i32 to index
        %get3A_517 = arith.index_cast %add3A_514 : i32 to index
        %get3A_518 = arith.constant 0 : index
        %get3A_519 = tpu.vector_load %arg6[%get3A_516, %get3A_517, %get3A_518] {strides = array<i32>} : memref<4x200x64xf32, #tpu.memory_space<vmem>>, vector<1x1x16xf32>,
        %get3A_520 = vector.shape_cast %get3A_519 : vector<1x1x16xf32> to vector<16xf32>
        %get3A_521 = arith.constant 2 : i32
        %get3A_522 = arith.index_cast %get3A_521 : i32 to index
        %get3A_523 = arith.index_cast %add3A_514 : i32 to index
        %get3A_524 = arith.constant 16 : index
        %get3A_525 = tpu.vector_load %arg6[%get3A_522, %get3A_523, %get3A_524] {strides = array<i32>} : memref<4x200x64xf32, #tpu.memory_space<vmem>>, vector<1x1x16xf32>,
        %get3A_526 = vector.shape_cast %get3A_525 : vector<1x1x16xf32> to vector<16xf32>
        %get3A_527 = arith.constant 2 : i32
        %get3A_528 = arith.index_cast %get3A_527 : i32 to index
        %get3A_529 = arith.index_cast %add3A_514 : i32 to index
        %get3A_530 = arith.constant 32 : index
        %get3A_531 = tpu.vector_load %arg6[%get3A_528, %get3A_529, %get3A_530] {strides = array<i32>} : memref<4x200x64xf32, #tpu.memory_space<vmem>>, vector<1x1x16xf32>,
        %get3A_532 = vector.shape_cast %get3A_531 : vector<1x1x16xf32> to vector<16xf32>
        %get3A_533 = arith.constant 2 : i32
        %get3A_534 = arith.index_cast %get3A_533 : i32 to index
        %get3A_535 = arith.index_cast %add3A_514 : i32 to index
        %get3A_536 = arith.constant 48 : index
        %get3A_537 = tpu.vector_load %arg6[%get3A_534, %get3A_535, %get3A_536] {strides = array<i32>} : memref<4x200x64xf32, #tpu.memory_space<vmem>>, vector<1x1x16xf32>,
        %get3A_538 = vector.shape_cast %get3A_537 : vector<1x1x16xf32> to vector<16xf32>
        %add3A_539 = arith.addf %get3A_520, %get3A_526 : vector<16xf32>
        %add3A_540 = arith.addf %get3A_532, %get3A_538 : vector<16xf32>
        %add3A_541 = arith.addf %add3A_539, %add3A_540 : vector<16xf32>
        %gather3A_542 = vector.shape_cast %reshape3A : vector<16x1xi32> to vector<16xi32>
        %gather3A_543 = tpu.dynamic_gather %add3A_541[%gather3A_542] in [0] : vector<16xf32>, vector<16xi32> -> vector<16xf32>
        %add3A_544 = arith.addf %add3A_541, %gather3A_543 : vector<16xf32>
        %gather3A_545 = vector.shape_cast %reshape3A_8 : vector<16x1xi32> to vector<16xi32>
        %gather3A_546 = tpu.dynamic_gather %add3A_544[%gather3A_545] in [0] : vector<16xf32>, vector<16xi32> -> vector<16xf32>
        %add3A_547 = arith.addf %add3A_544, %gather3A_546 : vector<16xf32>
        %gather3A_548 = vector.shape_cast %reshape3A_12 : vector<16x1xi32> to vector<16xi32>
        %gather3A_549 = tpu.dynamic_gather %add3A_547[%gather3A_548] in [0] : vector<16xf32>, vector<16xi32> -> vector<16xf32>
        %add3A_550 = arith.addf %add3A_547, %gather3A_549 : vector<16xf32>
        %gather3A_551 = vector.shape_cast %reshape3A_16 : vector<16x1xi32> to vector<16xi32>
        %gather3A_552 = tpu.dynamic_gather %add3A_550[%gather3A_551] in [0] : vector<16xf32>, vector<16xi32> -> vector<16xf32>
        %add3A_553 = arith.addf %add3A_550, %gather3A_552 : vector<16xf32>
        %ne3A_554 = arith.constant 0.000000e+00 : f32
        %ne3A_555 = vector.broadcast %ne3A_554 : f32 to vector<16xf32>
        %ne3A_556 = arith.cmpf one, %add3A_553, %ne3A_555 : vector<16xf32>
        %add3A_557 = arith.addf %select_n3A_502, %get3A_520 : vector<16xf32>
        %select_n3A_558 = arith.select %ne3A_556, %add3A_557, %select_n3A_502 : vector<16xi1>, vector<16xf32>
        %add3A_559 = arith.addf %select_n3A_504, %get3A_526 : vector<16xf32>
        %select_n3A_560 = arith.select %ne3A_556, %add3A_559, %select_n3A_504 : vector<16xi1>, vector<16xf32>
        %add3A_561 = arith.addf %select_n3A_506, %get3A_532 : vector<16xf32>
        %select_n3A_562 = arith.select %ne3A_556, %add3A_561, %select_n3A_506 : vector<16xi1>, vector<16xf32>
        %add3A_563 = arith.addf %select_n3A_508, %get3A_538 : vector<16xf32>
        %select_n3A_564 = arith.select %ne3A_556, %add3A_563, %select_n3A_508 : vector<16xi1>, vector<16xf32>
        %add3A_565 = arith.constant 1.000000e+00 : f32
        %add3A_566 = vector.broadcast %add3A_565 : f32 to vector<16xf32>
        %add3A_567 = arith.addf %select_n3A_512, %add3A_566 : vector<16xf32>
        %select_n3A_568 = arith.select %ne3A_556, %add3A_567, %select_n3A_512 : vector<16xi1>, vector<16xf32>
        %add3A_569 = arith.constant 3 : i32
        %add3A_570 = arith.addi %add3A_404, %add3A_569 : i32
        %get3A_571 = arith.constant 2 : i32
        %get3A_572 = arith.index_cast %get3A_571 : i32 to index
        %get3A_573 = arith.index_cast %add3A_570 : i32 to index
        %get3A_574 = arith.constant 0 : index
        %get3A_575 = tpu.vector_load %arg6[%get3A_572, %get3A_573, %get3A_574] {strides = array<i32>} : memref<4x200x64xf32, #tpu.memory_space<vmem>>, vector<1x1x16xf32>,
        %get3A_576 = vector.shape_cast %get3A_575 : vector<1x1x16xf32> to vector<16xf32>
        %get3A_577 = arith.constant 2 : i32
        %get3A_578 = arith.index_cast %get3A_577 : i32 to index
        %get3A_579 = arith.index_cast %add3A_570 : i32 to index
        %get3A_580 = arith.constant 16 : index
        %get3A_581 = tpu.vector_load %arg6[%get3A_578, %get3A_579, %get3A_580] {strides = array<i32>} : memref<4x200x64xf32, #tpu.memory_space<vmem>>, vector<1x1x16xf32>,
        %get3A_582 = vector.shape_cast %get3A_581 : vector<1x1x16xf32> to vector<16xf32>
        %get3A_583 = arith.constant 2 : i32
        %get3A_584 = arith.index_cast %get3A_583 : i32 to index
        %get3A_585 = arith.index_cast %add3A_570 : i32 to index
        %get3A_586 = arith.constant 32 : index
        %get3A_587 = tpu.vector_load %arg6[%get3A_584, %get3A_585, %get3A_586] {strides = array<i32>} : memref<4x200x64xf32, #tpu.memory_space<vmem>>, vector<1x1x16xf32>,
        %get3A_588 = vector.shape_cast %get3A_587 : vector<1x1x16xf32> to vector<16xf32>
        %get3A_589 = arith.constant 2 : i32
        %get3A_590 = arith.index_cast %get3A_589 : i32 to index
        %get3A_591 = arith.index_cast %add3A_570 : i32 to index
        %get3A_592 = arith.constant 48 : index
        %get3A_593 = tpu.vector_load %arg6[%get3A_590, %get3A_591, %get3A_592] {strides = array<i32>} : memref<4x200x64xf32, #tpu.memory_space<vmem>>, vector<1x1x16xf32>,
        %get3A_594 = vector.shape_cast %get3A_593 : vector<1x1x16xf32> to vector<16xf32>
        %add3A_595 = arith.addf %get3A_576, %get3A_582 : vector<16xf32>
        %add3A_596 = arith.addf %get3A_588, %get3A_594 : vector<16xf32>
        %add3A_597 = arith.addf %add3A_595, %add3A_596 : vector<16xf32>
        %gather3A_598 = vector.shape_cast %reshape3A : vector<16x1xi32> to vector<16xi32>
        %gather3A_599 = tpu.dynamic_gather %add3A_597[%gather3A_598] in [0] : vector<16xf32>, vector<16xi32> -> vector<16xf32>
        %add3A_600 = arith.addf %add3A_597, %gather3A_599 : vector<16xf32>
        %gather3A_601 = vector.shape_cast %reshape3A_8 : vector<16x1xi32> to vector<16xi32>
        %gather3A_602 = tpu.dynamic_gather %add3A_600[%gather3A_601] in [0] : vector<16xf32>, vector<16xi32> -> vector<16xf32>
        %add3A_603 = arith.addf %add3A_600, %gather3A_602 : vector<16xf32>
        %gather3A_604 = vector.shape_cast %reshape3A_12 : vector<16x1xi32> to vector<16xi32>
        %gather3A_605 = tpu.dynamic_gather %add3A_603[%gather3A_604] in [0] : vector<16xf32>, vector<16xi32> -> vector<16xf32>
        %add3A_606 = arith.addf %add3A_603, %gather3A_605 : vector<16xf32>
        %gather3A_607 = vector.shape_cast %reshape3A_16 : vector<16x1xi32> to vector<16xi32>
        %gather3A_608 = tpu.dynamic_gather %add3A_606[%gather3A_607] in [0] : vector<16xf32>, vector<16xi32> -> vector<16xf32>
        %add3A_609 = arith.addf %add3A_606, %gather3A_608 : vector<16xf32>
        %ne3A_610 = arith.constant 0.000000e+00 : f32
        %ne3A_611 = vector.broadcast %ne3A_610 : f32 to vector<16xf32>
        %ne3A_612 = arith.cmpf one, %add3A_609, %ne3A_611 : vector<16xf32>
        %add3A_613 = arith.addf %select_n3A_558, %get3A_576 : vector<16xf32>
        %select_n3A_614 = arith.select %ne3A_612, %add3A_613, %select_n3A_558 : vector<16xi1>, vector<16xf32>
        %add3A_615 = arith.addf %select_n3A_560, %get3A_582 : vector<16xf32>
        %select_n3A_616 = arith.select %ne3A_612, %add3A_615, %select_n3A_560 : vector<16xi1>, vector<16xf32>
        %add3A_617 = arith.addf %select_n3A_562, %get3A_588 : vector<16xf32>
        %select_n3A_618 = arith.select %ne3A_612, %add3A_617, %select_n3A_562 : vector<16xi1>, vector<16xf32>
        %add3A_619 = arith.addf %select_n3A_564, %get3A_594 : vector<16xf32>
        %select_n3A_620 = arith.select %ne3A_612, %add3A_619, %select_n3A_564 : vector<16xi1>, vector<16xf32>
        %add3A_621 = arith.constant 1.000000e+00 : f32
        %add3A_622 = vector.broadcast %add3A_621 : f32 to vector<16xf32>
        %add3A_623 = arith.addf %select_n3A_568, %add3A_622 : vector<16xf32>
        %select_n3A_624 = arith.select %ne3A_612, %add3A_623, %select_n3A_568 : vector<16xi1>, vector<16xf32>
        %add3A_625 = arith.constant 4 : i32
        %add3A_626 = arith.addi %add3A_404, %add3A_625 : i32
        %get3A_627 = arith.constant 2 : i32
        %get3A_628 = arith.index_cast %get3A_627 : i32 to index
        %get3A_629 = arith.index_cast %add3A_626 : i32 to index
        %get3A_630 = arith.constant 0 : index
        %get3A_631 = tpu.vector_load %arg6[%get3A_628, %get3A_629, %get3A_630] {strides = array<i32>} : memref<4x200x64xf32, #tpu.memory_space<vmem>>, vector<1x1x16xf32>,
        %get3A_632 = vector.shape_cast %get3A_631 : vector<1x1x16xf32> to vector<16xf32>
        %get3A_633 = arith.constant 2 : i32
        %get3A_634 = arith.index_cast %get3A_633 : i32 to index
        %get3A_635 = arith.index_cast %add3A_626 : i32 to index
        %get3A_636 = arith.constant 16 : index
        %get3A_637 = tpu.vector_load %arg6[%get3A_634, %get3A_635, %get3A_636] {strides = array<i32>} : memref<4x200x64xf32, #tpu.memory_space<vmem>>, vector<1x1x16xf32>,
        %get3A_638 = vector.shape_cast %get3A_637 : vector<1x1x16xf32> to vector<16xf32>
        %get3A_639 = arith.constant 2 : i32
        %get3A_640 = arith.index_cast %get3A_639 : i32 to index
        %get3A_641 = arith.index_cast %add3A_626 : i32 to index
        %get3A_642 = arith.constant 32 : index
        %get3A_643 = tpu.vector_load %arg6[%get3A_640, %get3A_641, %get3A_642] {strides = array<i32>} : memref<4x200x64xf32, #tpu.memory_space<vmem>>, vector<1x1x16xf32>,
        %get3A_644 = vector.shape_cast %get3A_643 : vector<1x1x16xf32> to vector<16xf32>
        %get3A_645 = arith.constant 2 : i32
        %get3A_646 = arith.index_cast %get3A_645 : i32 to index
        %get3A_647 = arith.index_cast %add3A_626 : i32 to index
        %get3A_648 = arith.constant 48 : index
        %get3A_649 = tpu.vector_load %arg6[%get3A_646, %get3A_647, %get3A_648] {strides = array<i32>} : memref<4x200x64xf32, #tpu.memory_space<vmem>>, vector<1x1x16xf32>,
        %get3A_650 = vector.shape_cast %get3A_649 : vector<1x1x16xf32> to vector<16xf32>
        %add3A_651 = arith.addf %get3A_632, %get3A_638 : vector<16xf32>
        %add3A_652 = arith.addf %get3A_644, %get3A_650 : vector<16xf32>
        %add3A_653 = arith.addf %add3A_651, %add3A_652 : vector<16xf32>
        %gather3A_654 = vector.shape_cast %reshape3A : vector<16x1xi32> to vector<16xi32>
        %gather3A_655 = tpu.dynamic_gather %add3A_653[%gather3A_654] in [0] : vector<16xf32>, vector<16xi32> -> vector<16xf32>
        %add3A_656 = arith.addf %add3A_653, %gather3A_655 : vector<16xf32>
        %gather3A_657 = vector.shape_cast %reshape3A_8 : vector<16x1xi32> to vector<16xi32>
        %gather3A_658 = tpu.dynamic_gather %add3A_656[%gather3A_657] in [0] : vector<16xf32>, vector<16xi32> -> vector<16xf32>
        %add3A_659 = arith.addf %add3A_656, %gather3A_658 : vector<16xf32>
        %gather3A_660 = vector.shape_cast %reshape3A_12 : vector<16x1xi32> to vector<16xi32>
        %gather3A_661 = tpu.dynamic_gather %add3A_659[%gather3A_660] in [0] : vector<16xf32>, vector<16xi32> -> vector<16xf32>
        %add3A_662 = arith.addf %add3A_659, %gather3A_661 : vector<16xf32>
        %gather3A_663 = vector.shape_cast %reshape3A_16 : vector<16x1xi32> to vector<16xi32>
        %gather3A_664 = tpu.dynamic_gather %add3A_662[%gather3A_663] in [0] : vector<16xf32>, vector<16xi32> -> vector<16xf32>
        %add3A_665 = arith.addf %add3A_662, %gather3A_664 : vector<16xf32>
        %ne3A_666 = arith.constant 0.000000e+00 : f32
        %ne3A_667 = vector.broadcast %ne3A_666 : f32 to vector<16xf32>
        %ne3A_668 = arith.cmpf one, %add3A_665, %ne3A_667 : vector<16xf32>
        %add3A_669 = arith.addf %select_n3A_614, %get3A_632 : vector<16xf32>
        %select_n3A_670 = arith.select %ne3A_668, %add3A_669, %select_n3A_614 : vector<16xi1>, vector<16xf32>
        %add3A_671 = arith.addf %select_n3A_616, %get3A_638 : vector<16xf32>
        %select_n3A_672 = arith.select %ne3A_668, %add3A_671, %select_n3A_616 : vector<16xi1>, vector<16xf32>
        %add3A_673 = arith.addf %select_n3A_618, %get3A_644 : vector<16xf32>
        %select_n3A_674 = arith.select %ne3A_668, %add3A_673, %select_n3A_618 : vector<16xi1>, vector<16xf32>
        %add3A_675 = arith.addf %select_n3A_620, %get3A_650 : vector<16xf32>
        %select_n3A_676 = arith.select %ne3A_668, %add3A_675, %select_n3A_620 : vector<16xi1>, vector<16xf32>
        %add3A_677 = arith.constant 1.000000e+00 : f32
        %add3A_678 = vector.broadcast %add3A_677 : f32 to vector<16xf32>
        %add3A_679 = arith.addf %select_n3A_624, %add3A_678 : vector<16xf32>
        %select_n3A_680 = arith.select %ne3A_668, %add3A_679, %select_n3A_624 : vector<16xi1>, vector<16xf32>
        %add3A_681 = arith.constant 5 : i32
        %add3A_682 = arith.addi %add3A_404, %add3A_681 : i32
        %get3A_683 = arith.constant 2 : i32
        %get3A_684 = arith.index_cast %get3A_683 : i32 to index
        %get3A_685 = arith.index_cast %add3A_682 : i32 to index
        %get3A_686 = arith.constant 0 : index
        %get3A_687 = tpu.vector_load %arg6[%get3A_684, %get3A_685, %get3A_686] {strides = array<i32>} : memref<4x200x64xf32, #tpu.memory_space<vmem>>, vector<1x1x16xf32>,
        %get3A_688 = vector.shape_cast %get3A_687 : vector<1x1x16xf32> to vector<16xf32>
        %get3A_689 = arith.constant 2 : i32
        %get3A_690 = arith.index_cast %get3A_689 : i32 to index
        %get3A_691 = arith.index_cast %add3A_682 : i32 to index
        %get3A_692 = arith.constant 16 : index
        %get3A_693 = tpu.vector_load %arg6[%get3A_690, %get3A_691, %get3A_692] {strides = array<i32>} : memref<4x200x64xf32, #tpu.memory_space<vmem>>, vector<1x1x16xf32>,
        %get3A_694 = vector.shape_cast %get3A_693 : vector<1x1x16xf32> to vector<16xf32>
        %get3A_695 = arith.constant 2 : i32
        %get3A_696 = arith.index_cast %get3A_695 : i32 to index
        %get3A_697 = arith.index_cast %add3A_682 : i32 to index
        %get3A_698 = arith.constant 32 : index
        %get3A_699 = tpu.vector_load %arg6[%get3A_696, %get3A_697, %get3A_698] {strides = array<i32>} : memref<4x200x64xf32, #tpu.memory_space<vmem>>, vector<1x1x16xf32>,
        %get3A_700 = vector.shape_cast %get3A_699 : vector<1x1x16xf32> to vector<16xf32>
        %get3A_701 = arith.constant 2 : i32
        %get3A_702 = arith.index_cast %get3A_701 : i32 to index
        %get3A_703 = arith.index_cast %add3A_682 : i32 to index
        %get3A_704 = arith.constant 48 : index
        %get3A_705 = tpu.vector_load %arg6[%get3A_702, %get3A_703, %get3A_704] {strides = array<i32>} : memref<4x200x64xf32, #tpu.memory_space<vmem>>, vector<1x1x16xf32>,
        %get3A_706 = vector.shape_cast %get3A_705 : vector<1x1x16xf32> to vector<16xf32>
        %add3A_707 = arith.addf %get3A_688, %get3A_694 : vector<16xf32>
        %add3A_708 = arith.addf %get3A_700, %get3A_706 : vector<16xf32>
        %add3A_709 = arith.addf %add3A_707, %add3A_708 : vector<16xf32>
        %gather3A_710 = vector.shape_cast %reshape3A : vector<16x1xi32> to vector<16xi32>
        %gather3A_711 = tpu.dynamic_gather %add3A_709[%gather3A_710] in [0] : vector<16xf32>, vector<16xi32> -> vector<16xf32>
        %add3A_712 = arith.addf %add3A_709, %gather3A_711 : vector<16xf32>
        %gather3A_713 = vector.shape_cast %reshape3A_8 : vector<16x1xi32> to vector<16xi32>
        %gather3A_714 = tpu.dynamic_gather %add3A_712[%gather3A_713] in [0] : vector<16xf32>, vector<16xi32> -> vector<16xf32>
        %add3A_715 = arith.addf %add3A_712, %gather3A_714 : vector<16xf32>
        %gather3A_716 = vector.shape_cast %reshape3A_12 : vector<16x1xi32> to vector<16xi32>
        %gather3A_717 = tpu.dynamic_gather %add3A_715[%gather3A_716] in [0] : vector<16xf32>, vector<16xi32> -> vector<16xf32>
        %add3A_718 = arith.addf %add3A_715, %gather3A_717 : vector<16xf32>
        %gather3A_719 = vector.shape_cast %reshape3A_16 : vector<16x1xi32> to vector<16xi32>
        %gather3A_720 = tpu.dynamic_gather %add3A_718[%gather3A_719] in [0] : vector<16xf32>, vector<16xi32> -> vector<16xf32>
        %add3A_721 = arith.addf %add3A_718, %gather3A_720 : vector<16xf32>
        %ne3A_722 = arith.constant 0.000000e+00 : f32
        %ne3A_723 = vector.broadcast %ne3A_722 : f32 to vector<16xf32>
        %ne3A_724 = arith.cmpf one, %add3A_721, %ne3A_723 : vector<16xf32>
        %add3A_725 = arith.addf %select_n3A_670, %get3A_688 : vector<16xf32>
        %select_n3A_726 = arith.select %ne3A_724, %add3A_725, %select_n3A_670 : vector<16xi1>, vector<16xf32>
        %add3A_727 = arith.addf %select_n3A_672, %get3A_694 : vector<16xf32>
        %select_n3A_728 = arith.select %ne3A_724, %add3A_727, %select_n3A_672 : vector<16xi1>, vector<16xf32>
        %add3A_729 = arith.addf %select_n3A_674, %get3A_700 : vector<16xf32>
        %select_n3A_730 = arith.select %ne3A_724, %add3A_729, %select_n3A_674 : vector<16xi1>, vector<16xf32>
        %add3A_731 = arith.addf %select_n3A_676, %get3A_706 : vector<16xf32>
        %select_n3A_732 = arith.select %ne3A_724, %add3A_731, %select_n3A_676 : vector<16xi1>, vector<16xf32>
        %add3A_733 = arith.constant 1.000000e+00 : f32
        %add3A_734 = vector.broadcast %add3A_733 : f32 to vector<16xf32>
        %add3A_735 = arith.addf %select_n3A_680, %add3A_734 : vector<16xf32>
        %select_n3A_736 = arith.select %ne3A_724, %add3A_735, %select_n3A_680 : vector<16xi1>, vector<16xf32>
        %add3A_737 = arith.constant 6 : i32
        %add3A_738 = arith.addi %add3A_404, %add3A_737 : i32
        %get3A_739 = arith.constant 2 : i32
        %get3A_740 = arith.index_cast %get3A_739 : i32 to index
        %get3A_741 = arith.index_cast %add3A_738 : i32 to index
        %get3A_742 = arith.constant 0 : index
        %get3A_743 = tpu.vector_load %arg6[%get3A_740, %get3A_741, %get3A_742] {strides = array<i32>} : memref<4x200x64xf32, #tpu.memory_space<vmem>>, vector<1x1x16xf32>,
        %get3A_744 = vector.shape_cast %get3A_743 : vector<1x1x16xf32> to vector<16xf32>
        %get3A_745 = arith.constant 2 : i32
        %get3A_746 = arith.index_cast %get3A_745 : i32 to index
        %get3A_747 = arith.index_cast %add3A_738 : i32 to index
        %get3A_748 = arith.constant 16 : index
        %get3A_749 = tpu.vector_load %arg6[%get3A_746, %get3A_747, %get3A_748] {strides = array<i32>} : memref<4x200x64xf32, #tpu.memory_space<vmem>>, vector<1x1x16xf32>,
        %get3A_750 = vector.shape_cast %get3A_749 : vector<1x1x16xf32> to vector<16xf32>
        %get3A_751 = arith.constant 2 : i32
        %get3A_752 = arith.index_cast %get3A_751 : i32 to index
        %get3A_753 = arith.index_cast %add3A_738 : i32 to index
        %get3A_754 = arith.constant 32 : index
        %get3A_755 = tpu.vector_load %arg6[%get3A_752, %get3A_753, %get3A_754] {strides = array<i32>} : memref<4x200x64xf32, #tpu.memory_space<vmem>>, vector<1x1x16xf32>,
        %get3A_756 = vector.shape_cast %get3A_755 : vector<1x1x16xf32> to vector<16xf32>
        %get3A_757 = arith.constant 2 : i32
        %get3A_758 = arith.index_cast %get3A_757 : i32 to index
        %get3A_759 = arith.index_cast %add3A_738 : i32 to index
        %get3A_760 = arith.constant 48 : index
        %get3A_761 = tpu.vector_load %arg6[%get3A_758, %get3A_759, %get3A_760] {strides = array<i32>} : memref<4x200x64xf32, #tpu.memory_space<vmem>>, vector<1x1x16xf32>,
        %get3A_762 = vector.shape_cast %get3A_761 : vector<1x1x16xf32> to vector<16xf32>
        %add3A_763 = arith.addf %get3A_744, %get3A_750 : vector<16xf32>
        %add3A_764 = arith.addf %get3A_756, %get3A_762 : vector<16xf32>
        %add3A_765 = arith.addf %add3A_763, %add3A_764 : vector<16xf32>
        %gather3A_766 = vector.shape_cast %reshape3A : vector<16x1xi32> to vector<16xi32>
        %gather3A_767 = tpu.dynamic_gather %add3A_765[%gather3A_766] in [0] : vector<16xf32>, vector<16xi32> -> vector<16xf32>
        %add3A_768 = arith.addf %add3A_765, %gather3A_767 : vector<16xf32>
        %gather3A_769 = vector.shape_cast %reshape3A_8 : vector<16x1xi32> to vector<16xi32>
        %gather3A_770 = tpu.dynamic_gather %add3A_768[%gather3A_769] in [0] : vector<16xf32>, vector<16xi32> -> vector<16xf32>
        %add3A_771 = arith.addf %add3A_768, %gather3A_770 : vector<16xf32>
        %gather3A_772 = vector.shape_cast %reshape3A_12 : vector<16x1xi32> to vector<16xi32>
        %gather3A_773 = tpu.dynamic_gather %add3A_771[%gather3A_772] in [0] : vector<16xf32>, vector<16xi32> -> vector<16xf32>
        %add3A_774 = arith.addf %add3A_771, %gather3A_773 : vector<16xf32>
        %gather3A_775 = vector.shape_cast %reshape3A_16 : vector<16x1xi32> to vector<16xi32>
        %gather3A_776 = tpu.dynamic_gather %add3A_774[%gather3A_775] in [0] : vector<16xf32>, vector<16xi32> -> vector<16xf32>
        %add3A_777 = arith.addf %add3A_774, %gather3A_776 : vector<16xf32>
        %ne3A_778 = arith.constant 0.000000e+00 : f32
        %ne3A_779 = vector.broadcast %ne3A_778 : f32 to vector<16xf32>
        %ne3A_780 = arith.cmpf one, %add3A_777, %ne3A_779 : vector<16xf32>
        %add3A_781 = arith.addf %select_n3A_726, %get3A_744 : vector<16xf32>
        %select_n3A_782 = arith.select %ne3A_780, %add3A_781, %select_n3A_726 : vector<16xi1>, vector<16xf32>
        %add3A_783 = arith.addf %select_n3A_728, %get3A_750 : vector<16xf32>
        %select_n3A_784 = arith.select %ne3A_780, %add3A_783, %select_n3A_728 : vector<16xi1>, vector<16xf32>
        %add3A_785 = arith.addf %select_n3A_730, %get3A_756 : vector<16xf32>
        %select_n3A_786 = arith.select %ne3A_780, %add3A_785, %select_n3A_730 : vector<16xi1>, vector<16xf32>
        %add3A_787 = arith.addf %select_n3A_732, %get3A_762 : vector<16xf32>
        %select_n3A_788 = arith.select %ne3A_780, %add3A_787, %select_n3A_732 : vector<16xi1>, vector<16xf32>
        %add3A_789 = arith.constant 1.000000e+00 : f32
        %add3A_790 = vector.broadcast %add3A_789 : f32 to vector<16xf32>
        %add3A_791 = arith.addf %select_n3A_736, %add3A_790 : vector<16xf32>
        %select_n3A_792 = arith.select %ne3A_780, %add3A_791, %select_n3A_736 : vector<16xi1>, vector<16xf32>
        %add3A_793 = arith.constant 7 : i32
        %add3A_794 = arith.addi %add3A_404, %add3A_793 : i32
        %get3A_795 = arith.constant 2 : i32
        %get3A_796 = arith.index_cast %get3A_795 : i32 to index
        %get3A_797 = arith.index_cast %add3A_794 : i32 to index
        %get3A_798 = arith.constant 0 : index
        %get3A_799 = tpu.vector_load %arg6[%get3A_796, %get3A_797, %get3A_798] {strides = array<i32>} : memref<4x200x64xf32, #tpu.memory_space<vmem>>, vector<1x1x16xf32>,
        %get3A_800 = vector.shape_cast %get3A_799 : vector<1x1x16xf32> to vector<16xf32>
        %get3A_801 = arith.constant 2 : i32
        %get3A_802 = arith.index_cast %get3A_801 : i32 to index
        %get3A_803 = arith.index_cast %add3A_794 : i32 to index
        %get3A_804 = arith.constant 16 : index
        %get3A_805 = tpu.vector_load %arg6[%get3A_802, %get3A_803, %get3A_804] {strides = array<i32>} : memref<4x200x64xf32, #tpu.memory_space<vmem>>, vector<1x1x16xf32>,
        %get3A_806 = vector.shape_cast %get3A_805 : vector<1x1x16xf32> to vector<16xf32>
        %get3A_807 = arith.constant 2 : i32
        %get3A_808 = arith.index_cast %get3A_807 : i32 to index
        %get3A_809 = arith.index_cast %add3A_794 : i32 to index
        %get3A_810 = arith.constant 32 : index
        %get3A_811 = tpu.vector_load %arg6[%get3A_808, %get3A_809, %get3A_810] {strides = array<i32>} : memref<4x200x64xf32, #tpu.memory_space<vmem>>, vector<1x1x16xf32>,
        %get3A_812 = vector.shape_cast %get3A_811 : vector<1x1x16xf32> to vector<16xf32>
        %get3A_813 = arith.constant 2 : i32
        %get3A_814 = arith.index_cast %get3A_813 : i32 to index
        %get3A_815 = arith.index_cast %add3A_794 : i32 to index
        %get3A_816 = arith.constant 48 : index
        %get3A_817 = tpu.vector_load %arg6[%get3A_814, %get3A_815, %get3A_816] {strides = array<i32>} : memref<4x200x64xf32, #tpu.memory_space<vmem>>, vector<1x1x16xf32>,
        %get3A_818 = vector.shape_cast %get3A_817 : vector<1x1x16xf32> to vector<16xf32>
        %add3A_819 = arith.addf %get3A_800, %get3A_806 : vector<16xf32>
        %add3A_820 = arith.addf %get3A_812, %get3A_818 : vector<16xf32>
        %add3A_821 = arith.addf %add3A_819, %add3A_820 : vector<16xf32>
        %gather3A_822 = vector.shape_cast %reshape3A : vector<16x1xi32> to vector<16xi32>
        %gather3A_823 = tpu.dynamic_gather %add3A_821[%gather3A_822] in [0] : vector<16xf32>, vector<16xi32> -> vector<16xf32>
        %add3A_824 = arith.addf %add3A_821, %gather3A_823 : vector<16xf32>
        %gather3A_825 = vector.shape_cast %reshape3A_8 : vector<16x1xi32> to vector<16xi32>
        %gather3A_826 = tpu.dynamic_gather %add3A_824[%gather3A_825] in [0] : vector<16xf32>, vector<16xi32> -> vector<16xf32>
        %add3A_827 = arith.addf %add3A_824, %gather3A_826 : vector<16xf32>
        %gather3A_828 = vector.shape_cast %reshape3A_12 : vector<16x1xi32> to vector<16xi32>
        %gather3A_829 = tpu.dynamic_gather %add3A_827[%gather3A_828] in [0] : vector<16xf32>, vector<16xi32> -> vector<16xf32>
        %add3A_830 = arith.addf %add3A_827, %gather3A_829 : vector<16xf32>
        %gather3A_831 = vector.shape_cast %reshape3A_16 : vector<16x1xi32> to vector<16xi32>
        %gather3A_832 = tpu.dynamic_gather %add3A_830[%gather3A_831] in [0] : vector<16xf32>, vector<16xi32> -> vector<16xf32>
        %add3A_833 = arith.addf %add3A_830, %gather3A_832 : vector<16xf32>
        %ne3A_834 = arith.constant 0.000000e+00 : f32
        %ne3A_835 = vector.broadcast %ne3A_834 : f32 to vector<16xf32>
        %ne3A_836 = arith.cmpf one, %add3A_833, %ne3A_835 : vector<16xf32>
        %add3A_837 = arith.addf %select_n3A_782, %get3A_800 : vector<16xf32>
        %select_n3A_838 = arith.select %ne3A_836, %add3A_837, %select_n3A_782 : vector<16xi1>, vector<16xf32>
        %add3A_839 = arith.addf %select_n3A_784, %get3A_806 : vector<16xf32>
        %select_n3A_840 = arith.select %ne3A_836, %add3A_839, %select_n3A_784 : vector<16xi1>, vector<16xf32>
        %add3A_841 = arith.addf %select_n3A_786, %get3A_812 : vector<16xf32>
        %select_n3A_842 = arith.select %ne3A_836, %add3A_841, %select_n3A_786 : vector<16xi1>, vector<16xf32>
        %add3A_843 = arith.addf %select_n3A_788, %get3A_818 : vector<16xf32>
        %select_n3A_844 = arith.select %ne3A_836, %add3A_843, %select_n3A_788 : vector<16xi1>, vector<16xf32>
        %add3A_845 = arith.constant 1.000000e+00 : f32
        %add3A_846 = vector.broadcast %add3A_845 : f32 to vector<16xf32>
        %add3A_847 = arith.addf %select_n3A_792, %add3A_846 : vector<16xf32>
        %select_n3A_848 = arith.select %ne3A_836, %add3A_847, %select_n3A_792 : vector<16xi1>, vector<16xf32>
        scf.yield %select_n3A_838, %select_n3A_840, %select_n3A_842, %select_n3A_844, %select_n3A_848 : vector<16xf32>, vector<16xf32>, vector<16xf32>, vector<16xf32>, vector<16xf32>
      }
      %scan3A_287 = arith.constant 9 : i32
      %max3A_288 = arith.constant 1.000000e+00 : f32
      %max3A_289 = vector.broadcast %max3A_288 : f32 to vector<16xf32>
      %max3A_290 = arith.maximumf %scan3A_286#4, %max3A_289 : vector<16xf32>
      %div3A_291 = arith.constant 1.000000e+00 : f32
      %div3A_292 = vector.broadcast %div3A_291 : f32 to vector<16xf32>
      %div3A_293 = arith.divf %div3A_292, %max3A_290 : vector<16xf32>
      %mul3A_294 = arith.mulf %scan3A_286#0, %div3A_293 : vector<16xf32>
      %swap3A_295 = arith.index_cast %add3A_242 : i32 to index
      %swap3A_296 = arith.constant 0 : index
      %swap3A_297 = tpu.vector_load %arg7[%swap3A_295, %swap3A_296] {strides = array<i32>} : memref<128x64xf32, #tpu.memory_space<vmem>>, vector<1x16xf32>,
      %swap3A_298 = vector.shape_cast %swap3A_297 : vector<1x16xf32> to vector<16xf32>
      %swap3A_299 = vector.shape_cast %mul3A_294 : vector<16xf32> to vector<1x16xf32>
      tpu.vector_store %arg7[%swap3A_295, %swap3A_296], %swap3A_299 {strides = array<i32>} : memref<128x64xf32, #tpu.memory_space<vmem>>, vector<1x16xf32>,
      %mul3A_300 = arith.mulf %scan3A_286#1, %div3A_293 : vector<16xf32>
      %swap3A_301 = arith.index_cast %add3A_242 : i32 to index
      %swap3A_302 = arith.constant 16 : index
      %swap3A_303 = tpu.vector_load %arg7[%swap3A_301, %swap3A_302] {strides = array<i32>} : memref<128x64xf32, #tpu.memory_space<vmem>>, vector<1x16xf32>,
      %swap3A_304 = vector.shape_cast %swap3A_303 : vector<1x16xf32> to vector<16xf32>
      %swap3A_305 = vector.shape_cast %mul3A_300 : vector<16xf32> to vector<1x16xf32>
      tpu.vector_store %arg7[%swap3A_301, %swap3A_302], %swap3A_305 {strides = array<i32>} : memref<128x64xf32, #tpu.memory_space<vmem>>, vector<1x16xf32>,
      %mul3A_306 = arith.mulf %scan3A_286#2, %div3A_293 : vector<16xf32>
      %swap3A_307 = arith.index_cast %add3A_242 : i32 to index
      %swap3A_308 = arith.constant 32 : index
      %swap3A_309 = tpu.vector_load %arg7[%swap3A_307, %swap3A_308] {strides = array<i32>} : memref<128x64xf32, #tpu.memory_space<vmem>>, vector<1x16xf32>,
      %swap3A_310 = vector.shape_cast %swap3A_309 : vector<1x16xf32> to vector<16xf32>
      %swap3A_311 = vector.shape_cast %mul3A_306 : vector<16xf32> to vector<1x16xf32>
      tpu.vector_store %arg7[%swap3A_307, %swap3A_308], %swap3A_311 {strides = array<i32>} : memref<128x64xf32, #tpu.memory_space<vmem>>, vector<1x16xf32>,
      %mul3A_312 = arith.mulf %scan3A_286#3, %div3A_293 : vector<16xf32>
      %swap3A_313 = arith.index_cast %add3A_242 : i32 to index
      %swap3A_314 = arith.constant 48 : index
      %swap3A_315 = tpu.vector_load %arg7[%swap3A_313, %swap3A_314] {strides = array<i32>} : memref<128x64xf32, #tpu.memory_space<vmem>>, vector<1x16xf32>,
      %swap3A_316 = vector.shape_cast %swap3A_315 : vector<1x16xf32> to vector<16xf32>
      %swap3A_317 = vector.shape_cast %mul3A_312 : vector<16xf32> to vector<1x16xf32>
      tpu.vector_store %arg7[%swap3A_313, %swap3A_314], %swap3A_317 {strides = array<i32>} : memref<128x64xf32, #tpu.memory_space<vmem>>, vector<1x16xf32>,
      %add3A_318 = arith.constant 3 : i32
      %add3A_319 = arith.addi %mul3A_95, %add3A_318 : i32
      %add3A_320 = arith.constant 4 : i32
      %add3A_321 = arith.addi %add3A_319, %add3A_320 : i32
      %sub3A_322 = arith.constant 1 : i32
      %sub3A_323 = arith.subi %add3A_321, %sub3A_322 : i32
      %lt3A_324 = arith.constant 128 : i32
      %lt3A_325 = arith.cmpi slt, %sub3A_323, %lt3A_324 : i32
      %convert_element_type3A_326 = arith.extui %lt3A_325 : i1 to i32
      %cond3A_327 = arith.constant 0 : i32
      %cond3A_328 = arith.cmpi ne, %convert_element_type3A_326, %cond3A_327 : i32
      scf.if %cond3A_328 {
        %dma_start3A_395 = arith.constant 2 : i32
        %dma_start3A_396 = arith.constant 0 : i32
        %dma_start3A_397 = arith.constant 0 : i32
        %dma_start3A_398 = tpu.memref_slice %arg6[%dma_start3A_395, %dma_start3A_396, %dma_start3A_397] : memref<4x200x64xf32, #tpu.memory_space<vmem>> -> memref<1x128x64xf32, #tpu.memory_space<vmem>>
        %dma_start3A_399 = tpu.memref_squeeze %dma_start3A_398 : memref<1x128x64xf32, #tpu.memory_space<vmem>> -> memref<128x64xf32, #tpu.memory_space<vmem>>
        %dma_start3A_400 = arith.constant 0 : i32
        %dma_start3A_401 = tpu.memref_slice %arg5[%sub3A_323, %dma_start3A_400] : memref<128x200xi32, #tpu.memory_space<vmem>> -> memref<1x128xi32, #tpu.memory_space<vmem>>
        %dma_start3A_402 = tpu.memref_squeeze %dma_start3A_401 : memref<1x128xi32, #tpu.memory_space<vmem>> -> memref<128xi32, #tpu.memory_space<vmem>>
        %dma_start3A_403 = arith.constant 0 : i32
        %dma_start3A_404 = arith.constant 0 : i32
        %dma_start3A_405 = tpu.memref_slice %arg2[%dma_start3A_403, %dma_start3A_404] : memref<1000000x64xf32, #tpu.memory_space<hbm>> -> memref<1000000x64xf32, #tpu.memory_space<hbm>>
        tpu.enqueue_indirect_dma source(%dma_start3A_405 : memref<1000000x64xf32, #tpu.memory_space<hbm>>) target(%dma_start3A_399 : memref<128x64xf32, #tpu.memory_space<vmem>>) offsets(%dma_start3A_402 : memref<128xi32, #tpu.memory_space<vmem>>) semaphore(%arg12 : memref<!tpu.dma_semaphore, #tpu.memory_space<semaphore_mem>>)
        %dma_start3A_406 = arith.constant 2 : i32
        %dma_start3A_407 = arith.constant 128 : i32
        %dma_start3A_408 = arith.constant 0 : i32
        %dma_start3A_409 = tpu.memref_slice %arg6[%dma_start3A_406, %dma_start3A_407, %dma_start3A_408] : memref<4x200x64xf32, #tpu.memory_space<vmem>> -> memref<1x72x64xf32, #tpu.memory_space<vmem>>
        %dma_start3A_410 = tpu.memref_squeeze %dma_start3A_409 : memref<1x72x64xf32, #tpu.memory_space<vmem>> -> memref<72x64xf32, #tpu.memory_space<vmem>>
        %dma_start3A_411 = arith.constant 128 : i32
        %dma_start3A_412 = tpu.memref_slice %arg5[%sub3A_323, %dma_start3A_411] : memref<128x200xi32, #tpu.memory_space<vmem>> -> memref<1x72xi32, #tpu.memory_space<vmem>>
        %dma_start3A_413 = tpu.memref_squeeze %dma_start3A_412 : memref<1x72xi32, #tpu.memory_space<vmem>> -> memref<72xi32, #tpu.memory_space<vmem>>
        %dma_start3A_414 = arith.constant 0 : i32
        %dma_start3A_415 = arith.constant 0 : i32
        %dma_start3A_416 = tpu.memref_slice %arg2[%dma_start3A_414, %dma_start3A_415] : memref<1000000x64xf32, #tpu.memory_space<hbm>> -> memref<1000000x64xf32, #tpu.memory_space<hbm>>
        tpu.enqueue_indirect_dma source(%dma_start3A_416 : memref<1000000x64xf32, #tpu.memory_space<hbm>>) target(%dma_start3A_410 : memref<72x64xf32, #tpu.memory_space<vmem>>) offsets(%dma_start3A_413 : memref<72xi32, #tpu.memory_space<vmem>>) semaphore(%arg13 : memref<!tpu.dma_semaphore, #tpu.memory_space<semaphore_mem>>)
      } else {
      }
      %broadcast_in_dim3A_329 = arith.constant 0.000000e+00 : f32
      %broadcast_in_dim3A_330 = vector.broadcast %broadcast_in_dim3A_329 : f32 to vector<16xf32>
      %dma_wait3A_331 = arith.constant 3 : i32
      %dma_wait3A_332 = arith.constant 0 : i32
      %dma_wait3A_333 = arith.constant 0 : i32
      %dma_wait3A_334 = tpu.memref_slice %arg6[%dma_wait3A_331, %dma_wait3A_332, %dma_wait3A_333] : memref<4x200x64xf32, #tpu.memory_space<vmem>> -> memref<1x128x64xf32, #tpu.memory_space<vmem>>
      %dma_wait3A_335 = tpu.memref_squeeze %dma_wait3A_334 : memref<1x128x64xf32, #tpu.memory_space<vmem>> -> memref<128x64xf32, #tpu.memory_space<vmem>>
      %dma_wait3A_336 = arith.constant 0 : i32
      %dma_wait3A_337 = tpu.memref_slice %arg5[%add3A_319, %dma_wait3A_336] : memref<128x200xi32, #tpu.memory_space<vmem>> -> memref<1x128xi32, #tpu.memory_space<vmem>>
      %dma_wait3A_338 = tpu.memref_squeeze %dma_wait3A_337 : memref<1x128xi32, #tpu.memory_space<vmem>> -> memref<128xi32, #tpu.memory_space<vmem>>
      %dma_wait3A_339 = arith.constant 0 : i32
      %dma_wait3A_340 = arith.constant 0 : i32
      %dma_wait3A_341 = tpu.memref_slice %arg2[%dma_wait3A_339, %dma_wait3A_340] : memref<1000000x64xf32, #tpu.memory_space<hbm>> -> memref<1000000x64xf32, #tpu.memory_space<hbm>>
      tpu.wait_indirect_dma semaphore(%arg14 : memref<!tpu.dma_semaphore, #tpu.memory_space<semaphore_mem>>) src(%dma_wait3A_341 : memref<1000000x64xf32, #tpu.memory_space<hbm>>) dst(%dma_wait3A_335 : memref<128x64xf32, #tpu.memory_space<vmem>>)
      %scan3A_342 = arith.constant 0 : i32
      %scan3A_343 = arith.constant 16 : i32
      %scan3A_344 = arith.addi %scan3A_342, %scan3A_343 : i32
      %scan3A_345 = arith.constant 1 : i32
      %scan3A_346:5 = scf.for %scan3A_395 = %scan3A_342 to %scan3A_344 step %scan3A_345 iter_args(%scan3A_396 = %broadcast_in_dim3A_330, %scan3A_397 = %broadcast_in_dim3A_330, %scan3A_398 = %broadcast_in_dim3A_330, %scan3A_399 = %broadcast_in_dim3A_330, %scan3A_400 = %broadcast_in_dim3A_330) -> (vector<16xf32>, vector<16xf32>, vector<16xf32>, vector<16xf32>, vector<16xf32>)  : i32 {
        %mul3A_401 = arith.constant 8 : i32
        %mul3A_402 = arith.muli %scan3A_395, %mul3A_401 : i32
        %add3A_403 = arith.constant 0 : i32
        %add3A_404 = arith.addi %add3A_403, %mul3A_402 : i32
        %add3A_405 = arith.constant 0 : i32
        %add3A_406 = arith.addi %add3A_404, %add3A_405 : i32
        %get3A = arith.constant 3 : i32
        %get3A_407 = arith.index_cast %get3A : i32 to index
        %get3A_408 = arith.index_cast %add3A_406 : i32 to index
        %get3A_409 = arith.constant 0 : index
        %get3A_410 = tpu.vector_load %arg6[%get3A_407, %get3A_408, %get3A_409] {strides = array<i32>} : memref<4x200x64xf32, #tpu.memory_space<vmem>>, vector<1x1x16xf32>,
        %get3A_411 = vector.shape_cast %get3A_410 : vector<1x1x16xf32> to vector<16xf32>
        %get3A_412 = arith.constant 3 : i32
        %get3A_413 = arith.index_cast %get3A_412 : i32 to index
        %get3A_414 = arith.index_cast %add3A_406 : i32 to index
        %get3A_415 = arith.constant 16 : index
        %get3A_416 = tpu.vector_load %arg6[%get3A_413, %get3A_414, %get3A_415] {strides = array<i32>} : memref<4x200x64xf32, #tpu.memory_space<vmem>>, vector<1x1x16xf32>,
        %get3A_417 = vector.shape_cast %get3A_416 : vector<1x1x16xf32> to vector<16xf32>
        %get3A_418 = arith.constant 3 : i32
        %get3A_419 = arith.index_cast %get3A_418 : i32 to index
        %get3A_420 = arith.index_cast %add3A_406 : i32 to index
        %get3A_421 = arith.constant 32 : index
        %get3A_422 = tpu.vector_load %arg6[%get3A_419, %get3A_420, %get3A_421] {strides = array<i32>} : memref<4x200x64xf32, #tpu.memory_space<vmem>>, vector<1x1x16xf32>,
        %get3A_423 = vector.shape_cast %get3A_422 : vector<1x1x16xf32> to vector<16xf32>
        %get3A_424 = arith.constant 3 : i32
        %get3A_425 = arith.index_cast %get3A_424 : i32 to index
        %get3A_426 = arith.index_cast %add3A_406 : i32 to index
        %get3A_427 = arith.constant 48 : index
        %get3A_428 = tpu.vector_load %arg6[%get3A_425, %get3A_426, %get3A_427] {strides = array<i32>} : memref<4x200x64xf32, #tpu.memory_space<vmem>>, vector<1x1x16xf32>,
        %get3A_429 = vector.shape_cast %get3A_428 : vector<1x1x16xf32> to vector<16xf32>
        %add3A_430 = arith.addf %get3A_411, %get3A_417 : vector<16xf32>
        %add3A_431 = arith.addf %get3A_423, %get3A_429 : vector<16xf32>
        %add3A_432 = arith.addf %add3A_430, %add3A_431 : vector<16xf32>
        %gather3A = vector.shape_cast %reshape3A : vector<16x1xi32> to vector<16xi32>
        %gather3A_433 = tpu.dynamic_gather %add3A_432[%gather3A] in [0] : vector<16xf32>, vector<16xi32> -> vector<16xf32>
        %add3A_434 = arith.addf %add3A_432, %gather3A_433 : vector<16xf32>
        %gather3A_435 = vector.shape_cast %reshape3A_8 : vector<16x1xi32> to vector<16xi32>
        %gather3A_436 = tpu.dynamic_gather %add3A_434[%gather3A_435] in [0] : vector<16xf32>, vector<16xi32> -> vector<16xf32>
        %add3A_437 = arith.addf %add3A_434, %gather3A_436 : vector<16xf32>
        %gather3A_438 = vector.shape_cast %reshape3A_12 : vector<16x1xi32> to vector<16xi32>
        %gather3A_439 = tpu.dynamic_gather %add3A_437[%gather3A_438] in [0] : vector<16xf32>, vector<16xi32> -> vector<16xf32>
        %add3A_440 = arith.addf %add3A_437, %gather3A_439 : vector<16xf32>
        %gather3A_441 = vector.shape_cast %reshape3A_16 : vector<16x1xi32> to vector<16xi32>
        %gather3A_442 = tpu.dynamic_gather %add3A_440[%gather3A_441] in [0] : vector<16xf32>, vector<16xi32> -> vector<16xf32>
        %add3A_443 = arith.addf %add3A_440, %gather3A_442 : vector<16xf32>
        %ne3A = arith.constant 0.000000e+00 : f32
        %ne3A_444 = vector.broadcast %ne3A : f32 to vector<16xf32>
        %ne3A_445 = arith.cmpf one, %add3A_443, %ne3A_444 : vector<16xf32>
        %add3A_446 = arith.addf %scan3A_396, %get3A_411 : vector<16xf32>
        %select_n3A = arith.select %ne3A_445, %add3A_446, %scan3A_396 : vector<16xi1>, vector<16xf32>
        %add3A_447 = arith.addf %scan3A_397, %get3A_417 : vector<16xf32>
        %select_n3A_448 = arith.select %ne3A_445, %add3A_447, %scan3A_397 : vector<16xi1>, vector<16xf32>
        %add3A_449 = arith.addf %scan3A_398, %get3A_423 : vector<16xf32>
        %select_n3A_450 = arith.select %ne3A_445, %add3A_449, %scan3A_398 : vector<16xi1>, vector<16xf32>
        %add3A_451 = arith.addf %scan3A_399, %get3A_429 : vector<16xf32>
        %select_n3A_452 = arith.select %ne3A_445, %add3A_451, %scan3A_399 : vector<16xi1>, vector<16xf32>
        %add3A_453 = arith.constant 1.000000e+00 : f32
        %add3A_454 = vector.broadcast %add3A_453 : f32 to vector<16xf32>
        %add3A_455 = arith.addf %scan3A_400, %add3A_454 : vector<16xf32>
        %select_n3A_456 = arith.select %ne3A_445, %add3A_455, %scan3A_400 : vector<16xi1>, vector<16xf32>
        %add3A_457 = arith.constant 1 : i32
        %add3A_458 = arith.addi %add3A_404, %add3A_457 : i32
        %get3A_459 = arith.constant 3 : i32
        %get3A_460 = arith.index_cast %get3A_459 : i32 to index
        %get3A_461 = arith.index_cast %add3A_458 : i32 to index
        %get3A_462 = arith.constant 0 : index
        %get3A_463 = tpu.vector_load %arg6[%get3A_460, %get3A_461, %get3A_462] {strides = array<i32>} : memref<4x200x64xf32, #tpu.memory_space<vmem>>, vector<1x1x16xf32>,
        %get3A_464 = vector.shape_cast %get3A_463 : vector<1x1x16xf32> to vector<16xf32>
        %get3A_465 = arith.constant 3 : i32
        %get3A_466 = arith.index_cast %get3A_465 : i32 to index
        %get3A_467 = arith.index_cast %add3A_458 : i32 to index
        %get3A_468 = arith.constant 16 : index
        %get3A_469 = tpu.vector_load %arg6[%get3A_466, %get3A_467, %get3A_468] {strides = array<i32>} : memref<4x200x64xf32, #tpu.memory_space<vmem>>, vector<1x1x16xf32>,
        %get3A_470 = vector.shape_cast %get3A_469 : vector<1x1x16xf32> to vector<16xf32>
        %get3A_471 = arith.constant 3 : i32
        %get3A_472 = arith.index_cast %get3A_471 : i32 to index
        %get3A_473 = arith.index_cast %add3A_458 : i32 to index
        %get3A_474 = arith.constant 32 : index
        %get3A_475 = tpu.vector_load %arg6[%get3A_472, %get3A_473, %get3A_474] {strides = array<i32>} : memref<4x200x64xf32, #tpu.memory_space<vmem>>, vector<1x1x16xf32>,
        %get3A_476 = vector.shape_cast %get3A_475 : vector<1x1x16xf32> to vector<16xf32>
        %get3A_477 = arith.constant 3 : i32
        %get3A_478 = arith.index_cast %get3A_477 : i32 to index
        %get3A_479 = arith.index_cast %add3A_458 : i32 to index
        %get3A_480 = arith.constant 48 : index
        %get3A_481 = tpu.vector_load %arg6[%get3A_478, %get3A_479, %get3A_480] {strides = array<i32>} : memref<4x200x64xf32, #tpu.memory_space<vmem>>, vector<1x1x16xf32>,
        %get3A_482 = vector.shape_cast %get3A_481 : vector<1x1x16xf32> to vector<16xf32>
        %add3A_483 = arith.addf %get3A_464, %get3A_470 : vector<16xf32>
        %add3A_484 = arith.addf %get3A_476, %get3A_482 : vector<16xf32>
        %add3A_485 = arith.addf %add3A_483, %add3A_484 : vector<16xf32>
        %gather3A_486 = vector.shape_cast %reshape3A : vector<16x1xi32> to vector<16xi32>
        %gather3A_487 = tpu.dynamic_gather %add3A_485[%gather3A_486] in [0] : vector<16xf32>, vector<16xi32> -> vector<16xf32>
        %add3A_488 = arith.addf %add3A_485, %gather3A_487 : vector<16xf32>
        %gather3A_489 = vector.shape_cast %reshape3A_8 : vector<16x1xi32> to vector<16xi32>
        %gather3A_490 = tpu.dynamic_gather %add3A_488[%gather3A_489] in [0] : vector<16xf32>, vector<16xi32> -> vector<16xf32>
        %add3A_491 = arith.addf %add3A_488, %gather3A_490 : vector<16xf32>
        %gather3A_492 = vector.shape_cast %reshape3A_12 : vector<16x1xi32> to vector<16xi32>
        %gather3A_493 = tpu.dynamic_gather %add3A_491[%gather3A_492] in [0] : vector<16xf32>, vector<16xi32> -> vector<16xf32>
        %add3A_494 = arith.addf %add3A_491, %gather3A_493 : vector<16xf32>
        %gather3A_495 = vector.shape_cast %reshape3A_16 : vector<16x1xi32> to vector<16xi32>
        %gather3A_496 = tpu.dynamic_gather %add3A_494[%gather3A_495] in [0] : vector<16xf32>, vector<16xi32> -> vector<16xf32>
        %add3A_497 = arith.addf %add3A_494, %gather3A_496 : vector<16xf32>
        %ne3A_498 = arith.constant 0.000000e+00 : f32
        %ne3A_499 = vector.broadcast %ne3A_498 : f32 to vector<16xf32>
        %ne3A_500 = arith.cmpf one, %add3A_497, %ne3A_499 : vector<16xf32>
        %add3A_501 = arith.addf %select_n3A, %get3A_464 : vector<16xf32>
        %select_n3A_502 = arith.select %ne3A_500, %add3A_501, %select_n3A : vector<16xi1>, vector<16xf32>
        %add3A_503 = arith.addf %select_n3A_448, %get3A_470 : vector<16xf32>
        %select_n3A_504 = arith.select %ne3A_500, %add3A_503, %select_n3A_448 : vector<16xi1>, vector<16xf32>
        %add3A_505 = arith.addf %select_n3A_450, %get3A_476 : vector<16xf32>
        %select_n3A_506 = arith.select %ne3A_500, %add3A_505, %select_n3A_450 : vector<16xi1>, vector<16xf32>
        %add3A_507 = arith.addf %select_n3A_452, %get3A_482 : vector<16xf32>
        %select_n3A_508 = arith.select %ne3A_500, %add3A_507, %select_n3A_452 : vector<16xi1>, vector<16xf32>
        %add3A_509 = arith.constant 1.000000e+00 : f32
        %add3A_510 = vector.broadcast %add3A_509 : f32 to vector<16xf32>
        %add3A_511 = arith.addf %select_n3A_456, %add3A_510 : vector<16xf32>
        %select_n3A_512 = arith.select %ne3A_500, %add3A_511, %select_n3A_456 : vector<16xi1>, vector<16xf32>
        %add3A_513 = arith.constant 2 : i32
        %add3A_514 = arith.addi %add3A_404, %add3A_513 : i32
        %get3A_515 = arith.constant 3 : i32
        %get3A_516 = arith.index_cast %get3A_515 : i32 to index
        %get3A_517 = arith.index_cast %add3A_514 : i32 to index
        %get3A_518 = arith.constant 0 : index
        %get3A_519 = tpu.vector_load %arg6[%get3A_516, %get3A_517, %get3A_518] {strides = array<i32>} : memref<4x200x64xf32, #tpu.memory_space<vmem>>, vector<1x1x16xf32>,
        %get3A_520 = vector.shape_cast %get3A_519 : vector<1x1x16xf32> to vector<16xf32>
        %get3A_521 = arith.constant 3 : i32
        %get3A_522 = arith.index_cast %get3A_521 : i32 to index
        %get3A_523 = arith.index_cast %add3A_514 : i32 to index
        %get3A_524 = arith.constant 16 : index
        %get3A_525 = tpu.vector_load %arg6[%get3A_522, %get3A_523, %get3A_524] {strides = array<i32>} : memref<4x200x64xf32, #tpu.memory_space<vmem>>, vector<1x1x16xf32>,
        %get3A_526 = vector.shape_cast %get3A_525 : vector<1x1x16xf32> to vector<16xf32>
        %get3A_527 = arith.constant 3 : i32
        %get3A_528 = arith.index_cast %get3A_527 : i32 to index
        %get3A_529 = arith.index_cast %add3A_514 : i32 to index
        %get3A_530 = arith.constant 32 : index
        %get3A_531 = tpu.vector_load %arg6[%get3A_528, %get3A_529, %get3A_530] {strides = array<i32>} : memref<4x200x64xf32, #tpu.memory_space<vmem>>, vector<1x1x16xf32>,
        %get3A_532 = vector.shape_cast %get3A_531 : vector<1x1x16xf32> to vector<16xf32>
        %get3A_533 = arith.constant 3 : i32
        %get3A_534 = arith.index_cast %get3A_533 : i32 to index
        %get3A_535 = arith.index_cast %add3A_514 : i32 to index
        %get3A_536 = arith.constant 48 : index
        %get3A_537 = tpu.vector_load %arg6[%get3A_534, %get3A_535, %get3A_536] {strides = array<i32>} : memref<4x200x64xf32, #tpu.memory_space<vmem>>, vector<1x1x16xf32>,
        %get3A_538 = vector.shape_cast %get3A_537 : vector<1x1x16xf32> to vector<16xf32>
        %add3A_539 = arith.addf %get3A_520, %get3A_526 : vector<16xf32>
        %add3A_540 = arith.addf %get3A_532, %get3A_538 : vector<16xf32>
        %add3A_541 = arith.addf %add3A_539, %add3A_540 : vector<16xf32>
        %gather3A_542 = vector.shape_cast %reshape3A : vector<16x1xi32> to vector<16xi32>
        %gather3A_543 = tpu.dynamic_gather %add3A_541[%gather3A_542] in [0] : vector<16xf32>, vector<16xi32> -> vector<16xf32>
        %add3A_544 = arith.addf %add3A_541, %gather3A_543 : vector<16xf32>
        %gather3A_545 = vector.shape_cast %reshape3A_8 : vector<16x1xi32> to vector<16xi32>
        %gather3A_546 = tpu.dynamic_gather %add3A_544[%gather3A_545] in [0] : vector<16xf32>, vector<16xi32> -> vector<16xf32>
        %add3A_547 = arith.addf %add3A_544, %gather3A_546 : vector<16xf32>
        %gather3A_548 = vector.shape_cast %reshape3A_12 : vector<16x1xi32> to vector<16xi32>
        %gather3A_549 = tpu.dynamic_gather %add3A_547[%gather3A_548] in [0] : vector<16xf32>, vector<16xi32> -> vector<16xf32>
        %add3A_550 = arith.addf %add3A_547, %gather3A_549 : vector<16xf32>
        %gather3A_551 = vector.shape_cast %reshape3A_16 : vector<16x1xi32> to vector<16xi32>
        %gather3A_552 = tpu.dynamic_gather %add3A_550[%gather3A_551] in [0] : vector<16xf32>, vector<16xi32> -> vector<16xf32>
        %add3A_553 = arith.addf %add3A_550, %gather3A_552 : vector<16xf32>
        %ne3A_554 = arith.constant 0.000000e+00 : f32
        %ne3A_555 = vector.broadcast %ne3A_554 : f32 to vector<16xf32>
        %ne3A_556 = arith.cmpf one, %add3A_553, %ne3A_555 : vector<16xf32>
        %add3A_557 = arith.addf %select_n3A_502, %get3A_520 : vector<16xf32>
        %select_n3A_558 = arith.select %ne3A_556, %add3A_557, %select_n3A_502 : vector<16xi1>, vector<16xf32>
        %add3A_559 = arith.addf %select_n3A_504, %get3A_526 : vector<16xf32>
        %select_n3A_560 = arith.select %ne3A_556, %add3A_559, %select_n3A_504 : vector<16xi1>, vector<16xf32>
        %add3A_561 = arith.addf %select_n3A_506, %get3A_532 : vector<16xf32>
        %select_n3A_562 = arith.select %ne3A_556, %add3A_561, %select_n3A_506 : vector<16xi1>, vector<16xf32>
        %add3A_563 = arith.addf %select_n3A_508, %get3A_538 : vector<16xf32>
        %select_n3A_564 = arith.select %ne3A_556, %add3A_563, %select_n3A_508 : vector<16xi1>, vector<16xf32>
        %add3A_565 = arith.constant 1.000000e+00 : f32
        %add3A_566 = vector.broadcast %add3A_565 : f32 to vector<16xf32>
        %add3A_567 = arith.addf %select_n3A_512, %add3A_566 : vector<16xf32>
        %select_n3A_568 = arith.select %ne3A_556, %add3A_567, %select_n3A_512 : vector<16xi1>, vector<16xf32>
        %add3A_569 = arith.constant 3 : i32
        %add3A_570 = arith.addi %add3A_404, %add3A_569 : i32
        %get3A_571 = arith.constant 3 : i32
        %get3A_572 = arith.index_cast %get3A_571 : i32 to index
        %get3A_573 = arith.index_cast %add3A_570 : i32 to index
        %get3A_574 = arith.constant 0 : index
        %get3A_575 = tpu.vector_load %arg6[%get3A_572, %get3A_573, %get3A_574] {strides = array<i32>} : memref<4x200x64xf32, #tpu.memory_space<vmem>>, vector<1x1x16xf32>,
        %get3A_576 = vector.shape_cast %get3A_575 : vector<1x1x16xf32> to vector<16xf32>
        %get3A_577 = arith.constant 3 : i32
        %get3A_578 = arith.index_cast %get3A_577 : i32 to index
        %get3A_579 = arith.index_cast %add3A_570 : i32 to index
        %get3A_580 = arith.constant 16 : index
        %get3A_581 = tpu.vector_load %arg6[%get3A_578, %get3A_579, %get3A_580] {strides = array<i32>} : memref<4x200x64xf32, #tpu.memory_space<vmem>>, vector<1x1x16xf32>,
        %get3A_582 = vector.shape_cast %get3A_581 : vector<1x1x16xf32> to vector<16xf32>
        %get3A_583 = arith.constant 3 : i32
        %get3A_584 = arith.index_cast %get3A_583 : i32 to index
        %get3A_585 = arith.index_cast %add3A_570 : i32 to index
        %get3A_586 = arith.constant 32 : index
        %get3A_587 = tpu.vector_load %arg6[%get3A_584, %get3A_585, %get3A_586] {strides = array<i32>} : memref<4x200x64xf32, #tpu.memory_space<vmem>>, vector<1x1x16xf32>,
        %get3A_588 = vector.shape_cast %get3A_587 : vector<1x1x16xf32> to vector<16xf32>
        %get3A_589 = arith.constant 3 : i32
        %get3A_590 = arith.index_cast %get3A_589 : i32 to index
        %get3A_591 = arith.index_cast %add3A_570 : i32 to index
        %get3A_592 = arith.constant 48 : index
        %get3A_593 = tpu.vector_load %arg6[%get3A_590, %get3A_591, %get3A_592] {strides = array<i32>} : memref<4x200x64xf32, #tpu.memory_space<vmem>>, vector<1x1x16xf32>,
        %get3A_594 = vector.shape_cast %get3A_593 : vector<1x1x16xf32> to vector<16xf32>
        %add3A_595 = arith.addf %get3A_576, %get3A_582 : vector<16xf32>
        %add3A_596 = arith.addf %get3A_588, %get3A_594 : vector<16xf32>
        %add3A_597 = arith.addf %add3A_595, %add3A_596 : vector<16xf32>
        %gather3A_598 = vector.shape_cast %reshape3A : vector<16x1xi32> to vector<16xi32>
        %gather3A_599 = tpu.dynamic_gather %add3A_597[%gather3A_598] in [0] : vector<16xf32>, vector<16xi32> -> vector<16xf32>
        %add3A_600 = arith.addf %add3A_597, %gather3A_599 : vector<16xf32>
        %gather3A_601 = vector.shape_cast %reshape3A_8 : vector<16x1xi32> to vector<16xi32>
        %gather3A_602 = tpu.dynamic_gather %add3A_600[%gather3A_601] in [0] : vector<16xf32>, vector<16xi32> -> vector<16xf32>
        %add3A_603 = arith.addf %add3A_600, %gather3A_602 : vector<16xf32>
        %gather3A_604 = vector.shape_cast %reshape3A_12 : vector<16x1xi32> to vector<16xi32>
        %gather3A_605 = tpu.dynamic_gather %add3A_603[%gather3A_604] in [0] : vector<16xf32>, vector<16xi32> -> vector<16xf32>
        %add3A_606 = arith.addf %add3A_603, %gather3A_605 : vector<16xf32>
        %gather3A_607 = vector.shape_cast %reshape3A_16 : vector<16x1xi32> to vector<16xi32>
        %gather3A_608 = tpu.dynamic_gather %add3A_606[%gather3A_607] in [0] : vector<16xf32>, vector<16xi32> -> vector<16xf32>
        %add3A_609 = arith.addf %add3A_606, %gather3A_608 : vector<16xf32>
        %ne3A_610 = arith.constant 0.000000e+00 : f32
        %ne3A_611 = vector.broadcast %ne3A_610 : f32 to vector<16xf32>
        %ne3A_612 = arith.cmpf one, %add3A_609, %ne3A_611 : vector<16xf32>
        %add3A_613 = arith.addf %select_n3A_558, %get3A_576 : vector<16xf32>
        %select_n3A_614 = arith.select %ne3A_612, %add3A_613, %select_n3A_558 : vector<16xi1>, vector<16xf32>
        %add3A_615 = arith.addf %select_n3A_560, %get3A_582 : vector<16xf32>
        %select_n3A_616 = arith.select %ne3A_612, %add3A_615, %select_n3A_560 : vector<16xi1>, vector<16xf32>
        %add3A_617 = arith.addf %select_n3A_562, %get3A_588 : vector<16xf32>
        %select_n3A_618 = arith.select %ne3A_612, %add3A_617, %select_n3A_562 : vector<16xi1>, vector<16xf32>
        %add3A_619 = arith.addf %select_n3A_564, %get3A_594 : vector<16xf32>
        %select_n3A_620 = arith.select %ne3A_612, %add3A_619, %select_n3A_564 : vector<16xi1>, vector<16xf32>
        %add3A_621 = arith.constant 1.000000e+00 : f32
        %add3A_622 = vector.broadcast %add3A_621 : f32 to vector<16xf32>
        %add3A_623 = arith.addf %select_n3A_568, %add3A_622 : vector<16xf32>
        %select_n3A_624 = arith.select %ne3A_612, %add3A_623, %select_n3A_568 : vector<16xi1>, vector<16xf32>
        %add3A_625 = arith.constant 4 : i32
        %add3A_626 = arith.addi %add3A_404, %add3A_625 : i32
        %get3A_627 = arith.constant 3 : i32
        %get3A_628 = arith.index_cast %get3A_627 : i32 to index
        %get3A_629 = arith.index_cast %add3A_626 : i32 to index
        %get3A_630 = arith.constant 0 : index
        %get3A_631 = tpu.vector_load %arg6[%get3A_628, %get3A_629, %get3A_630] {strides = array<i32>} : memref<4x200x64xf32, #tpu.memory_space<vmem>>, vector<1x1x16xf32>,
        %get3A_632 = vector.shape_cast %get3A_631 : vector<1x1x16xf32> to vector<16xf32>
        %get3A_633 = arith.constant 3 : i32
        %get3A_634 = arith.index_cast %get3A_633 : i32 to index
        %get3A_635 = arith.index_cast %add3A_626 : i32 to index
        %get3A_636 = arith.constant 16 : index
        %get3A_637 = tpu.vector_load %arg6[%get3A_634, %get3A_635, %get3A_636] {strides = array<i32>} : memref<4x200x64xf32, #tpu.memory_space<vmem>>, vector<1x1x16xf32>,
        %get3A_638 = vector.shape_cast %get3A_637 : vector<1x1x16xf32> to vector<16xf32>
        %get3A_639 = arith.constant 3 : i32
        %get3A_640 = arith.index_cast %get3A_639 : i32 to index
        %get3A_641 = arith.index_cast %add3A_626 : i32 to index
        %get3A_642 = arith.constant 32 : index
        %get3A_643 = tpu.vector_load %arg6[%get3A_640, %get3A_641, %get3A_642] {strides = array<i32>} : memref<4x200x64xf32, #tpu.memory_space<vmem>>, vector<1x1x16xf32>,
        %get3A_644 = vector.shape_cast %get3A_643 : vector<1x1x16xf32> to vector<16xf32>
        %get3A_645 = arith.constant 3 : i32
        %get3A_646 = arith.index_cast %get3A_645 : i32 to index
        %get3A_647 = arith.index_cast %add3A_626 : i32 to index
        %get3A_648 = arith.constant 48 : index
        %get3A_649 = tpu.vector_load %arg6[%get3A_646, %get3A_647, %get3A_648] {strides = array<i32>} : memref<4x200x64xf32, #tpu.memory_space<vmem>>, vector<1x1x16xf32>,
        %get3A_650 = vector.shape_cast %get3A_649 : vector<1x1x16xf32> to vector<16xf32>
        %add3A_651 = arith.addf %get3A_632, %get3A_638 : vector<16xf32>
        %add3A_652 = arith.addf %get3A_644, %get3A_650 : vector<16xf32>
        %add3A_653 = arith.addf %add3A_651, %add3A_652 : vector<16xf32>
        %gather3A_654 = vector.shape_cast %reshape3A : vector<16x1xi32> to vector<16xi32>
        %gather3A_655 = tpu.dynamic_gather %add3A_653[%gather3A_654] in [0] : vector<16xf32>, vector<16xi32> -> vector<16xf32>
        %add3A_656 = arith.addf %add3A_653, %gather3A_655 : vector<16xf32>
        %gather3A_657 = vector.shape_cast %reshape3A_8 : vector<16x1xi32> to vector<16xi32>
        %gather3A_658 = tpu.dynamic_gather %add3A_656[%gather3A_657] in [0] : vector<16xf32>, vector<16xi32> -> vector<16xf32>
        %add3A_659 = arith.addf %add3A_656, %gather3A_658 : vector<16xf32>
        %gather3A_660 = vector.shape_cast %reshape3A_12 : vector<16x1xi32> to vector<16xi32>
        %gather3A_661 = tpu.dynamic_gather %add3A_659[%gather3A_660] in [0] : vector<16xf32>, vector<16xi32> -> vector<16xf32>
        %add3A_662 = arith.addf %add3A_659, %gather3A_661 : vector<16xf32>
        %gather3A_663 = vector.shape_cast %reshape3A_16 : vector<16x1xi32> to vector<16xi32>
        %gather3A_664 = tpu.dynamic_gather %add3A_662[%gather3A_663] in [0] : vector<16xf32>, vector<16xi32> -> vector<16xf32>
        %add3A_665 = arith.addf %add3A_662, %gather3A_664 : vector<16xf32>
        %ne3A_666 = arith.constant 0.000000e+00 : f32
        %ne3A_667 = vector.broadcast %ne3A_666 : f32 to vector<16xf32>
        %ne3A_668 = arith.cmpf one, %add3A_665, %ne3A_667 : vector<16xf32>
        %add3A_669 = arith.addf %select_n3A_614, %get3A_632 : vector<16xf32>
        %select_n3A_670 = arith.select %ne3A_668, %add3A_669, %select_n3A_614 : vector<16xi1>, vector<16xf32>
        %add3A_671 = arith.addf %select_n3A_616, %get3A_638 : vector<16xf32>
        %select_n3A_672 = arith.select %ne3A_668, %add3A_671, %select_n3A_616 : vector<16xi1>, vector<16xf32>
        %add3A_673 = arith.addf %select_n3A_618, %get3A_644 : vector<16xf32>
        %select_n3A_674 = arith.select %ne3A_668, %add3A_673, %select_n3A_618 : vector<16xi1>, vector<16xf32>
        %add3A_675 = arith.addf %select_n3A_620, %get3A_650 : vector<16xf32>
        %select_n3A_676 = arith.select %ne3A_668, %add3A_675, %select_n3A_620 : vector<16xi1>, vector<16xf32>
        %add3A_677 = arith.constant 1.000000e+00 : f32
        %add3A_678 = vector.broadcast %add3A_677 : f32 to vector<16xf32>
        %add3A_679 = arith.addf %select_n3A_624, %add3A_678 : vector<16xf32>
        %select_n3A_680 = arith.select %ne3A_668, %add3A_679, %select_n3A_624 : vector<16xi1>, vector<16xf32>
        %add3A_681 = arith.constant 5 : i32
        %add3A_682 = arith.addi %add3A_404, %add3A_681 : i32
        %get3A_683 = arith.constant 3 : i32
        %get3A_684 = arith.index_cast %get3A_683 : i32 to index
        %get3A_685 = arith.index_cast %add3A_682 : i32 to index
        %get3A_686 = arith.constant 0 : index
        %get3A_687 = tpu.vector_load %arg6[%get3A_684, %get3A_685, %get3A_686] {strides = array<i32>} : memref<4x200x64xf32, #tpu.memory_space<vmem>>, vector<1x1x16xf32>,
        %get3A_688 = vector.shape_cast %get3A_687 : vector<1x1x16xf32> to vector<16xf32>
        %get3A_689 = arith.constant 3 : i32
        %get3A_690 = arith.index_cast %get3A_689 : i32 to index
        %get3A_691 = arith.index_cast %add3A_682 : i32 to index
        %get3A_692 = arith.constant 16 : index
        %get3A_693 = tpu.vector_load %arg6[%get3A_690, %get3A_691, %get3A_692] {strides = array<i32>} : memref<4x200x64xf32, #tpu.memory_space<vmem>>, vector<1x1x16xf32>,
        %get3A_694 = vector.shape_cast %get3A_693 : vector<1x1x16xf32> to vector<16xf32>
        %get3A_695 = arith.constant 3 : i32
        %get3A_696 = arith.index_cast %get3A_695 : i32 to index
        %get3A_697 = arith.index_cast %add3A_682 : i32 to index
        %get3A_698 = arith.constant 32 : index
        %get3A_699 = tpu.vector_load %arg6[%get3A_696, %get3A_697, %get3A_698] {strides = array<i32>} : memref<4x200x64xf32, #tpu.memory_space<vmem>>, vector<1x1x16xf32>,
        %get3A_700 = vector.shape_cast %get3A_699 : vector<1x1x16xf32> to vector<16xf32>
        %get3A_701 = arith.constant 3 : i32
        %get3A_702 = arith.index_cast %get3A_701 : i32 to index
        %get3A_703 = arith.index_cast %add3A_682 : i32 to index
        %get3A_704 = arith.constant 48 : index
        %get3A_705 = tpu.vector_load %arg6[%get3A_702, %get3A_703, %get3A_704] {strides = array<i32>} : memref<4x200x64xf32, #tpu.memory_space<vmem>>, vector<1x1x16xf32>,
        %get3A_706 = vector.shape_cast %get3A_705 : vector<1x1x16xf32> to vector<16xf32>
        %add3A_707 = arith.addf %get3A_688, %get3A_694 : vector<16xf32>
        %add3A_708 = arith.addf %get3A_700, %get3A_706 : vector<16xf32>
        %add3A_709 = arith.addf %add3A_707, %add3A_708 : vector<16xf32>
        %gather3A_710 = vector.shape_cast %reshape3A : vector<16x1xi32> to vector<16xi32>
        %gather3A_711 = tpu.dynamic_gather %add3A_709[%gather3A_710] in [0] : vector<16xf32>, vector<16xi32> -> vector<16xf32>
        %add3A_712 = arith.addf %add3A_709, %gather3A_711 : vector<16xf32>
        %gather3A_713 = vector.shape_cast %reshape3A_8 : vector<16x1xi32> to vector<16xi32>
        %gather3A_714 = tpu.dynamic_gather %add3A_712[%gather3A_713] in [0] : vector<16xf32>, vector<16xi32> -> vector<16xf32>
        %add3A_715 = arith.addf %add3A_712, %gather3A_714 : vector<16xf32>
        %gather3A_716 = vector.shape_cast %reshape3A_12 : vector<16x1xi32> to vector<16xi32>
        %gather3A_717 = tpu.dynamic_gather %add3A_715[%gather3A_716] in [0] : vector<16xf32>, vector<16xi32> -> vector<16xf32>
        %add3A_718 = arith.addf %add3A_715, %gather3A_717 : vector<16xf32>
        %gather3A_719 = vector.shape_cast %reshape3A_16 : vector<16x1xi32> to vector<16xi32>
        %gather3A_720 = tpu.dynamic_gather %add3A_718[%gather3A_719] in [0] : vector<16xf32>, vector<16xi32> -> vector<16xf32>
        %add3A_721 = arith.addf %add3A_718, %gather3A_720 : vector<16xf32>
        %ne3A_722 = arith.constant 0.000000e+00 : f32
        %ne3A_723 = vector.broadcast %ne3A_722 : f32 to vector<16xf32>
        %ne3A_724 = arith.cmpf one, %add3A_721, %ne3A_723 : vector<16xf32>
        %add3A_725 = arith.addf %select_n3A_670, %get3A_688 : vector<16xf32>
        %select_n3A_726 = arith.select %ne3A_724, %add3A_725, %select_n3A_670 : vector<16xi1>, vector<16xf32>
        %add3A_727 = arith.addf %select_n3A_672, %get3A_694 : vector<16xf32>
        %select_n3A_728 = arith.select %ne3A_724, %add3A_727, %select_n3A_672 : vector<16xi1>, vector<16xf32>
        %add3A_729 = arith.addf %select_n3A_674, %get3A_700 : vector<16xf32>
        %select_n3A_730 = arith.select %ne3A_724, %add3A_729, %select_n3A_674 : vector<16xi1>, vector<16xf32>
        %add3A_731 = arith.addf %select_n3A_676, %get3A_706 : vector<16xf32>
        %select_n3A_732 = arith.select %ne3A_724, %add3A_731, %select_n3A_676 : vector<16xi1>, vector<16xf32>
        %add3A_733 = arith.constant 1.000000e+00 : f32
        %add3A_734 = vector.broadcast %add3A_733 : f32 to vector<16xf32>
        %add3A_735 = arith.addf %select_n3A_680, %add3A_734 : vector<16xf32>
        %select_n3A_736 = arith.select %ne3A_724, %add3A_735, %select_n3A_680 : vector<16xi1>, vector<16xf32>
        %add3A_737 = arith.constant 6 : i32
        %add3A_738 = arith.addi %add3A_404, %add3A_737 : i32
        %get3A_739 = arith.constant 3 : i32
        %get3A_740 = arith.index_cast %get3A_739 : i32 to index
        %get3A_741 = arith.index_cast %add3A_738 : i32 to index
        %get3A_742 = arith.constant 0 : index
        %get3A_743 = tpu.vector_load %arg6[%get3A_740, %get3A_741, %get3A_742] {strides = array<i32>} : memref<4x200x64xf32, #tpu.memory_space<vmem>>, vector<1x1x16xf32>,
        %get3A_744 = vector.shape_cast %get3A_743 : vector<1x1x16xf32> to vector<16xf32>
        %get3A_745 = arith.constant 3 : i32
        %get3A_746 = arith.index_cast %get3A_745 : i32 to index
        %get3A_747 = arith.index_cast %add3A_738 : i32 to index
        %get3A_748 = arith.constant 16 : index
        %get3A_749 = tpu.vector_load %arg6[%get3A_746, %get3A_747, %get3A_748] {strides = array<i32>} : memref<4x200x64xf32, #tpu.memory_space<vmem>>, vector<1x1x16xf32>,
        %get3A_750 = vector.shape_cast %get3A_749 : vector<1x1x16xf32> to vector<16xf32>
        %get3A_751 = arith.constant 3 : i32
        %get3A_752 = arith.index_cast %get3A_751 : i32 to index
        %get3A_753 = arith.index_cast %add3A_738 : i32 to index
        %get3A_754 = arith.constant 32 : index
        %get3A_755 = tpu.vector_load %arg6[%get3A_752, %get3A_753, %get3A_754] {strides = array<i32>} : memref<4x200x64xf32, #tpu.memory_space<vmem>>, vector<1x1x16xf32>,
        %get3A_756 = vector.shape_cast %get3A_755 : vector<1x1x16xf32> to vector<16xf32>
        %get3A_757 = arith.constant 3 : i32
        %get3A_758 = arith.index_cast %get3A_757 : i32 to index
        %get3A_759 = arith.index_cast %add3A_738 : i32 to index
        %get3A_760 = arith.constant 48 : index
        %get3A_761 = tpu.vector_load %arg6[%get3A_758, %get3A_759, %get3A_760] {strides = array<i32>} : memref<4x200x64xf32, #tpu.memory_space<vmem>>, vector<1x1x16xf32>,
        %get3A_762 = vector.shape_cast %get3A_761 : vector<1x1x16xf32> to vector<16xf32>
        %add3A_763 = arith.addf %get3A_744, %get3A_750 : vector<16xf32>
        %add3A_764 = arith.addf %get3A_756, %get3A_762 : vector<16xf32>
        %add3A_765 = arith.addf %add3A_763, %add3A_764 : vector<16xf32>
        %gather3A_766 = vector.shape_cast %reshape3A : vector<16x1xi32> to vector<16xi32>
        %gather3A_767 = tpu.dynamic_gather %add3A_765[%gather3A_766] in [0] : vector<16xf32>, vector<16xi32> -> vector<16xf32>
        %add3A_768 = arith.addf %add3A_765, %gather3A_767 : vector<16xf32>
        %gather3A_769 = vector.shape_cast %reshape3A_8 : vector<16x1xi32> to vector<16xi32>
        %gather3A_770 = tpu.dynamic_gather %add3A_768[%gather3A_769] in [0] : vector<16xf32>, vector<16xi32> -> vector<16xf32>
        %add3A_771 = arith.addf %add3A_768, %gather3A_770 : vector<16xf32>
        %gather3A_772 = vector.shape_cast %reshape3A_12 : vector<16x1xi32> to vector<16xi32>
        %gather3A_773 = tpu.dynamic_gather %add3A_771[%gather3A_772] in [0] : vector<16xf32>, vector<16xi32> -> vector<16xf32>
        %add3A_774 = arith.addf %add3A_771, %gather3A_773 : vector<16xf32>
        %gather3A_775 = vector.shape_cast %reshape3A_16 : vector<16x1xi32> to vector<16xi32>
        %gather3A_776 = tpu.dynamic_gather %add3A_774[%gather3A_775] in [0] : vector<16xf32>, vector<16xi32> -> vector<16xf32>
        %add3A_777 = arith.addf %add3A_774, %gather3A_776 : vector<16xf32>
        %ne3A_778 = arith.constant 0.000000e+00 : f32
        %ne3A_779 = vector.broadcast %ne3A_778 : f32 to vector<16xf32>
        %ne3A_780 = arith.cmpf one, %add3A_777, %ne3A_779 : vector<16xf32>
        %add3A_781 = arith.addf %select_n3A_726, %get3A_744 : vector<16xf32>
        %select_n3A_782 = arith.select %ne3A_780, %add3A_781, %select_n3A_726 : vector<16xi1>, vector<16xf32>
        %add3A_783 = arith.addf %select_n3A_728, %get3A_750 : vector<16xf32>
        %select_n3A_784 = arith.select %ne3A_780, %add3A_783, %select_n3A_728 : vector<16xi1>, vector<16xf32>
        %add3A_785 = arith.addf %select_n3A_730, %get3A_756 : vector<16xf32>
        %select_n3A_786 = arith.select %ne3A_780, %add3A_785, %select_n3A_730 : vector<16xi1>, vector<16xf32>
        %add3A_787 = arith.addf %select_n3A_732, %get3A_762 : vector<16xf32>
        %select_n3A_788 = arith.select %ne3A_780, %add3A_787, %select_n3A_732 : vector<16xi1>, vector<16xf32>
        %add3A_789 = arith.constant 1.000000e+00 : f32
        %add3A_790 = vector.broadcast %add3A_789 : f32 to vector<16xf32>
        %add3A_791 = arith.addf %select_n3A_736, %add3A_790 : vector<16xf32>
        %select_n3A_792 = arith.select %ne3A_780, %add3A_791, %select_n3A_736 : vector<16xi1>, vector<16xf32>
        %add3A_793 = arith.constant 7 : i32
        %add3A_794 = arith.addi %add3A_404, %add3A_793 : i32
        %get3A_795 = arith.constant 3 : i32
        %get3A_796 = arith.index_cast %get3A_795 : i32 to index
        %get3A_797 = arith.index_cast %add3A_794 : i32 to index
        %get3A_798 = arith.constant 0 : index
        %get3A_799 = tpu.vector_load %arg6[%get3A_796, %get3A_797, %get3A_798] {strides = array<i32>} : memref<4x200x64xf32, #tpu.memory_space<vmem>>, vector<1x1x16xf32>,
        %get3A_800 = vector.shape_cast %get3A_799 : vector<1x1x16xf32> to vector<16xf32>
        %get3A_801 = arith.constant 3 : i32
        %get3A_802 = arith.index_cast %get3A_801 : i32 to index
        %get3A_803 = arith.index_cast %add3A_794 : i32 to index
        %get3A_804 = arith.constant 16 : index
        %get3A_805 = tpu.vector_load %arg6[%get3A_802, %get3A_803, %get3A_804] {strides = array<i32>} : memref<4x200x64xf32, #tpu.memory_space<vmem>>, vector<1x1x16xf32>,
        %get3A_806 = vector.shape_cast %get3A_805 : vector<1x1x16xf32> to vector<16xf32>
        %get3A_807 = arith.constant 3 : i32
        %get3A_808 = arith.index_cast %get3A_807 : i32 to index
        %get3A_809 = arith.index_cast %add3A_794 : i32 to index
        %get3A_810 = arith.constant 32 : index
        %get3A_811 = tpu.vector_load %arg6[%get3A_808, %get3A_809, %get3A_810] {strides = array<i32>} : memref<4x200x64xf32, #tpu.memory_space<vmem>>, vector<1x1x16xf32>,
        %get3A_812 = vector.shape_cast %get3A_811 : vector<1x1x16xf32> to vector<16xf32>
        %get3A_813 = arith.constant 3 : i32
        %get3A_814 = arith.index_cast %get3A_813 : i32 to index
        %get3A_815 = arith.index_cast %add3A_794 : i32 to index
        %get3A_816 = arith.constant 48 : index
        %get3A_817 = tpu.vector_load %arg6[%get3A_814, %get3A_815, %get3A_816] {strides = array<i32>} : memref<4x200x64xf32, #tpu.memory_space<vmem>>, vector<1x1x16xf32>,
        %get3A_818 = vector.shape_cast %get3A_817 : vector<1x1x16xf32> to vector<16xf32>
        %add3A_819 = arith.addf %get3A_800, %get3A_806 : vector<16xf32>
        %add3A_820 = arith.addf %get3A_812, %get3A_818 : vector<16xf32>
        %add3A_821 = arith.addf %add3A_819, %add3A_820 : vector<16xf32>
        %gather3A_822 = vector.shape_cast %reshape3A : vector<16x1xi32> to vector<16xi32>
        %gather3A_823 = tpu.dynamic_gather %add3A_821[%gather3A_822] in [0] : vector<16xf32>, vector<16xi32> -> vector<16xf32>
        %add3A_824 = arith.addf %add3A_821, %gather3A_823 : vector<16xf32>
        %gather3A_825 = vector.shape_cast %reshape3A_8 : vector<16x1xi32> to vector<16xi32>
        %gather3A_826 = tpu.dynamic_gather %add3A_824[%gather3A_825] in [0] : vector<16xf32>, vector<16xi32> -> vector<16xf32>
        %add3A_827 = arith.addf %add3A_824, %gather3A_826 : vector<16xf32>
        %gather3A_828 = vector.shape_cast %reshape3A_12 : vector<16x1xi32> to vector<16xi32>
        %gather3A_829 = tpu.dynamic_gather %add3A_827[%gather3A_828] in [0] : vector<16xf32>, vector<16xi32> -> vector<16xf32>
        %add3A_830 = arith.addf %add3A_827, %gather3A_829 : vector<16xf32>
        %gather3A_831 = vector.shape_cast %reshape3A_16 : vector<16x1xi32> to vector<16xi32>
        %gather3A_832 = tpu.dynamic_gather %add3A_830[%gather3A_831] in [0] : vector<16xf32>, vector<16xi32> -> vector<16xf32>
        %add3A_833 = arith.addf %add3A_830, %gather3A_832 : vector<16xf32>
        %ne3A_834 = arith.constant 0.000000e+00 : f32
        %ne3A_835 = vector.broadcast %ne3A_834 : f32 to vector<16xf32>
        %ne3A_836 = arith.cmpf one, %add3A_833, %ne3A_835 : vector<16xf32>
        %add3A_837 = arith.addf %select_n3A_782, %get3A_800 : vector<16xf32>
        %select_n3A_838 = arith.select %ne3A_836, %add3A_837, %select_n3A_782 : vector<16xi1>, vector<16xf32>
        %add3A_839 = arith.addf %select_n3A_784, %get3A_806 : vector<16xf32>
        %select_n3A_840 = arith.select %ne3A_836, %add3A_839, %select_n3A_784 : vector<16xi1>, vector<16xf32>
        %add3A_841 = arith.addf %select_n3A_786, %get3A_812 : vector<16xf32>
        %select_n3A_842 = arith.select %ne3A_836, %add3A_841, %select_n3A_786 : vector<16xi1>, vector<16xf32>
        %add3A_843 = arith.addf %select_n3A_788, %get3A_818 : vector<16xf32>
        %select_n3A_844 = arith.select %ne3A_836, %add3A_843, %select_n3A_788 : vector<16xi1>, vector<16xf32>
        %add3A_845 = arith.constant 1.000000e+00 : f32
        %add3A_846 = vector.broadcast %add3A_845 : f32 to vector<16xf32>
        %add3A_847 = arith.addf %select_n3A_792, %add3A_846 : vector<16xf32>
        %select_n3A_848 = arith.select %ne3A_836, %add3A_847, %select_n3A_792 : vector<16xi1>, vector<16xf32>
        scf.yield %select_n3A_838, %select_n3A_840, %select_n3A_842, %select_n3A_844, %select_n3A_848 : vector<16xf32>, vector<16xf32>, vector<16xf32>, vector<16xf32>, vector<16xf32>
      }
      %scan3A_347 = arith.constant 16 : i32
      %dma_wait3A_348 = arith.constant 3 : i32
      %dma_wait3A_349 = arith.constant 128 : i32
      %dma_wait3A_350 = arith.constant 0 : i32
      %dma_wait3A_351 = tpu.memref_slice %arg6[%dma_wait3A_348, %dma_wait3A_349, %dma_wait3A_350] : memref<4x200x64xf32, #tpu.memory_space<vmem>> -> memref<1x72x64xf32, #tpu.memory_space<vmem>>
      %dma_wait3A_352 = tpu.memref_squeeze %dma_wait3A_351 : memref<1x72x64xf32, #tpu.memory_space<vmem>> -> memref<72x64xf32, #tpu.memory_space<vmem>>
      %dma_wait3A_353 = arith.constant 128 : i32
      %dma_wait3A_354 = tpu.memref_slice %arg5[%add3A_319, %dma_wait3A_353] : memref<128x200xi32, #tpu.memory_space<vmem>> -> memref<1x72xi32, #tpu.memory_space<vmem>>
      %dma_wait3A_355 = tpu.memref_squeeze %dma_wait3A_354 : memref<1x72xi32, #tpu.memory_space<vmem>> -> memref<72xi32, #tpu.memory_space<vmem>>
      %dma_wait3A_356 = arith.constant 0 : i32
      %dma_wait3A_357 = arith.constant 0 : i32
      %dma_wait3A_358 = tpu.memref_slice %arg2[%dma_wait3A_356, %dma_wait3A_357] : memref<1000000x64xf32, #tpu.memory_space<hbm>> -> memref<1000000x64xf32, #tpu.memory_space<hbm>>
      tpu.wait_indirect_dma semaphore(%arg15 : memref<!tpu.dma_semaphore, #tpu.memory_space<semaphore_mem>>) src(%dma_wait3A_358 : memref<1000000x64xf32, #tpu.memory_space<hbm>>) dst(%dma_wait3A_352 : memref<72x64xf32, #tpu.memory_space<vmem>>)
      %scan3A_359 = arith.constant 0 : i32
      %scan3A_360 = arith.constant 9 : i32
      %scan3A_361 = arith.addi %scan3A_359, %scan3A_360 : i32
      %scan3A_362 = arith.constant 1 : i32
      %scan3A_363:5 = scf.for %scan3A_395 = %scan3A_359 to %scan3A_361 step %scan3A_362 iter_args(%scan3A_396 = %scan3A_346#0, %scan3A_397 = %scan3A_346#1, %scan3A_398 = %scan3A_346#2, %scan3A_399 = %scan3A_346#3, %scan3A_400 = %scan3A_346#4) -> (vector<16xf32>, vector<16xf32>, vector<16xf32>, vector<16xf32>, vector<16xf32>)  : i32 {
        %mul3A_401 = arith.constant 8 : i32
        %mul3A_402 = arith.muli %scan3A_395, %mul3A_401 : i32
        %add3A_403 = arith.constant 128 : i32
        %add3A_404 = arith.addi %add3A_403, %mul3A_402 : i32
        %add3A_405 = arith.constant 0 : i32
        %add3A_406 = arith.addi %add3A_404, %add3A_405 : i32
        %get3A = arith.constant 3 : i32
        %get3A_407 = arith.index_cast %get3A : i32 to index
        %get3A_408 = arith.index_cast %add3A_406 : i32 to index
        %get3A_409 = arith.constant 0 : index
        %get3A_410 = tpu.vector_load %arg6[%get3A_407, %get3A_408, %get3A_409] {strides = array<i32>} : memref<4x200x64xf32, #tpu.memory_space<vmem>>, vector<1x1x16xf32>,
        %get3A_411 = vector.shape_cast %get3A_410 : vector<1x1x16xf32> to vector<16xf32>
        %get3A_412 = arith.constant 3 : i32
        %get3A_413 = arith.index_cast %get3A_412 : i32 to index
        %get3A_414 = arith.index_cast %add3A_406 : i32 to index
        %get3A_415 = arith.constant 16 : index
        %get3A_416 = tpu.vector_load %arg6[%get3A_413, %get3A_414, %get3A_415] {strides = array<i32>} : memref<4x200x64xf32, #tpu.memory_space<vmem>>, vector<1x1x16xf32>,
        %get3A_417 = vector.shape_cast %get3A_416 : vector<1x1x16xf32> to vector<16xf32>
        %get3A_418 = arith.constant 3 : i32
        %get3A_419 = arith.index_cast %get3A_418 : i32 to index
        %get3A_420 = arith.index_cast %add3A_406 : i32 to index
        %get3A_421 = arith.constant 32 : index
        %get3A_422 = tpu.vector_load %arg6[%get3A_419, %get3A_420, %get3A_421] {strides = array<i32>} : memref<4x200x64xf32, #tpu.memory_space<vmem>>, vector<1x1x16xf32>,
        %get3A_423 = vector.shape_cast %get3A_422 : vector<1x1x16xf32> to vector<16xf32>
        %get3A_424 = arith.constant 3 : i32
        %get3A_425 = arith.index_cast %get3A_424 : i32 to index
        %get3A_426 = arith.index_cast %add3A_406 : i32 to index
        %get3A_427 = arith.constant 48 : index
        %get3A_428 = tpu.vector_load %arg6[%get3A_425, %get3A_426, %get3A_427] {strides = array<i32>} : memref<4x200x64xf32, #tpu.memory_space<vmem>>, vector<1x1x16xf32>,
        %get3A_429 = vector.shape_cast %get3A_428 : vector<1x1x16xf32> to vector<16xf32>
        %add3A_430 = arith.addf %get3A_411, %get3A_417 : vector<16xf32>
        %add3A_431 = arith.addf %get3A_423, %get3A_429 : vector<16xf32>
        %add3A_432 = arith.addf %add3A_430, %add3A_431 : vector<16xf32>
        %gather3A = vector.shape_cast %reshape3A : vector<16x1xi32> to vector<16xi32>
        %gather3A_433 = tpu.dynamic_gather %add3A_432[%gather3A] in [0] : vector<16xf32>, vector<16xi32> -> vector<16xf32>
        %add3A_434 = arith.addf %add3A_432, %gather3A_433 : vector<16xf32>
        %gather3A_435 = vector.shape_cast %reshape3A_8 : vector<16x1xi32> to vector<16xi32>
        %gather3A_436 = tpu.dynamic_gather %add3A_434[%gather3A_435] in [0] : vector<16xf32>, vector<16xi32> -> vector<16xf32>
        %add3A_437 = arith.addf %add3A_434, %gather3A_436 : vector<16xf32>
        %gather3A_438 = vector.shape_cast %reshape3A_12 : vector<16x1xi32> to vector<16xi32>
        %gather3A_439 = tpu.dynamic_gather %add3A_437[%gather3A_438] in [0] : vector<16xf32>, vector<16xi32> -> vector<16xf32>
        %add3A_440 = arith.addf %add3A_437, %gather3A_439 : vector<16xf32>
        %gather3A_441 = vector.shape_cast %reshape3A_16 : vector<16x1xi32> to vector<16xi32>
        %gather3A_442 = tpu.dynamic_gather %add3A_440[%gather3A_441] in [0] : vector<16xf32>, vector<16xi32> -> vector<16xf32>
        %add3A_443 = arith.addf %add3A_440, %gather3A_442 : vector<16xf32>
        %ne3A = arith.constant 0.000000e+00 : f32
        %ne3A_444 = vector.broadcast %ne3A : f32 to vector<16xf32>
        %ne3A_445 = arith.cmpf one, %add3A_443, %ne3A_444 : vector<16xf32>
        %add3A_446 = arith.addf %scan3A_396, %get3A_411 : vector<16xf32>
        %select_n3A = arith.select %ne3A_445, %add3A_446, %scan3A_396 : vector<16xi1>, vector<16xf32>
        %add3A_447 = arith.addf %scan3A_397, %get3A_417 : vector<16xf32>
        %select_n3A_448 = arith.select %ne3A_445, %add3A_447, %scan3A_397 : vector<16xi1>, vector<16xf32>
        %add3A_449 = arith.addf %scan3A_398, %get3A_423 : vector<16xf32>
        %select_n3A_450 = arith.select %ne3A_445, %add3A_449, %scan3A_398 : vector<16xi1>, vector<16xf32>
        %add3A_451 = arith.addf %scan3A_399, %get3A_429 : vector<16xf32>
        %select_n3A_452 = arith.select %ne3A_445, %add3A_451, %scan3A_399 : vector<16xi1>, vector<16xf32>
        %add3A_453 = arith.constant 1.000000e+00 : f32
        %add3A_454 = vector.broadcast %add3A_453 : f32 to vector<16xf32>
        %add3A_455 = arith.addf %scan3A_400, %add3A_454 : vector<16xf32>
        %select_n3A_456 = arith.select %ne3A_445, %add3A_455, %scan3A_400 : vector<16xi1>, vector<16xf32>
        %add3A_457 = arith.constant 1 : i32
        %add3A_458 = arith.addi %add3A_404, %add3A_457 : i32
        %get3A_459 = arith.constant 3 : i32
        %get3A_460 = arith.index_cast %get3A_459 : i32 to index
        %get3A_461 = arith.index_cast %add3A_458 : i32 to index
        %get3A_462 = arith.constant 0 : index
        %get3A_463 = tpu.vector_load %arg6[%get3A_460, %get3A_461, %get3A_462] {strides = array<i32>} : memref<4x200x64xf32, #tpu.memory_space<vmem>>, vector<1x1x16xf32>,
        %get3A_464 = vector.shape_cast %get3A_463 : vector<1x1x16xf32> to vector<16xf32>
        %get3A_465 = arith.constant 3 : i32
        %get3A_466 = arith.index_cast %get3A_465 : i32 to index
        %get3A_467 = arith.index_cast %add3A_458 : i32 to index
        %get3A_468 = arith.constant 16 : index
        %get3A_469 = tpu.vector_load %arg6[%get3A_466, %get3A_467, %get3A_468] {strides = array<i32>} : memref<4x200x64xf32, #tpu.memory_space<vmem>>, vector<1x1x16xf32>,
        %get3A_470 = vector.shape_cast %get3A_469 : vector<1x1x16xf32> to vector<16xf32>
        %get3A_471 = arith.constant 3 : i32
        %get3A_472 = arith.index_cast %get3A_471 : i32 to index
        %get3A_473 = arith.index_cast %add3A_458 : i32 to index
        %get3A_474 = arith.constant 32 : index
        %get3A_475 = tpu.vector_load %arg6[%get3A_472, %get3A_473, %get3A_474] {strides = array<i32>} : memref<4x200x64xf32, #tpu.memory_space<vmem>>, vector<1x1x16xf32>,
        %get3A_476 = vector.shape_cast %get3A_475 : vector<1x1x16xf32> to vector<16xf32>
        %get3A_477 = arith.constant 3 : i32
        %get3A_478 = arith.index_cast %get3A_477 : i32 to index
        %get3A_479 = arith.index_cast %add3A_458 : i32 to index
        %get3A_480 = arith.constant 48 : index
        %get3A_481 = tpu.vector_load %arg6[%get3A_478, %get3A_479, %get3A_480] {strides = array<i32>} : memref<4x200x64xf32, #tpu.memory_space<vmem>>, vector<1x1x16xf32>,
        %get3A_482 = vector.shape_cast %get3A_481 : vector<1x1x16xf32> to vector<16xf32>
        %add3A_483 = arith.addf %get3A_464, %get3A_470 : vector<16xf32>
        %add3A_484 = arith.addf %get3A_476, %get3A_482 : vector<16xf32>
        %add3A_485 = arith.addf %add3A_483, %add3A_484 : vector<16xf32>
        %gather3A_486 = vector.shape_cast %reshape3A : vector<16x1xi32> to vector<16xi32>
        %gather3A_487 = tpu.dynamic_gather %add3A_485[%gather3A_486] in [0] : vector<16xf32>, vector<16xi32> -> vector<16xf32>
        %add3A_488 = arith.addf %add3A_485, %gather3A_487 : vector<16xf32>
        %gather3A_489 = vector.shape_cast %reshape3A_8 : vector<16x1xi32> to vector<16xi32>
        %gather3A_490 = tpu.dynamic_gather %add3A_488[%gather3A_489] in [0] : vector<16xf32>, vector<16xi32> -> vector<16xf32>
        %add3A_491 = arith.addf %add3A_488, %gather3A_490 : vector<16xf32>
        %gather3A_492 = vector.shape_cast %reshape3A_12 : vector<16x1xi32> to vector<16xi32>
        %gather3A_493 = tpu.dynamic_gather %add3A_491[%gather3A_492] in [0] : vector<16xf32>, vector<16xi32> -> vector<16xf32>
        %add3A_494 = arith.addf %add3A_491, %gather3A_493 : vector<16xf32>
        %gather3A_495 = vector.shape_cast %reshape3A_16 : vector<16x1xi32> to vector<16xi32>
        %gather3A_496 = tpu.dynamic_gather %add3A_494[%gather3A_495] in [0] : vector<16xf32>, vector<16xi32> -> vector<16xf32>
        %add3A_497 = arith.addf %add3A_494, %gather3A_496 : vector<16xf32>
        %ne3A_498 = arith.constant 0.000000e+00 : f32
        %ne3A_499 = vector.broadcast %ne3A_498 : f32 to vector<16xf32>
        %ne3A_500 = arith.cmpf one, %add3A_497, %ne3A_499 : vector<16xf32>
        %add3A_501 = arith.addf %select_n3A, %get3A_464 : vector<16xf32>
        %select_n3A_502 = arith.select %ne3A_500, %add3A_501, %select_n3A : vector<16xi1>, vector<16xf32>
        %add3A_503 = arith.addf %select_n3A_448, %get3A_470 : vector<16xf32>
        %select_n3A_504 = arith.select %ne3A_500, %add3A_503, %select_n3A_448 : vector<16xi1>, vector<16xf32>
        %add3A_505 = arith.addf %select_n3A_450, %get3A_476 : vector<16xf32>
        %select_n3A_506 = arith.select %ne3A_500, %add3A_505, %select_n3A_450 : vector<16xi1>, vector<16xf32>
        %add3A_507 = arith.addf %select_n3A_452, %get3A_482 : vector<16xf32>
        %select_n3A_508 = arith.select %ne3A_500, %add3A_507, %select_n3A_452 : vector<16xi1>, vector<16xf32>
        %add3A_509 = arith.constant 1.000000e+00 : f32
        %add3A_510 = vector.broadcast %add3A_509 : f32 to vector<16xf32>
        %add3A_511 = arith.addf %select_n3A_456, %add3A_510 : vector<16xf32>
        %select_n3A_512 = arith.select %ne3A_500, %add3A_511, %select_n3A_456 : vector<16xi1>, vector<16xf32>
        %add3A_513 = arith.constant 2 : i32
        %add3A_514 = arith.addi %add3A_404, %add3A_513 : i32
        %get3A_515 = arith.constant 3 : i32
        %get3A_516 = arith.index_cast %get3A_515 : i32 to index
        %get3A_517 = arith.index_cast %add3A_514 : i32 to index
        %get3A_518 = arith.constant 0 : index
        %get3A_519 = tpu.vector_load %arg6[%get3A_516, %get3A_517, %get3A_518] {strides = array<i32>} : memref<4x200x64xf32, #tpu.memory_space<vmem>>, vector<1x1x16xf32>,
        %get3A_520 = vector.shape_cast %get3A_519 : vector<1x1x16xf32> to vector<16xf32>
        %get3A_521 = arith.constant 3 : i32
        %get3A_522 = arith.index_cast %get3A_521 : i32 to index
        %get3A_523 = arith.index_cast %add3A_514 : i32 to index
        %get3A_524 = arith.constant 16 : index
        %get3A_525 = tpu.vector_load %arg6[%get3A_522, %get3A_523, %get3A_524] {strides = array<i32>} : memref<4x200x64xf32, #tpu.memory_space<vmem>>, vector<1x1x16xf32>,
        %get3A_526 = vector.shape_cast %get3A_525 : vector<1x1x16xf32> to vector<16xf32>
        %get3A_527 = arith.constant 3 : i32
        %get3A_528 = arith.index_cast %get3A_527 : i32 to index
        %get3A_529 = arith.index_cast %add3A_514 : i32 to index
        %get3A_530 = arith.constant 32 : index
        %get3A_531 = tpu.vector_load %arg6[%get3A_528, %get3A_529, %get3A_530] {strides = array<i32>} : memref<4x200x64xf32, #tpu.memory_space<vmem>>, vector<1x1x16xf32>,
        %get3A_532 = vector.shape_cast %get3A_531 : vector<1x1x16xf32> to vector<16xf32>
        %get3A_533 = arith.constant 3 : i32
        %get3A_534 = arith.index_cast %get3A_533 : i32 to index
        %get3A_535 = arith.index_cast %add3A_514 : i32 to index
        %get3A_536 = arith.constant 48 : index
        %get3A_537 = tpu.vector_load %arg6[%get3A_534, %get3A_535, %get3A_536] {strides = array<i32>} : memref<4x200x64xf32, #tpu.memory_space<vmem>>, vector<1x1x16xf32>,
        %get3A_538 = vector.shape_cast %get3A_537 : vector<1x1x16xf32> to vector<16xf32>
        %add3A_539 = arith.addf %get3A_520, %get3A_526 : vector<16xf32>
        %add3A_540 = arith.addf %get3A_532, %get3A_538 : vector<16xf32>
        %add3A_541 = arith.addf %add3A_539, %add3A_540 : vector<16xf32>
        %gather3A_542 = vector.shape_cast %reshape3A : vector<16x1xi32> to vector<16xi32>
        %gather3A_543 = tpu.dynamic_gather %add3A_541[%gather3A_542] in [0] : vector<16xf32>, vector<16xi32> -> vector<16xf32>
        %add3A_544 = arith.addf %add3A_541, %gather3A_543 : vector<16xf32>
        %gather3A_545 = vector.shape_cast %reshape3A_8 : vector<16x1xi32> to vector<16xi32>
        %gather3A_546 = tpu.dynamic_gather %add3A_544[%gather3A_545] in [0] : vector<16xf32>, vector<16xi32> -> vector<16xf32>
        %add3A_547 = arith.addf %add3A_544, %gather3A_546 : vector<16xf32>
        %gather3A_548 = vector.shape_cast %reshape3A_12 : vector<16x1xi32> to vector<16xi32>
        %gather3A_549 = tpu.dynamic_gather %add3A_547[%gather3A_548] in [0] : vector<16xf32>, vector<16xi32> -> vector<16xf32>
        %add3A_550 = arith.addf %add3A_547, %gather3A_549 : vector<16xf32>
        %gather3A_551 = vector.shape_cast %reshape3A_16 : vector<16x1xi32> to vector<16xi32>
        %gather3A_552 = tpu.dynamic_gather %add3A_550[%gather3A_551] in [0] : vector<16xf32>, vector<16xi32> -> vector<16xf32>
        %add3A_553 = arith.addf %add3A_550, %gather3A_552 : vector<16xf32>
        %ne3A_554 = arith.constant 0.000000e+00 : f32
        %ne3A_555 = vector.broadcast %ne3A_554 : f32 to vector<16xf32>
        %ne3A_556 = arith.cmpf one, %add3A_553, %ne3A_555 : vector<16xf32>
        %add3A_557 = arith.addf %select_n3A_502, %get3A_520 : vector<16xf32>
        %select_n3A_558 = arith.select %ne3A_556, %add3A_557, %select_n3A_502 : vector<16xi1>, vector<16xf32>
        %add3A_559 = arith.addf %select_n3A_504, %get3A_526 : vector<16xf32>
        %select_n3A_560 = arith.select %ne3A_556, %add3A_559, %select_n3A_504 : vector<16xi1>, vector<16xf32>
        %add3A_561 = arith.addf %select_n3A_506, %get3A_532 : vector<16xf32>
        %select_n3A_562 = arith.select %ne3A_556, %add3A_561, %select_n3A_506 : vector<16xi1>, vector<16xf32>
        %add3A_563 = arith.addf %select_n3A_508, %get3A_538 : vector<16xf32>
        %select_n3A_564 = arith.select %ne3A_556, %add3A_563, %select_n3A_508 : vector<16xi1>, vector<16xf32>
        %add3A_565 = arith.constant 1.000000e+00 : f32
        %add3A_566 = vector.broadcast %add3A_565 : f32 to vector<16xf32>
        %add3A_567 = arith.addf %select_n3A_512, %add3A_566 : vector<16xf32>
        %select_n3A_568 = arith.select %ne3A_556, %add3A_567, %select_n3A_512 : vector<16xi1>, vector<16xf32>
        %add3A_569 = arith.constant 3 : i32
        %add3A_570 = arith.addi %add3A_404, %add3A_569 : i32
        %get3A_571 = arith.constant 3 : i32
        %get3A_572 = arith.index_cast %get3A_571 : i32 to index
        %get3A_573 = arith.index_cast %add3A_570 : i32 to index
        %get3A_574 = arith.constant 0 : index
        %get3A_575 = tpu.vector_load %arg6[%get3A_572, %get3A_573, %get3A_574] {strides = array<i32>} : memref<4x200x64xf32, #tpu.memory_space<vmem>>, vector<1x1x16xf32>,
        %get3A_576 = vector.shape_cast %get3A_575 : vector<1x1x16xf32> to vector<16xf32>
        %get3A_577 = arith.constant 3 : i32
        %get3A_578 = arith.index_cast %get3A_577 : i32 to index
        %get3A_579 = arith.index_cast %add3A_570 : i32 to index
        %get3A_580 = arith.constant 16 : index
        %get3A_581 = tpu.vector_load %arg6[%get3A_578, %get3A_579, %get3A_580] {strides = array<i32>} : memref<4x200x64xf32, #tpu.memory_space<vmem>>, vector<1x1x16xf32>,
        %get3A_582 = vector.shape_cast %get3A_581 : vector<1x1x16xf32> to vector<16xf32>
        %get3A_583 = arith.constant 3 : i32
        %get3A_584 = arith.index_cast %get3A_583 : i32 to index
        %get3A_585 = arith.index_cast %add3A_570 : i32 to index
        %get3A_586 = arith.constant 32 : index
        %get3A_587 = tpu.vector_load %arg6[%get3A_584, %get3A_585, %get3A_586] {strides = array<i32>} : memref<4x200x64xf32, #tpu.memory_space<vmem>>, vector<1x1x16xf32>,
        %get3A_588 = vector.shape_cast %get3A_587 : vector<1x1x16xf32> to vector<16xf32>
        %get3A_589 = arith.constant 3 : i32
        %get3A_590 = arith.index_cast %get3A_589 : i32 to index
        %get3A_591 = arith.index_cast %add3A_570 : i32 to index
        %get3A_592 = arith.constant 48 : index
        %get3A_593 = tpu.vector_load %arg6[%get3A_590, %get3A_591, %get3A_592] {strides = array<i32>} : memref<4x200x64xf32, #tpu.memory_space<vmem>>, vector<1x1x16xf32>,
        %get3A_594 = vector.shape_cast %get3A_593 : vector<1x1x16xf32> to vector<16xf32>
        %add3A_595 = arith.addf %get3A_576, %get3A_582 : vector<16xf32>
        %add3A_596 = arith.addf %get3A_588, %get3A_594 : vector<16xf32>
        %add3A_597 = arith.addf %add3A_595, %add3A_596 : vector<16xf32>
        %gather3A_598 = vector.shape_cast %reshape3A : vector<16x1xi32> to vector<16xi32>
        %gather3A_599 = tpu.dynamic_gather %add3A_597[%gather3A_598] in [0] : vector<16xf32>, vector<16xi32> -> vector<16xf32>
        %add3A_600 = arith.addf %add3A_597, %gather3A_599 : vector<16xf32>
        %gather3A_601 = vector.shape_cast %reshape3A_8 : vector<16x1xi32> to vector<16xi32>
        %gather3A_602 = tpu.dynamic_gather %add3A_600[%gather3A_601] in [0] : vector<16xf32>, vector<16xi32> -> vector<16xf32>
        %add3A_603 = arith.addf %add3A_600, %gather3A_602 : vector<16xf32>
        %gather3A_604 = vector.shape_cast %reshape3A_12 : vector<16x1xi32> to vector<16xi32>
        %gather3A_605 = tpu.dynamic_gather %add3A_603[%gather3A_604] in [0] : vector<16xf32>, vector<16xi32> -> vector<16xf32>
        %add3A_606 = arith.addf %add3A_603, %gather3A_605 : vector<16xf32>
        %gather3A_607 = vector.shape_cast %reshape3A_16 : vector<16x1xi32> to vector<16xi32>
        %gather3A_608 = tpu.dynamic_gather %add3A_606[%gather3A_607] in [0] : vector<16xf32>, vector<16xi32> -> vector<16xf32>
        %add3A_609 = arith.addf %add3A_606, %gather3A_608 : vector<16xf32>
        %ne3A_610 = arith.constant 0.000000e+00 : f32
        %ne3A_611 = vector.broadcast %ne3A_610 : f32 to vector<16xf32>
        %ne3A_612 = arith.cmpf one, %add3A_609, %ne3A_611 : vector<16xf32>
        %add3A_613 = arith.addf %select_n3A_558, %get3A_576 : vector<16xf32>
        %select_n3A_614 = arith.select %ne3A_612, %add3A_613, %select_n3A_558 : vector<16xi1>, vector<16xf32>
        %add3A_615 = arith.addf %select_n3A_560, %get3A_582 : vector<16xf32>
        %select_n3A_616 = arith.select %ne3A_612, %add3A_615, %select_n3A_560 : vector<16xi1>, vector<16xf32>
        %add3A_617 = arith.addf %select_n3A_562, %get3A_588 : vector<16xf32>
        %select_n3A_618 = arith.select %ne3A_612, %add3A_617, %select_n3A_562 : vector<16xi1>, vector<16xf32>
        %add3A_619 = arith.addf %select_n3A_564, %get3A_594 : vector<16xf32>
        %select_n3A_620 = arith.select %ne3A_612, %add3A_619, %select_n3A_564 : vector<16xi1>, vector<16xf32>
        %add3A_621 = arith.constant 1.000000e+00 : f32
        %add3A_622 = vector.broadcast %add3A_621 : f32 to vector<16xf32>
        %add3A_623 = arith.addf %select_n3A_568, %add3A_622 : vector<16xf32>
        %select_n3A_624 = arith.select %ne3A_612, %add3A_623, %select_n3A_568 : vector<16xi1>, vector<16xf32>
        %add3A_625 = arith.constant 4 : i32
        %add3A_626 = arith.addi %add3A_404, %add3A_625 : i32
        %get3A_627 = arith.constant 3 : i32
        %get3A_628 = arith.index_cast %get3A_627 : i32 to index
        %get3A_629 = arith.index_cast %add3A_626 : i32 to index
        %get3A_630 = arith.constant 0 : index
        %get3A_631 = tpu.vector_load %arg6[%get3A_628, %get3A_629, %get3A_630] {strides = array<i32>} : memref<4x200x64xf32, #tpu.memory_space<vmem>>, vector<1x1x16xf32>,
        %get3A_632 = vector.shape_cast %get3A_631 : vector<1x1x16xf32> to vector<16xf32>
        %get3A_633 = arith.constant 3 : i32
        %get3A_634 = arith.index_cast %get3A_633 : i32 to index
        %get3A_635 = arith.index_cast %add3A_626 : i32 to index
        %get3A_636 = arith.constant 16 : index
        %get3A_637 = tpu.vector_load %arg6[%get3A_634, %get3A_635, %get3A_636] {strides = array<i32>} : memref<4x200x64xf32, #tpu.memory_space<vmem>>, vector<1x1x16xf32>,
        %get3A_638 = vector.shape_cast %get3A_637 : vector<1x1x16xf32> to vector<16xf32>
        %get3A_639 = arith.constant 3 : i32
        %get3A_640 = arith.index_cast %get3A_639 : i32 to index
        %get3A_641 = arith.index_cast %add3A_626 : i32 to index
        %get3A_642 = arith.constant 32 : index
        %get3A_643 = tpu.vector_load %arg6[%get3A_640, %get3A_641, %get3A_642] {strides = array<i32>} : memref<4x200x64xf32, #tpu.memory_space<vmem>>, vector<1x1x16xf32>,
        %get3A_644 = vector.shape_cast %get3A_643 : vector<1x1x16xf32> to vector<16xf32>
        %get3A_645 = arith.constant 3 : i32
        %get3A_646 = arith.index_cast %get3A_645 : i32 to index
        %get3A_647 = arith.index_cast %add3A_626 : i32 to index
        %get3A_648 = arith.constant 48 : index
        %get3A_649 = tpu.vector_load %arg6[%get3A_646, %get3A_647, %get3A_648] {strides = array<i32>} : memref<4x200x64xf32, #tpu.memory_space<vmem>>, vector<1x1x16xf32>,
        %get3A_650 = vector.shape_cast %get3A_649 : vector<1x1x16xf32> to vector<16xf32>
        %add3A_651 = arith.addf %get3A_632, %get3A_638 : vector<16xf32>
        %add3A_652 = arith.addf %get3A_644, %get3A_650 : vector<16xf32>
        %add3A_653 = arith.addf %add3A_651, %add3A_652 : vector<16xf32>
        %gather3A_654 = vector.shape_cast %reshape3A : vector<16x1xi32> to vector<16xi32>
        %gather3A_655 = tpu.dynamic_gather %add3A_653[%gather3A_654] in [0] : vector<16xf32>, vector<16xi32> -> vector<16xf32>
        %add3A_656 = arith.addf %add3A_653, %gather3A_655 : vector<16xf32>
        %gather3A_657 = vector.shape_cast %reshape3A_8 : vector<16x1xi32> to vector<16xi32>
        %gather3A_658 = tpu.dynamic_gather %add3A_656[%gather3A_657] in [0] : vector<16xf32>, vector<16xi32> -> vector<16xf32>
        %add3A_659 = arith.addf %add3A_656, %gather3A_658 : vector<16xf32>
        %gather3A_660 = vector.shape_cast %reshape3A_12 : vector<16x1xi32> to vector<16xi32>
        %gather3A_661 = tpu.dynamic_gather %add3A_659[%gather3A_660] in [0] : vector<16xf32>, vector<16xi32> -> vector<16xf32>
        %add3A_662 = arith.addf %add3A_659, %gather3A_661 : vector<16xf32>
        %gather3A_663 = vector.shape_cast %reshape3A_16 : vector<16x1xi32> to vector<16xi32>
        %gather3A_664 = tpu.dynamic_gather %add3A_662[%gather3A_663] in [0] : vector<16xf32>, vector<16xi32> -> vector<16xf32>
        %add3A_665 = arith.addf %add3A_662, %gather3A_664 : vector<16xf32>
        %ne3A_666 = arith.constant 0.000000e+00 : f32
        %ne3A_667 = vector.broadcast %ne3A_666 : f32 to vector<16xf32>
        %ne3A_668 = arith.cmpf one, %add3A_665, %ne3A_667 : vector<16xf32>
        %add3A_669 = arith.addf %select_n3A_614, %get3A_632 : vector<16xf32>
        %select_n3A_670 = arith.select %ne3A_668, %add3A_669, %select_n3A_614 : vector<16xi1>, vector<16xf32>
        %add3A_671 = arith.addf %select_n3A_616, %get3A_638 : vector<16xf32>
        %select_n3A_672 = arith.select %ne3A_668, %add3A_671, %select_n3A_616 : vector<16xi1>, vector<16xf32>
        %add3A_673 = arith.addf %select_n3A_618, %get3A_644 : vector<16xf32>
        %select_n3A_674 = arith.select %ne3A_668, %add3A_673, %select_n3A_618 : vector<16xi1>, vector<16xf32>
        %add3A_675 = arith.addf %select_n3A_620, %get3A_650 : vector<16xf32>
        %select_n3A_676 = arith.select %ne3A_668, %add3A_675, %select_n3A_620 : vector<16xi1>, vector<16xf32>
        %add3A_677 = arith.constant 1.000000e+00 : f32
        %add3A_678 = vector.broadcast %add3A_677 : f32 to vector<16xf32>
        %add3A_679 = arith.addf %select_n3A_624, %add3A_678 : vector<16xf32>
        %select_n3A_680 = arith.select %ne3A_668, %add3A_679, %select_n3A_624 : vector<16xi1>, vector<16xf32>
        %add3A_681 = arith.constant 5 : i32
        %add3A_682 = arith.addi %add3A_404, %add3A_681 : i32
        %get3A_683 = arith.constant 3 : i32
        %get3A_684 = arith.index_cast %get3A_683 : i32 to index
        %get3A_685 = arith.index_cast %add3A_682 : i32 to index
        %get3A_686 = arith.constant 0 : index
        %get3A_687 = tpu.vector_load %arg6[%get3A_684, %get3A_685, %get3A_686] {strides = array<i32>} : memref<4x200x64xf32, #tpu.memory_space<vmem>>, vector<1x1x16xf32>,
        %get3A_688 = vector.shape_cast %get3A_687 : vector<1x1x16xf32> to vector<16xf32>
        %get3A_689 = arith.constant 3 : i32
        %get3A_690 = arith.index_cast %get3A_689 : i32 to index
        %get3A_691 = arith.index_cast %add3A_682 : i32 to index
        %get3A_692 = arith.constant 16 : index
        %get3A_693 = tpu.vector_load %arg6[%get3A_690, %get3A_691, %get3A_692] {strides = array<i32>} : memref<4x200x64xf32, #tpu.memory_space<vmem>>, vector<1x1x16xf32>,
        %get3A_694 = vector.shape_cast %get3A_693 : vector<1x1x16xf32> to vector<16xf32>
        %get3A_695 = arith.constant 3 : i32
        %get3A_696 = arith.index_cast %get3A_695 : i32 to index
        %get3A_697 = arith.index_cast %add3A_682 : i32 to index
        %get3A_698 = arith.constant 32 : index
        %get3A_699 = tpu.vector_load %arg6[%get3A_696, %get3A_697, %get3A_698] {strides = array<i32>} : memref<4x200x64xf32, #tpu.memory_space<vmem>>, vector<1x1x16xf32>,
        %get3A_700 = vector.shape_cast %get3A_699 : vector<1x1x16xf32> to vector<16xf32>
        %get3A_701 = arith.constant 3 : i32
        %get3A_702 = arith.index_cast %get3A_701 : i32 to index
        %get3A_703 = arith.index_cast %add3A_682 : i32 to index
        %get3A_704 = arith.constant 48 : index
        %get3A_705 = tpu.vector_load %arg6[%get3A_702, %get3A_703, %get3A_704] {strides = array<i32>} : memref<4x200x64xf32, #tpu.memory_space<vmem>>, vector<1x1x16xf32>,
        %get3A_706 = vector.shape_cast %get3A_705 : vector<1x1x16xf32> to vector<16xf32>
        %add3A_707 = arith.addf %get3A_688, %get3A_694 : vector<16xf32>
        %add3A_708 = arith.addf %get3A_700, %get3A_706 : vector<16xf32>
        %add3A_709 = arith.addf %add3A_707, %add3A_708 : vector<16xf32>
        %gather3A_710 = vector.shape_cast %reshape3A : vector<16x1xi32> to vector<16xi32>
        %gather3A_711 = tpu.dynamic_gather %add3A_709[%gather3A_710] in [0] : vector<16xf32>, vector<16xi32> -> vector<16xf32>
        %add3A_712 = arith.addf %add3A_709, %gather3A_711 : vector<16xf32>
        %gather3A_713 = vector.shape_cast %reshape3A_8 : vector<16x1xi32> to vector<16xi32>
        %gather3A_714 = tpu.dynamic_gather %add3A_712[%gather3A_713] in [0] : vector<16xf32>, vector<16xi32> -> vector<16xf32>
        %add3A_715 = arith.addf %add3A_712, %gather3A_714 : vector<16xf32>
        %gather3A_716 = vector.shape_cast %reshape3A_12 : vector<16x1xi32> to vector<16xi32>
        %gather3A_717 = tpu.dynamic_gather %add3A_715[%gather3A_716] in [0] : vector<16xf32>, vector<16xi32> -> vector<16xf32>
        %add3A_718 = arith.addf %add3A_715, %gather3A_717 : vector<16xf32>
        %gather3A_719 = vector.shape_cast %reshape3A_16 : vector<16x1xi32> to vector<16xi32>
        %gather3A_720 = tpu.dynamic_gather %add3A_718[%gather3A_719] in [0] : vector<16xf32>, vector<16xi32> -> vector<16xf32>
        %add3A_721 = arith.addf %add3A_718, %gather3A_720 : vector<16xf32>
        %ne3A_722 = arith.constant 0.000000e+00 : f32
        %ne3A_723 = vector.broadcast %ne3A_722 : f32 to vector<16xf32>
        %ne3A_724 = arith.cmpf one, %add3A_721, %ne3A_723 : vector<16xf32>
        %add3A_725 = arith.addf %select_n3A_670, %get3A_688 : vector<16xf32>
        %select_n3A_726 = arith.select %ne3A_724, %add3A_725, %select_n3A_670 : vector<16xi1>, vector<16xf32>
        %add3A_727 = arith.addf %select_n3A_672, %get3A_694 : vector<16xf32>
        %select_n3A_728 = arith.select %ne3A_724, %add3A_727, %select_n3A_672 : vector<16xi1>, vector<16xf32>
        %add3A_729 = arith.addf %select_n3A_674, %get3A_700 : vector<16xf32>
        %select_n3A_730 = arith.select %ne3A_724, %add3A_729, %select_n3A_674 : vector<16xi1>, vector<16xf32>
        %add3A_731 = arith.addf %select_n3A_676, %get3A_706 : vector<16xf32>
        %select_n3A_732 = arith.select %ne3A_724, %add3A_731, %select_n3A_676 : vector<16xi1>, vector<16xf32>
        %add3A_733 = arith.constant 1.000000e+00 : f32
        %add3A_734 = vector.broadcast %add3A_733 : f32 to vector<16xf32>
        %add3A_735 = arith.addf %select_n3A_680, %add3A_734 : vector<16xf32>
        %select_n3A_736 = arith.select %ne3A_724, %add3A_735, %select_n3A_680 : vector<16xi1>, vector<16xf32>
        %add3A_737 = arith.constant 6 : i32
        %add3A_738 = arith.addi %add3A_404, %add3A_737 : i32
        %get3A_739 = arith.constant 3 : i32
        %get3A_740 = arith.index_cast %get3A_739 : i32 to index
        %get3A_741 = arith.index_cast %add3A_738 : i32 to index
        %get3A_742 = arith.constant 0 : index
        %get3A_743 = tpu.vector_load %arg6[%get3A_740, %get3A_741, %get3A_742] {strides = array<i32>} : memref<4x200x64xf32, #tpu.memory_space<vmem>>, vector<1x1x16xf32>,
        %get3A_744 = vector.shape_cast %get3A_743 : vector<1x1x16xf32> to vector<16xf32>
        %get3A_745 = arith.constant 3 : i32
        %get3A_746 = arith.index_cast %get3A_745 : i32 to index
        %get3A_747 = arith.index_cast %add3A_738 : i32 to index
        %get3A_748 = arith.constant 16 : index
        %get3A_749 = tpu.vector_load %arg6[%get3A_746, %get3A_747, %get3A_748] {strides = array<i32>} : memref<4x200x64xf32, #tpu.memory_space<vmem>>, vector<1x1x16xf32>,
        %get3A_750 = vector.shape_cast %get3A_749 : vector<1x1x16xf32> to vector<16xf32>
        %get3A_751 = arith.constant 3 : i32
        %get3A_752 = arith.index_cast %get3A_751 : i32 to index
        %get3A_753 = arith.index_cast %add3A_738 : i32 to index
        %get3A_754 = arith.constant 32 : index
        %get3A_755 = tpu.vector_load %arg6[%get3A_752, %get3A_753, %get3A_754] {strides = array<i32>} : memref<4x200x64xf32, #tpu.memory_space<vmem>>, vector<1x1x16xf32>,
        %get3A_756 = vector.shape_cast %get3A_755 : vector<1x1x16xf32> to vector<16xf32>
        %get3A_757 = arith.constant 3 : i32
        %get3A_758 = arith.index_cast %get3A_757 : i32 to index
        %get3A_759 = arith.index_cast %add3A_738 : i32 to index
        %get3A_760 = arith.constant 48 : index
        %get3A_761 = tpu.vector_load %arg6[%get3A_758, %get3A_759, %get3A_760] {strides = array<i32>} : memref<4x200x64xf32, #tpu.memory_space<vmem>>, vector<1x1x16xf32>,
        %get3A_762 = vector.shape_cast %get3A_761 : vector<1x1x16xf32> to vector<16xf32>
        %add3A_763 = arith.addf %get3A_744, %get3A_750 : vector<16xf32>
        %add3A_764 = arith.addf %get3A_756, %get3A_762 : vector<16xf32>
        %add3A_765 = arith.addf %add3A_763, %add3A_764 : vector<16xf32>
        %gather3A_766 = vector.shape_cast %reshape3A : vector<16x1xi32> to vector<16xi32>
        %gather3A_767 = tpu.dynamic_gather %add3A_765[%gather3A_766] in [0] : vector<16xf32>, vector<16xi32> -> vector<16xf32>
        %add3A_768 = arith.addf %add3A_765, %gather3A_767 : vector<16xf32>
        %gather3A_769 = vector.shape_cast %reshape3A_8 : vector<16x1xi32> to vector<16xi32>
        %gather3A_770 = tpu.dynamic_gather %add3A_768[%gather3A_769] in [0] : vector<16xf32>, vector<16xi32> -> vector<16xf32>
        %add3A_771 = arith.addf %add3A_768, %gather3A_770 : vector<16xf32>
        %gather3A_772 = vector.shape_cast %reshape3A_12 : vector<16x1xi32> to vector<16xi32>
        %gather3A_773 = tpu.dynamic_gather %add3A_771[%gather3A_772] in [0] : vector<16xf32>, vector<16xi32> -> vector<16xf32>
        %add3A_774 = arith.addf %add3A_771, %gather3A_773 : vector<16xf32>
        %gather3A_775 = vector.shape_cast %reshape3A_16 : vector<16x1xi32> to vector<16xi32>
        %gather3A_776 = tpu.dynamic_gather %add3A_774[%gather3A_775] in [0] : vector<16xf32>, vector<16xi32> -> vector<16xf32>
        %add3A_777 = arith.addf %add3A_774, %gather3A_776 : vector<16xf32>
        %ne3A_778 = arith.constant 0.000000e+00 : f32
        %ne3A_779 = vector.broadcast %ne3A_778 : f32 to vector<16xf32>
        %ne3A_780 = arith.cmpf one, %add3A_777, %ne3A_779 : vector<16xf32>
        %add3A_781 = arith.addf %select_n3A_726, %get3A_744 : vector<16xf32>
        %select_n3A_782 = arith.select %ne3A_780, %add3A_781, %select_n3A_726 : vector<16xi1>, vector<16xf32>
        %add3A_783 = arith.addf %select_n3A_728, %get3A_750 : vector<16xf32>
        %select_n3A_784 = arith.select %ne3A_780, %add3A_783, %select_n3A_728 : vector<16xi1>, vector<16xf32>
        %add3A_785 = arith.addf %select_n3A_730, %get3A_756 : vector<16xf32>
        %select_n3A_786 = arith.select %ne3A_780, %add3A_785, %select_n3A_730 : vector<16xi1>, vector<16xf32>
        %add3A_787 = arith.addf %select_n3A_732, %get3A_762 : vector<16xf32>
        %select_n3A_788 = arith.select %ne3A_780, %add3A_787, %select_n3A_732 : vector<16xi1>, vector<16xf32>
        %add3A_789 = arith.constant 1.000000e+00 : f32
        %add3A_790 = vector.broadcast %add3A_789 : f32 to vector<16xf32>
        %add3A_791 = arith.addf %select_n3A_736, %add3A_790 : vector<16xf32>
        %select_n3A_792 = arith.select %ne3A_780, %add3A_791, %select_n3A_736 : vector<16xi1>, vector<16xf32>
        %add3A_793 = arith.constant 7 : i32
        %add3A_794 = arith.addi %add3A_404, %add3A_793 : i32
        %get3A_795 = arith.constant 3 : i32
        %get3A_796 = arith.index_cast %get3A_795 : i32 to index
        %get3A_797 = arith.index_cast %add3A_794 : i32 to index
        %get3A_798 = arith.constant 0 : index
        %get3A_799 = tpu.vector_load %arg6[%get3A_796, %get3A_797, %get3A_798] {strides = array<i32>} : memref<4x200x64xf32, #tpu.memory_space<vmem>>, vector<1x1x16xf32>,
        %get3A_800 = vector.shape_cast %get3A_799 : vector<1x1x16xf32> to vector<16xf32>
        %get3A_801 = arith.constant 3 : i32
        %get3A_802 = arith.index_cast %get3A_801 : i32 to index
        %get3A_803 = arith.index_cast %add3A_794 : i32 to index
        %get3A_804 = arith.constant 16 : index
        %get3A_805 = tpu.vector_load %arg6[%get3A_802, %get3A_803, %get3A_804] {strides = array<i32>} : memref<4x200x64xf32, #tpu.memory_space<vmem>>, vector<1x1x16xf32>,
        %get3A_806 = vector.shape_cast %get3A_805 : vector<1x1x16xf32> to vector<16xf32>
        %get3A_807 = arith.constant 3 : i32
        %get3A_808 = arith.index_cast %get3A_807 : i32 to index
        %get3A_809 = arith.index_cast %add3A_794 : i32 to index
        %get3A_810 = arith.constant 32 : index
        %get3A_811 = tpu.vector_load %arg6[%get3A_808, %get3A_809, %get3A_810] {strides = array<i32>} : memref<4x200x64xf32, #tpu.memory_space<vmem>>, vector<1x1x16xf32>,
        %get3A_812 = vector.shape_cast %get3A_811 : vector<1x1x16xf32> to vector<16xf32>
        %get3A_813 = arith.constant 3 : i32
        %get3A_814 = arith.index_cast %get3A_813 : i32 to index
        %get3A_815 = arith.index_cast %add3A_794 : i32 to index
        %get3A_816 = arith.constant 48 : index
        %get3A_817 = tpu.vector_load %arg6[%get3A_814, %get3A_815, %get3A_816] {strides = array<i32>} : memref<4x200x64xf32, #tpu.memory_space<vmem>>, vector<1x1x16xf32>,
        %get3A_818 = vector.shape_cast %get3A_817 : vector<1x1x16xf32> to vector<16xf32>
        %add3A_819 = arith.addf %get3A_800, %get3A_806 : vector<16xf32>
        %add3A_820 = arith.addf %get3A_812, %get3A_818 : vector<16xf32>
        %add3A_821 = arith.addf %add3A_819, %add3A_820 : vector<16xf32>
        %gather3A_822 = vector.shape_cast %reshape3A : vector<16x1xi32> to vector<16xi32>
        %gather3A_823 = tpu.dynamic_gather %add3A_821[%gather3A_822] in [0] : vector<16xf32>, vector<16xi32> -> vector<16xf32>
        %add3A_824 = arith.addf %add3A_821, %gather3A_823 : vector<16xf32>
        %gather3A_825 = vector.shape_cast %reshape3A_8 : vector<16x1xi32> to vector<16xi32>
        %gather3A_826 = tpu.dynamic_gather %add3A_824[%gather3A_825] in [0] : vector<16xf32>, vector<16xi32> -> vector<16xf32>
        %add3A_827 = arith.addf %add3A_824, %gather3A_826 : vector<16xf32>
        %gather3A_828 = vector.shape_cast %reshape3A_12 : vector<16x1xi32> to vector<16xi32>
        %gather3A_829 = tpu.dynamic_gather %add3A_827[%gather3A_828] in [0] : vector<16xf32>, vector<16xi32> -> vector<16xf32>
        %add3A_830 = arith.addf %add3A_827, %gather3A_829 : vector<16xf32>
        %gather3A_831 = vector.shape_cast %reshape3A_16 : vector<16x1xi32> to vector<16xi32>
        %gather3A_832 = tpu.dynamic_gather %add3A_830[%gather3A_831] in [0] : vector<16xf32>, vector<16xi32> -> vector<16xf32>
        %add3A_833 = arith.addf %add3A_830, %gather3A_832 : vector<16xf32>
        %ne3A_834 = arith.constant 0.000000e+00 : f32
        %ne3A_835 = vector.broadcast %ne3A_834 : f32 to vector<16xf32>
        %ne3A_836 = arith.cmpf one, %add3A_833, %ne3A_835 : vector<16xf32>
        %add3A_837 = arith.addf %select_n3A_782, %get3A_800 : vector<16xf32>
        %select_n3A_838 = arith.select %ne3A_836, %add3A_837, %select_n3A_782 : vector<16xi1>, vector<16xf32>
        %add3A_839 = arith.addf %select_n3A_784, %get3A_806 : vector<16xf32>
        %select_n3A_840 = arith.select %ne3A_836, %add3A_839, %select_n3A_784 : vector<16xi1>, vector<16xf32>
        %add3A_841 = arith.addf %select_n3A_786, %get3A_812 : vector<16xf32>
        %select_n3A_842 = arith.select %ne3A_836, %add3A_841, %select_n3A_786 : vector<16xi1>, vector<16xf32>
        %add3A_843 = arith.addf %select_n3A_788, %get3A_818 : vector<16xf32>
        %select_n3A_844 = arith.select %ne3A_836, %add3A_843, %select_n3A_788 : vector<16xi1>, vector<16xf32>
        %add3A_845 = arith.constant 1.000000e+00 : f32
        %add3A_846 = vector.broadcast %add3A_845 : f32 to vector<16xf32>
        %add3A_847 = arith.addf %select_n3A_792, %add3A_846 : vector<16xf32>
        %select_n3A_848 = arith.select %ne3A_836, %add3A_847, %select_n3A_792 : vector<16xi1>, vector<16xf32>
        scf.yield %select_n3A_838, %select_n3A_840, %select_n3A_842, %select_n3A_844, %select_n3A_848 : vector<16xf32>, vector<16xf32>, vector<16xf32>, vector<16xf32>, vector<16xf32>
      }
      %scan3A_364 = arith.constant 9 : i32
      %max3A_365 = arith.constant 1.000000e+00 : f32
      %max3A_366 = vector.broadcast %max3A_365 : f32 to vector<16xf32>
      %max3A_367 = arith.maximumf %scan3A_363#4, %max3A_366 : vector<16xf32>
      %div3A_368 = arith.constant 1.000000e+00 : f32
      %div3A_369 = vector.broadcast %div3A_368 : f32 to vector<16xf32>
      %div3A_370 = arith.divf %div3A_369, %max3A_367 : vector<16xf32>
      %mul3A_371 = arith.mulf %scan3A_363#0, %div3A_370 : vector<16xf32>
      %swap3A_372 = arith.index_cast %add3A_319 : i32 to index
      %swap3A_373 = arith.constant 0 : index
      %swap3A_374 = tpu.vector_load %arg7[%swap3A_372, %swap3A_373] {strides = array<i32>} : memref<128x64xf32, #tpu.memory_space<vmem>>, vector<1x16xf32>,
      %swap3A_375 = vector.shape_cast %swap3A_374 : vector<1x16xf32> to vector<16xf32>
      %swap3A_376 = vector.shape_cast %mul3A_371 : vector<16xf32> to vector<1x16xf32>
      tpu.vector_store %arg7[%swap3A_372, %swap3A_373], %swap3A_376 {strides = array<i32>} : memref<128x64xf32, #tpu.memory_space<vmem>>, vector<1x16xf32>,
      %mul3A_377 = arith.mulf %scan3A_363#1, %div3A_370 : vector<16xf32>
      %swap3A_378 = arith.index_cast %add3A_319 : i32 to index
      %swap3A_379 = arith.constant 16 : index
      %swap3A_380 = tpu.vector_load %arg7[%swap3A_378, %swap3A_379] {strides = array<i32>} : memref<128x64xf32, #tpu.memory_space<vmem>>, vector<1x16xf32>,
      %swap3A_381 = vector.shape_cast %swap3A_380 : vector<1x16xf32> to vector<16xf32>
      %swap3A_382 = vector.shape_cast %mul3A_377 : vector<16xf32> to vector<1x16xf32>
      tpu.vector_store %arg7[%swap3A_378, %swap3A_379], %swap3A_382 {strides = array<i32>} : memref<128x64xf32, #tpu.memory_space<vmem>>, vector<1x16xf32>,
      %mul3A_383 = arith.mulf %scan3A_363#2, %div3A_370 : vector<16xf32>
      %swap3A_384 = arith.index_cast %add3A_319 : i32 to index
      %swap3A_385 = arith.constant 32 : index
      %swap3A_386 = tpu.vector_load %arg7[%swap3A_384, %swap3A_385] {strides = array<i32>} : memref<128x64xf32, #tpu.memory_space<vmem>>, vector<1x16xf32>,
      %swap3A_387 = vector.shape_cast %swap3A_386 : vector<1x16xf32> to vector<16xf32>
      %swap3A_388 = vector.shape_cast %mul3A_383 : vector<16xf32> to vector<1x16xf32>
      tpu.vector_store %arg7[%swap3A_384, %swap3A_385], %swap3A_388 {strides = array<i32>} : memref<128x64xf32, #tpu.memory_space<vmem>>, vector<1x16xf32>,
      %mul3A_389 = arith.mulf %scan3A_363#3, %div3A_370 : vector<16xf32>
      %swap3A_390 = arith.index_cast %add3A_319 : i32 to index
      %swap3A_391 = arith.constant 48 : index
      %swap3A_392 = tpu.vector_load %arg7[%swap3A_390, %swap3A_391] {strides = array<i32>} : memref<128x64xf32, #tpu.memory_space<vmem>>, vector<1x16xf32>,
      %swap3A_393 = vector.shape_cast %swap3A_392 : vector<1x16xf32> to vector<16xf32>
      %swap3A_394 = vector.shape_cast %mul3A_389 : vector<16xf32> to vector<1x16xf32>
      tpu.vector_store %arg7[%swap3A_390, %swap3A_391], %swap3A_394 {strides = array<i32>} : memref<128x64xf32, #tpu.memory_space<vmem>>, vector<1x16xf32>,
    }
    %scan3A_92 = arith.constant 32 : i32
    "tpu.region"() ({
      %run_scoped3A = tpu.sem_alloc : memref<!tpu.dma_semaphore, #tpu.memory_space<semaphore_mem>>
      %dma_start3A_93 = arith.constant 0 : i32
      %dma_start3A_94 = tpu.memref_slice %arg4[%mul3A_2, %dma_start3A_93] : memref<4096x64xf32, #tpu.memory_space<hbm>> -> memref<128x64xf32, #tpu.memory_space<hbm>>
      %dma_start3A_95 = arith.constant 0 : i32
      %dma_start3A_96 = tpu.memref_slice %arg4[%mul3A_2, %dma_start3A_95] : memref<4096x64xf32, #tpu.memory_space<hbm>> -> memref<128x64xf32, #tpu.memory_space<hbm>>
      tpu.enqueue_dma source(%arg7 : memref<128x64xf32, #tpu.memory_space<vmem>>) target(%dma_start3A_96 : memref<128x64xf32, #tpu.memory_space<hbm>>) target_semaphore(%run_scoped3A : memref<!tpu.dma_semaphore, #tpu.memory_space<semaphore_mem>>)
      %dma_wait3A = arith.constant 0 : i32
      %dma_wait3A_97 = tpu.memref_slice %arg4[%mul3A_2, %dma_wait3A] : memref<4096x64xf32, #tpu.memory_space<hbm>> -> memref<128x64xf32, #tpu.memory_space<hbm>>
      %dma_wait3A_98 = arith.constant 0 : i32
      %dma_wait3A_99 = tpu.memref_slice %arg4[%mul3A_2, %dma_wait3A_98] : memref<4096x64xf32, #tpu.memory_space<hbm>> -> memref<128x64xf32, #tpu.memory_space<hbm>>
      tpu.wait_dma2 semaphore(%run_scoped3A : memref<!tpu.dma_semaphore, #tpu.memory_space<semaphore_mem>>) src(%arg7 : memref<128x64xf32, #tpu.memory_space<vmem>>) dst(%dma_wait3A_99 : memref<128x64xf32, #tpu.memory_space<hbm>>)
      tpu.yield
    }) : () -> ()
    return
  }
}

</mosaic_0001>

<sc_bundles>
// kernel: _run.3.cloned.1.call-start
scs
__scs_entry_jumppad:
0x0: {  	(pc) =	sbr.rel $0x88, $3  }
0x1: {  	(tag) =	ssettag $0x0;
	lr =	simm.s32 $0x1  }
0x2: {  	[smem:$0x3F9F] =	sst lr;
	_ =	strace $0xD0000000  }
0x3: {  	_ = 	snop  }
0x4: {  	_ = 	snop  }
0x5: {  	_ = 	snop  }
0x6: {  	_ = 	snop  }
0x7: {  	_ = 	snop  }
__scs_overlays_trampoline_lowered:
0x8: {  	[smem:$0x3FAE] =	sst s0  }
0x9: {  	[smem:$0x3FAF] =	sst s1  }
0xa: {  	[smem:$0x3FB0] =	sst s2  }
0xb: {  	[smem:$0x3FB1] =	sst s3  }
0xc: {  	[smem:$0x3FB2] =	sst s4  }
0xd: {  	[smem:$0x3FB3] =	sst s5  }
0xe: {  	[smem:$0x3FB4] =	sst s6  }
0xf: {  	[smem:$0x3FB5] =	sst s7  }
0x10: {  	[smem:$0x3FB6] =	sst s8  }
0x11: {  	[smem:$0x3FB7] =	sst s9;
	s0 =	simm.s32 @!p0 $0x0  }
0x12: {  	s1 =	sld [smem:$0x3F9D];
	s0 =	simm.s32 @p0 $0x1  }
0x13: {  	[smem:$0x3FB8] =	sst s0;
	s0 =	simm.s32 @!p1 $0x0  }
0x14: {  	s2 =	sld [smem:$0x3F9C];
	s0 =	simm.s32 @p1 $0x1  }
0x15: {  	[smem:$0x3FB9] =	sst s0;
	s0 =	simm.s32 @!p2 $0x0  }
0x16: {  	s3 =	sld [smem:$0x3FDB];
	s0 =	simm.s32 @p2 $0x1  }
0x17: {  	s4 =	simm.s32 $0x1BF5;
	[smem:$0x3FBB] =	sst s0  }
0x18: {  	s0 =	sld [smem:$0x3F9E];
	_ =	swait.ge [sflag:s4], $0x0  }
0x19: {  	s7 =	sld [smem:$0x3F9F]  }
0x1a: {  	s8 =	sadd.s32 $0xFFFFE003, lr  }
0x1b: {  	s9 =	sadd.s32 $0xFFFFFEF7, lr;
	s5 =	simm.s32 $0xFFFFFFFF;
	p2 =	slt.u32 s8, $0xFFFFF086  }
0x1c: {  	p1 =	slt.u32 s9, $0xF7A;
	s5 =	simm.s32 @!p2 $0x0  }
0x1d: {  	s5 =	simm.s32 @p1 $0x1;
	p0 =	seq.s32 s7, s2  }
0x1e: {  	s7 =	smul.u32 @!p0 $0xF7A, s2;
	p2 =	seq.s32 @!p0 s5, $0x0  }
0x1f: {  	s9 =	smul.u32 $0xF7A, s1;
	s8 =	simm.s32 @!p0 $0x1BF5;
	p2 =	por !p2, p0  }
0x20: {  	[sflag:s8] =	ssyncset.s32 @!p0 $0xFFFFF086;
	s6 =	sadd.s32 @!p0 s3, s7;
	s7 =	simm.s32 @!p0 $0x108  }
0x21: {  	s3 =	sadd.s32 s3, s9;
	s6 =	sadd.s32 @!p0 $0x88, s6;
	s7 =	simm.s32 @p2 $0x1082  }
0x22: {  	[simem:s7], [sflag:s8] =	dma.local @!p0 [hbm:s6], $0xF7A  }
0x23: {  	s9 =	sor.u32 $0xD0000000, s2;
	s6 =	simm.s32 $0x108;
	_ =	swait.ge @!p0 [sflag:s8], $0x0  }
0x24: {  	s3 =	sadd.s32 $0x88, s3;
	s6 =	simm.s32 @!p1 $0x1082;
	[sflag:s4] =	ssyncset.s32 $0xFFFFF086  }
0x25: {  	[simem:s6], [sflag:s4] =	dma.local [hbm:s3], $0xF7A  }
0x26: {  	[smem:$0x3F9F] =	sst s1;
	(tag) =	ssettag s2;
	_ =	strace s9  }
0x27: {  	s1 =	sld [smem:$0x3FAF]  }
0x28: {  	s2 =	sld [smem:$0x3FB0]  }
0x29: {  	s4 =	sld [smem:$0x3FB2]  }
0x2a: {  	p0 =	seq.s32 s5, $0x0;
	s5 =	sld [smem:$0x3FB3]  }
0x2b: {  	s6 =	sld [smem:$0x3FB4]  }
0x2c: {  	s7 =	sld [smem:$0x3FB5]  }
0x2d: {  	s3 =	simm.s32 $0x108;
	s8 =	sld [smem:$0x3FB6]  }
0x2e: {  	s3 =	simm.s32 @!p0 $0x1082;
	s9 =	sld [smem:$0x3FB7]  }
0x2f: {  	lr =	sadd.s32 s0, s3;
	s0 =	sld [smem:$0x3FAE]  }
0x30: {  	s3 =	sld [smem:$0x3FB1]  }
0x31: {  	[smem:$0x3FBA] =	sst s10  }
0x32: {  	s10 =	sld [smem:$0x3FB8];
	_ =	sdelay $0x3  }
0x33: {  	p0 =	seq.s32 s10, $0x1;
	s10 =	sld [smem:$0x3FBA];
	_ =	sdelay $0x3  }
0x34: {  	[smem:$0x3FBA] =	sst s10  }
0x35: {  	s10 =	sld [smem:$0x3FB9];
	_ =	sdelay $0x3  }
0x36: {  	p1 =	seq.s32 s10, $0x1;
	s10 =	sld [smem:$0x3FBA];
	_ =	sdelay $0x3  }
0x37: {  	[smem:$0x3FBA] =	sst s10  }
0x38: {  	s10 =	sld [smem:$0x3FBB]  }
0x39: {  	_ = 	snop;
	(pc) =	sbr.ind lr, $3  }
0x3a: {  	_ = 	snop  }
0x3b: {  	_ = 	snop  }
0x3c: {  	p2 =	seq.s32 s10, $0x1;
	s10 =	sld [smem:$0x3FBA]  }
0x3d: {  	_ =	shalt  }
0x3e: {  	_ =	shalt  }
0x3f: {  	_ =	shalt  }
0x40: {  	_ =	shalt  }
0x41: {  	_ =	shalt  }
0x42: {  	_ =	shalt  }
0x43: {  	_ =	shalt  }
0x44: {  	_ =	shalt  }
0x45: {  	_ =	shalt  }
0x46: {  	_ =	shalt  }
0x47: {  	_ =	shalt  }
0x48: {  	_ =	shalt  }
0x49: {  	_ =	shalt  }
0x4a: {  	_ =	shalt  }
0x4b: {  	_ =	shalt  }
0x4c: {  	_ =	shalt  }
0x4d: {  	_ =	shalt  }
0x4e: {  	_ =	shalt  }
0x4f: {  	_ =	shalt  }
0x50: {  	_ =	shalt  }
0x51: {  	_ =	shalt  }
0x52: {  	_ =	shalt  }
0x53: {  	_ =	shalt  }
0x54: {  	_ =	shalt  }
0x55: {  	_ =	shalt  }
0x56: {  	_ =	shalt  }
0x57: {  	_ =	shalt  }
0x58: {  	_ =	shalt  }
0x59: {  	_ =	shalt  }
0x5a: {  	_ =	shalt  }
0x5b: {  	_ =	shalt  }
0x5c: {  	_ =	shalt  }
0x5d: {  	_ =	shalt  }
0x5e: {  	_ =	shalt  }
0x5f: {  	_ =	shalt  }
0x60: {  	_ =	shalt  }
0x61: {  	_ =	shalt  }
0x62: {  	_ =	shalt  }
0x63: {  	_ =	shalt  }
0x64: {  	_ =	shalt  }
0x65: {  	_ =	shalt  }
0x66: {  	_ =	shalt  }
0x67: {  	_ =	shalt  }
0x68: {  	_ =	shalt  }
0x69: {  	_ =	shalt  }
0x6a: {  	_ =	shalt  }
0x6b: {  	_ =	shalt  }
0x6c: {  	_ =	shalt  }
0x6d: {  	_ =	shalt  }
0x6e: {  	_ =	shalt  }
0x6f: {  	_ =	shalt  }
0x70: {  	_ =	shalt  }
0x71: {  	_ =	shalt  }
0x72: {  	_ =	shalt  }
0x73: {  	_ =	shalt  }
0x74: {  	_ =	shalt  }
0x75: {  	_ =	shalt  }
0x76: {  	_ =	shalt  }
0x77: {  	_ =	shalt  }
0x78: {  	_ =	shalt  }
0x79: {  	_ =	shalt  }
0x7a: {  	_ =	shalt  }
0x7b: {  	_ =	shalt  }
0x7c: {  	_ =	shalt  }
0x7d: {  	_ =	shalt  }
0x7e: {  	_ =	shalt  }
0x7f: {  	_ =	shalt  }
0x80: {  	_ =	shalt  }
0x81: {  	_ =	shalt  }
0x82: {  	_ =	shalt  }
0x83: {  	_ =	shalt  }
0x84: {  	_ =	shalt  }
0x85: {  	_ =	shalt  }
0x86: {  	_ =	shalt  }
0x87: {  	_ =	shalt  }
.Lfunc_end0:
.L_simem_size_0:
called_computation_lowered:
.L_overlay_start_0:
0x88: {  	s2 =	sld [smem:$0x3FD9]  }
0x89: {  	s3 =	sld [smem:$0x3FFE];
	_ =	sdelay $0x1  }
0x8a: {  	s1 =	srdreg.scid  }
0x8b: {  	s0 =	sand.u32 $0x1, s1  }
0x8c: {  	s17 =	sshll.u32 s0, $0xA;
	s2 =	sadd.s32 s3, s2  }
0x8d: {  	s2 =	sadd.s32 s2, s17  }
0x8e: {  	[smem:$0x3FC6] =	sst s2  }
0x8f: {  	_ = 	snop  }
0x90: {  	s2 =	sld [smem:$0x3FD0];
	(tm) =	ssettm $0x1  }
0x91: {  	s18 =	sld [smem:$0x3FFB];
	_ =	sdelay $0x3  }
0x92: {  	_ =	strace s18  }
0x93: {  	s3 =	sld [smem:$0x3FFC];
	_ =	sdelay $0x3  }
0x94: {  	_ =	strace s3  }
0x95: {  	s3 =	sld [smem:$0x3FFD];
	_ =	sdelay $0x3  }
0x96: {  	_ =	strace s3  }
0x97: {  	_ =	strace $0x8FFFFFFF  }
0x98: {  	s19 =	sld [smem:$0x3FDB];
	_ =	sdelay $0x1  }
0x99: {  	s4 =	simm.s32 $_scs_section_size  }
0x9a: {  	s5 =	simm.s32 $_size__tile_overlayer_lowered;
	s6 =	simm.s32 $_tile_overlayer_lowered  }
0x9b: {  	s22 =	simm.s32 $0x1BFF;
	s21 =	sshll.u32 s6, $0x1;
	s3 =	sadd.s32 s4, s19  }
0x9c: {  	s7 =	simm.s32 $0x0;
	s20 =	sshll.u32 s5, $0x1;
	s5 =	sadd.s32 s21, s3  }
0x9d: {  	[timem:s7], [sflag:s22] =	dma.local [hbm:s5], s20  }
0x9e: {  	_ =	swait.ge [sflag:s22], s20  }
0x9f: {  	s4 =	ssub.s32 $0x0, s20;
	[sflag:s22] =	ssyncset.done $0x0  }
0xa0: {  	[sflag:s22] =	ssyncadd.s32 s4;
	_ =	sdelay $0x1  }
0xa1: {  	s23 =	simm.s32 $0x1B8B  }
0xa2: {  	_ =	swait.ge [sflag:s23], $0x1  }
0xa3: {  	[sflag:s23] =	ssyncset.done $0x0  }
0xa4: {  	s25 =	simm.s32 $0x1B8E;
	s24 =	sld [smem:$0x3FFE];
	[sflag:s23] =	ssyncadd.s32 $0xFFFFFFFF  }
0xa5: {  	s26 =	simm.s32 $execute0_lowered;
	[smem:$0x3FD2] =	sst s25  }
0xa6: {  	s5 =	sshll.u32 s26, $0x1;
	_ =	strace $0x80000046;
	[dreg:$0x1] =	wrdreg $0xFFFFFFFF  }
0xa7: {  	s28 =	simm.s32 $_size_execute0_lowered;
	s3 =	sadd.s32 s3, s5;
	[dreg:$0x0] =	wrdreg $0x0  }
0xa8: {  	s5 =	sshll.u32 s28, $0x1;
	[dreg:$0x2] =	wrdreg s3  }
0xa9: {  	[dreg:$0x3] =	wrdreg s5  }
0xaa: {  	[dreg:$0x4] =	wrdreg $0xC0  }
0xab: {  	_ =	task [dreg:s7], $0x5FFFF  }
0xac: {  	[dreg:$0x1] =	wrdreg $0xFFFFFFFF  }
0xad: {  	[dreg:$0x0] =	wrdreg $0x60  }
0xae: {  	[dreg:$0x2] =	wrdreg s24  }
0xaf: {  	[dreg:$0x3] =	wrdreg s2  }
0xb0: {  	[dreg:$0x4] =	wrdreg $0x9  }
0xb1: {  	_ =	task.clear_ibuf [dreg:s7], $0x5FFFF;
	_ =	strace $0x90000046  }
0xb2: {  	s29 =	simm.s32 $0x9;
	_ =	strace $0x80000048  }
0xb3: {  	_ =	swait.ge [sflag:s29], $0x1  }
0xb4: {  	[sflag:s29] =	ssyncadd.s32 $0xFFFFFFFF  }
0xb5: {  	_ =	strace $0x90000048  }
0xb6: {  	_ =	sfence  }
0xb7: {  	s30 =	sld [smem:$0x0];
	_ =	sdelay $0x2  }
0xb8: {  	s31 =	sshll.u32 s1, $0xD;
	s1 =	sshrl.u32 s1, $0x2  }
0xb9: {  	s3 =	sand.u32 $0x4000, s31;
	s1 =	sadd.s32 s1, s30  }
0xba: {  	s0 =	sor.u32 s3, s0;
	s1 =	sshll.u32 s1, $0x11  }
0xbb: {  	s0 =	sor.u32 s1, s0  }
0xbc: {  	s0 =	sadd.s32 $0x8F2B, s0  }
0xbd: {  	[sflag:s0] =	ssyncadd.remote.s32 $0x1  }
0xbe: {  	_ =	sfence.sel $0xFFFF  }
0xbf: {  	[dreg:$0x0] =	wrdreg $0xFFFFFFFF;
	(pc) =	sbr.abs _section_cstart, $3  }
0xc0: {  	[dreg:$0x1] =	wrdreg $0xFFFFFFFF  }
0xc1: {  	_ =	task.clear_ibuf [dreg:s7], $0x2FFFF;
	_ =	strace $0x9FFFFFFF  }
0xc2: {  	(tm) =	ssettm $0x7FFFFFFF  }
0xc3: {  	_ =	shalt  }
tec
execute0_lowered:
.L_overlay_start_1:
0x0: {  	(tag) =	ssettag $0x1  }
0x1: {  	s0 =	srdreg.scid;
	s1 =	rddreg [dreg:$0x0]  }
0x2: {  	s2 =	stileid.u32;
	s5 =	rddreg [dreg:$0x1];
	v0 =	vimm.s32 $0xEFCDAB89;
	v1 =	vimm.s32 $0x67452301;
	v2 =	vimm.s32 $0xDCFE98BA  }
0x3: {  	s7 =	simm.s32 $0x9;
	v3 =	vimm.s32 $0x54761032;
	s8 =	simm.s32 $0x80;
	s10 =	simm.s32 $0x48;
	v4 =	vimm.s32 $0xBA98FEDC  }
0x4: {  	v5 =	vimm.s32 $0x32107654;
	s16 =	simm.s32 $0x190;
	s17 =	simm.s32 $0xC800;
	s18 =	simm.s32 $0x210  }
0x5: {  	v6 =	vimm.s32 $0xFEDCBA98;
	s19 =	simm.s32 $0xE800;
	s20 =	simm.s32 $0xFA00;
	s21 =	simm.s32 $0x11A00  }
0x6: {  	v7 =	vimm.s32 $0x76543210;
	s22 =	simm.s32 $0x1;
	s23 =	simm.s32 $0x2;
	s24 =	simm.s32 $0x3;
	v0 =	vunpack.c.l.s4.s8 v0;
	v1 =	vunpack.c.l.s4.s8 v1  }
0x7: {  	s28 =	simm.s32 $0x6;
	s29 =	simm.s32 $0x7;
	s30 =	simm.s32 $0x8;
	v2 =	vunpack.c.l.s4.s8 v2;
	v3 =	vunpack.c.l.s4.s8 v3;
	v4 =	vunpack.c.l.s4.s8 v4  }
0x8: {  	s0 =	sand.u32 $0x1, s0;
	s3 =	sshll.u32 s2, $0x8;
	s2 =	simm.s32 $0x0;
	v5 =	vunpack.c.l.s4.s8 v5;
	v6 =	vunpack.c.l.s4.s8 v6;
	v7 =	vunpack.c.l.s4.s8 v7  }
0x9: {  	s31 =	simm.s32 $0x12C00;
	s4 =	sshll.u32 s0, $0x7;
	[smem:$0x7FF] =	sst s2;
	v0 =	vunpack.c.0.s8.s32 v0;
	v1 =	vunpack.c.0.s8.s32 v1;
	v2 =	vunpack.c.0.s8.s32 v2  }
0xa: {  	s0 =	ssub.s32 $0x2, s0;
	s6 =	sor.u32 s4, s3;
	_ =	strace $0x80000047;
	v3 =	vunpack.c.0.s8.s32 v3;
	v4 =	vunpack.c.0.s8.s32 v4;
	v5 =	vunpack.c.0.s8.s32 v5  }
0xb: {  	s3 =	sadd.s32 $0xF42A00, s1;
	s25 =	sshrl.u32 s0, $0x1;
	s4 =	smul.u32 $0x19, s6;
	v0 =	vcombine.low v1, v0;
	v1 =	vunpack.c.0.s8.s32 v6  }
0xc: {  	s0 =	ssub.s32 s0, s25;
	s26 =	sshll.u32 s6, $0x3;
	s25 =	simm.s32 $0x4;
	v2 =	vcombine.low v3, v2;
	v3 =	vcombine.low v5, v4;
	v4 =	vunpack.c.0.s8.s32 v7  }
0xd: {  	s5 =	sadd.s32 s5, s26;
	s6 =	smax.u32 s0, $0x1;
	s1 =	sadd.s32 s4, s1;
	v0 =	vand.u32 $0xF, v0;
	v5 =	vand.u32 $0xF, v1  }
0xe: {  	s26 =	simm.s32 $0x5;
	s4 =	sadd.s32 $0x600, s1;
	v1 =	vand.u32 $0xF, v2;
	v2 =	vand.u32 $0xF, v3;
	s1 =	simm.s32 $0x0;
	v3 =	vcombine.low v5, v4  }
.LBB2_1:
0xf: {  	[tilespmem:s2], [sflag:$0x9] =	stream.linear.gather [hbm4b:s4+s2], $0x6400, $0x38;
	[tilespmem:$0x14C00] =	vst v63  }
0x10: {  	_ =	swait.ge [sflag:s7], $0x6400  }
0x11: {  	[sflag:s7] =	ssyncset.done $0x0  }
0x12: {  	s0 =	simm.s32 $0x6400;
	[sflag:s7] =	ssyncadd.s32 $0xFFFF9C00  }
0x13: {  	[tilespmem:s0], [sflag:$0x1] =	stream.indirect.gather [hbm4b:s3+s8], $0x40, s2, s8, $0xb8;
	[tilespmem:$0x14C00] =	vst v63  }
0x14: {  	s12 =	simm.s32 $0x8400  }
0x15: {  	[tilespmem:s12], [sflag:$0x2] =	stream.indirect.gather [hbm4b:s3+s10], $0x40, s8, s10, $0xb8;
	[tilespmem:$0x14C00] =	vst v63  }
0x16: {  	s13 =	simm.s32 $0xC8;
	s9 =	simm.s32 $0x9600  }
0x17: {  	[tilespmem:s9], [sflag:$0x3] =	stream.indirect.gather [hbm4b:s3+s8], $0x40, s13, s8, $0xb8;
	[tilespmem:$0x14C00] =	vst v63  }
0x18: {  	s14 =	simm.s32 $0x148;
	s15 =	simm.s32 $0xB600  }
0x19: {  	[tilespmem:s15], [sflag:$0x4] =	stream.indirect.gather [hbm4b:s3+s10], $0x40, s14, s10, $0xb8;
	[tilespmem:$0x14C00] =	vst v63  }
0x1a: {  	_ = 	snop  }
0x1b: {  	[tilespmem:s17], [sflag:$0x5] =	stream.indirect.gather [hbm4b:s3+s8], $0x40, s16, s8, $0xb8;
	[tilespmem:$0x14C00] =	vst v63  }
0x1c: {  	s0 =	simm.s32 $0x0  }
0x1d: {  	[tilespmem:s19], [sflag:$0x6] =	stream.indirect.gather [hbm4b:s3+s10], $0x40, s18, s10, $0xb8;
	[tilespmem:$0x14C00] =	vst v63  }
.LBB2_2:
0x1e: {  	s9 =	sshllo.u32 s0, $0x2  }
0x1f: {  	s11 =	smul.u32 $0x320, s9;
	_ =	sdelay $0x1  }
0x20: {  	s11 =	sshra.s32 s11, $0x2  }
0x21: {  	[tilespmem:s20], [sflag:$0x7] =	stream.indirect.gather [hbm4b:s3+s8], $0x40, s11, s8, $0xb8;
	[tilespmem:$0x14C00] =	vst v63  }
0x22: {  	s11 =	sadd.s32 $0x80, s11  }
0x23: {  	[tilespmem:s21], [sflag:$0x8] =	stream.indirect.gather [hbm4b:s3+s10], $0x40, s11, s10, $0xb8;
	[tilespmem:$0x14C00] =	vst v63  }
0x24: {  	_ =	swait.ge [sflag:s22], $0x2000  }
0x25: {  	[sflag:s22] =	ssyncset.done $0x0  }
0x26: {  	s15 =	simm.s32 $0x0;
	[sflag:s22] =	ssyncadd.s32 $0xFFFFE000  }
0x27: {  	v17 =	vld [tilespmem:s15+$0x65C0]  }
0x28: {  	v19 =	vld [tilespmem:s15+$0x65D0]  }
0x29: {  	v18 =	vld [tilespmem:s15+$0x65E0]  }
0x2a: {  	v16 =	vld [tilespmem:s15+$0x65F0]  }
0x2b: {  	v23 =	vld [tilespmem:s15+$0x6580]  }
0x2c: {  	v22 =	vld [tilespmem:s15+$0x6590]  }
0x2d: {  	v21 =	vld [tilespmem:s15+$0x65A0]  }
0x2e: {  	v20 =	vld [tilespmem:s15+$0x65B0]  }
0x2f: {  	v27 =	vld [tilespmem:s15+$0x6540]  }
0x30: {  	v26 =	vld [tilespmem:s15+$0x6550]  }
0x31: {  	v25 =	vld [tilespmem:s15+$0x6560]  }
0x32: {  	v24 =	vld [tilespmem:s15+$0x6570]  }
0x33: {  	v11 =	vld [tilespmem:s15+$0x6500]  }
0x34: {  	v33 =	vld [tilespmem:s15+$0x6510]  }
0x35: {  	v35 =	vld [tilespmem:s15+$0x6520]  }
0x36: {  	v34 =	vld [tilespmem:s15+$0x6530]  }
0x37: {  	v5 =	vld [tilespmem:s15+$0x64C0]  }
0x38: {  	v31 =	vld [tilespmem:s15+$0x64D0]  }
0x39: {  	v30 =	vld [tilespmem:s15+$0x64E0]  }
0x3a: {  	v29 =	vld [tilespmem:s15+$0x64F0]  }
0x3b: {  	v4 =	vld [tilespmem:s15+$0x6480]  }
0x3c: {  	v15 =	vld [tilespmem:s15+$0x6490]  }
0x3d: {  	v12 =	vld [tilespmem:s15+$0x64A0]  }
0x3e: {  	v28 =	vld [tilespmem:s15+$0x64B0]  }
0x3f: {  	v6 =	vld [tilespmem:s15+$0x6440]  }
0x40: {  	v32 =	vld [tilespmem:s15+$0x6450]  }
0x41: {  	v13 =	vld [tilespmem:s15+$0x6460]  }
0x42: {  	v14 =	vld [tilespmem:s15+$0x6470]  }
0x43: {  	v7 =	vld [tilespmem:s15+$0x6400];
	v36 =	vadd.f32 v19, v17  }
0x44: {  	v8 =	vld [tilespmem:s15+$0x6410];
	v37 =	vadd.f32 v16, v18;
	v38 =	vadd.f32 v22, v23  }
0x45: {  	v9 =	vld [tilespmem:s15+$0x6420];
	v39 =	vadd.f32 v20, v21;
	v41 =	vadd.f32 v26, v27  }
0x46: {  	v10 =	vld [tilespmem:s15+$0x6430];
	v42 =	vadd.f32 v24, v25;
	v43 =	vadd.f32 v33, v11  }
0x47: {  	v44 =	vadd.f32 v34, v35;
	v45 =	vadd.f32 v31, v5  }
0x48: {  	v46 =	vadd.f32 v29, v30;
	v47 =	vadd.f32 v15, v4  }
0x49: {  	v48 =	vadd.f32 v28, v12;
	v49 =	vadd.f32 v32, v6  }
0x4a: {  	v50 =	vadd.f32 v14, v13;
	v51 =	vadd.f32 v8, v7  }
0x4b: {  	v52 =	vadd.f32 v10, v9;
	v38 =	vadd.f32 v39, v38  }
0x4c: {  	v36 =	vadd.f32 v37, v36;
	v37 =	vadd.f32 v44, v43  }
0x4d: {  	v63 =	vadd.f32 v42, v41;
	v43 =	vadd.f32 v48, v47  }
0x4e: {  	v40 =	vimm.f32 $0.0e+00;
	v54 =	vadd.f32 v46, v45;
	v48 =	vadd.f32 v50, v49  }
0x4f: {  	v58 =	vadd.f32 v52, v51;
	v55 =	vperm.xlane v38, v0;
	v56 =	vperm.xlane v36, v0  }
0x50: {  	v39 =	vimm.f32 $0.0e+00;
	v57 =	vperm.xlane v63, v0;
	v59 =	vperm.xlane v37, v0  }
0x51: {  	v60 =	vperm.xlane v54, v0;
	v61 =	vperm.xlane v43, v0;
	v44 =	vadd.f32 v36, v56  }
0x52: {  	v62 =	vperm.xlane v48, v0;
	v42 =	vadd.f32 v63, v57;
	v46 =	vadd.f32 v38, v55  }
0x53: {  	v41 =	vadd.f32 v54, v60;
	v63 =	vperm.xlane v58, v0;
	v47 =	vadd.f32 v37, v59  }
0x54: {  	v45 =	vadd.f32 v43, v61;
	v43 =	vadd.f32 v48, v62;
	v38 =	vimm.f32 $0.0e+00  }
0x55: {  	v36 =	vimm.f32 $0.0e+00;
	v51 =	vperm.xlane v46, v1;
	v52 =	vperm.xlane v44, v1  }
0x56: {  	v37 =	vimm.f32 $0.0e+00;
	v53 =	vperm.xlane v47, v1;
	v50 =	vperm.xlane v42, v1  }
0x57: {  	s11 =	simm.s32 $0x800;
	v48 =	vadd.f32 v58, v63;
	v54 =	vperm.xlane v45, v1;
	v49 =	vperm.xlane v41, v1  }
.LBB2_3:
0x58: {  	p0 =	sne.s32 s11, $0x7800;
	v55 =	vperm.xlane v43, v1;
	v46 =	vadd.f32 v46, v51;
	v44 =	vadd.f32 v44, v52  }
0x59: {  	v47 =	vadd.f32 v47, v53;
	v42 =	vadd.f32 v42, v50;
	v51 =	vperm.xlane v48, v1  }
0x5a: {  	v45 =	vadd.f32 v45, v54;
	v41 =	vadd.f32 v41, v49;
	v49 =	vperm.xlane v44, v2  }
0x5b: {  	v50 =	vperm.xlane v42, v2;
	v48 =	vadd.f32 v48, v51;
	v51 =	vperm.xlane v46, v2  }
0x5c: {  	v43 =	vadd.f32 v43, v55;
	v53 =	vperm.xlane v47, v2;
	v52 =	vperm.xlane v41, v2  }
0x5d: {  	v44 =	vadd.f32 v44, v49;
	v54 =	vperm.xlane v48, v2;
	v46 =	vadd.f32 v46, v51  }
0x5e: {  	v49 =	vperm.xlane v45, v2;
	v47 =	vadd.f32 v47, v53;
	v42 =	vadd.f32 v42, v50  }
0x5f: {  	v50 =	vperm.xlane v43, v2;
	v41 =	vadd.f32 v41, v52;
	v48 =	vadd.f32 v48, v54  }
0x60: {  	v45 =	vadd.f32 v45, v49;
	v51 =	vperm.xlane v44, v3;
	v49 =	vperm.xlane v46, v3  }
0x61: {  	v43 =	vadd.f32 v43, v50;
	v50 =	vperm.xlane v42, v3;
	v52 =	vperm.xlane v48, v3  }
0x62: {  	v53 =	vperm.xlane v41, v3;
	v54 =	vperm.xlane v47, v3;
	v44 =	vadd.f32 v44, v51  }
0x63: {  	v51 =	vperm.xlane v45, v3;
	v46 =	vadd.f32 v46, v49;
	v48 =	vadd.f32 v48, v52  }
0x64: {  	v42 =	vadd.f32 v42, v50;
	v49 =	vperm.xlane v43, v3;
	v47 =	vadd.f32 v47, v54  }
0x65: {  	v7 =	vadd.f32 v7, v40;
	vm0 =	vlt.f32 v48, $0.0e+00;
	vm1 =	vgt.f32 v48, $0.0e+00  }
0x66: {  	v43 =	vadd.f32 v43, v49;
	v48 =	vadd.f32 v41, v53;
	vm8 =	vmor vm1, vm0  }
0x67: {  	vm0 =	vlt.f32 v44, $0.0e+00;
	v7 =	vsel vm8, v7, v40;
	v40 =	vadd.f32 v45, v51  }
0x68: {  	vm2 =	vgt.f32 v43, $0.0e+00;
	vm1 =	vlt.f32 v43, $0.0e+00;
	v6 =	vadd.f32 v7, v6  }
0x69: {  	vm7 =	vmor vm2, vm1;
	vm2 =	vlt.f32 v46, $0.0e+00;
	vm1 =	vgt.f32 v44, $0.0e+00  }
0x6a: {  	vm3 =	vlt.f32 v42, $0.0e+00;
	vm4 =	vgt.f32 v46, $0.0e+00;
	v6 =	vsel vm7, v6, v7  }
0x6b: {  	s12 =	sshra.s32 s11, $0x2;
	vm5 =	vlt.f32 v40, $0.0e+00;
	vm6 =	vgt.f32 v40, $0.0e+00;
	v4 =	vadd.f32 v6, v4  }
0x6c: {  	vm10 =	vgt.f32 v42, $0.0e+00;
	vm9 =	vlt.f32 v47, $0.0e+00;
	vm5 =	vmor vm6, vm5;
	v41 =	vld [tilespmem:s12+$0x65C0]  }
0x6d: {  	vm11 =	vgt.f32 v47, $0.0e+00;
	vm6 =	vlt.f32 v48, $0.0e+00;
	v40 =	vld [tilespmem:s12+$0x65D0];
	v4 =	vsel vm5, v4, v6  }
0x6e: {  	vm12 =	vgt.f32 v48, $0.0e+00;
	vm2 =	vmor vm4, vm2;
	v7 =	vld [tilespmem:s12+$0x65E0];
	v5 =	vadd.f32 v4, v5  }
0x6f: {  	vm3 =	vmor vm10, vm3;
	vm6 =	vmor vm12, vm6;
	v6 =	vadd.f32 v8, v39;
	v42 =	vld [tilespmem:s12+$0x65F0]  }
0x70: {  	v9 =	vadd.f32 v9, v38;
	vm4 =	vmor vm11, vm9;
	v8 =	vld [tilespmem:s12+$0x6580];
	v4 =	vsel vm6, v5, v4  }
0x71: {  	v5 =	vsel vm8, v6, v39;
	v6 =	vadd.f32 v10, v36;
	v10 =	vadd.f32 $1.000000000e+00, v37;
	v43 =	vld [tilespmem:s12+$0x6590]  }
0x72: {  	v9 =	vsel vm8, v9, v38;
	v32 =	vadd.f32 v5, v32;
	v11 =	vadd.f32 v4, v11;
	v39 =	vld [tilespmem:s12+$0x65A0]  }
0x73: {  	v13 =	vadd.f32 v9, v13;
	v6 =	vsel vm8, v6, v36;
	v10 =	vsel vm8, v10, v37;
	v38 =	vld [tilespmem:s12+$0x65B0]  }
0x74: {  	v5 =	vsel vm7, v32, v5;
	v14 =	vadd.f32 v14, v6;
	v32 =	vadd.f32 $1.000000000e+00, v10;
	v36 =	vld [tilespmem:s12+$0x6540]  }
0x75: {  	v9 =	vsel vm7, v13, v9;
	v4 =	vsel vm4, v11, v4;
	v13 =	vadd.f32 v5, v15;
	v37 =	vld [tilespmem:s12+$0x6550]  }
0x76: {  	v12 =	vadd.f32 v9, v12;
	v6 =	vsel vm7, v14, v6;
	v10 =	vsel vm7, v32, v10;
	v15 =	vld [tilespmem:s12+$0x6560]  }
0x77: {  	v5 =	vsel vm5, v13, v5;
	v13 =	vadd.f32 v28, v6;
	v28 =	vadd.f32 $1.000000000e+00, v10;
	v14 =	vld [tilespmem:s12+$0x6570]  }
0x78: {  	v9 =	vsel vm5, v12, v9;
	v12 =	vadd.f32 v5, v31;
	v31 =	vadd.f32 v4, v27;
	v11 =	vld [tilespmem:s12+$0x6500]  }
0x79: {  	v6 =	vsel vm5, v13, v6;
	v10 =	vsel vm5, v28, v10;
	v13 =	vadd.f32 v9, v30;
	v32 =	vld [tilespmem:s12+$0x6510];
	v27 =	vmovc v36  }
0x7a: {  	v12 =	vsel vm6, v12, v5;
	v28 =	vadd.f32 v29, v6;
	v29 =	vadd.f32 $1.000000000e+00, v10;
	v36 =	vld [tilespmem:s12+$0x6520]  }
0x7b: {  	v9 =	vsel vm6, v13, v9;
	v13 =	vadd.f32 v12, v33;
	v33 =	vsel vm3, v31, v4;
	v44 =	vld [tilespmem:s12+$0x6530]  }
0x7c: {  	v4 =	vsel vm6, v28, v6;
	v6 =	vsel vm6, v29, v10;
	v10 =	vadd.f32 v9, v35;
	v5 =	vld [tilespmem:s12+$0x64C0]  }
0x7d: {  	v12 =	vsel vm4, v13, v12;
	v13 =	vadd.f32 v34, v4;
	v28 =	vadd.f32 $1.000000000e+00, v6;
	v31 =	vld [tilespmem:s12+$0x64D0]  }
0x7e: {  	v34 =	vadd.f32 v33, v23;
	v23 =	vmovc v8;
	v9 =	vsel vm4, v10, v9;
	v10 =	vadd.f32 v12, v26;
	v30 =	vld [tilespmem:s12+$0x64E0]  }
0x7f: {  	v26 =	vmovc v37;
	v8 =	vsel vm4, v13, v4;
	v6 =	vsel vm4, v28, v6;
	v13 =	vadd.f32 v9, v25;
	v29 =	vld [tilespmem:s12+$0x64F0]  }
0x80: {  	v25 =	vmovc v15;
	v10 =	vsel vm3, v10, v12;
	v28 =	vadd.f32 v24, v8;
	v35 =	vadd.f32 $1.000000000e+00, v6;
	v24 =	vmovc v14;
	v4 =	vld [tilespmem:s12+$0x6480]  }
0x81: {  	v34 =	vsel vm2, v34, v33;
	v9 =	vsel vm3, v13, v9;
	v13 =	vadd.f32 v10, v22;
	v22 =	vmovc v43;
	v15 =	vld [tilespmem:s12+$0x6490]  }
0x82: {  	v8 =	vsel vm3, v28, v8;
	v14 =	vsel vm3, v35, v6;
	v35 =	vadd.f32 v9, v21;
	v21 =	vmovc v39;
	v12 =	vld [tilespmem:s12+$0x64A0]  }
0x83: {  	v33 =	vmovc v32;
	v10 =	vsel vm2, v13, v10;
	v13 =	vadd.f32 v20, v8;
	v37 =	vadd.f32 $1.000000000e+00, v14;
	v20 =	vmovc v38;
	v28 =	vld [tilespmem:s12+$0x64B0]  }
0x84: {  	v46 =	vadd.f32 v34, v17;
	v17 =	vmovc v41;
	v9 =	vsel vm2, v35, v9;
	v38 =	vadd.f32 v10, v19;
	v6 =	vld [tilespmem:s12+$0x6440]  }
0x85: {  	v19 =	vmovc v40;
	v8 =	vsel vm2, v13, v8;
	v37 =	vsel vm2, v37, v14;
	v41 =	vadd.f32 v9, v18;
	v32 =	vld [tilespmem:s12+$0x6450]  }
0x86: {  	vm0 =	vmor vm1, vm0;
	v18 =	vmovc v7;
	v43 =	vadd.f32 v16, v8;
	v45 =	vadd.f32 $1.000000000e+00, v37;
	v16 =	vmovc v42;
	v13 =	vld [tilespmem:s12+$0x6460]  }
0x87: {  	v40 =	vsel vm0, v46, v34;
	v34 =	vmovc v44;
	v39 =	vsel vm0, v38, v10;
	v35 =	vmov v36;
	v14 =	vld [tilespmem:s12+$0x6470]  }
0x88: {  	v38 =	vsel vm0, v41, v9;
	v36 =	vsel vm0, v43, v8;
	v37 =	vsel vm0, v45, v37;
	v7 =	vld [tilespmem:s12+$0x6400]  }
0x89: {  	v41 =	vadd.f32 v19, v17;
	v42 =	vadd.f32 v16, v18;
	v8 =	vld [tilespmem:s12+$0x6410]  }
0x8a: {  	v44 =	vadd.f32 v20, v21;
	v43 =	vadd.f32 v22, v23;
	v9 =	vld [tilespmem:s12+$0x6420]  }
0x8b: {  	v46 =	vadd.f32 v24, v25;
	v45 =	vadd.f32 v26, v27;
	v10 =	vld [tilespmem:s12+$0x6430]  }
0x8c: {  	v47 =	vadd.f32 v33, v11;
	v48 =	vadd.f32 v34, v35  }
0x8d: {  	v49 =	vadd.f32 v31, v5;
	v50 =	vadd.f32 v29, v30  }
0x8e: {  	v51 =	vadd.f32 v15, v4;
	v52 =	vadd.f32 v28, v12  }
0x8f: {  	v53 =	vadd.f32 v32, v6;
	v54 =	vadd.f32 v14, v13  }
0x90: {  	v55 =	vadd.f32 v8, v7;
	v56 =	vadd.f32 v10, v9  }
0x91: {  	v41 =	vadd.f32 v42, v41;
	v43 =	vadd.f32 v44, v43  }
0x92: {  	v47 =	vadd.f32 v48, v47;
	v42 =	vadd.f32 v46, v45  }
0x93: {  	v48 =	vadd.f32 v50, v49;
	v45 =	vadd.f32 v52, v51  }
0x94: {  	v44 =	vperm.xlane v41, v0;
	v46 =	vperm.xlane v43, v0;
	v49 =	vadd.f32 v54, v53  }
0x95: {  	v50 =	vperm.xlane v47, v0;
	v51 =	vperm.xlane v42, v0;
	v54 =	vadd.f32 v56, v55  }
0x96: {  	v52 =	vperm.xlane v45, v0;
	v44 =	vadd.f32 v41, v44;
	v53 =	vperm.xlane v48, v0  }
.Ltmp0:
0x97: {  	v42 =	vadd.f32 v42, v51;
	v46 =	vadd.f32 v43, v46;
	v55 =	vperm.xlane v49, v0;
	(pc) =	sbr.rel @p0 .LBB2_3-.Ltmp0, $4  }
0x98: {  	v47 =	vadd.f32 v47, v50;
	v41 =	vadd.f32 v48, v53;
	v56 =	vperm.xlane v54, v0  }
0x99: {  	v45 =	vadd.f32 v45, v52;
	v52 =	vperm.xlane v44, v1;
	v51 =	vperm.xlane v46, v1  }
0x9a: {  	v50 =	vperm.xlane v42, v1;
	v53 =	vperm.xlane v47, v1;
	v43 =	vadd.f32 v49, v55  }
0x9b: {  	s11 =	sadd.s32 $0x800, s11;
	v49 =	vperm.xlane v41, v1;
	v48 =	vadd.f32 v54, v56;
	v54 =	vperm.xlane v45, v1  }
0x9c: {  	v46 =	vadd.f32 v46, v51  }
0x9d: {  	v44 =	vadd.f32 v44, v52;
	v47 =	vadd.f32 v47, v53  }
0x9e: {  	v57 =	vperm.xlane v43, v1;
	v42 =	vadd.f32 v42, v50;
	v7 =	vadd.f32 v7, v40  }
0x9f: {  	v56 =	vperm.xlane v48, v1;
	v45 =	vadd.f32 v45, v54;
	v58 =	vperm.xlane v44, v2  }
0xa0: {  	v41 =	vadd.f32 v41, v49;
	v59 =	vperm.xlane v46, v2;
	v60 =	vperm.xlane v42, v2  }
0xa1: {  	v53 =	vperm.xlane v47, v2;
	v43 =	vadd.f32 v43, v57;
	v48 =	vadd.f32 v48, v56  }
0xa2: {  	v62 =	vperm.xlane v41, v2;
	v46 =	vadd.f32 v46, v59;
	v44 =	vadd.f32 v44, v58  }
0xa3: {  	v63 =	vperm.xlane v45, v2;
	v47 =	vadd.f32 v47, v53;
	v42 =	vadd.f32 v42, v60  }
0xa4: {  	v56 =	vperm.xlane v43, v2;
	v61 =	vperm.xlane v48, v2;
	v51 =	vadd.f32 v41, v62  }
0xa5: {  	v45 =	vadd.f32 v45, v63;
	v52 =	vperm.xlane v46, v3;
	v57 =	vperm.xlane v44, v3  }
0xa6: {  	v43 =	vadd.f32 v43, v56;
	v59 =	vperm.xlane v42, v3;
	v48 =	vadd.f32 v48, v61  }
0xa7: {  	v60 =	vperm.xlane v51, v3;
	v61 =	vperm.xlane v47, v3;
	v41 =	vadd.f32 v44, v57  }
0xa8: {  	v63 =	vperm.xlane v45, v3;
	v46 =	vadd.f32 v46, v52;
	v42 =	vadd.f32 v42, v59  }
0xa9: {  	v59 =	vadd.f32 v8, v39;
	v54 =	vadd.f32 v47, v61  }
0xaa: {  	v52 =	vperm.xlane v43, v3;
	v55 =	vadd.f32 v51, v60;
	v56 =	vadd.f32 v45, v63  }
0xab: {  	v58 =	vperm.xlane v48, v3;
	v60 =	vadd.f32 v9, v38;
	v61 =	vadd.f32 v10, v36  }
0xac: {  	v43 =	vadd.f32 v43, v52;
	vm14 =	vlt.f32 v46, $0.0e+00;
	vm15 =	vlt.f32 v42, $0.0e+00  }
0xad: {  	vm2 =	vgt.f32 v46, $0.0e+00;
	vm8 =	vgt.f32 v42, $0.0e+00;
	v62 =	vadd.f32 v48, v58  }
0xae: {  	vm4 =	vlt.f32 v56, $0.0e+00;
	vm5 =	vgt.f32 v56, $0.0e+00;
	vm7 =	vlt.f32 v54, $0.0e+00  }
0xaf: {  	_ =	swait.ge [sflag:s23], $0x1200;
	vm9 =	vgt.f32 v54, $0.0e+00;
	vm10 =	vgt.f32 v55, $0.0e+00;
	vm12 =	vlt.f32 v43, $0.0e+00  }
0xb0: {  	[sflag:s23] =	ssyncset.done $0x0;
	vm13 =	vgt.f32 v43, $0.0e+00;
	vm4 =	vmor vm5, vm4;
	vm0 =	vlt.f32 v62, $0.0e+00  }
0xb1: {  	s11 =	simm.s32 $0x0;
	[sflag:s23] =	ssyncadd.s32 $0xFFFFEE00;
	vm1 =	vgt.f32 v62, $0.0e+00;
	vm3 =	vmor vm13, vm12;
	vm12 =	vlt.f32 v55, $0.0e+00  }
0xb2: {  	v8 =	vld [tilespmem:s11+$0x8580];
	vm13 =	vmor vm9, vm7;
	v62 =	vadd.f32 $1.000000000e+00, v37;
	vm6 =	vmor vm1, vm0  }
0xb3: {  	v9 =	vld [tilespmem:s11+$0x8590];
	vm0 =	vmor vm2, vm14;
	vm5 =	vmor vm10, vm12;
	vm1 =	vmor vm8, vm15  }
0xb4: {  	v10 =	vld [tilespmem:s11+$0x85A0];
	v7 =	vsel vm6, v7, v40;
	v39 =	vsel vm6, v59, v39;
	v38 =	vsel vm6, v60, v38  }
0xb5: {  	v36 =	vsel vm6, v61, v36;
	v6 =	vadd.f32 v7, v6;
	v45 =	vadd.f32 v38, v13;
	v13 =	vld [tilespmem:s11+$0x8540]  }
0xb6: {  	vm14 =	vlt.f32 v41, $0.0e+00;
	v32 =	vadd.f32 v39, v32;
	v46 =	vadd.f32 v14, v36;
	v14 =	vld [tilespmem:s11+$0x8550]  }
0xb7: {  	vm15 =	vgt.f32 v41, $0.0e+00;
	v37 =	vsel vm6, v62, v37;
	v7 =	vsel vm3, v6, v7;
	v6 =	vld [tilespmem:s11+$0x85D0]  }
0xb8: {  	v43 =	vadd.f32 $1.000000000e+00, v37;
	v32 =	vsel vm3, v32, v39;
	v57 =	vadd.f32 v7, v4;
	v4 =	vld [tilespmem:s11+$0x85C0]  }
0xb9: {  	v38 =	vsel vm3, v45, v38;
	v36 =	vsel vm3, v46, v36;
	v47 =	vadd.f32 v32, v15;
	v15 =	vld [tilespmem:s11+$0x8560]  }
0xba: {  	v37 =	vsel vm3, v43, v37;
	v48 =	vadd.f32 v38, v12;
	v12 =	vld [tilespmem:s11+$0x8570];
	v49 =	vadd.f32 v28, v36  }
0xbb: {  	v43 =	vadd.f32 $1.000000000e+00, v37;
	v28 =	vld [tilespmem:s11+$0x8500];
	v40 =	vsel vm4, v57, v7;
	v42 =	vsel vm4, v47, v32  }
0xbc: {  	v7 =	vld [tilespmem:s11+$0x85E0];
	v38 =	vsel vm4, v48, v38;
	v36 =	vsel vm4, v49, v36;
	v58 =	vadd.f32 v40, v5  }
0xbd: {  	v37 =	vsel vm4, v43, v37;
	v32 =	vld [tilespmem:s11+$0x8520];
	v31 =	vadd.f32 v42, v31;
	v30 =	vadd.f32 v38, v30  }
0xbe: {  	v5 =	vld [tilespmem:s11+$0x85F0];
	v29 =	vadd.f32 v29, v36;
	v43 =	vadd.f32 $1.000000000e+00, v37;
	v40 =	vsel vm5, v58, v40  }
0xbf: {  	v42 =	vsel vm5, v31, v42;
	v31 =	vld [tilespmem:s11+$0x8530];
	v38 =	vsel vm5, v30, v38;
	v49 =	vadd.f32 v6, v4  }
0xc0: {  	v36 =	vsel vm5, v29, v36;
	v29 =	vld [tilespmem:s11+$0x84D0];
	v63 =	vadd.f32 v40, v11;
	v30 =	vadd.f32 v42, v33  }
0xc1: {  	v37 =	vsel vm5, v43, v37;
	v11 =	vld [tilespmem:s11+$0x85B0];
	v35 =	vadd.f32 v38, v35;
	v34 =	vadd.f32 v34, v36  }
0xc2: {  	v33 =	vld [tilespmem:s11+$0x84C0];
	v52 =	vadd.f32 $1.000000000e+00, v37;
	v40 =	vsel vm13, v63, v40;
	v51 =	vsel vm13, v30, v42  }
0xc3: {  	v30 =	vld [tilespmem:s11+$0x84E0];
	v35 =	vsel vm13, v35, v38;
	v34 =	vsel vm13, v34, v36;
	v50 =	vadd.f32 v40, v27  }
0xc4: {  	v54 =	vsel vm13, v52, v37;
	v37 =	vld [tilespmem:s11+$0x8440];
	v26 =	vadd.f32 v51, v26;
	v55 =	vadd.f32 v35, v25  }
0xc5: {  	v27 =	vld [tilespmem:s11+$0x8510];
	v56 =	vadd.f32 v24, v34;
	v42 =	vadd.f32 $1.000000000e+00, v54;
	v39 =	vsel vm1, v50, v40  }
0xc6: {  	v25 =	vld [tilespmem:s11+$0x8480];
	v26 =	vsel vm1, v26, v51;
	v50 =	vadd.f32 v5, v7;
	v51 =	vadd.f32 v9, v8  }
0xc7: {  	v24 =	vld [tilespmem:s11+$0x8490];
	v36 =	vsel vm1, v42, v54;
	v52 =	vadd.f32 v11, v10;
	v54 =	vadd.f32 v12, v15  }
0xc8: {  	v34 =	vsel vm1, v56, v34;
	v56 =	vadd.f32 v31, v32;
	v53 =	vadd.f32 v39, v23;
	v23 =	vld [tilespmem:s11+$0x84F0]  }
0xc9: {  	v35 =	vsel vm1, v55, v35;
	v41 =	vadd.f32 v29, v33;
	v57 =	vadd.f32 v26, v22;
	v22 =	vld [tilespmem:s11+$0x84A0]  }
0xca: {  	v58 =	vadd.f32 v35, v21;
	v21 =	vld [tilespmem:s11+$0x84B0];
	v59 =	vadd.f32 $1.000000000e+00, v36  }
0xcb: {  	v20 =	vadd.f32 v20, v34;
	v51 =	vadd.f32 v52, v51;
	v38 =	vsel vm0, v53, v39;
	v39 =	vld [tilespmem:s11+$0x8400]  }
0xcc: {  	v26 =	vsel vm0, v57, v26;
	v45 =	vsel vm0, v59, v36;
	v36 =	vld [tilespmem:s11+$0x8410];
	v53 =	vadd.f32 v14, v13  }
0xcd: {  	v42 =	vsel vm0, v58, v35;
	v35 =	vld [tilespmem:s11+$0x8420];
	v55 =	vadd.f32 v27, v28;
	v58 =	vadd.f32 v24, v25  }
0xce: {  	v44 =	vsel vm0, v20, v34;
	v34 =	vld [tilespmem:s11+$0x8430];
	v60 =	vadd.f32 v38, v17;
	v19 =	vadd.f32 v26, v19  }
0xcf: {  	v17 =	vld [tilespmem:s11+$0x8450];
	v46 =	vadd.f32 v42, v18;
	v47 =	vadd.f32 v16, v44  }
0xd0: {  	vm0 =	vmor vm15, vm14;
	v18 =	vld [tilespmem:s11+$0x8460];
	v48 =	vadd.f32 $1.000000000e+00, v45;
	v63 =	vadd.f32 v54, v53  }
0xd1: {  	v16 =	vld [tilespmem:s11+$0x8470];
	v57 =	vadd.f32 v23, v30;
	v59 =	vadd.f32 v21, v22;
	v40 =	vsel vm0, v60, v38  }
0xd2: {  	v20 =	vsel vm0, v19, v26;
	v26 =	vsel vm0, v46, v42;
	v42 =	vadd.f32 v50, v49  }
0xd3: {  	v19 =	vsel vm0, v47, v44;
	v47 =	vadd.f32 v56, v55;
	v61 =	vadd.f32 v36, v39  }
0xd4: {  	v38 =	vsel vm0, v48, v45;
	v62 =	vadd.f32 v34, v35;
	v45 =	vadd.f32 v59, v58  }
0xd5: {  	v48 =	vadd.f32 v57, v41;
	v57 =	vperm.xlane v51, v0;
	v59 =	vperm.xlane v63, v0  }
0xd6: {  	v58 =	vperm.xlane v42, v0;
	v43 =	vadd.f32 v17, v37;
	v60 =	vadd.f32 v16, v18  }
0xd7: {  	v50 =	vperm.xlane v47, v0;
	v54 =	vadd.f32 v62, v61;
	v41 =	vadd.f32 v63, v59  }
0xd8: {  	v61 =	vperm.xlane v48, v0;
	v46 =	vadd.f32 v51, v57;
	v53 =	vadd.f32 v60, v43  }
0xd9: {  	v47 =	vadd.f32 v47, v50;
	v60 =	vperm.xlane v45, v0;
	v43 =	vadd.f32 v42, v58  }
0xda: {  	v63 =	vperm.xlane v54, v0;
	v44 =	vadd.f32 v48, v61;
	v62 =	vperm.xlane v53, v0  }
0xdb: {  	v49 =	vperm.xlane v46, v1;
	v51 =	vperm.xlane v47, v1;
	v45 =	vadd.f32 v45, v60  }
0xdc: {  	v52 =	vperm.xlane v41, v1;
	v50 =	vperm.xlane v43, v1;
	v42 =	vadd.f32 v53, v62  }
0xdd: {  	s11 =	simm.s32 $0x800;
	v48 =	vadd.f32 v54, v63;
	v54 =	vperm.xlane v44, v1;
	v53 =	vperm.xlane v45, v1  }
.LBB2_5:
0xde: {  	p0 =	sne.s32 s11, $0x4000;
	v55 =	vperm.xlane v42, v1;
	v46 =	vadd.f32 v46, v49;
	v43 =	vadd.f32 v43, v50  }
0xdf: {  	v47 =	vadd.f32 v47, v51;
	v41 =	vadd.f32 v41, v52;
	v49 =	vperm.xlane v48, v1  }
0xe0: {  	v45 =	vadd.f32 v45, v53;
	v44 =	vadd.f32 v44, v54;
	v50 =	vperm.xlane v43, v2  }
0xe1: {  	v51 =	vperm.xlane v46, v2;
	v48 =	vadd.f32 v48, v49;
	v49 =	vperm.xlane v41, v2  }
0xe2: {  	v42 =	vadd.f32 v42, v55;
	v53 =	vperm.xlane v47, v2;
	v52 =	vperm.xlane v44, v2  }
0xe3: {  	v46 =	vadd.f32 v46, v51;
	v43 =	vadd.f32 v43, v50;
	v54 =	vperm.xlane v48, v2  }
0xe4: {  	v50 =	vperm.xlane v45, v2;
	v47 =	vadd.f32 v47, v53;
	v41 =	vadd.f32 v41, v49  }
0xe5: {  	v49 =	vperm.xlane v42, v2;
	v44 =	vadd.f32 v44, v52;
	v48 =	vadd.f32 v48, v54  }
0xe6: {  	v45 =	vadd.f32 v45, v50;
	v50 =	vperm.xlane v46, v3;
	v51 =	vperm.xlane v43, v3  }
0xe7: {  	v42 =	vadd.f32 v42, v49;
	v49 =	vperm.xlane v41, v3;
	v52 =	vperm.xlane v48, v3  }
0xe8: {  	v53 =	vperm.xlane v44, v3;
	v54 =	vperm.xlane v47, v3;
	v43 =	vadd.f32 v43, v51  }
0xe9: {  	v51 =	vperm.xlane v45, v3;
	v46 =	vadd.f32 v46, v50;
	v48 =	vadd.f32 v48, v52  }
0xea: {  	v50 =	vperm.xlane v42, v3;
	v47 =	vadd.f32 v47, v54;
	v49 =	vadd.f32 v41, v49  }
0xeb: {  	v39 =	vadd.f32 v39, v40;
	vm0 =	vlt.f32 v48, $0.0e+00;
	vm1 =	vgt.f32 v48, $0.0e+00  }
0xec: {  	v41 =	vadd.f32 v42, v50;
	v42 =	vadd.f32 v44, v53;
	vm8 =	vmor vm1, vm0  }
0xed: {  	vm0 =	vlt.f32 v43, $0.0e+00;
	v39 =	vsel vm8, v39, v40;
	v40 =	vadd.f32 v45, v51  }
0xee: {  	vm2 =	vgt.f32 v41, $0.0e+00;
	vm1 =	vlt.f32 v41, $0.0e+00;
	v37 =	vadd.f32 v39, v37  }
0xef: {  	vm7 =	vmor vm2, vm1;
	vm2 =	vlt.f32 v46, $0.0e+00;
	vm1 =	vgt.f32 v43, $0.0e+00  }
0xf0: {  	vm4 =	vgt.f32 v46, $0.0e+00;
	vm3 =	vlt.f32 v49, $0.0e+00;
	v37 =	vsel vm7, v37, v39  }
0xf1: {  	s12 =	sshra.s32 s11, $0x2;
	vm5 =	vlt.f32 v40, $0.0e+00;
	vm6 =	vgt.f32 v40, $0.0e+00;
	v25 =	vadd.f32 v37, v25  }
0xf2: {  	vm9 =	vlt.f32 v47, $0.0e+00;
	vm10 =	vgt.f32 v49, $0.0e+00;
	vm5 =	vmor vm6, vm5;
	v41 =	vld [tilespmem:s12+$0x85C0]  }
0xf3: {  	vm11 =	vgt.f32 v47, $0.0e+00;
	vm6 =	vlt.f32 v42, $0.0e+00;
	v40 =	vld [tilespmem:s12+$0x85D0];
	v25 =	vsel vm5, v25, v37  }
0xf4: {  	vm12 =	vgt.f32 v42, $0.0e+00;
	vm2 =	vmor vm4, vm2;
	v39 =	vld [tilespmem:s12+$0x85E0];
	v33 =	vadd.f32 v25, v33  }
0xf5: {  	v36 =	vadd.f32 v36, v20;
	vm3 =	vmor vm10, vm3;
	vm6 =	vmor vm12, vm6;
	v42 =	vld [tilespmem:s12+$0x85F0]  }
0xf6: {  	v35 =	vadd.f32 v35, v26;
	vm4 =	vmor vm11, vm9;
	v37 =	vld [tilespmem:s12+$0x8580];
	v25 =	vsel vm6, v33, v25  }
0xf7: {  	v20 =	vsel vm8, v36, v20;
	v33 =	vadd.f32 v34, v19;
	v34 =	vadd.f32 $1.000000000e+00, v38;
	v43 =	vld [tilespmem:s12+$0x8590]  }
0xf8: {  	v26 =	vsel vm8, v35, v26;
	v17 =	vadd.f32 v20, v17;
	v28 =	vadd.f32 v25, v28;
	v36 =	vld [tilespmem:s12+$0x85A0]  }
0xf9: {  	v18 =	vadd.f32 v26, v18;
	v19 =	vsel vm8, v33, v19;
	v33 =	vsel vm8, v34, v38;
	v35 =	vld [tilespmem:s12+$0x85B0]  }
0xfa: {  	v17 =	vsel vm7, v17, v20;
	v16 =	vadd.f32 v16, v19;
	v20 =	vadd.f32 $1.000000000e+00, v33;
	v34 =	vld [tilespmem:s12+$0x8540]  }
0xfb: {  	v18 =	vsel vm7, v18, v26;
	v24 =	vadd.f32 v17, v24;
	v25 =	vsel vm4, v28, v25;
	v38 =	vld [tilespmem:s12+$0x8550]  }
0xfc: {  	v16 =	vsel vm7, v16, v19;
	v19 =	vsel vm7, v20, v33;
	v20 =	vadd.f32 v18, v22;
	v26 =	vld [tilespmem:s12+$0x8560]  }
0xfd: {  	v17 =	vsel vm5, v24, v17;
	v21 =	vadd.f32 v21, v16;
	v24 =	vadd.f32 $1.000000000e+00, v19;
	v22 =	vld [tilespmem:s12+$0x8570]  }
0xfe: {  	v18 =	vsel vm5, v20, v18;
	v20 =	vadd.f32 v17, v29;
	v29 =	vadd.f32 v25, v13;
	v28 =	vld [tilespmem:s12+$0x8500]  }
0xff: {  	v16 =	vsel vm5, v21, v16;
	v19 =	vsel vm5, v24, v19;
	v21 =	vadd.f32 v18, v30;
	v44 =	vld [tilespmem:s12+$0x8510];
	v13 =	vmovc v34  }
0x100: {  	v17 =	vsel vm6, v20, v17;
	v20 =	vadd.f32 v23, v16;
	v23 =	vadd.f32 $1.000000000e+00, v19;
	v34 =	vld [tilespmem:s12+$0x8520]  }
0x101: {  	v18 =	vsel vm6, v21, v18;
	v21 =	vadd.f32 v17, v27;
	v27 =	vsel vm3, v29, v25;
	v45 =	vld [tilespmem:s12+$0x8530]  }
0x102: {  	v16 =	vsel vm6, v20, v16;
	v19 =	vsel vm6, v23, v19;
	v20 =	vadd.f32 v18, v32;
	v33 =	vld [tilespmem:s12+$0x84C0]  }
0x103: {  	v17 =	vsel vm4, v21, v17;
	v21 =	vadd.f32 v31, v16;
	v24 =	vadd.f32 $1.000000000e+00, v19;
	v29 =	vld [tilespmem:s12+$0x84D0]  }
0x104: {  	v31 =	vadd.f32 v27, v8;
	v8 =	vmovc v37;
	v18 =	vsel vm4, v20, v18;
	v20 =	vadd.f32 v17, v14;
	v30 =	vld [tilespmem:s12+$0x84E0]  }
0x105: {  	v14 =	vmovc v38;
	v16 =	vsel vm4, v21, v16;
	v19 =	vsel vm4, v24, v19;
	v21 =	vadd.f32 v18, v15;
	v23 =	vld [tilespmem:s12+$0x84F0]  }
0x106: {  	v15 =	vmovc v26;
	v17 =	vsel vm3, v20, v17;
	v20 =	vadd.f32 v12, v16;
	v32 =	vadd.f32 $1.000000000e+00, v19;
	v12 =	vmovc v22;
	v25 =	vld [tilespmem:s12+$0x8480]  }
0x107: {  	v26 =	vsel vm2, v31, v27;
	v18 =	vsel vm3, v21, v18;
	v37 =	vadd.f32 v17, v9;
	v9 =	vmovc v43;
	v24 =	vld [tilespmem:s12+$0x8490]  }
0x108: {  	v16 =	vsel vm3, v20, v16;
	v19 =	vsel vm3, v32, v19;
	v20 =	vadd.f32 v18, v10;
	v10 =	vmovc v36;
	v22 =	vld [tilespmem:s12+$0x84A0]  }
0x109: {  	v27 =	vmovc v44;
	v31 =	vsel vm2, v37, v17;
	v32 =	vadd.f32 v11, v16;
	v36 =	vadd.f32 $1.000000000e+00, v19;
	v11 =	vmovc v35;
	v21 =	vld [tilespmem:s12+$0x84B0]  }
0x10a: {  	v35 =	vsel vm2, v20, v18;
	v20 =	vadd.f32 v26, v4;
	v38 =	vadd.f32 v31, v6;
	v4 =	vmovc v41;
	v37 =	vld [tilespmem:s12+$0x8440]  }
0x10b: {  	v6 =	vmovc v40;
	v41 =	vsel vm2, v32, v16;
	v36 =	vsel vm2, v36, v19;
	v19 =	vadd.f32 v35, v7;
	v17 =	vld [tilespmem:s12+$0x8450]  }
0x10c: {  	vm0 =	vmor vm1, vm0;
	v7 =	vmovc v39;
	v43 =	vadd.f32 v5, v41;
	v44 =	vadd.f32 $1.000000000e+00, v36;
	v5 =	vmovc v42;
	v18 =	vld [tilespmem:s12+$0x8460]  }
0x10d: {  	v40 =	vsel vm0, v20, v26;
	v20 =	vsel vm0, v38, v31;
	v31 =	vmovc v45;
	v32 =	vmov v34;
	v16 =	vld [tilespmem:s12+$0x8470]  }
0x10e: {  	v26 =	vsel vm0, v19, v35;
	v19 =	vsel vm0, v43, v41;
	v38 =	vsel vm0, v44, v36;
	v39 =	vld [tilespmem:s12+$0x8400]  }
0x10f: {  	v42 =	vadd.f32 v5, v7;
	v41 =	vadd.f32 v6, v4;
	v36 =	vld [tilespmem:s12+$0x8410]  }
0x110: {  	v43 =	vadd.f32 v9, v8;
	v44 =	vadd.f32 v11, v10;
	v35 =	vld [tilespmem:s12+$0x8420]  }
0x111: {  	v46 =	vadd.f32 v12, v15;
	v45 =	vadd.f32 v14, v13;
	v34 =	vld [tilespmem:s12+$0x8430]  }
0x112: {  	v47 =	vadd.f32 v27, v28;
	v48 =	vadd.f32 v31, v32  }
0x113: {  	v49 =	vadd.f32 v29, v33;
	v50 =	vadd.f32 v23, v30  }
0x114: {  	v51 =	vadd.f32 v24, v25;
	v52 =	vadd.f32 v21, v22  }
0x115: {  	v53 =	vadd.f32 v17, v37;
	v54 =	vadd.f32 v16, v18  }
0x116: {  	v55 =	vadd.f32 v36, v39;
	v56 =	vadd.f32 v34, v35  }
0x117: {  	v44 =	vadd.f32 v44, v43;
	v41 =	vadd.f32 v42, v41  }
0x118: {  	v45 =	vadd.f32 v46, v45;
	v42 =	vadd.f32 v48, v47  }
0x119: {  	v47 =	vadd.f32 v50, v49;
	v48 =	vadd.f32 v52, v51  }
0x11a: {  	v46 =	vperm.xlane v44, v0;
	v43 =	vperm.xlane v41, v0;
	v51 =	vadd.f32 v54, v53  }
0x11b: {  	v50 =	vperm.xlane v45, v0;
	v49 =	vperm.xlane v42, v0;
	v53 =	vadd.f32 v56, v55  }
0x11c: {  	v52 =	vperm.xlane v48, v0;
	v43 =	vadd.f32 v41, v43;
	v54 =	vperm.xlane v47, v0  }
.Ltmp1:
0x11d: {  	v41 =	vadd.f32 v45, v50;
	v46 =	vadd.f32 v44, v46;
	v55 =	vperm.xlane v51, v0;
	(pc) =	sbr.rel @p0 .LBB2_5-.Ltmp1, $4  }
0x11e: {  	v44 =	vadd.f32 v47, v54;
	v47 =	vadd.f32 v42, v49;
	v56 =	vperm.xlane v53, v0  }
0x11f: {  	v45 =	vadd.f32 v48, v52;
	v50 =	vperm.xlane v43, v1;
	v49 =	vperm.xlane v46, v1  }
0x120: {  	v52 =	vperm.xlane v41, v1;
	v42 =	vadd.f32 v51, v55;
	v51 =	vperm.xlane v47, v1  }
0x121: {  	s11 =	sadd.s32 $0x800, s11;
	v54 =	vperm.xlane v44, v1;
	v48 =	vadd.f32 v53, v56;
	v53 =	vperm.xlane v45, v1  }
0x122: {  	v46 =	vadd.f32 v46, v49  }
0x123: {  	v43 =	vadd.f32 v43, v50;
	v47 =	vadd.f32 v47, v51  }
0x124: {  	v55 =	vperm.xlane v42, v1;
	v41 =	vadd.f32 v41, v52;
	v39 =	vadd.f32 v39, v40  }
0x125: {  	v36 =	vadd.f32 v36, v20;
	v35 =	vadd.f32 v35, v26;
	v58 =	vperm.xlane v48, v1  }
0x126: {  	v45 =	vadd.f32 v45, v53;
	v44 =	vadd.f32 v44, v54;
	v50 =	vperm.xlane v43, v2  }
0x127: {  	v59 =	vperm.xlane v41, v2;
	v60 =	vperm.xlane v46, v2;
	v48 =	vadd.f32 v48, v58  }
0x128: {  	v42 =	vadd.f32 v42, v55;
	v62 =	vperm.xlane v47, v2;
	v61 =	vperm.xlane v44, v2  }
0x129: {  	v46 =	vadd.f32 v46, v60;
	v43 =	vadd.f32 v43, v50;
	v63 =	vperm.xlane v48, v2  }
0x12a: {  	v55 =	vperm.xlane v45, v2;
	v47 =	vadd.f32 v47, v62;
	v41 =	vadd.f32 v41, v59  }
0x12b: {  	v56 =	vperm.xlane v42, v2;
	v44 =	vadd.f32 v44, v61;
	v48 =	vadd.f32 v48, v63  }
0x12c: {  	v45 =	vadd.f32 v45, v55;
	v57 =	vperm.xlane v46, v3;
	v58 =	vperm.xlane v43, v3  }
0x12d: {  	v55 =	vadd.f32 $1.000000000e+00, v38;
	v60 =	vperm.xlane v41, v3;
	v59 =	vperm.xlane v48, v3  }
0x12e: {  	v42 =	vadd.f32 v42, v56;
	v62 =	vperm.xlane v47, v3;
	v61 =	vperm.xlane v44, v3  }
0x12f: {  	v63 =	vperm.xlane v45, v3;
	v43 =	vadd.f32 v43, v58;
	v48 =	vadd.f32 v48, v59  }
0x130: {  	v46 =	vadd.f32 v46, v57;
	v52 =	vperm.xlane v42, v3;
	v47 =	vadd.f32 v47, v62  }
0x131: {  	v41 =	vadd.f32 v41, v60;
	vm0 =	vlt.f32 v48, $0.0e+00;
	vm1 =	vgt.f32 v48, $0.0e+00  }
0x132: {  	v60 =	vadd.f32 v34, v19;
	v42 =	vadd.f32 v42, v52;
	vm4 =	vmor vm1, vm0  }
0x133: {  	v44 =	vadd.f32 v44, v61;
	v56 =	vadd.f32 v45, v63;
	v38 =	vsel vm4, v55, v38  }
0x134: {  	vm14 =	vlt.f32 v42, $0.0e+00;
	vm2 =	vgt.f32 v42, $0.0e+00;
	v57 =	vadd.f32 $1.000000000e+00, v38  }
0x135: {  	vm3 =	vgt.f32 v43, $0.0e+00;
	vm8 =	vgt.f32 v46, $0.0e+00;
	vm5 =	vmor vm2, vm14  }
0x136: {  	vm9 =	vlt.f32 v47, $0.0e+00;
	vm6 =	vlt.f32 v56, $0.0e+00;
	v38 =	vsel vm5, v57, v38  }
0x137: {  	vm7 =	vgt.f32 v56, $0.0e+00;
	v39 =	vsel vm4, v39, v40;
	v58 =	vadd.f32 $1.000000000e+00, v38  }
0x138: {  	vm10 =	vgt.f32 v41, $0.0e+00;
	vm6 =	vmor vm7, vm6;
	v37 =	vadd.f32 v39, v37  }
0x139: {  	vm12 =	vgt.f32 v47, $0.0e+00;
	vm11 =	vgt.f32 v44, $0.0e+00;
	v38 =	vsel vm6, v58, v38  }
0x13a: {  	vm7 =	vlt.f32 v44, $0.0e+00;
	v37 =	vsel vm5, v37, v39;
	v39 =	vadd.f32 $1.000000000e+00, v38  }
0x13b: {  	vm15 =	vmor vm12, vm9;
	vm2 =	vlt.f32 v41, $0.0e+00;
	vm7 =	vmor vm11, vm7  }
0x13c: {  	vm1 =	vlt.f32 v43, $0.0e+00;
	vm0 =	vlt.f32 v46, $0.0e+00;
	v59 =	vsel vm7, v39, v38  }
0x13d: {  	vm2 =	vmor vm10, vm2;
	v20 =	vsel vm4, v36, v20;
	v38 =	vadd.f32 $1.000000000e+00, v59  }
0x13e: {  	v26 =	vsel vm4, v35, v26;
	v19 =	vsel vm4, v60, v19;
	v17 =	vadd.f32 v20, v17  }
0x13f: {  	v18 =	vadd.f32 v26, v18;
	v16 =	vadd.f32 v16, v19;
	v61 =	vsel vm15, v38, v59  }
0x140: {  	vm0 =	vmor vm8, vm0;
	v17 =	vsel vm5, v17, v20;
	v62 =	vadd.f32 $1.000000000e+00, v61  }
0x141: {  	v18 =	vsel vm5, v18, v26;
	v16 =	vsel vm5, v16, v19;
	v25 =	vadd.f32 v37, v25  }
0x142: {  	v24 =	vadd.f32 v17, v24;
	v19 =	vadd.f32 v18, v22;
	v20 =	vsel vm2, v62, v61  }
0x143: {  	vm1 =	vmor vm3, vm1;
	v21 =	vadd.f32 v21, v16;
	v26 =	vadd.f32 $1.000000000e+00, v20  }
0x144: {  	v25 =	vsel vm6, v25, v37;
	v17 =	vsel vm6, v24, v17;
	v18 =	vsel vm6, v19, v18  }
0x145: {  	v33 =	vadd.f32 v25, v33;
	v19 =	vadd.f32 v17, v29;
	v20 =	vsel vm0, v26, v20  }
0x146: {  	v16 =	vsel vm6, v21, v16;
	v21 =	vadd.f32 v18, v30;
	v22 =	vadd.f32 $1.000000000e+00, v20  }
0x147: {  	v25 =	vsel vm7, v33, v25;
	v17 =	vsel vm7, v19, v17;
	v19 =	vadd.f32 v23, v16  }
0x148: {  	v18 =	vsel vm7, v21, v18;
	v28 =	vadd.f32 v25, v28;
	v20 =	vsel vm1, v22, v20  }
0x149: {  	v21 =	vadd.f32 v17, v27;
	v16 =	vsel vm7, v19, v16;
	v20 =	vmax.f32 v20, $1.000000000e+00  }
0x14a: {  	v19 =	vadd.f32 v18, v32;
	v25 =	vsel vm15, v28, v25;
	(erf) = vrcp.f32 v20  }
0x14b: {  	v17 =	vsel vm15, v21, v17;
	v13 =	vadd.f32 v25, v13;
	v20 =	vadd.f32 v31, v16  }
0x14c: {  	v18 =	vsel vm15, v19, v18;
	v14 =	vadd.f32 v17, v14  }
0x14d: {  	v15 =	vadd.f32 v18, v15;
	v13 =	vsel vm2, v13, v25;
	v16 =	vsel vm15, v20, v16  }
0x14e: {  	v14 =	vsel vm2, v14, v17;
	v8 =	vadd.f32 v13, v8;
	v12 =	vadd.f32 v12, v16  }
0x14f: {  	v15 =	vsel vm2, v15, v18;
	v9 =	vadd.f32 v14, v9  }
0x150: {  	v10 =	vadd.f32 v15, v10;
	v8 =	vsel vm0, v8, v13;
	v12 =	vsel vm2, v12, v16  }
0x151: {  	v9 =	vsel vm0, v9, v14;
	v4 =	vadd.f32 v8, v4;
	v11 =	vadd.f32 v11, v12  }
0x152: {  	v10 =	vsel vm0, v10, v15;
	v6 =	vadd.f32 v9, v6  }
0x153: {  	v7 =	vadd.f32 v10, v7;
	v4 =	vsel vm1, v4, v8;
	v11 =	vsel vm0, v11, v12;
	v8 =	vpop (erf)  }
0x154: {  	s11 =	sshll.u32 s0, $0x8;
	v6 =	vsel vm1, v6, v9;
	v5 =	vadd.f32 v5, v11;
	v4 =	vmul.f32 v8, v4  }
0x155: {  	p0 =	seq.s32 s0, $0x1F;
	s11 =	sand.u32 $0x3FFFFF00, s11;
	v7 =	vsel vm1, v7, v10;
	v6 =	vmul.f32 v8, v6  }
0x156: {  	s12 =	smul.u32 @!p0 $0xC80, s0;
	v5 =	vsel vm1, v5, v11;
	[tilespmem:s11+$0x12C00] =	vst v4;
	v4 =	vmul.f32 v8, v7  }
0x157: {  	[tilespmem:s11+$0x12C10] =	vst v6;
	v5 =	vmul.f32 v8, v5  }
0x158: {  	s12 =	sshra.s32 @!p0 s12, $0x2;
	[tilespmem:s11+$0x12C20] =	vst v4  }
0x159: {  	s14 =	simm.s32 @!p0 $0x80;
	s15 =	simm.s32 @!p0 $0x6400;
	s13 =	sadd.s32 @!p0 $0x320, s12;
	[tilespmem:s11+$0x12C30] =	vst v5  }
0x15a: {  	[tilespmem:s15], [sflag:$0x1] =	stream.indirect.gather @!p0 [hbm4b:s3+s14], $0x40, s13, s14, $0xb8;
	[tilespmem:$0x14C00] =	vst v63  }
0x15b: {  	s13 =	sadd.s32 @!p0 $0x3A0, s12;
	s14 =	simm.s32 @!p0 $0x48;
	s15 =	simm.s32 @!p0 $0x8400  }
0x15c: {  	[tilespmem:s15], [sflag:$0x2] =	stream.indirect.gather @!p0 [hbm4b:s3+s14], $0x40, s13, s14, $0xb8;
	[tilespmem:$0x14C00] =	vst v63  }
0x15d: {  	_ =	swait.ge [sflag:s24], $0x2000  }
0x15e: {  	[sflag:s24] =	ssyncset.done $0x0  }
0x15f: {  	s15 =	simm.s32 $0x0;
	[sflag:s24] =	ssyncadd.s32 $0xFFFFE000  }
0x160: {  	v17 =	vld [tilespmem:s15+$0x97C0]  }
0x161: {  	v19 =	vld [tilespmem:s15+$0x97D0]  }
0x162: {  	v18 =	vld [tilespmem:s15+$0x97E0]  }
0x163: {  	v16 =	vld [tilespmem:s15+$0x97F0]  }
0x164: {  	v23 =	vld [tilespmem:s15+$0x9780]  }
0x165: {  	v22 =	vld [tilespmem:s15+$0x9790]  }
0x166: {  	v21 =	vld [tilespmem:s15+$0x97A0]  }
0x167: {  	v20 =	vld [tilespmem:s15+$0x97B0]  }
0x168: {  	v27 =	vld [tilespmem:s15+$0x9740]  }
0x169: {  	v26 =	vld [tilespmem:s15+$0x9750]  }
0x16a: {  	v25 =	vld [tilespmem:s15+$0x9760]  }
0x16b: {  	v24 =	vld [tilespmem:s15+$0x9770]  }
0x16c: {  	v11 =	vld [tilespmem:s15+$0x9700]  }
0x16d: {  	v33 =	vld [tilespmem:s15+$0x9710]  }
0x16e: {  	v35 =	vld [tilespmem:s15+$0x9720]  }
0x16f: {  	v34 =	vld [tilespmem:s15+$0x9730]  }
0x170: {  	v5 =	vld [tilespmem:s15+$0x96C0]  }
0x171: {  	v31 =	vld [tilespmem:s15+$0x96D0]  }
0x172: {  	v30 =	vld [tilespmem:s15+$0x96E0]  }
0x173: {  	v29 =	vld [tilespmem:s15+$0x96F0]  }
0x174: {  	v4 =	vld [tilespmem:s15+$0x9680]  }
0x175: {  	v15 =	vld [tilespmem:s15+$0x9690]  }
0x176: {  	v12 =	vld [tilespmem:s15+$0x96A0]  }
0x177: {  	v28 =	vld [tilespmem:s15+$0x96B0]  }
0x178: {  	v6 =	vld [tilespmem:s15+$0x9640]  }
0x179: {  	v32 =	vld [tilespmem:s15+$0x9650]  }
0x17a: {  	v13 =	vld [tilespmem:s15+$0x9660]  }
0x17b: {  	v14 =	vld [tilespmem:s15+$0x9670]  }
0x17c: {  	v7 =	vld [tilespmem:s15+$0x9600];
	v36 =	vadd.f32 v19, v17  }
0x17d: {  	v8 =	vld [tilespmem:s15+$0x9610];
	v37 =	vadd.f32 v16, v18;
	v38 =	vadd.f32 v22, v23  }
0x17e: {  	v9 =	vld [tilespmem:s15+$0x9620];
	v39 =	vadd.f32 v20, v21;
	v41 =	vadd.f32 v26, v27  }
0x17f: {  	v10 =	vld [tilespmem:s15+$0x9630];
	v42 =	vadd.f32 v24, v25;
	v43 =	vadd.f32 v33, v11  }
0x180: {  	v63 =	vadd.f32 v34, v35;
	v45 =	vadd.f32 v31, v5  }
0x181: {  	v56 =	vadd.f32 v29, v30;
	v57 =	vadd.f32 v15, v4  }
0x182: {  	v58 =	vadd.f32 v28, v12;
	v59 =	vadd.f32 v32, v6  }
0x183: {  	v60 =	vadd.f32 v14, v13;
	v61 =	vadd.f32 v8, v7  }
0x184: {  	v62 =	vadd.f32 v10, v9;
	v38 =	vadd.f32 v39, v38  }
0x185: {  	v36 =	vadd.f32 v37, v36;
	v37 =	vadd.f32 v63, v43  }
0x186: {  	v63 =	vadd.f32 v42, v41;
	v43 =	vadd.f32 v58, v57  }
0x187: {  	v40 =	vimm.f32 $0.0e+00;
	v54 =	vadd.f32 v56, v45;
	v48 =	vadd.f32 v60, v59  }
0x188: {  	v58 =	vadd.f32 v62, v61;
	v55 =	vperm.xlane v38, v0;
	v56 =	vperm.xlane v36, v0  }
0x189: {  	v39 =	vimm.f32 $0.0e+00;
	v57 =	vperm.xlane v63, v0;
	v59 =	vperm.xlane v37, v0  }
0x18a: {  	v60 =	vperm.xlane v54, v0;
	v61 =	vperm.xlane v43, v0;
	v44 =	vadd.f32 v36, v56  }
0x18b: {  	v62 =	vperm.xlane v48, v0;
	v42 =	vadd.f32 v63, v57;
	v46 =	vadd.f32 v38, v55  }
0x18c: {  	v41 =	vadd.f32 v54, v60;
	v63 =	vperm.xlane v58, v0;
	v47 =	vadd.f32 v37, v59  }
0x18d: {  	v45 =	vadd.f32 v43, v61;
	v43 =	vadd.f32 v48, v62;
	v38 =	vimm.f32 $0.0e+00  }
0x18e: {  	v36 =	vimm.f32 $0.0e+00;
	v51 =	vperm.xlane v46, v1;
	v52 =	vperm.xlane v44, v1  }
0x18f: {  	v37 =	vimm.f32 $0.0e+00;
	v53 =	vperm.xlane v47, v1;
	v50 =	vperm.xlane v42, v1  }
0x190: {  	s13 =	simm.s32 $0x800;
	v48 =	vadd.f32 v58, v63;
	v54 =	vperm.xlane v45, v1;
	v49 =	vperm.xlane v41, v1  }
.LBB2_7:
0x191: {  	p1 =	sne.s32 s13, $0x7800;
	v55 =	vperm.xlane v43, v1;
	v46 =	vadd.f32 v46, v51;
	v44 =	vadd.f32 v44, v52  }
0x192: {  	v47 =	vadd.f32 v47, v53;
	v42 =	vadd.f32 v42, v50;
	v51 =	vperm.xlane v48, v1  }
0x193: {  	v45 =	vadd.f32 v45, v54;
	v41 =	vadd.f32 v41, v49;
	v49 =	vperm.xlane v44, v2  }
0x194: {  	v50 =	vperm.xlane v42, v2;
	v48 =	vadd.f32 v48, v51;
	v51 =	vperm.xlane v46, v2  }
0x195: {  	v43 =	vadd.f32 v43, v55;
	v53 =	vperm.xlane v47, v2;
	v52 =	vperm.xlane v41, v2  }
0x196: {  	v44 =	vadd.f32 v44, v49;
	v54 =	vperm.xlane v48, v2;
	v46 =	vadd.f32 v46, v51  }
0x197: {  	v49 =	vperm.xlane v45, v2;
	v47 =	vadd.f32 v47, v53;
	v42 =	vadd.f32 v42, v50  }
0x198: {  	v50 =	vperm.xlane v43, v2;
	v41 =	vadd.f32 v41, v52;
	v48 =	vadd.f32 v48, v54  }
0x199: {  	v45 =	vadd.f32 v45, v49;
	v51 =	vperm.xlane v44, v3;
	v49 =	vperm.xlane v46, v3  }
0x19a: {  	v43 =	vadd.f32 v43, v50;
	v50 =	vperm.xlane v42, v3;
	v52 =	vperm.xlane v48, v3  }
0x19b: {  	v53 =	vperm.xlane v41, v3;
	v54 =	vperm.xlane v47, v3;
	v44 =	vadd.f32 v44, v51  }
0x19c: {  	v51 =	vperm.xlane v45, v3;
	v46 =	vadd.f32 v46, v49;
	v48 =	vadd.f32 v48, v52  }
0x19d: {  	v42 =	vadd.f32 v42, v50;
	v49 =	vperm.xlane v43, v3;
	v47 =	vadd.f32 v47, v54  }
0x19e: {  	v7 =	vadd.f32 v7, v40;
	vm0 =	vlt.f32 v48, $0.0e+00;
	vm1 =	vgt.f32 v48, $0.0e+00  }
0x19f: {  	v43 =	vadd.f32 v43, v49;
	v48 =	vadd.f32 v41, v53;
	vm8 =	vmor vm1, vm0  }
0x1a0: {  	vm0 =	vlt.f32 v44, $0.0e+00;
	v7 =	vsel vm8, v7, v40;
	v40 =	vadd.f32 v45, v51  }
0x1a1: {  	vm2 =	vgt.f32 v43, $0.0e+00;
	vm1 =	vlt.f32 v43, $0.0e+00;
	v6 =	vadd.f32 v7, v6  }
0x1a2: {  	vm7 =	vmor vm2, vm1;
	vm2 =	vlt.f32 v46, $0.0e+00;
	vm1 =	vgt.f32 v44, $0.0e+00  }
0x1a3: {  	vm3 =	vlt.f32 v42, $0.0e+00;
	vm4 =	vgt.f32 v46, $0.0e+00;
	v6 =	vsel vm7, v6, v7  }
0x1a4: {  	s14 =	sshra.s32 s13, $0x2;
	vm5 =	vlt.f32 v40, $0.0e+00;
	vm6 =	vgt.f32 v40, $0.0e+00;
	v4 =	vadd.f32 v6, v4  }
0x1a5: {  	vm10 =	vgt.f32 v42, $0.0e+00;
	vm9 =	vlt.f32 v47, $0.0e+00;
	vm5 =	vmor vm6, vm5;
	v41 =	vld [tilespmem:s14+$0x97C0]  }
0x1a6: {  	vm11 =	vgt.f32 v47, $0.0e+00;
	vm6 =	vlt.f32 v48, $0.0e+00;
	v40 =	vld [tilespmem:s14+$0x97D0];
	v4 =	vsel vm5, v4, v6  }
0x1a7: {  	vm12 =	vgt.f32 v48, $0.0e+00;
	vm2 =	vmor vm4, vm2;
	v7 =	vld [tilespmem:s14+$0x97E0];
	v5 =	vadd.f32 v4, v5  }
0x1a8: {  	vm3 =	vmor vm10, vm3;
	vm6 =	vmor vm12, vm6;
	v6 =	vadd.f32 v8, v39;
	v42 =	vld [tilespmem:s14+$0x97F0]  }
0x1a9: {  	v9 =	vadd.f32 v9, v38;
	vm4 =	vmor vm11, vm9;
	v8 =	vld [tilespmem:s14+$0x9780];
	v4 =	vsel vm6, v5, v4  }
0x1aa: {  	v5 =	vsel vm8, v6, v39;
	v6 =	vadd.f32 v10, v36;
	v10 =	vadd.f32 $1.000000000e+00, v37;
	v43 =	vld [tilespmem:s14+$0x9790]  }
0x1ab: {  	v9 =	vsel vm8, v9, v38;
	v32 =	vadd.f32 v5, v32;
	v11 =	vadd.f32 v4, v11;
	v39 =	vld [tilespmem:s14+$0x97A0]  }
0x1ac: {  	v13 =	vadd.f32 v9, v13;
	v6 =	vsel vm8, v6, v36;
	v10 =	vsel vm8, v10, v37;
	v38 =	vld [tilespmem:s14+$0x97B0]  }
0x1ad: {  	v5 =	vsel vm7, v32, v5;
	v14 =	vadd.f32 v14, v6;
	v32 =	vadd.f32 $1.000000000e+00, v10;
	v36 =	vld [tilespmem:s14+$0x9740]  }
0x1ae: {  	v9 =	vsel vm7, v13, v9;
	v4 =	vsel vm4, v11, v4;
	v13 =	vadd.f32 v5, v15;
	v37 =	vld [tilespmem:s14+$0x9750]  }
0x1af: {  	v12 =	vadd.f32 v9, v12;
	v6 =	vsel vm7, v14, v6;
	v10 =	vsel vm7, v32, v10;
	v15 =	vld [tilespmem:s14+$0x9760]  }
0x1b0: {  	v5 =	vsel vm5, v13, v5;
	v13 =	vadd.f32 v28, v6;
	v28 =	vadd.f32 $1.000000000e+00, v10;
	v14 =	vld [tilespmem:s14+$0x9770]  }
0x1b1: {  	v9 =	vsel vm5, v12, v9;
	v12 =	vadd.f32 v5, v31;
	v31 =	vadd.f32 v4, v27;
	v11 =	vld [tilespmem:s14+$0x9700]  }
0x1b2: {  	v6 =	vsel vm5, v13, v6;
	v10 =	vsel vm5, v28, v10;
	v13 =	vadd.f32 v9, v30;
	v32 =	vld [tilespmem:s14+$0x9710];
	v27 =	vmovc v36  }
0x1b3: {  	v12 =	vsel vm6, v12, v5;
	v28 =	vadd.f32 v29, v6;
	v29 =	vadd.f32 $1.000000000e+00, v10;
	v36 =	vld [tilespmem:s14+$0x9720]  }
0x1b4: {  	v9 =	vsel vm6, v13, v9;
	v13 =	vadd.f32 v12, v33;
	v33 =	vsel vm3, v31, v4;
	v44 =	vld [tilespmem:s14+$0x9730]  }
0x1b5: {  	v4 =	vsel vm6, v28, v6;
	v6 =	vsel vm6, v29, v10;
	v10 =	vadd.f32 v9, v35;
	v5 =	vld [tilespmem:s14+$0x96C0]  }
0x1b6: {  	v12 =	vsel vm4, v13, v12;
	v13 =	vadd.f32 v34, v4;
	v28 =	vadd.f32 $1.000000000e+00, v6;
	v31 =	vld [tilespmem:s14+$0x96D0]  }
0x1b7: {  	v34 =	vadd.f32 v33, v23;
	v23 =	vmovc v8;
	v9 =	vsel vm4, v10, v9;
	v10 =	vadd.f32 v12, v26;
	v30 =	vld [tilespmem:s14+$0x96E0]  }
0x1b8: {  	v26 =	vmovc v37;
	v8 =	vsel vm4, v13, v4;
	v6 =	vsel vm4, v28, v6;
	v13 =	vadd.f32 v9, v25;
	v29 =	vld [tilespmem:s14+$0x96F0]  }
0x1b9: {  	v25 =	vmovc v15;
	v10 =	vsel vm3, v10, v12;
	v28 =	vadd.f32 v24, v8;
	v35 =	vadd.f32 $1.000000000e+00, v6;
	v24 =	vmovc v14;
	v4 =	vld [tilespmem:s14+$0x9680]  }
0x1ba: {  	v34 =	vsel vm2, v34, v33;
	v9 =	vsel vm3, v13, v9;
	v13 =	vadd.f32 v10, v22;
	v22 =	vmovc v43;
	v15 =	vld [tilespmem:s14+$0x9690]  }
0x1bb: {  	v8 =	vsel vm3, v28, v8;
	v14 =	vsel vm3, v35, v6;
	v35 =	vadd.f32 v9, v21;
	v21 =	vmovc v39;
	v12 =	vld [tilespmem:s14+$0x96A0]  }
0x1bc: {  	v33 =	vmovc v32;
	v10 =	vsel vm2, v13, v10;
	v13 =	vadd.f32 v20, v8;
	v37 =	vadd.f32 $1.000000000e+00, v14;
	v20 =	vmovc v38;
	v28 =	vld [tilespmem:s14+$0x96B0]  }
0x1bd: {  	v46 =	vadd.f32 v34, v17;
	v17 =	vmovc v41;
	v9 =	vsel vm2, v35, v9;
	v38 =	vadd.f32 v10, v19;
	v6 =	vld [tilespmem:s14+$0x9640]  }
0x1be: {  	v19 =	vmovc v40;
	v8 =	vsel vm2, v13, v8;
	v37 =	vsel vm2, v37, v14;
	v41 =	vadd.f32 v9, v18;
	v32 =	vld [tilespmem:s14+$0x9650]  }
0x1bf: {  	vm0 =	vmor vm1, vm0;
	v18 =	vmovc v7;
	v43 =	vadd.f32 v16, v8;
	v45 =	vadd.f32 $1.000000000e+00, v37;
	v16 =	vmovc v42;
	v13 =	vld [tilespmem:s14+$0x9660]  }
0x1c0: {  	v40 =	vsel vm0, v46, v34;
	v34 =	vmovc v44;
	v39 =	vsel vm0, v38, v10;
	v35 =	vmov v36;
	v14 =	vld [tilespmem:s14+$0x9670]  }
0x1c1: {  	v38 =	vsel vm0, v41, v9;
	v36 =	vsel vm0, v43, v8;
	v37 =	vsel vm0, v45, v37;
	v7 =	vld [tilespmem:s14+$0x9600]  }
0x1c2: {  	v41 =	vadd.f32 v19, v17;
	v42 =	vadd.f32 v16, v18;
	v8 =	vld [tilespmem:s14+$0x9610]  }
0x1c3: {  	v44 =	vadd.f32 v20, v21;
	v43 =	vadd.f32 v22, v23;
	v9 =	vld [tilespmem:s14+$0x9620]  }
0x1c4: {  	v46 =	vadd.f32 v24, v25;
	v45 =	vadd.f32 v26, v27;
	v10 =	vld [tilespmem:s14+$0x9630]  }
0x1c5: {  	v47 =	vadd.f32 v33, v11;
	v48 =	vadd.f32 v34, v35  }
0x1c6: {  	v49 =	vadd.f32 v31, v5;
	v50 =	vadd.f32 v29, v30  }
0x1c7: {  	v51 =	vadd.f32 v15, v4;
	v52 =	vadd.f32 v28, v12  }
0x1c8: {  	v53 =	vadd.f32 v32, v6;
	v54 =	vadd.f32 v14, v13  }
0x1c9: {  	v55 =	vadd.f32 v8, v7;
	v56 =	vadd.f32 v10, v9  }
0x1ca: {  	v41 =	vadd.f32 v42, v41;
	v43 =	vadd.f32 v44, v43  }
0x1cb: {  	v47 =	vadd.f32 v48, v47;
	v42 =	vadd.f32 v46, v45  }
0x1cc: {  	v48 =	vadd.f32 v50, v49;
	v45 =	vadd.f32 v52, v51  }
0x1cd: {  	v44 =	vperm.xlane v41, v0;
	v46 =	vperm.xlane v43, v0;
	v49 =	vadd.f32 v54, v53  }
0x1ce: {  	v50 =	vperm.xlane v47, v0;
	v51 =	vperm.xlane v42, v0;
	v54 =	vadd.f32 v56, v55  }
0x1cf: {  	v52 =	vperm.xlane v45, v0;
	v44 =	vadd.f32 v41, v44;
	v53 =	vperm.xlane v48, v0  }
.Ltmp2:
0x1d0: {  	v42 =	vadd.f32 v42, v51;
	v46 =	vadd.f32 v43, v46;
	v55 =	vperm.xlane v49, v0;
	(pc) =	sbr.rel @p1 .LBB2_7-.Ltmp2, $4  }
0x1d1: {  	v47 =	vadd.f32 v47, v50;
	v41 =	vadd.f32 v48, v53;
	v56 =	vperm.xlane v54, v0  }
0x1d2: {  	v45 =	vadd.f32 v45, v52;
	v52 =	vperm.xlane v44, v1;
	v51 =	vperm.xlane v46, v1  }
0x1d3: {  	v50 =	vperm.xlane v42, v1;
	v53 =	vperm.xlane v47, v1;
	v43 =	vadd.f32 v49, v55  }
0x1d4: {  	s13 =	sadd.s32 $0x800, s13;
	v49 =	vperm.xlane v41, v1;
	v48 =	vadd.f32 v54, v56;
	v54 =	vperm.xlane v45, v1  }
0x1d5: {  	v46 =	vadd.f32 v46, v51  }
0x1d6: {  	v44 =	vadd.f32 v44, v52;
	v47 =	vadd.f32 v47, v53  }
0x1d7: {  	v57 =	vperm.xlane v43, v1;
	v42 =	vadd.f32 v42, v50;
	v7 =	vadd.f32 v7, v40  }
0x1d8: {  	v56 =	vperm.xlane v48, v1;
	v45 =	vadd.f32 v45, v54;
	v58 =	vperm.xlane v44, v2  }
0x1d9: {  	v41 =	vadd.f32 v41, v49;
	v59 =	vperm.xlane v46, v2;
	v60 =	vperm.xlane v42, v2  }
0x1da: {  	v53 =	vperm.xlane v47, v2;
	v43 =	vadd.f32 v43, v57;
	v48 =	vadd.f32 v48, v56  }
0x1db: {  	v62 =	vperm.xlane v41, v2;
	v46 =	vadd.f32 v46, v59;
	v44 =	vadd.f32 v44, v58  }
0x1dc: {  	v63 =	vperm.xlane v45, v2;
	v47 =	vadd.f32 v47, v53;
	v42 =	vadd.f32 v42, v60  }
0x1dd: {  	v56 =	vperm.xlane v43, v2;
	v61 =	vperm.xlane v48, v2;
	v51 =	vadd.f32 v41, v62  }
0x1de: {  	v45 =	vadd.f32 v45, v63;
	v52 =	vperm.xlane v46, v3;
	v57 =	vperm.xlane v44, v3  }
0x1df: {  	v43 =	vadd.f32 v43, v56;
	v59 =	vperm.xlane v42, v3;
	v48 =	vadd.f32 v48, v61  }
0x1e0: {  	v60 =	vperm.xlane v51, v3;
	v61 =	vperm.xlane v47, v3;
	v41 =	vadd.f32 v44, v57  }
0x1e1: {  	v63 =	vperm.xlane v45, v3;
	v46 =	vadd.f32 v46, v52;
	v42 =	vadd.f32 v42, v59  }
0x1e2: {  	v59 =	vadd.f32 v8, v39;
	v54 =	vadd.f32 v47, v61  }
0x1e3: {  	v52 =	vperm.xlane v43, v3;
	v55 =	vadd.f32 v51, v60;
	v56 =	vadd.f32 v45, v63  }
0x1e4: {  	v58 =	vperm.xlane v48, v3;
	v60 =	vadd.f32 v9, v38;
	v61 =	vadd.f32 v10, v36  }
0x1e5: {  	v43 =	vadd.f32 v43, v52;
	vm14 =	vlt.f32 v46, $0.0e+00;
	vm15 =	vlt.f32 v42, $0.0e+00  }
0x1e6: {  	vm2 =	vgt.f32 v46, $0.0e+00;
	vm8 =	vgt.f32 v42, $0.0e+00;
	v62 =	vadd.f32 v48, v58  }
0x1e7: {  	vm4 =	vlt.f32 v56, $0.0e+00;
	vm5 =	vgt.f32 v56, $0.0e+00;
	vm7 =	vlt.f32 v54, $0.0e+00  }
0x1e8: {  	_ =	swait.ge [sflag:s25], $0x1200;
	vm9 =	vgt.f32 v54, $0.0e+00;
	vm10 =	vgt.f32 v55, $0.0e+00;
	vm12 =	vlt.f32 v43, $0.0e+00  }
0x1e9: {  	[sflag:s25] =	ssyncset.done $0x0;
	vm13 =	vgt.f32 v43, $0.0e+00;
	vm4 =	vmor vm5, vm4;
	vm0 =	vlt.f32 v62, $0.0e+00  }
0x1ea: {  	s13 =	simm.s32 $0x0;
	[sflag:s25] =	ssyncadd.s32 $0xFFFFEE00;
	vm1 =	vgt.f32 v62, $0.0e+00;
	vm3 =	vmor vm13, vm12;
	vm12 =	vlt.f32 v55, $0.0e+00  }
0x1eb: {  	v8 =	vld [tilespmem:s13+$0xB780];
	vm13 =	vmor vm9, vm7;
	v62 =	vadd.f32 $1.000000000e+00, v37;
	vm6 =	vmor vm1, vm0  }
0x1ec: {  	v9 =	vld [tilespmem:s13+$0xB790];
	vm0 =	vmor vm2, vm14;
	vm5 =	vmor vm10, vm12;
	vm1 =	vmor vm8, vm15  }
0x1ed: {  	v10 =	vld [tilespmem:s13+$0xB7A0];
	v7 =	vsel vm6, v7, v40;
	v39 =	vsel vm6, v59, v39;
	v38 =	vsel vm6, v60, v38  }
0x1ee: {  	v36 =	vsel vm6, v61, v36;
	v6 =	vadd.f32 v7, v6;
	v45 =	vadd.f32 v38, v13;
	v13 =	vld [tilespmem:s13+$0xB740]  }
0x1ef: {  	vm14 =	vlt.f32 v41, $0.0e+00;
	v32 =	vadd.f32 v39, v32;
	v46 =	vadd.f32 v14, v36;
	v14 =	vld [tilespmem:s13+$0xB750]  }
0x1f0: {  	vm15 =	vgt.f32 v41, $0.0e+00;
	v37 =	vsel vm6, v62, v37;
	v7 =	vsel vm3, v6, v7;
	v6 =	vld [tilespmem:s13+$0xB7D0]  }
0x1f1: {  	v43 =	vadd.f32 $1.000000000e+00, v37;
	v32 =	vsel vm3, v32, v39;
	v57 =	vadd.f32 v7, v4;
	v4 =	vld [tilespmem:s13+$0xB7C0]  }
0x1f2: {  	v38 =	vsel vm3, v45, v38;
	v36 =	vsel vm3, v46, v36;
	v47 =	vadd.f32 v32, v15;
	v15 =	vld [tilespmem:s13+$0xB760]  }
0x1f3: {  	v37 =	vsel vm3, v43, v37;
	v48 =	vadd.f32 v38, v12;
	v12 =	vld [tilespmem:s13+$0xB770];
	v49 =	vadd.f32 v28, v36  }
0x1f4: {  	v43 =	vadd.f32 $1.000000000e+00, v37;
	v28 =	vld [tilespmem:s13+$0xB700];
	v40 =	vsel vm4, v57, v7;
	v42 =	vsel vm4, v47, v32  }
0x1f5: {  	v7 =	vld [tilespmem:s13+$0xB7E0];
	v38 =	vsel vm4, v48, v38;
	v36 =	vsel vm4, v49, v36;
	v58 =	vadd.f32 v40, v5  }
0x1f6: {  	v37 =	vsel vm4, v43, v37;
	v32 =	vld [tilespmem:s13+$0xB720];
	v31 =	vadd.f32 v42, v31;
	v30 =	vadd.f32 v38, v30  }
0x1f7: {  	v5 =	vld [tilespmem:s13+$0xB7F0];
	v29 =	vadd.f32 v29, v36;
	v43 =	vadd.f32 $1.000000000e+00, v37;
	v40 =	vsel vm5, v58, v40  }
0x1f8: {  	v42 =	vsel vm5, v31, v42;
	v31 =	vld [tilespmem:s13+$0xB730];
	v38 =	vsel vm5, v30, v38;
	v49 =	vadd.f32 v6, v4  }
0x1f9: {  	v36 =	vsel vm5, v29, v36;
	v29 =	vld [tilespmem:s13+$0xB6D0];
	v63 =	vadd.f32 v40, v11;
	v30 =	vadd.f32 v42, v33  }
0x1fa: {  	v37 =	vsel vm5, v43, v37;
	v11 =	vld [tilespmem:s13+$0xB7B0];
	v35 =	vadd.f32 v38, v35;
	v34 =	vadd.f32 v34, v36  }
0x1fb: {  	v33 =	vld [tilespmem:s13+$0xB6C0];
	v52 =	vadd.f32 $1.000000000e+00, v37;
	v40 =	vsel vm13, v63, v40;
	v51 =	vsel vm13, v30, v42  }
0x1fc: {  	v30 =	vld [tilespmem:s13+$0xB6E0];
	v35 =	vsel vm13, v35, v38;
	v34 =	vsel vm13, v34, v36;
	v50 =	vadd.f32 v40, v27  }
0x1fd: {  	v54 =	vsel vm13, v52, v37;
	v37 =	vld [tilespmem:s13+$0xB640];
	v26 =	vadd.f32 v51, v26;
	v55 =	vadd.f32 v35, v25  }
0x1fe: {  	v27 =	vld [tilespmem:s13+$0xB710];
	v56 =	vadd.f32 v24, v34;
	v42 =	vadd.f32 $1.000000000e+00, v54;
	v39 =	vsel vm1, v50, v40  }
0x1ff: {  	v25 =	vld [tilespmem:s13+$0xB680];
	v26 =	vsel vm1, v26, v51;
	v50 =	vadd.f32 v5, v7;
	v51 =	vadd.f32 v9, v8  }
0x200: {  	v24 =	vld [tilespmem:s13+$0xB690];
	v36 =	vsel vm1, v42, v54;
	v52 =	vadd.f32 v11, v10;
	v54 =	vadd.f32 v12, v15  }
0x201: {  	v34 =	vsel vm1, v56, v34;
	v56 =	vadd.f32 v31, v32;
	v53 =	vadd.f32 v39, v23;
	v23 =	vld [tilespmem:s13+$0xB6F0]  }
0x202: {  	v35 =	vsel vm1, v55, v35;
	v41 =	vadd.f32 v29, v33;
	v57 =	vadd.f32 v26, v22;
	v22 =	vld [tilespmem:s13+$0xB6A0]  }
0x203: {  	v58 =	vadd.f32 v35, v21;
	v21 =	vld [tilespmem:s13+$0xB6B0];
	v59 =	vadd.f32 $1.000000000e+00, v36  }
0x204: {  	v20 =	vadd.f32 v20, v34;
	v51 =	vadd.f32 v52, v51;
	v38 =	vsel vm0, v53, v39;
	v39 =	vld [tilespmem:s13+$0xB600]  }
0x205: {  	v26 =	vsel vm0, v57, v26;
	v45 =	vsel vm0, v59, v36;
	v36 =	vld [tilespmem:s13+$0xB610];
	v53 =	vadd.f32 v14, v13  }
0x206: {  	v42 =	vsel vm0, v58, v35;
	v35 =	vld [tilespmem:s13+$0xB620];
	v55 =	vadd.f32 v27, v28;
	v58 =	vadd.f32 v24, v25  }
0x207: {  	v44 =	vsel vm0, v20, v34;
	v34 =	vld [tilespmem:s13+$0xB630];
	v60 =	vadd.f32 v38, v17;
	v19 =	vadd.f32 v26, v19  }
0x208: {  	v17 =	vld [tilespmem:s13+$0xB650];
	v46 =	vadd.f32 v42, v18;
	v47 =	vadd.f32 v16, v44  }
0x209: {  	vm0 =	vmor vm15, vm14;
	v18 =	vld [tilespmem:s13+$0xB660];
	v48 =	vadd.f32 $1.000000000e+00, v45;
	v63 =	vadd.f32 v54, v53  }
0x20a: {  	v16 =	vld [tilespmem:s13+$0xB670];
	v57 =	vadd.f32 v23, v30;
	v59 =	vadd.f32 v21, v22;
	v40 =	vsel vm0, v60, v38  }
0x20b: {  	v20 =	vsel vm0, v19, v26;
	v26 =	vsel vm0, v46, v42;
	v42 =	vadd.f32 v50, v49  }
0x20c: {  	v19 =	vsel vm0, v47, v44;
	v47 =	vadd.f32 v56, v55;
	v61 =	vadd.f32 v36, v39  }
0x20d: {  	v38 =	vsel vm0, v48, v45;
	v62 =	vadd.f32 v34, v35;
	v45 =	vadd.f32 v59, v58  }
0x20e: {  	v48 =	vadd.f32 v57, v41;
	v57 =	vperm.xlane v51, v0;
	v59 =	vperm.xlane v63, v0  }
0x20f: {  	v58 =	vperm.xlane v42, v0;
	v43 =	vadd.f32 v17, v37;
	v60 =	vadd.f32 v16, v18  }
0x210: {  	v50 =	vperm.xlane v47, v0;
	v54 =	vadd.f32 v62, v61;
	v41 =	vadd.f32 v63, v59  }
0x211: {  	v61 =	vperm.xlane v48, v0;
	v46 =	vadd.f32 v51, v57;
	v53 =	vadd.f32 v60, v43  }
0x212: {  	v47 =	vadd.f32 v47, v50;
	v60 =	vperm.xlane v45, v0;
	v43 =	vadd.f32 v42, v58  }
0x213: {  	v63 =	vperm.xlane v54, v0;
	v44 =	vadd.f32 v48, v61;
	v62 =	vperm.xlane v53, v0  }
0x214: {  	v49 =	vperm.xlane v46, v1;
	v51 =	vperm.xlane v47, v1;
	v45 =	vadd.f32 v45, v60  }
0x215: {  	v52 =	vperm.xlane v41, v1;
	v50 =	vperm.xlane v43, v1;
	v42 =	vadd.f32 v53, v62  }
0x216: {  	s13 =	simm.s32 $0x800;
	v48 =	vadd.f32 v54, v63;
	v54 =	vperm.xlane v44, v1;
	v53 =	vperm.xlane v45, v1  }
.LBB2_9:
0x217: {  	p1 =	sne.s32 s13, $0x4000;
	v55 =	vperm.xlane v42, v1;
	v46 =	vadd.f32 v46, v49;
	v43 =	vadd.f32 v43, v50  }
0x218: {  	v47 =	vadd.f32 v47, v51;
	v41 =	vadd.f32 v41, v52;
	v49 =	vperm.xlane v48, v1  }
0x219: {  	v45 =	vadd.f32 v45, v53;
	v44 =	vadd.f32 v44, v54;
	v50 =	vperm.xlane v43, v2  }
0x21a: {  	v51 =	vperm.xlane v46, v2;
	v48 =	vadd.f32 v48, v49;
	v49 =	vperm.xlane v41, v2  }
0x21b: {  	v42 =	vadd.f32 v42, v55;
	v53 =	vperm.xlane v47, v2;
	v52 =	vperm.xlane v44, v2  }
0x21c: {  	v46 =	vadd.f32 v46, v51;
	v43 =	vadd.f32 v43, v50;
	v54 =	vperm.xlane v48, v2  }
0x21d: {  	v50 =	vperm.xlane v45, v2;
	v47 =	vadd.f32 v47, v53;
	v41 =	vadd.f32 v41, v49  }
0x21e: {  	v49 =	vperm.xlane v42, v2;
	v44 =	vadd.f32 v44, v52;
	v48 =	vadd.f32 v48, v54  }
0x21f: {  	v45 =	vadd.f32 v45, v50;
	v50 =	vperm.xlane v46, v3;
	v51 =	vperm.xlane v43, v3  }
0x220: {  	v42 =	vadd.f32 v42, v49;
	v49 =	vperm.xlane v41, v3;
	v52 =	vperm.xlane v48, v3  }
0x221: {  	v53 =	vperm.xlane v44, v3;
	v54 =	vperm.xlane v47, v3;
	v43 =	vadd.f32 v43, v51  }
0x222: {  	v51 =	vperm.xlane v45, v3;
	v46 =	vadd.f32 v46, v50;
	v48 =	vadd.f32 v48, v52  }
0x223: {  	v50 =	vperm.xlane v42, v3;
	v47 =	vadd.f32 v47, v54;
	v49 =	vadd.f32 v41, v49  }
0x224: {  	v39 =	vadd.f32 v39, v40;
	vm0 =	vlt.f32 v48, $0.0e+00;
	vm1 =	vgt.f32 v48, $0.0e+00  }
0x225: {  	v41 =	vadd.f32 v42, v50;
	v42 =	vadd.f32 v44, v53;
	vm8 =	vmor vm1, vm0  }
0x226: {  	vm0 =	vlt.f32 v43, $0.0e+00;
	v39 =	vsel vm8, v39, v40;
	v40 =	vadd.f32 v45, v51  }
0x227: {  	vm2 =	vgt.f32 v41, $0.0e+00;
	vm1 =	vlt.f32 v41, $0.0e+00;
	v37 =	vadd.f32 v39, v37  }
0x228: {  	vm7 =	vmor vm2, vm1;
	vm2 =	vlt.f32 v46, $0.0e+00;
	vm1 =	vgt.f32 v43, $0.0e+00  }
0x229: {  	vm4 =	vgt.f32 v46, $0.0e+00;
	vm3 =	vlt.f32 v49, $0.0e+00;
	v37 =	vsel vm7, v37, v39  }
0x22a: {  	s14 =	sshra.s32 s13, $0x2;
	vm5 =	vlt.f32 v40, $0.0e+00;
	vm6 =	vgt.f32 v40, $0.0e+00;
	v25 =	vadd.f32 v37, v25  }
0x22b: {  	vm9 =	vlt.f32 v47, $0.0e+00;
	vm10 =	vgt.f32 v49, $0.0e+00;
	vm5 =	vmor vm6, vm5;
	v41 =	vld [tilespmem:s14+$0xB7C0]  }
0x22c: {  	vm11 =	vgt.f32 v47, $0.0e+00;
	vm6 =	vlt.f32 v42, $0.0e+00;
	v40 =	vld [tilespmem:s14+$0xB7D0];
	v25 =	vsel vm5, v25, v37  }
0x22d: {  	vm12 =	vgt.f32 v42, $0.0e+00;
	vm2 =	vmor vm4, vm2;
	v39 =	vld [tilespmem:s14+$0xB7E0];
	v33 =	vadd.f32 v25, v33  }
0x22e: {  	v36 =	vadd.f32 v36, v20;
	vm3 =	vmor vm10, vm3;
	vm6 =	vmor vm12, vm6;
	v42 =	vld [tilespmem:s14+$0xB7F0]  }
0x22f: {  	v35 =	vadd.f32 v35, v26;
	vm4 =	vmor vm11, vm9;
	v37 =	vld [tilespmem:s14+$0xB780];
	v25 =	vsel vm6, v33, v25  }
0x230: {  	v20 =	vsel vm8, v36, v20;
	v33 =	vadd.f32 v34, v19;
	v34 =	vadd.f32 $1.000000000e+00, v38;
	v43 =	vld [tilespmem:s14+$0xB790]  }
0x231: {  	v26 =	vsel vm8, v35, v26;
	v17 =	vadd.f32 v20, v17;
	v28 =	vadd.f32 v25, v28;
	v36 =	vld [tilespmem:s14+$0xB7A0]  }
0x232: {  	v18 =	vadd.f32 v26, v18;
	v19 =	vsel vm8, v33, v19;
	v33 =	vsel vm8, v34, v38;
	v35 =	vld [tilespmem:s14+$0xB7B0]  }
0x233: {  	v17 =	vsel vm7, v17, v20;
	v16 =	vadd.f32 v16, v19;
	v20 =	vadd.f32 $1.000000000e+00, v33;
	v34 =	vld [tilespmem:s14+$0xB740]  }
0x234: {  	v18 =	vsel vm7, v18, v26;
	v24 =	vadd.f32 v17, v24;
	v25 =	vsel vm4, v28, v25;
	v38 =	vld [tilespmem:s14+$0xB750]  }
0x235: {  	v16 =	vsel vm7, v16, v19;
	v19 =	vsel vm7, v20, v33;
	v20 =	vadd.f32 v18, v22;
	v26 =	vld [tilespmem:s14+$0xB760]  }
0x236: {  	v17 =	vsel vm5, v24, v17;
	v21 =	vadd.f32 v21, v16;
	v24 =	vadd.f32 $1.000000000e+00, v19;
	v22 =	vld [tilespmem:s14+$0xB770]  }
0x237: {  	v18 =	vsel vm5, v20, v18;
	v20 =	vadd.f32 v17, v29;
	v29 =	vadd.f32 v25, v13;
	v28 =	vld [tilespmem:s14+$0xB700]  }
0x238: {  	v16 =	vsel vm5, v21, v16;
	v19 =	vsel vm5, v24, v19;
	v21 =	vadd.f32 v18, v30;
	v44 =	vld [tilespmem:s14+$0xB710];
	v13 =	vmovc v34  }
0x239: {  	v17 =	vsel vm6, v20, v17;
	v20 =	vadd.f32 v23, v16;
	v23 =	vadd.f32 $1.000000000e+00, v19;
	v34 =	vld [tilespmem:s14+$0xB720]  }
0x23a: {  	v18 =	vsel vm6, v21, v18;
	v21 =	vadd.f32 v17, v27;
	v27 =	vsel vm3, v29, v25;
	v45 =	vld [tilespmem:s14+$0xB730]  }
0x23b: {  	v16 =	vsel vm6, v20, v16;
	v19 =	vsel vm6, v23, v19;
	v20 =	vadd.f32 v18, v32;
	v33 =	vld [tilespmem:s14+$0xB6C0]  }
0x23c: {  	v17 =	vsel vm4, v21, v17;
	v21 =	vadd.f32 v31, v16;
	v24 =	vadd.f32 $1.000000000e+00, v19;
	v29 =	vld [tilespmem:s14+$0xB6D0]  }
0x23d: {  	v31 =	vadd.f32 v27, v8;
	v8 =	vmovc v37;
	v18 =	vsel vm4, v20, v18;
	v20 =	vadd.f32 v17, v14;
	v30 =	vld [tilespmem:s14+$0xB6E0]  }
0x23e: {  	v14 =	vmovc v38;
	v16 =	vsel vm4, v21, v16;
	v19 =	vsel vm4, v24, v19;
	v21 =	vadd.f32 v18, v15;
	v23 =	vld [tilespmem:s14+$0xB6F0]  }
0x23f: {  	v15 =	vmovc v26;
	v17 =	vsel vm3, v20, v17;
	v20 =	vadd.f32 v12, v16;
	v32 =	vadd.f32 $1.000000000e+00, v19;
	v12 =	vmovc v22;
	v25 =	vld [tilespmem:s14+$0xB680]  }
0x240: {  	v26 =	vsel vm2, v31, v27;
	v18 =	vsel vm3, v21, v18;
	v37 =	vadd.f32 v17, v9;
	v9 =	vmovc v43;
	v24 =	vld [tilespmem:s14+$0xB690]  }
0x241: {  	v16 =	vsel vm3, v20, v16;
	v19 =	vsel vm3, v32, v19;
	v20 =	vadd.f32 v18, v10;
	v10 =	vmovc v36;
	v22 =	vld [tilespmem:s14+$0xB6A0]  }
0x242: {  	v27 =	vmovc v44;
	v31 =	vsel vm2, v37, v17;
	v32 =	vadd.f32 v11, v16;
	v36 =	vadd.f32 $1.000000000e+00, v19;
	v11 =	vmovc v35;
	v21 =	vld [tilespmem:s14+$0xB6B0]  }
0x243: {  	v35 =	vsel vm2, v20, v18;
	v20 =	vadd.f32 v26, v4;
	v38 =	vadd.f32 v31, v6;
	v4 =	vmovc v41;
	v37 =	vld [tilespmem:s14+$0xB640]  }
0x244: {  	v6 =	vmovc v40;
	v41 =	vsel vm2, v32, v16;
	v36 =	vsel vm2, v36, v19;
	v19 =	vadd.f32 v35, v7;
	v17 =	vld [tilespmem:s14+$0xB650]  }
0x245: {  	vm0 =	vmor vm1, vm0;
	v7 =	vmovc v39;
	v43 =	vadd.f32 v5, v41;
	v44 =	vadd.f32 $1.000000000e+00, v36;
	v5 =	vmovc v42;
	v18 =	vld [tilespmem:s14+$0xB660]  }
0x246: {  	v40 =	vsel vm0, v20, v26;
	v20 =	vsel vm0, v38, v31;
	v31 =	vmovc v45;
	v32 =	vmov v34;
	v16 =	vld [tilespmem:s14+$0xB670]  }
0x247: {  	v26 =	vsel vm0, v19, v35;
	v19 =	vsel vm0, v43, v41;
	v38 =	vsel vm0, v44, v36;
	v39 =	vld [tilespmem:s14+$0xB600]  }
0x248: {  	v42 =	vadd.f32 v5, v7;
	v41 =	vadd.f32 v6, v4;
	v36 =	vld [tilespmem:s14+$0xB610]  }
0x249: {  	v43 =	vadd.f32 v9, v8;
	v44 =	vadd.f32 v11, v10;
	v35 =	vld [tilespmem:s14+$0xB620]  }
0x24a: {  	v46 =	vadd.f32 v12, v15;
	v45 =	vadd.f32 v14, v13;
	v34 =	vld [tilespmem:s14+$0xB630]  }
0x24b: {  	v47 =	vadd.f32 v27, v28;
	v48 =	vadd.f32 v31, v32  }
0x24c: {  	v49 =	vadd.f32 v29, v33;
	v50 =	vadd.f32 v23, v30  }
0x24d: {  	v51 =	vadd.f32 v24, v25;
	v52 =	vadd.f32 v21, v22  }
0x24e: {  	v53 =	vadd.f32 v17, v37;
	v54 =	vadd.f32 v16, v18  }
0x24f: {  	v55 =	vadd.f32 v36, v39;
	v56 =	vadd.f32 v34, v35  }
0x250: {  	v44 =	vadd.f32 v44, v43;
	v41 =	vadd.f32 v42, v41  }
0x251: {  	v45 =	vadd.f32 v46, v45;
	v42 =	vadd.f32 v48, v47  }
0x252: {  	v47 =	vadd.f32 v50, v49;
	v48 =	vadd.f32 v52, v51  }
0x253: {  	v46 =	vperm.xlane v44, v0;
	v43 =	vperm.xlane v41, v0;
	v51 =	vadd.f32 v54, v53  }
0x254: {  	v50 =	vperm.xlane v45, v0;
	v49 =	vperm.xlane v42, v0;
	v53 =	vadd.f32 v56, v55  }
0x255: {  	v52 =	vperm.xlane v48, v0;
	v43 =	vadd.f32 v41, v43;
	v54 =	vperm.xlane v47, v0  }
.Ltmp3:
0x256: {  	v41 =	vadd.f32 v45, v50;
	v46 =	vadd.f32 v44, v46;
	v55 =	vperm.xlane v51, v0;
	(pc) =	sbr.rel @p1 .LBB2_9-.Ltmp3, $4  }
0x257: {  	v44 =	vadd.f32 v47, v54;
	v47 =	vadd.f32 v42, v49;
	v56 =	vperm.xlane v53, v0  }
0x258: {  	v45 =	vadd.f32 v48, v52;
	v50 =	vperm.xlane v43, v1;
	v49 =	vperm.xlane v46, v1  }
0x259: {  	v52 =	vperm.xlane v41, v1;
	v42 =	vadd.f32 v51, v55;
	v51 =	vperm.xlane v47, v1  }
0x25a: {  	s13 =	sadd.s32 $0x800, s13;
	v54 =	vperm.xlane v44, v1;
	v48 =	vadd.f32 v53, v56;
	v53 =	vperm.xlane v45, v1  }
0x25b: {  	v46 =	vadd.f32 v46, v49  }
0x25c: {  	v43 =	vadd.f32 v43, v50;
	v47 =	vadd.f32 v47, v51  }
0x25d: {  	v55 =	vperm.xlane v42, v1;
	v41 =	vadd.f32 v41, v52;
	v39 =	vadd.f32 v39, v40  }
0x25e: {  	v36 =	vadd.f32 v36, v20;
	v35 =	vadd.f32 v35, v26;
	v58 =	vperm.xlane v48, v1  }
0x25f: {  	v45 =	vadd.f32 v45, v53;
	v44 =	vadd.f32 v44, v54;
	v50 =	vperm.xlane v43, v2  }
0x260: {  	v59 =	vperm.xlane v41, v2;
	v60 =	vperm.xlane v46, v2;
	v48 =	vadd.f32 v48, v58  }
0x261: {  	v42 =	vadd.f32 v42, v55;
	v62 =	vperm.xlane v47, v2;
	v61 =	vperm.xlane v44, v2  }
0x262: {  	v46 =	vadd.f32 v46, v60;
	v43 =	vadd.f32 v43, v50;
	v63 =	vperm.xlane v48, v2  }
0x263: {  	v55 =	vperm.xlane v45, v2;
	v47 =	vadd.f32 v47, v62;
	v41 =	vadd.f32 v41, v59  }
0x264: {  	v56 =	vperm.xlane v42, v2;
	v44 =	vadd.f32 v44, v61;
	v48 =	vadd.f32 v48, v63  }
0x265: {  	v45 =	vadd.f32 v45, v55;
	v57 =	vperm.xlane v46, v3;
	v58 =	vperm.xlane v43, v3  }
0x266: {  	v55 =	vadd.f32 $1.000000000e+00, v38;
	v60 =	vperm.xlane v41, v3;
	v59 =	vperm.xlane v48, v3  }
0x267: {  	v42 =	vadd.f32 v42, v56;
	v62 =	vperm.xlane v47, v3;
	v61 =	vperm.xlane v44, v3  }
0x268: {  	v63 =	vperm.xlane v45, v3;
	v43 =	vadd.f32 v43, v58;
	v48 =	vadd.f32 v48, v59  }
0x269: {  	v46 =	vadd.f32 v46, v57;
	v52 =	vperm.xlane v42, v3;
	v47 =	vadd.f32 v47, v62  }
0x26a: {  	v41 =	vadd.f32 v41, v60;
	vm0 =	vlt.f32 v48, $0.0e+00;
	vm1 =	vgt.f32 v48, $0.0e+00  }
0x26b: {  	v60 =	vadd.f32 v34, v19;
	v42 =	vadd.f32 v42, v52;
	vm4 =	vmor vm1, vm0  }
0x26c: {  	v44 =	vadd.f32 v44, v61;
	v56 =	vadd.f32 v45, v63;
	v38 =	vsel vm4, v55, v38  }
0x26d: {  	vm14 =	vlt.f32 v42, $0.0e+00;
	vm2 =	vgt.f32 v42, $0.0e+00;
	v57 =	vadd.f32 $1.000000000e+00, v38  }
0x26e: {  	vm3 =	vgt.f32 v43, $0.0e+00;
	vm8 =	vgt.f32 v46, $0.0e+00;
	vm5 =	vmor vm2, vm14  }
0x26f: {  	vm9 =	vlt.f32 v47, $0.0e+00;
	vm6 =	vlt.f32 v56, $0.0e+00;
	v38 =	vsel vm5, v57, v38  }
0x270: {  	vm7 =	vgt.f32 v56, $0.0e+00;
	v39 =	vsel vm4, v39, v40;
	v58 =	vadd.f32 $1.000000000e+00, v38  }
0x271: {  	vm10 =	vgt.f32 v41, $0.0e+00;
	vm6 =	vmor vm7, vm6;
	v37 =	vadd.f32 v39, v37  }
0x272: {  	vm12 =	vgt.f32 v47, $0.0e+00;
	vm11 =	vgt.f32 v44, $0.0e+00;
	v38 =	vsel vm6, v58, v38  }
0x273: {  	vm7 =	vlt.f32 v44, $0.0e+00;
	v37 =	vsel vm5, v37, v39;
	v39 =	vadd.f32 $1.000000000e+00, v38  }
0x274: {  	vm15 =	vmor vm12, vm9;
	vm2 =	vlt.f32 v41, $0.0e+00;
	vm7 =	vmor vm11, vm7  }
0x275: {  	vm1 =	vlt.f32 v43, $0.0e+00;
	vm0 =	vlt.f32 v46, $0.0e+00;
	v59 =	vsel vm7, v39, v38  }
0x276: {  	vm2 =	vmor vm10, vm2;
	v20 =	vsel vm4, v36, v20;
	v38 =	vadd.f32 $1.000000000e+00, v59  }
0x277: {  	v26 =	vsel vm4, v35, v26;
	v19 =	vsel vm4, v60, v19;
	v17 =	vadd.f32 v20, v17  }
0x278: {  	v18 =	vadd.f32 v26, v18;
	v16 =	vadd.f32 v16, v19;
	v61 =	vsel vm15, v38, v59  }
0x279: {  	vm0 =	vmor vm8, vm0;
	v17 =	vsel vm5, v17, v20;
	v62 =	vadd.f32 $1.000000000e+00, v61  }
0x27a: {  	v18 =	vsel vm5, v18, v26;
	v16 =	vsel vm5, v16, v19;
	v25 =	vadd.f32 v37, v25  }
0x27b: {  	v24 =	vadd.f32 v17, v24;
	v19 =	vadd.f32 v18, v22;
	v20 =	vsel vm2, v62, v61  }
0x27c: {  	vm1 =	vmor vm3, vm1;
	v21 =	vadd.f32 v21, v16;
	v26 =	vadd.f32 $1.000000000e+00, v20  }
0x27d: {  	v25 =	vsel vm6, v25, v37;
	v17 =	vsel vm6, v24, v17;
	v18 =	vsel vm6, v19, v18  }
0x27e: {  	v33 =	vadd.f32 v25, v33;
	v19 =	vadd.f32 v17, v29;
	v20 =	vsel vm0, v26, v20  }
0x27f: {  	v16 =	vsel vm6, v21, v16;
	v21 =	vadd.f32 v18, v30;
	v22 =	vadd.f32 $1.000000000e+00, v20  }
0x280: {  	v25 =	vsel vm7, v33, v25;
	v17 =	vsel vm7, v19, v17;
	v19 =	vadd.f32 v23, v16  }
0x281: {  	v18 =	vsel vm7, v21, v18;
	v28 =	vadd.f32 v25, v28;
	v20 =	vsel vm1, v22, v20  }
0x282: {  	v21 =	vadd.f32 v17, v27;
	v16 =	vsel vm7, v19, v16;
	v20 =	vmax.f32 v20, $1.000000000e+00  }
0x283: {  	v19 =	vadd.f32 v18, v32;
	v25 =	vsel vm15, v28, v25;
	(erf) = vrcp.f32 v20  }
0x284: {  	v17 =	vsel vm15, v21, v17;
	v13 =	vadd.f32 v25, v13;
	v20 =	vadd.f32 v31, v16  }
0x285: {  	v18 =	vsel vm15, v19, v18;
	v14 =	vadd.f32 v17, v14  }
0x286: {  	v15 =	vadd.f32 v18, v15;
	v13 =	vsel vm2, v13, v25;
	v16 =	vsel vm15, v20, v16  }
0x287: {  	v14 =	vsel vm2, v14, v17;
	v8 =	vadd.f32 v13, v8;
	v12 =	vadd.f32 v12, v16  }
0x288: {  	v15 =	vsel vm2, v15, v18;
	v9 =	vadd.f32 v14, v9  }
0x289: {  	v10 =	vadd.f32 v15, v10;
	v8 =	vsel vm0, v8, v13;
	v12 =	vsel vm2, v12, v16  }
0x28a: {  	v9 =	vsel vm0, v9, v14;
	v4 =	vadd.f32 v8, v4;
	v11 =	vadd.f32 v11, v12  }
0x28b: {  	v10 =	vsel vm0, v10, v15;
	v6 =	vadd.f32 v9, v6  }
0x28c: {  	v7 =	vadd.f32 v10, v7;
	v4 =	vsel vm1, v4, v8;
	v11 =	vsel vm0, v11, v12;
	v8 =	vpop (erf)  }
0x28d: {  	v6 =	vsel vm1, v6, v9;
	v5 =	vadd.f32 v5, v11;
	v4 =	vmul.f32 v8, v4  }
0x28e: {  	v7 =	vsel vm1, v7, v10;
	v6 =	vmul.f32 v8, v6  }
0x28f: {  	v5 =	vsel vm1, v5, v11;
	[tilespmem:s11+$0x12C40] =	vst v4;
	v4 =	vmul.f32 v8, v7  }
0x290: {  	[tilespmem:s11+$0x12C50] =	vst v6;
	v5 =	vmul.f32 v8, v5  }
0x291: {  	[tilespmem:s11+$0x12C60] =	vst v4  }
0x292: {  	s13 =	sadd.s32 @!p0 $0x3E8, s12;
	s14 =	simm.s32 @!p0 $0x80;
	s15 =	simm.s32 @!p0 $0x9600;
	[tilespmem:s11+$0x12C70] =	vst v5  }
0x293: {  	[tilespmem:s15], [sflag:$0x3] =	stream.indirect.gather @!p0 [hbm4b:s3+s14], $0x40, s13, s14, $0xb8;
	[tilespmem:$0x14C00] =	vst v63  }
0x294: {  	s13 =	sadd.s32 @!p0 $0x468, s12;
	s14 =	simm.s32 @!p0 $0x48;
	s15 =	simm.s32 @!p0 $0xB600  }
0x295: {  	[tilespmem:s15], [sflag:$0x4] =	stream.indirect.gather @!p0 [hbm4b:s3+s14], $0x40, s13, s14, $0xb8;
	[tilespmem:$0x14C00] =	vst v63  }
0x296: {  	_ =	swait.ge [sflag:s26], $0x2000  }
0x297: {  	[sflag:s26] =	ssyncset.done $0x0  }
0x298: {  	s15 =	simm.s32 $0x0;
	[sflag:s26] =	ssyncadd.s32 $0xFFFFE000  }
0x299: {  	v17 =	vld [tilespmem:s15+$0xC9C0]  }
0x29a: {  	v19 =	vld [tilespmem:s15+$0xC9D0]  }
0x29b: {  	v18 =	vld [tilespmem:s15+$0xC9E0]  }
0x29c: {  	v16 =	vld [tilespmem:s15+$0xC9F0]  }
0x29d: {  	v23 =	vld [tilespmem:s15+$0xC980]  }
0x29e: {  	v22 =	vld [tilespmem:s15+$0xC990]  }
0x29f: {  	v21 =	vld [tilespmem:s15+$0xC9A0]  }
0x2a0: {  	v20 =	vld [tilespmem:s15+$0xC9B0]  }
0x2a1: {  	v27 =	vld [tilespmem:s15+$0xC940]  }
0x2a2: {  	v26 =	vld [tilespmem:s15+$0xC950]  }
0x2a3: {  	v25 =	vld [tilespmem:s15+$0xC960]  }
0x2a4: {  	v24 =	vld [tilespmem:s15+$0xC970]  }
0x2a5: {  	v11 =	vld [tilespmem:s15+$0xC900]  }
0x2a6: {  	v33 =	vld [tilespmem:s15+$0xC910]  }
0x2a7: {  	v35 =	vld [tilespmem:s15+$0xC920]  }
0x2a8: {  	v34 =	vld [tilespmem:s15+$0xC930]  }
0x2a9: {  	v5 =	vld [tilespmem:s15+$0xC8C0]  }
0x2aa: {  	v31 =	vld [tilespmem:s15+$0xC8D0]  }
0x2ab: {  	v30 =	vld [tilespmem:s15+$0xC8E0]  }
0x2ac: {  	v29 =	vld [tilespmem:s15+$0xC8F0]  }
0x2ad: {  	v4 =	vld [tilespmem:s15+$0xC880]  }
0x2ae: {  	v15 =	vld [tilespmem:s15+$0xC890]  }
0x2af: {  	v12 =	vld [tilespmem:s15+$0xC8A0]  }
0x2b0: {  	v28 =	vld [tilespmem:s15+$0xC8B0]  }
0x2b1: {  	v6 =	vld [tilespmem:s15+$0xC840]  }
0x2b2: {  	v32 =	vld [tilespmem:s15+$0xC850]  }
0x2b3: {  	v13 =	vld [tilespmem:s15+$0xC860]  }
0x2b4: {  	v14 =	vld [tilespmem:s15+$0xC870]  }
0x2b5: {  	v7 =	vld [tilespmem:s15+$0xC800];
	v36 =	vadd.f32 v19, v17  }
0x2b6: {  	v8 =	vld [tilespmem:s15+$0xC810];
	v37 =	vadd.f32 v16, v18;
	v38 =	vadd.f32 v22, v23  }
0x2b7: {  	v9 =	vld [tilespmem:s15+$0xC820];
	v39 =	vadd.f32 v20, v21;
	v41 =	vadd.f32 v26, v27  }
0x2b8: {  	v10 =	vld [tilespmem:s15+$0xC830];
	v42 =	vadd.f32 v24, v25;
	v43 =	vadd.f32 v33, v11  }
0x2b9: {  	v63 =	vadd.f32 v34, v35;
	v45 =	vadd.f32 v31, v5  }
0x2ba: {  	v56 =	vadd.f32 v29, v30;
	v57 =	vadd.f32 v15, v4  }
0x2bb: {  	v58 =	vadd.f32 v28, v12;
	v59 =	vadd.f32 v32, v6  }
0x2bc: {  	v60 =	vadd.f32 v14, v13;
	v61 =	vadd.f32 v8, v7  }
0x2bd: {  	v62 =	vadd.f32 v10, v9;
	v38 =	vadd.f32 v39, v38  }
0x2be: {  	v36 =	vadd.f32 v37, v36;
	v37 =	vadd.f32 v63, v43  }
0x2bf: {  	v63 =	vadd.f32 v42, v41;
	v43 =	vadd.f32 v58, v57  }
0x2c0: {  	v40 =	vimm.f32 $0.0e+00;
	v54 =	vadd.f32 v56, v45;
	v48 =	vadd.f32 v60, v59  }
0x2c1: {  	v58 =	vadd.f32 v62, v61;
	v55 =	vperm.xlane v38, v0;
	v56 =	vperm.xlane v36, v0  }
0x2c2: {  	v39 =	vimm.f32 $0.0e+00;
	v57 =	vperm.xlane v63, v0;
	v59 =	vperm.xlane v37, v0  }
0x2c3: {  	v60 =	vperm.xlane v54, v0;
	v61 =	vperm.xlane v43, v0;
	v44 =	vadd.f32 v36, v56  }
0x2c4: {  	v62 =	vperm.xlane v48, v0;
	v42 =	vadd.f32 v63, v57;
	v46 =	vadd.f32 v38, v55  }
0x2c5: {  	v41 =	vadd.f32 v54, v60;
	v63 =	vperm.xlane v58, v0;
	v47 =	vadd.f32 v37, v59  }
0x2c6: {  	v45 =	vadd.f32 v43, v61;
	v43 =	vadd.f32 v48, v62;
	v38 =	vimm.f32 $0.0e+00  }
0x2c7: {  	v36 =	vimm.f32 $0.0e+00;
	v51 =	vperm.xlane v46, v1;
	v52 =	vperm.xlane v44, v1  }
0x2c8: {  	v37 =	vimm.f32 $0.0e+00;
	v53 =	vperm.xlane v47, v1;
	v50 =	vperm.xlane v42, v1  }
0x2c9: {  	s13 =	simm.s32 $0x800;
	v48 =	vadd.f32 v58, v63;
	v54 =	vperm.xlane v45, v1;
	v49 =	vperm.xlane v41, v1  }
.LBB2_11:
0x2ca: {  	p1 =	sne.s32 s13, $0x7800;
	v55 =	vperm.xlane v43, v1;
	v46 =	vadd.f32 v46, v51;
	v44 =	vadd.f32 v44, v52  }
0x2cb: {  	v47 =	vadd.f32 v47, v53;
	v42 =	vadd.f32 v42, v50;
	v51 =	vperm.xlane v48, v1  }
0x2cc: {  	v45 =	vadd.f32 v45, v54;
	v41 =	vadd.f32 v41, v49;
	v49 =	vperm.xlane v44, v2  }
0x2cd: {  	v50 =	vperm.xlane v42, v2;
	v48 =	vadd.f32 v48, v51;
	v51 =	vperm.xlane v46, v2  }
0x2ce: {  	v43 =	vadd.f32 v43, v55;
	v53 =	vperm.xlane v47, v2;
	v52 =	vperm.xlane v41, v2  }
0x2cf: {  	v44 =	vadd.f32 v44, v49;
	v54 =	vperm.xlane v48, v2;
	v46 =	vadd.f32 v46, v51  }
0x2d0: {  	v49 =	vperm.xlane v45, v2;
	v47 =	vadd.f32 v47, v53;
	v42 =	vadd.f32 v42, v50  }
0x2d1: {  	v50 =	vperm.xlane v43, v2;
	v41 =	vadd.f32 v41, v52;
	v48 =	vadd.f32 v48, v54  }
0x2d2: {  	v45 =	vadd.f32 v45, v49;
	v51 =	vperm.xlane v44, v3;
	v49 =	vperm.xlane v46, v3  }
0x2d3: {  	v43 =	vadd.f32 v43, v50;
	v50 =	vperm.xlane v42, v3;
	v52 =	vperm.xlane v48, v3  }
0x2d4: {  	v53 =	vperm.xlane v41, v3;
	v54 =	vperm.xlane v47, v3;
	v44 =	vadd.f32 v44, v51  }
0x2d5: {  	v51 =	vperm.xlane v45, v3;
	v46 =	vadd.f32 v46, v49;
	v48 =	vadd.f32 v48, v52  }
0x2d6: {  	v42 =	vadd.f32 v42, v50;
	v49 =	vperm.xlane v43, v3;
	v47 =	vadd.f32 v47, v54  }
0x2d7: {  	v7 =	vadd.f32 v7, v40;
	vm0 =	vlt.f32 v48, $0.0e+00;
	vm1 =	vgt.f32 v48, $0.0e+00  }
0x2d8: {  	v43 =	vadd.f32 v43, v49;
	v48 =	vadd.f32 v41, v53;
	vm8 =	vmor vm1, vm0  }
0x2d9: {  	vm0 =	vlt.f32 v44, $0.0e+00;
	v7 =	vsel vm8, v7, v40;
	v40 =	vadd.f32 v45, v51  }
0x2da: {  	vm2 =	vgt.f32 v43, $0.0e+00;
	vm1 =	vlt.f32 v43, $0.0e+00;
	v6 =	vadd.f32 v7, v6  }
0x2db: {  	vm7 =	vmor vm2, vm1;
	vm2 =	vlt.f32 v46, $0.0e+00;
	vm1 =	vgt.f32 v44, $0.0e+00  }
0x2dc: {  	vm3 =	vlt.f32 v42, $0.0e+00;
	vm4 =	vgt.f32 v46, $0.0e+00;
	v6 =	vsel vm7, v6, v7  }
0x2dd: {  	s14 =	sshra.s32 s13, $0x2;
	vm5 =	vlt.f32 v40, $0.0e+00;
	vm6 =	vgt.f32 v40, $0.0e+00;
	v4 =	vadd.f32 v6, v4  }
0x2de: {  	vm10 =	vgt.f32 v42, $0.0e+00;
	vm9 =	vlt.f32 v47, $0.0e+00;
	vm5 =	vmor vm6, vm5;
	v41 =	vld [tilespmem:s14+$0xC9C0]  }
0x2df: {  	vm11 =	vgt.f32 v47, $0.0e+00;
	vm6 =	vlt.f32 v48, $0.0e+00;
	v40 =	vld [tilespmem:s14+$0xC9D0];
	v4 =	vsel vm5, v4, v6  }
0x2e0: {  	vm12 =	vgt.f32 v48, $0.0e+00;
	vm2 =	vmor vm4, vm2;
	v7 =	vld [tilespmem:s14+$0xC9E0];
	v5 =	vadd.f32 v4, v5  }
0x2e1: {  	vm3 =	vmor vm10, vm3;
	vm6 =	vmor vm12, vm6;
	v6 =	vadd.f32 v8, v39;
	v42 =	vld [tilespmem:s14+$0xC9F0]  }
0x2e2: {  	v9 =	vadd.f32 v9, v38;
	vm4 =	vmor vm11, vm9;
	v8 =	vld [tilespmem:s14+$0xC980];
	v4 =	vsel vm6, v5, v4  }
0x2e3: {  	v5 =	vsel vm8, v6, v39;
	v6 =	vadd.f32 v10, v36;
	v10 =	vadd.f32 $1.000000000e+00, v37;
	v43 =	vld [tilespmem:s14+$0xC990]  }
0x2e4: {  	v9 =	vsel vm8, v9, v38;
	v32 =	vadd.f32 v5, v32;
	v11 =	vadd.f32 v4, v11;
	v39 =	vld [tilespmem:s14+$0xC9A0]  }
0x2e5: {  	v13 =	vadd.f32 v9, v13;
	v6 =	vsel vm8, v6, v36;
	v10 =	vsel vm8, v10, v37;
	v38 =	vld [tilespmem:s14+$0xC9B0]  }
0x2e6: {  	v5 =	vsel vm7, v32, v5;
	v14 =	vadd.f32 v14, v6;
	v32 =	vadd.f32 $1.000000000e+00, v10;
	v36 =	vld [tilespmem:s14+$0xC940]  }
0x2e7: {  	v9 =	vsel vm7, v13, v9;
	v4 =	vsel vm4, v11, v4;
	v13 =	vadd.f32 v5, v15;
	v37 =	vld [tilespmem:s14+$0xC950]  }
0x2e8: {  	v12 =	vadd.f32 v9, v12;
	v6 =	vsel vm7, v14, v6;
	v10 =	vsel vm7, v32, v10;
	v15 =	vld [tilespmem:s14+$0xC960]  }
0x2e9: {  	v5 =	vsel vm5, v13, v5;
	v13 =	vadd.f32 v28, v6;
	v28 =	vadd.f32 $1.000000000e+00, v10;
	v14 =	vld [tilespmem:s14+$0xC970]  }
0x2ea: {  	v9 =	vsel vm5, v12, v9;
	v12 =	vadd.f32 v5, v31;
	v31 =	vadd.f32 v4, v27;
	v11 =	vld [tilespmem:s14+$0xC900]  }
0x2eb: {  	v6 =	vsel vm5, v13, v6;
	v10 =	vsel vm5, v28, v10;
	v13 =	vadd.f32 v9, v30;
	v32 =	vld [tilespmem:s14+$0xC910];
	v27 =	vmovc v36  }
0x2ec: {  	v12 =	vsel vm6, v12, v5;
	v28 =	vadd.f32 v29, v6;
	v29 =	vadd.f32 $1.000000000e+00, v10;
	v36 =	vld [tilespmem:s14+$0xC920]  }
0x2ed: {  	v9 =	vsel vm6, v13, v9;
	v13 =	vadd.f32 v12, v33;
	v33 =	vsel vm3, v31, v4;
	v44 =	vld [tilespmem:s14+$0xC930]  }
0x2ee: {  	v4 =	vsel vm6, v28, v6;
	v6 =	vsel vm6, v29, v10;
	v10 =	vadd.f32 v9, v35;
	v5 =	vld [tilespmem:s14+$0xC8C0]  }
0x2ef: {  	v12 =	vsel vm4, v13, v12;
	v13 =	vadd.f32 v34, v4;
	v28 =	vadd.f32 $1.000000000e+00, v6;
	v31 =	vld [tilespmem:s14+$0xC8D0]  }
0x2f0: {  	v34 =	vadd.f32 v33, v23;
	v23 =	vmovc v8;
	v9 =	vsel vm4, v10, v9;
	v10 =	vadd.f32 v12, v26;
	v30 =	vld [tilespmem:s14+$0xC8E0]  }
0x2f1: {  	v26 =	vmovc v37;
	v8 =	vsel vm4, v13, v4;
	v6 =	vsel vm4, v28, v6;
	v13 =	vadd.f32 v9, v25;
	v29 =	vld [tilespmem:s14+$0xC8F0]  }
0x2f2: {  	v25 =	vmovc v15;
	v10 =	vsel vm3, v10, v12;
	v28 =	vadd.f32 v24, v8;
	v35 =	vadd.f32 $1.000000000e+00, v6;
	v24 =	vmovc v14;
	v4 =	vld [tilespmem:s14+$0xC880]  }
0x2f3: {  	v34 =	vsel vm2, v34, v33;
	v9 =	vsel vm3, v13, v9;
	v13 =	vadd.f32 v10, v22;
	v22 =	vmovc v43;
	v15 =	vld [tilespmem:s14+$0xC890]  }
0x2f4: {  	v8 =	vsel vm3, v28, v8;
	v14 =	vsel vm3, v35, v6;
	v35 =	vadd.f32 v9, v21;
	v21 =	vmovc v39;
	v12 =	vld [tilespmem:s14+$0xC8A0]  }
0x2f5: {  	v33 =	vmovc v32;
	v10 =	vsel vm2, v13, v10;
	v13 =	vadd.f32 v20, v8;
	v37 =	vadd.f32 $1.000000000e+00, v14;
	v20 =	vmovc v38;
	v28 =	vld [tilespmem:s14+$0xC8B0]  }
0x2f6: {  	v46 =	vadd.f32 v34, v17;
	v17 =	vmovc v41;
	v9 =	vsel vm2, v35, v9;
	v38 =	vadd.f32 v10, v19;
	v6 =	vld [tilespmem:s14+$0xC840]  }
0x2f7: {  	v19 =	vmovc v40;
	v8 =	vsel vm2, v13, v8;
	v37 =	vsel vm2, v37, v14;
	v41 =	vadd.f32 v9, v18;
	v32 =	vld [tilespmem:s14+$0xC850]  }
0x2f8: {  	vm0 =	vmor vm1, vm0;
	v18 =	vmovc v7;
	v43 =	vadd.f32 v16, v8;
	v45 =	vadd.f32 $1.000000000e+00, v37;
	v16 =	vmovc v42;
	v13 =	vld [tilespmem:s14+$0xC860]  }
0x2f9: {  	v40 =	vsel vm0, v46, v34;
	v34 =	vmovc v44;
	v39 =	vsel vm0, v38, v10;
	v35 =	vmov v36;
	v14 =	vld [tilespmem:s14+$0xC870]  }
0x2fa: {  	v38 =	vsel vm0, v41, v9;
	v36 =	vsel vm0, v43, v8;
	v37 =	vsel vm0, v45, v37;
	v7 =	vld [tilespmem:s14+$0xC800]  }
0x2fb: {  	v41 =	vadd.f32 v19, v17;
	v42 =	vadd.f32 v16, v18;
	v8 =	vld [tilespmem:s14+$0xC810]  }
0x2fc: {  	v44 =	vadd.f32 v20, v21;
	v43 =	vadd.f32 v22, v23;
	v9 =	vld [tilespmem:s14+$0xC820]  }
0x2fd: {  	v46 =	vadd.f32 v24, v25;
	v45 =	vadd.f32 v26, v27;
	v10 =	vld [tilespmem:s14+$0xC830]  }
0x2fe: {  	v47 =	vadd.f32 v33, v11;
	v48 =	vadd.f32 v34, v35  }
0x2ff: {  	v49 =	vadd.f32 v31, v5;
	v50 =	vadd.f32 v29, v30  }
0x300: {  	v51 =	vadd.f32 v15, v4;
	v52 =	vadd.f32 v28, v12  }
0x301: {  	v53 =	vadd.f32 v32, v6;
	v54 =	vadd.f32 v14, v13  }
0x302: {  	v55 =	vadd.f32 v8, v7;
	v56 =	vadd.f32 v10, v9  }
0x303: {  	v41 =	vadd.f32 v42, v41;
	v43 =	vadd.f32 v44, v43  }
0x304: {  	v47 =	vadd.f32 v48, v47;
	v42 =	vadd.f32 v46, v45  }
0x305: {  	v48 =	vadd.f32 v50, v49;
	v45 =	vadd.f32 v52, v51  }
0x306: {  	v44 =	vperm.xlane v41, v0;
	v46 =	vperm.xlane v43, v0;
	v49 =	vadd.f32 v54, v53  }
0x307: {  	v50 =	vperm.xlane v47, v0;
	v51 =	vperm.xlane v42, v0;
	v54 =	vadd.f32 v56, v55  }
0x308: {  	v52 =	vperm.xlane v45, v0;
	v44 =	vadd.f32 v41, v44;
	v53 =	vperm.xlane v48, v0  }
.Ltmp4:
0x309: {  	v42 =	vadd.f32 v42, v51;
	v46 =	vadd.f32 v43, v46;
	v55 =	vperm.xlane v49, v0;
	(pc) =	sbr.rel @p1 .LBB2_11-.Ltmp4, $4  }
0x30a: {  	v47 =	vadd.f32 v47, v50;
	v41 =	vadd.f32 v48, v53;
	v56 =	vperm.xlane v54, v0  }
0x30b: {  	v45 =	vadd.f32 v45, v52;
	v52 =	vperm.xlane v44, v1;
	v51 =	vperm.xlane v46, v1  }
0x30c: {  	v50 =	vperm.xlane v42, v1;
	v53 =	vperm.xlane v47, v1;
	v43 =	vadd.f32 v49, v55  }
0x30d: {  	s13 =	sadd.s32 $0x800, s13;
	v49 =	vperm.xlane v41, v1;
	v48 =	vadd.f32 v54, v56;
	v54 =	vperm.xlane v45, v1  }
0x30e: {  	v46 =	vadd.f32 v46, v51  }
0x30f: {  	v44 =	vadd.f32 v44, v52;
	v47 =	vadd.f32 v47, v53  }
0x310: {  	v57 =	vperm.xlane v43, v1;
	v42 =	vadd.f32 v42, v50;
	v7 =	vadd.f32 v7, v40  }
0x311: {  	v56 =	vperm.xlane v48, v1;
	v45 =	vadd.f32 v45, v54;
	v58 =	vperm.xlane v44, v2  }
0x312: {  	v41 =	vadd.f32 v41, v49;
	v59 =	vperm.xlane v46, v2;
	v60 =	vperm.xlane v42, v2  }
0x313: {  	v53 =	vperm.xlane v47, v2;
	v43 =	vadd.f32 v43, v57;
	v48 =	vadd.f32 v48, v56  }
0x314: {  	v62 =	vperm.xlane v41, v2;
	v46 =	vadd.f32 v46, v59;
	v44 =	vadd.f32 v44, v58  }
0x315: {  	v63 =	vperm.xlane v45, v2;
	v47 =	vadd.f32 v47, v53;
	v42 =	vadd.f32 v42, v60  }
0x316: {  	v56 =	vperm.xlane v43, v2;
	v61 =	vperm.xlane v48, v2;
	v51 =	vadd.f32 v41, v62  }
0x317: {  	v45 =	vadd.f32 v45, v63;
	v52 =	vperm.xlane v46, v3;
	v57 =	vperm.xlane v44, v3  }
0x318: {  	v43 =	vadd.f32 v43, v56;
	v59 =	vperm.xlane v42, v3;
	v48 =	vadd.f32 v48, v61  }
0x319: {  	v60 =	vperm.xlane v51, v3;
	v61 =	vperm.xlane v47, v3;
	v41 =	vadd.f32 v44, v57  }
0x31a: {  	v63 =	vperm.xlane v45, v3;
	v46 =	vadd.f32 v46, v52;
	v42 =	vadd.f32 v42, v59  }
0x31b: {  	v59 =	vadd.f32 v8, v39;
	v54 =	vadd.f32 v47, v61  }
0x31c: {  	v52 =	vperm.xlane v43, v3;
	v55 =	vadd.f32 v51, v60;
	v56 =	vadd.f32 v45, v63  }
0x31d: {  	v58 =	vperm.xlane v48, v3;
	v60 =	vadd.f32 v9, v38;
	v61 =	vadd.f32 v10, v36  }
0x31e: {  	v43 =	vadd.f32 v43, v52;
	vm14 =	vlt.f32 v46, $0.0e+00;
	vm15 =	vlt.f32 v42, $0.0e+00  }
0x31f: {  	vm2 =	vgt.f32 v46, $0.0e+00;
	vm8 =	vgt.f32 v42, $0.0e+00;
	v62 =	vadd.f32 v48, v58  }
0x320: {  	vm4 =	vlt.f32 v56, $0.0e+00;
	vm5 =	vgt.f32 v56, $0.0e+00;
	vm7 =	vlt.f32 v54, $0.0e+00  }
0x321: {  	_ =	swait.ge [sflag:s28], $0x1200;
	vm9 =	vgt.f32 v54, $0.0e+00;
	vm10 =	vgt.f32 v55, $0.0e+00;
	vm12 =	vlt.f32 v43, $0.0e+00  }
0x322: {  	[sflag:s28] =	ssyncset.done $0x0;
	vm13 =	vgt.f32 v43, $0.0e+00;
	vm4 =	vmor vm5, vm4;
	vm0 =	vlt.f32 v62, $0.0e+00  }
0x323: {  	s13 =	simm.s32 $0x0;
	[sflag:s28] =	ssyncadd.s32 $0xFFFFEE00;
	vm1 =	vgt.f32 v62, $0.0e+00;
	vm3 =	vmor vm13, vm12;
	vm12 =	vlt.f32 v55, $0.0e+00  }
0x324: {  	v8 =	vld [tilespmem:s13+$0xE980];
	vm13 =	vmor vm9, vm7;
	v62 =	vadd.f32 $1.000000000e+00, v37;
	vm6 =	vmor vm1, vm0  }
0x325: {  	v9 =	vld [tilespmem:s13+$0xE990];
	vm0 =	vmor vm2, vm14;
	vm5 =	vmor vm10, vm12;
	vm1 =	vmor vm8, vm15  }
0x326: {  	v10 =	vld [tilespmem:s13+$0xE9A0];
	v7 =	vsel vm6, v7, v40;
	v39 =	vsel vm6, v59, v39;
	v38 =	vsel vm6, v60, v38  }
0x327: {  	v36 =	vsel vm6, v61, v36;
	v6 =	vadd.f32 v7, v6;
	v45 =	vadd.f32 v38, v13;
	v13 =	vld [tilespmem:s13+$0xE940]  }
0x328: {  	vm14 =	vlt.f32 v41, $0.0e+00;
	v32 =	vadd.f32 v39, v32;
	v46 =	vadd.f32 v14, v36;
	v14 =	vld [tilespmem:s13+$0xE950]  }
0x329: {  	vm15 =	vgt.f32 v41, $0.0e+00;
	v37 =	vsel vm6, v62, v37;
	v7 =	vsel vm3, v6, v7;
	v6 =	vld [tilespmem:s13+$0xE9D0]  }
0x32a: {  	v43 =	vadd.f32 $1.000000000e+00, v37;
	v32 =	vsel vm3, v32, v39;
	v57 =	vadd.f32 v7, v4;
	v4 =	vld [tilespmem:s13+$0xE9C0]  }
0x32b: {  	v38 =	vsel vm3, v45, v38;
	v36 =	vsel vm3, v46, v36;
	v47 =	vadd.f32 v32, v15;
	v15 =	vld [tilespmem:s13+$0xE960]  }
0x32c: {  	v37 =	vsel vm3, v43, v37;
	v48 =	vadd.f32 v38, v12;
	v12 =	vld [tilespmem:s13+$0xE970];
	v49 =	vadd.f32 v28, v36  }
0x32d: {  	v43 =	vadd.f32 $1.000000000e+00, v37;
	v28 =	vld [tilespmem:s13+$0xE900];
	v40 =	vsel vm4, v57, v7;
	v42 =	vsel vm4, v47, v32  }
0x32e: {  	v7 =	vld [tilespmem:s13+$0xE9E0];
	v38 =	vsel vm4, v48, v38;
	v36 =	vsel vm4, v49, v36;
	v58 =	vadd.f32 v40, v5  }
0x32f: {  	v37 =	vsel vm4, v43, v37;
	v32 =	vld [tilespmem:s13+$0xE920];
	v31 =	vadd.f32 v42, v31;
	v30 =	vadd.f32 v38, v30  }
0x330: {  	v5 =	vld [tilespmem:s13+$0xE9F0];
	v29 =	vadd.f32 v29, v36;
	v43 =	vadd.f32 $1.000000000e+00, v37;
	v40 =	vsel vm5, v58, v40  }
0x331: {  	v42 =	vsel vm5, v31, v42;
	v31 =	vld [tilespmem:s13+$0xE930];
	v38 =	vsel vm5, v30, v38;
	v49 =	vadd.f32 v6, v4  }
0x332: {  	v36 =	vsel vm5, v29, v36;
	v29 =	vld [tilespmem:s13+$0xE8D0];
	v63 =	vadd.f32 v40, v11;
	v30 =	vadd.f32 v42, v33  }
0x333: {  	v37 =	vsel vm5, v43, v37;
	v11 =	vld [tilespmem:s13+$0xE9B0];
	v35 =	vadd.f32 v38, v35;
	v34 =	vadd.f32 v34, v36  }
0x334: {  	v33 =	vld [tilespmem:s13+$0xE8C0];
	v52 =	vadd.f32 $1.000000000e+00, v37;
	v40 =	vsel vm13, v63, v40;
	v51 =	vsel vm13, v30, v42  }
0x335: {  	v30 =	vld [tilespmem:s13+$0xE8E0];
	v35 =	vsel vm13, v35, v38;
	v34 =	vsel vm13, v34, v36;
	v50 =	vadd.f32 v40, v27  }
0x336: {  	v54 =	vsel vm13, v52, v37;
	v37 =	vld [tilespmem:s13+$0xE840];
	v26 =	vadd.f32 v51, v26;
	v55 =	vadd.f32 v35, v25  }
0x337: {  	v27 =	vld [tilespmem:s13+$0xE910];
	v56 =	vadd.f32 v24, v34;
	v42 =	vadd.f32 $1.000000000e+00, v54;
	v39 =	vsel vm1, v50, v40  }
0x338: {  	v25 =	vld [tilespmem:s13+$0xE880];
	v26 =	vsel vm1, v26, v51;
	v50 =	vadd.f32 v5, v7;
	v51 =	vadd.f32 v9, v8  }
0x339: {  	v24 =	vld [tilespmem:s13+$0xE890];
	v36 =	vsel vm1, v42, v54;
	v52 =	vadd.f32 v11, v10;
	v54 =	vadd.f32 v12, v15  }
0x33a: {  	v34 =	vsel vm1, v56, v34;
	v56 =	vadd.f32 v31, v32;
	v53 =	vadd.f32 v39, v23;
	v23 =	vld [tilespmem:s13+$0xE8F0]  }
0x33b: {  	v35 =	vsel vm1, v55, v35;
	v41 =	vadd.f32 v29, v33;
	v57 =	vadd.f32 v26, v22;
	v22 =	vld [tilespmem:s13+$0xE8A0]  }
0x33c: {  	v58 =	vadd.f32 v35, v21;
	v21 =	vld [tilespmem:s13+$0xE8B0];
	v59 =	vadd.f32 $1.000000000e+00, v36  }
0x33d: {  	v20 =	vadd.f32 v20, v34;
	v51 =	vadd.f32 v52, v51;
	v38 =	vsel vm0, v53, v39;
	v39 =	vld [tilespmem:s13+$0xE800]  }
0x33e: {  	v26 =	vsel vm0, v57, v26;
	v45 =	vsel vm0, v59, v36;
	v36 =	vld [tilespmem:s13+$0xE810];
	v53 =	vadd.f32 v14, v13  }
0x33f: {  	v42 =	vsel vm0, v58, v35;
	v35 =	vld [tilespmem:s13+$0xE820];
	v55 =	vadd.f32 v27, v28;
	v58 =	vadd.f32 v24, v25  }
0x340: {  	v44 =	vsel vm0, v20, v34;
	v34 =	vld [tilespmem:s13+$0xE830];
	v60 =	vadd.f32 v38, v17;
	v19 =	vadd.f32 v26, v19  }
0x341: {  	v17 =	vld [tilespmem:s13+$0xE850];
	v46 =	vadd.f32 v42, v18;
	v47 =	vadd.f32 v16, v44  }
0x342: {  	vm0 =	vmor vm15, vm14;
	v18 =	vld [tilespmem:s13+$0xE860];
	v48 =	vadd.f32 $1.000000000e+00, v45;
	v63 =	vadd.f32 v54, v53  }
0x343: {  	v16 =	vld [tilespmem:s13+$0xE870];
	v57 =	vadd.f32 v23, v30;
	v59 =	vadd.f32 v21, v22;
	v40 =	vsel vm0, v60, v38  }
0x344: {  	v20 =	vsel vm0, v19, v26;
	v26 =	vsel vm0, v46, v42;
	v42 =	vadd.f32 v50, v49  }
0x345: {  	v19 =	vsel vm0, v47, v44;
	v47 =	vadd.f32 v56, v55;
	v61 =	vadd.f32 v36, v39  }
0x346: {  	v38 =	vsel vm0, v48, v45;
	v62 =	vadd.f32 v34, v35;
	v45 =	vadd.f32 v59, v58  }
0x347: {  	v48 =	vadd.f32 v57, v41;
	v57 =	vperm.xlane v51, v0;
	v59 =	vperm.xlane v63, v0  }
0x348: {  	v58 =	vperm.xlane v42, v0;
	v43 =	vadd.f32 v17, v37;
	v60 =	vadd.f32 v16, v18  }
0x349: {  	v50 =	vperm.xlane v47, v0;
	v54 =	vadd.f32 v62, v61;
	v41 =	vadd.f32 v63, v59  }
0x34a: {  	v61 =	vperm.xlane v48, v0;
	v46 =	vadd.f32 v51, v57;
	v53 =	vadd.f32 v60, v43  }
0x34b: {  	v47 =	vadd.f32 v47, v50;
	v60 =	vperm.xlane v45, v0;
	v43 =	vadd.f32 v42, v58  }
0x34c: {  	v63 =	vperm.xlane v54, v0;
	v44 =	vadd.f32 v48, v61;
	v62 =	vperm.xlane v53, v0  }
0x34d: {  	v49 =	vperm.xlane v46, v1;
	v51 =	vperm.xlane v47, v1;
	v45 =	vadd.f32 v45, v60  }
0x34e: {  	v52 =	vperm.xlane v41, v1;
	v50 =	vperm.xlane v43, v1;
	v42 =	vadd.f32 v53, v62  }
0x34f: {  	s13 =	simm.s32 $0x800;
	v48 =	vadd.f32 v54, v63;
	v54 =	vperm.xlane v44, v1;
	v53 =	vperm.xlane v45, v1  }
.LBB2_13:
0x350: {  	p1 =	sne.s32 s13, $0x4000;
	v55 =	vperm.xlane v42, v1;
	v46 =	vadd.f32 v46, v49;
	v43 =	vadd.f32 v43, v50  }
0x351: {  	v47 =	vadd.f32 v47, v51;
	v41 =	vadd.f32 v41, v52;
	v49 =	vperm.xlane v48, v1  }
0x352: {  	v45 =	vadd.f32 v45, v53;
	v44 =	vadd.f32 v44, v54;
	v50 =	vperm.xlane v43, v2  }
0x353: {  	v51 =	vperm.xlane v46, v2;
	v48 =	vadd.f32 v48, v49;
	v49 =	vperm.xlane v41, v2  }
0x354: {  	v42 =	vadd.f32 v42, v55;
	v53 =	vperm.xlane v47, v2;
	v52 =	vperm.xlane v44, v2  }
0x355: {  	v46 =	vadd.f32 v46, v51;
	v43 =	vadd.f32 v43, v50;
	v54 =	vperm.xlane v48, v2  }
0x356: {  	v50 =	vperm.xlane v45, v2;
	v47 =	vadd.f32 v47, v53;
	v41 =	vadd.f32 v41, v49  }
0x357: {  	v49 =	vperm.xlane v42, v2;
	v44 =	vadd.f32 v44, v52;
	v48 =	vadd.f32 v48, v54  }
0x358: {  	v45 =	vadd.f32 v45, v50;
	v50 =	vperm.xlane v46, v3;
	v51 =	vperm.xlane v43, v3  }
0x359: {  	v42 =	vadd.f32 v42, v49;
	v49 =	vperm.xlane v41, v3;
	v52 =	vperm.xlane v48, v3  }
0x35a: {  	v53 =	vperm.xlane v44, v3;
	v54 =	vperm.xlane v47, v3;
	v43 =	vadd.f32 v43, v51  }
0x35b: {  	v51 =	vperm.xlane v45, v3;
	v46 =	vadd.f32 v46, v50;
	v48 =	vadd.f32 v48, v52  }
0x35c: {  	v50 =	vperm.xlane v42, v3;
	v47 =	vadd.f32 v47, v54;
	v49 =	vadd.f32 v41, v49  }
0x35d: {  	v39 =	vadd.f32 v39, v40;
	vm0 =	vlt.f32 v48, $0.0e+00;
	vm1 =	vgt.f32 v48, $0.0e+00  }
0x35e: {  	v41 =	vadd.f32 v42, v50;
	v42 =	vadd.f32 v44, v53;
	vm8 =	vmor vm1, vm0  }
0x35f: {  	vm0 =	vlt.f32 v43, $0.0e+00;
	v39 =	vsel vm8, v39, v40;
	v40 =	vadd.f32 v45, v51  }
0x360: {  	vm2 =	vgt.f32 v41, $0.0e+00;
	vm1 =	vlt.f32 v41, $0.0e+00;
	v37 =	vadd.f32 v39, v37  }
0x361: {  	vm7 =	vmor vm2, vm1;
	vm2 =	vlt.f32 v46, $0.0e+00;
	vm1 =	vgt.f32 v43, $0.0e+00  }
0x362: {  	vm4 =	vgt.f32 v46, $0.0e+00;
	vm3 =	vlt.f32 v49, $0.0e+00;
	v37 =	vsel vm7, v37, v39  }
0x363: {  	s14 =	sshra.s32 s13, $0x2;
	vm5 =	vlt.f32 v40, $0.0e+00;
	vm6 =	vgt.f32 v40, $0.0e+00;
	v25 =	vadd.f32 v37, v25  }
0x364: {  	vm9 =	vlt.f32 v47, $0.0e+00;
	vm10 =	vgt.f32 v49, $0.0e+00;
	vm5 =	vmor vm6, vm5;
	v41 =	vld [tilespmem:s14+$0xE9C0]  }
0x365: {  	vm11 =	vgt.f32 v47, $0.0e+00;
	vm6 =	vlt.f32 v42, $0.0e+00;
	v40 =	vld [tilespmem:s14+$0xE9D0];
	v25 =	vsel vm5, v25, v37  }
0x366: {  	vm12 =	vgt.f32 v42, $0.0e+00;
	vm2 =	vmor vm4, vm2;
	v39 =	vld [tilespmem:s14+$0xE9E0];
	v33 =	vadd.f32 v25, v33  }
0x367: {  	v36 =	vadd.f32 v36, v20;
	vm3 =	vmor vm10, vm3;
	vm6 =	vmor vm12, vm6;
	v42 =	vld [tilespmem:s14+$0xE9F0]  }
0x368: {  	v35 =	vadd.f32 v35, v26;
	vm4 =	vmor vm11, vm9;
	v37 =	vld [tilespmem:s14+$0xE980];
	v25 =	vsel vm6, v33, v25  }
0x369: {  	v20 =	vsel vm8, v36, v20;
	v33 =	vadd.f32 v34, v19;
	v34 =	vadd.f32 $1.000000000e+00, v38;
	v43 =	vld [tilespmem:s14+$0xE990]  }
0x36a: {  	v26 =	vsel vm8, v35, v26;
	v17 =	vadd.f32 v20, v17;
	v28 =	vadd.f32 v25, v28;
	v36 =	vld [tilespmem:s14+$0xE9A0]  }
0x36b: {  	v18 =	vadd.f32 v26, v18;
	v19 =	vsel vm8, v33, v19;
	v33 =	vsel vm8, v34, v38;
	v35 =	vld [tilespmem:s14+$0xE9B0]  }
0x36c: {  	v17 =	vsel vm7, v17, v20;
	v16 =	vadd.f32 v16, v19;
	v20 =	vadd.f32 $1.000000000e+00, v33;
	v34 =	vld [tilespmem:s14+$0xE940]  }
0x36d: {  	v18 =	vsel vm7, v18, v26;
	v24 =	vadd.f32 v17, v24;
	v25 =	vsel vm4, v28, v25;
	v38 =	vld [tilespmem:s14+$0xE950]  }
0x36e: {  	v16 =	vsel vm7, v16, v19;
	v19 =	vsel vm7, v20, v33;
	v20 =	vadd.f32 v18, v22;
	v26 =	vld [tilespmem:s14+$0xE960]  }
0x36f: {  	v17 =	vsel vm5, v24, v17;
	v21 =	vadd.f32 v21, v16;
	v24 =	vadd.f32 $1.000000000e+00, v19;
	v22 =	vld [tilespmem:s14+$0xE970]  }
0x370: {  	v18 =	vsel vm5, v20, v18;
	v20 =	vadd.f32 v17, v29;
	v29 =	vadd.f32 v25, v13;
	v28 =	vld [tilespmem:s14+$0xE900]  }
0x371: {  	v16 =	vsel vm5, v21, v16;
	v19 =	vsel vm5, v24, v19;
	v21 =	vadd.f32 v18, v30;
	v44 =	vld [tilespmem:s14+$0xE910];
	v13 =	vmovc v34  }
0x372: {  	v17 =	vsel vm6, v20, v17;
	v20 =	vadd.f32 v23, v16;
	v23 =	vadd.f32 $1.000000000e+00, v19;
	v34 =	vld [tilespmem:s14+$0xE920]  }
0x373: {  	v18 =	vsel vm6, v21, v18;
	v21 =	vadd.f32 v17, v27;
	v27 =	vsel vm3, v29, v25;
	v45 =	vld [tilespmem:s14+$0xE930]  }
0x374: {  	v16 =	vsel vm6, v20, v16;
	v19 =	vsel vm6, v23, v19;
	v20 =	vadd.f32 v18, v32;
	v33 =	vld [tilespmem:s14+$0xE8C0]  }
0x375: {  	v17 =	vsel vm4, v21, v17;
	v21 =	vadd.f32 v31, v16;
	v24 =	vadd.f32 $1.000000000e+00, v19;
	v29 =	vld [tilespmem:s14+$0xE8D0]  }
0x376: {  	v31 =	vadd.f32 v27, v8;
	v8 =	vmovc v37;
	v18 =	vsel vm4, v20, v18;
	v20 =	vadd.f32 v17, v14;
	v30 =	vld [tilespmem:s14+$0xE8E0]  }
0x377: {  	v14 =	vmovc v38;
	v16 =	vsel vm4, v21, v16;
	v19 =	vsel vm4, v24, v19;
	v21 =	vadd.f32 v18, v15;
	v23 =	vld [tilespmem:s14+$0xE8F0]  }
0x378: {  	v15 =	vmovc v26;
	v17 =	vsel vm3, v20, v17;
	v20 =	vadd.f32 v12, v16;
	v32 =	vadd.f32 $1.000000000e+00, v19;
	v12 =	vmovc v22;
	v25 =	vld [tilespmem:s14+$0xE880]  }
0x379: {  	v26 =	vsel vm2, v31, v27;
	v18 =	vsel vm3, v21, v18;
	v37 =	vadd.f32 v17, v9;
	v9 =	vmovc v43;
	v24 =	vld [tilespmem:s14+$0xE890]  }
0x37a: {  	v16 =	vsel vm3, v20, v16;
	v19 =	vsel vm3, v32, v19;
	v20 =	vadd.f32 v18, v10;
	v10 =	vmovc v36;
	v22 =	vld [tilespmem:s14+$0xE8A0]  }
0x37b: {  	v27 =	vmovc v44;
	v31 =	vsel vm2, v37, v17;
	v32 =	vadd.f32 v11, v16;
	v36 =	vadd.f32 $1.000000000e+00, v19;
	v11 =	vmovc v35;
	v21 =	vld [tilespmem:s14+$0xE8B0]  }
0x37c: {  	v35 =	vsel vm2, v20, v18;
	v20 =	vadd.f32 v26, v4;
	v38 =	vadd.f32 v31, v6;
	v4 =	vmovc v41;
	v37 =	vld [tilespmem:s14+$0xE840]  }
0x37d: {  	v6 =	vmovc v40;
	v41 =	vsel vm2, v32, v16;
	v36 =	vsel vm2, v36, v19;
	v19 =	vadd.f32 v35, v7;
	v17 =	vld [tilespmem:s14+$0xE850]  }
0x37e: {  	vm0 =	vmor vm1, vm0;
	v7 =	vmovc v39;
	v43 =	vadd.f32 v5, v41;
	v44 =	vadd.f32 $1.000000000e+00, v36;
	v5 =	vmovc v42;
	v18 =	vld [tilespmem:s14+$0xE860]  }
0x37f: {  	v40 =	vsel vm0, v20, v26;
	v20 =	vsel vm0, v38, v31;
	v31 =	vmovc v45;
	v32 =	vmov v34;
	v16 =	vld [tilespmem:s14+$0xE870]  }
0x380: {  	v26 =	vsel vm0, v19, v35;
	v19 =	vsel vm0, v43, v41;
	v38 =	vsel vm0, v44, v36;
	v39 =	vld [tilespmem:s14+$0xE800]  }
0x381: {  	v42 =	vadd.f32 v5, v7;
	v41 =	vadd.f32 v6, v4;
	v36 =	vld [tilespmem:s14+$0xE810]  }
0x382: {  	v43 =	vadd.f32 v9, v8;
	v44 =	vadd.f32 v11, v10;
	v35 =	vld [tilespmem:s14+$0xE820]  }
0x383: {  	v46 =	vadd.f32 v12, v15;
	v45 =	vadd.f32 v14, v13;
	v34 =	vld [tilespmem:s14+$0xE830]  }
0x384: {  	v47 =	vadd.f32 v27, v28;
	v48 =	vadd.f32 v31, v32  }
0x385: {  	v49 =	vadd.f32 v29, v33;
	v50 =	vadd.f32 v23, v30  }
0x386: {  	v51 =	vadd.f32 v24, v25;
	v52 =	vadd.f32 v21, v22  }
0x387: {  	v53 =	vadd.f32 v17, v37;
	v54 =	vadd.f32 v16, v18  }
0x388: {  	v55 =	vadd.f32 v36, v39;
	v56 =	vadd.f32 v34, v35  }
0x389: {  	v44 =	vadd.f32 v44, v43;
	v41 =	vadd.f32 v42, v41  }
0x38a: {  	v45 =	vadd.f32 v46, v45;
	v42 =	vadd.f32 v48, v47  }
0x38b: {  	v47 =	vadd.f32 v50, v49;
	v48 =	vadd.f32 v52, v51  }
0x38c: {  	v46 =	vperm.xlane v44, v0;
	v43 =	vperm.xlane v41, v0;
	v51 =	vadd.f32 v54, v53  }
0x38d: {  	v50 =	vperm.xlane v45, v0;
	v49 =	vperm.xlane v42, v0;
	v53 =	vadd.f32 v56, v55  }
0x38e: {  	v52 =	vperm.xlane v48, v0;
	v43 =	vadd.f32 v41, v43;
	v54 =	vperm.xlane v47, v0  }
.Ltmp5:
0x38f: {  	v41 =	vadd.f32 v45, v50;
	v46 =	vadd.f32 v44, v46;
	v55 =	vperm.xlane v51, v0;
	(pc) =	sbr.rel @p1 .LBB2_13-.Ltmp5, $4  }
0x390: {  	v44 =	vadd.f32 v47, v54;
	v47 =	vadd.f32 v42, v49;
	v56 =	vperm.xlane v53, v0  }
0x391: {  	v45 =	vadd.f32 v48, v52;
	v50 =	vperm.xlane v43, v1;
	v49 =	vperm.xlane v46, v1  }
0x392: {  	v52 =	vperm.xlane v41, v1;
	v42 =	vadd.f32 v51, v55;
	v51 =	vperm.xlane v47, v1  }
0x393: {  	s13 =	sadd.s32 $0x800, s13;
	v54 =	vperm.xlane v44, v1;
	v48 =	vadd.f32 v53, v56;
	v53 =	vperm.xlane v45, v1  }
0x394: {  	v46 =	vadd.f32 v46, v49  }
0x395: {  	v43 =	vadd.f32 v43, v50;
	v47 =	vadd.f32 v47, v51  }
0x396: {  	v55 =	vperm.xlane v42, v1;
	v41 =	vadd.f32 v41, v52;
	v39 =	vadd.f32 v39, v40  }
0x397: {  	v36 =	vadd.f32 v36, v20;
	v35 =	vadd.f32 v35, v26;
	v58 =	vperm.xlane v48, v1  }
0x398: {  	v45 =	vadd.f32 v45, v53;
	v44 =	vadd.f32 v44, v54;
	v50 =	vperm.xlane v43, v2  }
0x399: {  	v59 =	vperm.xlane v41, v2;
	v60 =	vperm.xlane v46, v2;
	v48 =	vadd.f32 v48, v58  }
0x39a: {  	v42 =	vadd.f32 v42, v55;
	v62 =	vperm.xlane v47, v2;
	v61 =	vperm.xlane v44, v2  }
0x39b: {  	v46 =	vadd.f32 v46, v60;
	v43 =	vadd.f32 v43, v50;
	v63 =	vperm.xlane v48, v2  }
0x39c: {  	v55 =	vperm.xlane v45, v2;
	v47 =	vadd.f32 v47, v62;
	v41 =	vadd.f32 v41, v59  }
0x39d: {  	v56 =	vperm.xlane v42, v2;
	v44 =	vadd.f32 v44, v61;
	v48 =	vadd.f32 v48, v63  }
0x39e: {  	v45 =	vadd.f32 v45, v55;
	v57 =	vperm.xlane v46, v3;
	v58 =	vperm.xlane v43, v3  }
0x39f: {  	v55 =	vadd.f32 $1.000000000e+00, v38;
	v60 =	vperm.xlane v41, v3;
	v59 =	vperm.xlane v48, v3  }
0x3a0: {  	v42 =	vadd.f32 v42, v56;
	v62 =	vperm.xlane v47, v3;
	v61 =	vperm.xlane v44, v3  }
0x3a1: {  	v63 =	vperm.xlane v45, v3;
	v43 =	vadd.f32 v43, v58;
	v48 =	vadd.f32 v48, v59  }
0x3a2: {  	v46 =	vadd.f32 v46, v57;
	v52 =	vperm.xlane v42, v3;
	v47 =	vadd.f32 v47, v62  }
0x3a3: {  	v41 =	vadd.f32 v41, v60;
	vm0 =	vlt.f32 v48, $0.0e+00;
	vm1 =	vgt.f32 v48, $0.0e+00  }
0x3a4: {  	v60 =	vadd.f32 v34, v19;
	v42 =	vadd.f32 v42, v52;
	vm4 =	vmor vm1, vm0  }
0x3a5: {  	v44 =	vadd.f32 v44, v61;
	v56 =	vadd.f32 v45, v63;
	v38 =	vsel vm4, v55, v38  }
0x3a6: {  	vm14 =	vlt.f32 v42, $0.0e+00;
	vm2 =	vgt.f32 v42, $0.0e+00;
	v57 =	vadd.f32 $1.000000000e+00, v38  }
0x3a7: {  	vm3 =	vgt.f32 v43, $0.0e+00;
	vm8 =	vgt.f32 v46, $0.0e+00;
	vm5 =	vmor vm2, vm14  }
0x3a8: {  	vm9 =	vlt.f32 v47, $0.0e+00;
	vm6 =	vlt.f32 v56, $0.0e+00;
	v38 =	vsel vm5, v57, v38  }
0x3a9: {  	vm7 =	vgt.f32 v56, $0.0e+00;
	v39 =	vsel vm4, v39, v40;
	v58 =	vadd.f32 $1.000000000e+00, v38  }
0x3aa: {  	vm10 =	vgt.f32 v41, $0.0e+00;
	vm6 =	vmor vm7, vm6;
	v37 =	vadd.f32 v39, v37  }
0x3ab: {  	vm12 =	vgt.f32 v47, $0.0e+00;
	vm11 =	vgt.f32 v44, $0.0e+00;
	v38 =	vsel vm6, v58, v38  }
0x3ac: {  	vm7 =	vlt.f32 v44, $0.0e+00;
	v37 =	vsel vm5, v37, v39;
	v39 =	vadd.f32 $1.000000000e+00, v38  }
0x3ad: {  	vm15 =	vmor vm12, vm9;
	vm2 =	vlt.f32 v41, $0.0e+00;
	vm7 =	vmor vm11, vm7  }
0x3ae: {  	vm1 =	vlt.f32 v43, $0.0e+00;
	vm0 =	vlt.f32 v46, $0.0e+00;
	v59 =	vsel vm7, v39, v38  }
0x3af: {  	vm2 =	vmor vm10, vm2;
	v20 =	vsel vm4, v36, v20;
	v38 =	vadd.f32 $1.000000000e+00, v59  }
0x3b0: {  	v26 =	vsel vm4, v35, v26;
	v19 =	vsel vm4, v60, v19;
	v17 =	vadd.f32 v20, v17  }
0x3b1: {  	v18 =	vadd.f32 v26, v18;
	v16 =	vadd.f32 v16, v19;
	v61 =	vsel vm15, v38, v59  }
0x3b2: {  	vm0 =	vmor vm8, vm0;
	v17 =	vsel vm5, v17, v20;
	v62 =	vadd.f32 $1.000000000e+00, v61  }
0x3b3: {  	v18 =	vsel vm5, v18, v26;
	v16 =	vsel vm5, v16, v19;
	v25 =	vadd.f32 v37, v25  }
0x3b4: {  	v24 =	vadd.f32 v17, v24;
	v19 =	vadd.f32 v18, v22;
	v20 =	vsel vm2, v62, v61  }
0x3b5: {  	vm1 =	vmor vm3, vm1;
	v21 =	vadd.f32 v21, v16;
	v26 =	vadd.f32 $1.000000000e+00, v20  }
0x3b6: {  	v25 =	vsel vm6, v25, v37;
	v17 =	vsel vm6, v24, v17;
	v18 =	vsel vm6, v19, v18  }
0x3b7: {  	v33 =	vadd.f32 v25, v33;
	v19 =	vadd.f32 v17, v29;
	v20 =	vsel vm0, v26, v20  }
0x3b8: {  	v16 =	vsel vm6, v21, v16;
	v21 =	vadd.f32 v18, v30;
	v22 =	vadd.f32 $1.000000000e+00, v20  }
0x3b9: {  	v25 =	vsel vm7, v33, v25;
	v17 =	vsel vm7, v19, v17;
	v19 =	vadd.f32 v23, v16  }
0x3ba: {  	v18 =	vsel vm7, v21, v18;
	v28 =	vadd.f32 v25, v28;
	v20 =	vsel vm1, v22, v20  }
0x3bb: {  	v21 =	vadd.f32 v17, v27;
	v16 =	vsel vm7, v19, v16;
	v20 =	vmax.f32 v20, $1.000000000e+00  }
0x3bc: {  	v19 =	vadd.f32 v18, v32;
	v25 =	vsel vm15, v28, v25;
	(erf) = vrcp.f32 v20  }
0x3bd: {  	v17 =	vsel vm15, v21, v17;
	v13 =	vadd.f32 v25, v13;
	v20 =	vadd.f32 v31, v16  }
0x3be: {  	v18 =	vsel vm15, v19, v18;
	v14 =	vadd.f32 v17, v14  }
0x3bf: {  	v15 =	vadd.f32 v18, v15;
	v13 =	vsel vm2, v13, v25;
	v16 =	vsel vm15, v20, v16  }
0x3c0: {  	v14 =	vsel vm2, v14, v17;
	v8 =	vadd.f32 v13, v8;
	v12 =	vadd.f32 v12, v16  }
0x3c1: {  	v15 =	vsel vm2, v15, v18;
	v9 =	vadd.f32 v14, v9  }
0x3c2: {  	v10 =	vadd.f32 v15, v10;
	v8 =	vsel vm0, v8, v13;
	v12 =	vsel vm2, v12, v16  }
0x3c3: {  	v9 =	vsel vm0, v9, v14;
	v4 =	vadd.f32 v8, v4;
	v11 =	vadd.f32 v11, v12  }
0x3c4: {  	v10 =	vsel vm0, v10, v15;
	v6 =	vadd.f32 v9, v6  }
0x3c5: {  	v7 =	vadd.f32 v10, v7;
	v4 =	vsel vm1, v4, v8;
	v11 =	vsel vm0, v11, v12;
	v8 =	vpop (erf)  }
0x3c6: {  	v6 =	vsel vm1, v6, v9;
	v5 =	vadd.f32 v5, v11;
	v4 =	vmul.f32 v8, v4  }
0x3c7: {  	v7 =	vsel vm1, v7, v10;
	v6 =	vmul.f32 v8, v6  }
0x3c8: {  	v5 =	vsel vm1, v5, v11;
	[tilespmem:s11+$0x12C80] =	vst v4;
	v4 =	vmul.f32 v8, v7  }
0x3c9: {  	[tilespmem:s11+$0x12C90] =	vst v6;
	v5 =	vmul.f32 v8, v5  }
0x3ca: {  	[tilespmem:s11+$0x12CA0] =	vst v4  }
0x3cb: {  	s13 =	simm.s32 @!p0 $0x80;
	s14 =	simm.s32 @!p0 $0xC800;
	[tilespmem:s11+$0x12CB0] =	vst v5;
	s11 =	sadd.s32 @!p0 $0x4B0, s12  }
0x3cc: {  	[tilespmem:s14], [sflag:$0x5] =	stream.indirect.gather @!p0 [hbm4b:s3+s13], $0x40, s11, s13, $0xb8;
	[tilespmem:$0x14C00] =	vst v63  }
0x3cd: {  	s11 =	sadd.s32 @!p0 $0x530, s12;
	s12 =	simm.s32 @!p0 $0x48;
	s13 =	simm.s32 @!p0 $0xE800  }
0x3ce: {  	[tilespmem:s13], [sflag:$0x6] =	stream.indirect.gather @!p0 [hbm4b:s3+s12], $0x40, s11, s12, $0xb8;
	[tilespmem:$0x14C00] =	vst v63  }
0x3cf: {  	_ =	swait.ge [sflag:s29], $0x2000  }
0x3d0: {  	[sflag:s29] =	ssyncset.done $0x0  }
0x3d1: {  	s15 =	simm.s32 $0x0;
	[sflag:s29] =	ssyncadd.s32 $0xFFFFE000  }
0x3d2: {  	v17 =	vld [tilespmem:s15+$0xFBC0]  }
0x3d3: {  	v19 =	vld [tilespmem:s15+$0xFBD0]  }
0x3d4: {  	v18 =	vld [tilespmem:s15+$0xFBE0]  }
0x3d5: {  	v16 =	vld [tilespmem:s15+$0xFBF0]  }
0x3d6: {  	v23 =	vld [tilespmem:s15+$0xFB80]  }
0x3d7: {  	v22 =	vld [tilespmem:s15+$0xFB90]  }
0x3d8: {  	v21 =	vld [tilespmem:s15+$0xFBA0]  }
0x3d9: {  	v20 =	vld [tilespmem:s15+$0xFBB0]  }
0x3da: {  	v27 =	vld [tilespmem:s15+$0xFB40]  }
0x3db: {  	v26 =	vld [tilespmem:s15+$0xFB50]  }
0x3dc: {  	v25 =	vld [tilespmem:s15+$0xFB60]  }
0x3dd: {  	v24 =	vld [tilespmem:s15+$0xFB70]  }
0x3de: {  	v11 =	vld [tilespmem:s15+$0xFB00]  }
0x3df: {  	v33 =	vld [tilespmem:s15+$0xFB10]  }
0x3e0: {  	v35 =	vld [tilespmem:s15+$0xFB20]  }
0x3e1: {  	v34 =	vld [tilespmem:s15+$0xFB30]  }
0x3e2: {  	v5 =	vld [tilespmem:s15+$0xFAC0]  }
0x3e3: {  	v31 =	vld [tilespmem:s15+$0xFAD0]  }
0x3e4: {  	v30 =	vld [tilespmem:s15+$0xFAE0]  }
0x3e5: {  	v29 =	vld [tilespmem:s15+$0xFAF0]  }
0x3e6: {  	v4 =	vld [tilespmem:s15+$0xFA80]  }
0x3e7: {  	v15 =	vld [tilespmem:s15+$0xFA90]  }
0x3e8: {  	v12 =	vld [tilespmem:s15+$0xFAA0]  }
0x3e9: {  	v28 =	vld [tilespmem:s15+$0xFAB0]  }
0x3ea: {  	v6 =	vld [tilespmem:s15+$0xFA40]  }
0x3eb: {  	v32 =	vld [tilespmem:s15+$0xFA50]  }
0x3ec: {  	v13 =	vld [tilespmem:s15+$0xFA60]  }
0x3ed: {  	v14 =	vld [tilespmem:s15+$0xFA70]  }
0x3ee: {  	v7 =	vld [tilespmem:s15+$0xFA00];
	v36 =	vadd.f32 v19, v17  }
0x3ef: {  	v8 =	vld [tilespmem:s15+$0xFA10];
	v37 =	vadd.f32 v16, v18;
	v38 =	vadd.f32 v22, v23  }
0x3f0: {  	v9 =	vld [tilespmem:s15+$0xFA20];
	v39 =	vadd.f32 v20, v21;
	v41 =	vadd.f32 v26, v27  }
0x3f1: {  	v10 =	vld [tilespmem:s15+$0xFA30];
	v42 =	vadd.f32 v24, v25;
	v43 =	vadd.f32 v33, v11  }
0x3f2: {  	v63 =	vadd.f32 v34, v35;
	v45 =	vadd.f32 v31, v5  }
0x3f3: {  	v56 =	vadd.f32 v29, v30;
	v57 =	vadd.f32 v15, v4  }
0x3f4: {  	v58 =	vadd.f32 v28, v12;
	v59 =	vadd.f32 v32, v6  }
0x3f5: {  	v60 =	vadd.f32 v14, v13;
	v61 =	vadd.f32 v8, v7  }
0x3f6: {  	v62 =	vadd.f32 v10, v9;
	v38 =	vadd.f32 v39, v38  }
0x3f7: {  	v36 =	vadd.f32 v37, v36;
	v37 =	vadd.f32 v63, v43  }
0x3f8: {  	v63 =	vadd.f32 v42, v41;
	v43 =	vadd.f32 v58, v57  }
0x3f9: {  	v40 =	vimm.f32 $0.0e+00;
	v54 =	vadd.f32 v56, v45;
	v48 =	vadd.f32 v60, v59  }
0x3fa: {  	v58 =	vadd.f32 v62, v61;
	v55 =	vperm.xlane v38, v0;
	v56 =	vperm.xlane v36, v0  }
0x3fb: {  	v39 =	vimm.f32 $0.0e+00;
	v57 =	vperm.xlane v63, v0;
	v59 =	vperm.xlane v37, v0  }
0x3fc: {  	v60 =	vperm.xlane v54, v0;
	v61 =	vperm.xlane v43, v0;
	v44 =	vadd.f32 v36, v56  }
0x3fd: {  	v62 =	vperm.xlane v48, v0;
	v42 =	vadd.f32 v63, v57;
	v46 =	vadd.f32 v38, v55  }
0x3fe: {  	v41 =	vadd.f32 v54, v60;
	v63 =	vperm.xlane v58, v0;
	v47 =	vadd.f32 v37, v59  }
0x3ff: {  	v45 =	vadd.f32 v43, v61;
	v43 =	vadd.f32 v48, v62;
	v38 =	vimm.f32 $0.0e+00  }
0x400: {  	v36 =	vimm.f32 $0.0e+00;
	v51 =	vperm.xlane v46, v1;
	v52 =	vperm.xlane v44, v1  }
0x401: {  	v37 =	vimm.f32 $0.0e+00;
	v53 =	vperm.xlane v47, v1;
	v50 =	vperm.xlane v42, v1  }
0x402: {  	s11 =	simm.s32 $0x800;
	v48 =	vadd.f32 v58, v63;
	v54 =	vperm.xlane v45, v1;
	v49 =	vperm.xlane v41, v1  }
.LBB2_15:
0x403: {  	p0 =	sne.s32 s11, $0x7800;
	v55 =	vperm.xlane v43, v1;
	v46 =	vadd.f32 v46, v51;
	v44 =	vadd.f32 v44, v52  }
0x404: {  	v47 =	vadd.f32 v47, v53;
	v42 =	vadd.f32 v42, v50;
	v51 =	vperm.xlane v48, v1  }
0x405: {  	v45 =	vadd.f32 v45, v54;
	v41 =	vadd.f32 v41, v49;
	v49 =	vperm.xlane v44, v2  }
0x406: {  	v50 =	vperm.xlane v42, v2;
	v48 =	vadd.f32 v48, v51;
	v51 =	vperm.xlane v46, v2  }
0x407: {  	v43 =	vadd.f32 v43, v55;
	v53 =	vperm.xlane v47, v2;
	v52 =	vperm.xlane v41, v2  }
0x408: {  	v44 =	vadd.f32 v44, v49;
	v54 =	vperm.xlane v48, v2;
	v46 =	vadd.f32 v46, v51  }
0x409: {  	v49 =	vperm.xlane v45, v2;
	v47 =	vadd.f32 v47, v53;
	v42 =	vadd.f32 v42, v50  }
0x40a: {  	v50 =	vperm.xlane v43, v2;
	v41 =	vadd.f32 v41, v52;
	v48 =	vadd.f32 v48, v54  }
0x40b: {  	v45 =	vadd.f32 v45, v49;
	v51 =	vperm.xlane v44, v3;
	v49 =	vperm.xlane v46, v3  }
0x40c: {  	v43 =	vadd.f32 v43, v50;
	v50 =	vperm.xlane v42, v3;
	v52 =	vperm.xlane v48, v3  }
0x40d: {  	v53 =	vperm.xlane v41, v3;
	v54 =	vperm.xlane v47, v3;
	v44 =	vadd.f32 v44, v51  }
0x40e: {  	v51 =	vperm.xlane v45, v3;
	v46 =	vadd.f32 v46, v49;
	v48 =	vadd.f32 v48, v52  }
0x40f: {  	v42 =	vadd.f32 v42, v50;
	v49 =	vperm.xlane v43, v3;
	v47 =	vadd.f32 v47, v54  }
0x410: {  	v7 =	vadd.f32 v7, v40;
	vm0 =	vlt.f32 v48, $0.0e+00;
	vm1 =	vgt.f32 v48, $0.0e+00  }
0x411: {  	v43 =	vadd.f32 v43, v49;
	v48 =	vadd.f32 v41, v53;
	vm8 =	vmor vm1, vm0  }
0x412: {  	vm0 =	vlt.f32 v44, $0.0e+00;
	v7 =	vsel vm8, v7, v40;
	v40 =	vadd.f32 v45, v51  }
0x413: {  	vm2 =	vgt.f32 v43, $0.0e+00;
	vm1 =	vlt.f32 v43, $0.0e+00;
	v6 =	vadd.f32 v7, v6  }
0x414: {  	vm7 =	vmor vm2, vm1;
	vm2 =	vlt.f32 v46, $0.0e+00;
	vm1 =	vgt.f32 v44, $0.0e+00  }
0x415: {  	vm3 =	vlt.f32 v42, $0.0e+00;
	vm4 =	vgt.f32 v46, $0.0e+00;
	v6 =	vsel vm7, v6, v7  }
0x416: {  	s12 =	sshra.s32 s11, $0x2;
	vm5 =	vlt.f32 v40, $0.0e+00;
	vm6 =	vgt.f32 v40, $0.0e+00;
	v4 =	vadd.f32 v6, v4  }
0x417: {  	vm10 =	vgt.f32 v42, $0.0e+00;
	vm9 =	vlt.f32 v47, $0.0e+00;
	vm5 =	vmor vm6, vm5;
	v41 =	vld [tilespmem:s12+$0xFBC0]  }
0x418: {  	vm11 =	vgt.f32 v47, $0.0e+00;
	vm6 =	vlt.f32 v48, $0.0e+00;
	v40 =	vld [tilespmem:s12+$0xFBD0];
	v4 =	vsel vm5, v4, v6  }
0x419: {  	vm12 =	vgt.f32 v48, $0.0e+00;
	vm2 =	vmor vm4, vm2;
	v7 =	vld [tilespmem:s12+$0xFBE0];
	v5 =	vadd.f32 v4, v5  }
0x41a: {  	vm3 =	vmor vm10, vm3;
	vm6 =	vmor vm12, vm6;
	v6 =	vadd.f32 v8, v39;
	v42 =	vld [tilespmem:s12+$0xFBF0]  }
0x41b: {  	v9 =	vadd.f32 v9, v38;
	vm4 =	vmor vm11, vm9;
	v8 =	vld [tilespmem:s12+$0xFB80];
	v4 =	vsel vm6, v5, v4  }
0x41c: {  	v5 =	vsel vm8, v6, v39;
	v6 =	vadd.f32 v10, v36;
	v10 =	vadd.f32 $1.000000000e+00, v37;
	v43 =	vld [tilespmem:s12+$0xFB90]  }
0x41d: {  	v9 =	vsel vm8, v9, v38;
	v32 =	vadd.f32 v5, v32;
	v11 =	vadd.f32 v4, v11;
	v39 =	vld [tilespmem:s12+$0xFBA0]  }
0x41e: {  	v13 =	vadd.f32 v9, v13;
	v6 =	vsel vm8, v6, v36;
	v10 =	vsel vm8, v10, v37;
	v38 =	vld [tilespmem:s12+$0xFBB0]  }
0x41f: {  	v5 =	vsel vm7, v32, v5;
	v14 =	vadd.f32 v14, v6;
	v32 =	vadd.f32 $1.000000000e+00, v10;
	v36 =	vld [tilespmem:s12+$0xFB40]  }
0x420: {  	v9 =	vsel vm7, v13, v9;
	v4 =	vsel vm4, v11, v4;
	v13 =	vadd.f32 v5, v15;
	v37 =	vld [tilespmem:s12+$0xFB50]  }
0x421: {  	v12 =	vadd.f32 v9, v12;
	v6 =	vsel vm7, v14, v6;
	v10 =	vsel vm7, v32, v10;
	v15 =	vld [tilespmem:s12+$0xFB60]  }
0x422: {  	v5 =	vsel vm5, v13, v5;
	v13 =	vadd.f32 v28, v6;
	v28 =	vadd.f32 $1.000000000e+00, v10;
	v14 =	vld [tilespmem:s12+$0xFB70]  }
0x423: {  	v9 =	vsel vm5, v12, v9;
	v12 =	vadd.f32 v5, v31;
	v31 =	vadd.f32 v4, v27;
	v11 =	vld [tilespmem:s12+$0xFB00]  }
0x424: {  	v6 =	vsel vm5, v13, v6;
	v10 =	vsel vm5, v28, v10;
	v13 =	vadd.f32 v9, v30;
	v32 =	vld [tilespmem:s12+$0xFB10];
	v27 =	vmovc v36  }
0x425: {  	v12 =	vsel vm6, v12, v5;
	v28 =	vadd.f32 v29, v6;
	v29 =	vadd.f32 $1.000000000e+00, v10;
	v36 =	vld [tilespmem:s12+$0xFB20]  }
0x426: {  	v9 =	vsel vm6, v13, v9;
	v13 =	vadd.f32 v12, v33;
	v33 =	vsel vm3, v31, v4;
	v44 =	vld [tilespmem:s12+$0xFB30]  }
0x427: {  	v4 =	vsel vm6, v28, v6;
	v6 =	vsel vm6, v29, v10;
	v10 =	vadd.f32 v9, v35;
	v5 =	vld [tilespmem:s12+$0xFAC0]  }
0x428: {  	v12 =	vsel vm4, v13, v12;
	v13 =	vadd.f32 v34, v4;
	v28 =	vadd.f32 $1.000000000e+00, v6;
	v31 =	vld [tilespmem:s12+$0xFAD0]  }
0x429: {  	v34 =	vadd.f32 v33, v23;
	v23 =	vmovc v8;
	v9 =	vsel vm4, v10, v9;
	v10 =	vadd.f32 v12, v26;
	v30 =	vld [tilespmem:s12+$0xFAE0]  }
0x42a: {  	v26 =	vmovc v37;
	v8 =	vsel vm4, v13, v4;
	v6 =	vsel vm4, v28, v6;
	v13 =	vadd.f32 v9, v25;
	v29 =	vld [tilespmem:s12+$0xFAF0]  }
0x42b: {  	v25 =	vmovc v15;
	v10 =	vsel vm3, v10, v12;
	v28 =	vadd.f32 v24, v8;
	v35 =	vadd.f32 $1.000000000e+00, v6;
	v24 =	vmovc v14;
	v4 =	vld [tilespmem:s12+$0xFA80]  }
0x42c: {  	v34 =	vsel vm2, v34, v33;
	v9 =	vsel vm3, v13, v9;
	v13 =	vadd.f32 v10, v22;
	v22 =	vmovc v43;
	v15 =	vld [tilespmem:s12+$0xFA90]  }
0x42d: {  	v8 =	vsel vm3, v28, v8;
	v14 =	vsel vm3, v35, v6;
	v35 =	vadd.f32 v9, v21;
	v21 =	vmovc v39;
	v12 =	vld [tilespmem:s12+$0xFAA0]  }
0x42e: {  	v33 =	vmovc v32;
	v10 =	vsel vm2, v13, v10;
	v13 =	vadd.f32 v20, v8;
	v37 =	vadd.f32 $1.000000000e+00, v14;
	v20 =	vmovc v38;
	v28 =	vld [tilespmem:s12+$0xFAB0]  }
0x42f: {  	v46 =	vadd.f32 v34, v17;
	v17 =	vmovc v41;
	v9 =	vsel vm2, v35, v9;
	v38 =	vadd.f32 v10, v19;
	v6 =	vld [tilespmem:s12+$0xFA40]  }
0x430: {  	v19 =	vmovc v40;
	v8 =	vsel vm2, v13, v8;
	v37 =	vsel vm2, v37, v14;
	v41 =	vadd.f32 v9, v18;
	v32 =	vld [tilespmem:s12+$0xFA50]  }
0x431: {  	vm0 =	vmor vm1, vm0;
	v18 =	vmovc v7;
	v43 =	vadd.f32 v16, v8;
	v45 =	vadd.f32 $1.000000000e+00, v37;
	v16 =	vmovc v42;
	v13 =	vld [tilespmem:s12+$0xFA60]  }
0x432: {  	v40 =	vsel vm0, v46, v34;
	v34 =	vmovc v44;
	v39 =	vsel vm0, v38, v10;
	v35 =	vmov v36;
	v14 =	vld [tilespmem:s12+$0xFA70]  }
0x433: {  	v38 =	vsel vm0, v41, v9;
	v36 =	vsel vm0, v43, v8;
	v37 =	vsel vm0, v45, v37;
	v7 =	vld [tilespmem:s12+$0xFA00]  }
0x434: {  	v41 =	vadd.f32 v19, v17;
	v42 =	vadd.f32 v16, v18;
	v8 =	vld [tilespmem:s12+$0xFA10]  }
0x435: {  	v44 =	vadd.f32 v20, v21;
	v43 =	vadd.f32 v22, v23;
	v9 =	vld [tilespmem:s12+$0xFA20]  }
0x436: {  	v46 =	vadd.f32 v24, v25;
	v45 =	vadd.f32 v26, v27;
	v10 =	vld [tilespmem:s12+$0xFA30]  }
0x437: {  	v47 =	vadd.f32 v33, v11;
	v48 =	vadd.f32 v34, v35  }
0x438: {  	v49 =	vadd.f32 v31, v5;
	v50 =	vadd.f32 v29, v30  }
0x439: {  	v51 =	vadd.f32 v15, v4;
	v52 =	vadd.f32 v28, v12  }
0x43a: {  	v53 =	vadd.f32 v32, v6;
	v54 =	vadd.f32 v14, v13  }
0x43b: {  	v55 =	vadd.f32 v8, v7;
	v56 =	vadd.f32 v10, v9  }
0x43c: {  	v41 =	vadd.f32 v42, v41;
	v43 =	vadd.f32 v44, v43  }
0x43d: {  	v47 =	vadd.f32 v48, v47;
	v42 =	vadd.f32 v46, v45  }
0x43e: {  	v48 =	vadd.f32 v50, v49;
	v45 =	vadd.f32 v52, v51  }
0x43f: {  	v44 =	vperm.xlane v41, v0;
	v46 =	vperm.xlane v43, v0;
	v49 =	vadd.f32 v54, v53  }
0x440: {  	v50 =	vperm.xlane v47, v0;
	v51 =	vperm.xlane v42, v0;
	v54 =	vadd.f32 v56, v55  }
0x441: {  	v52 =	vperm.xlane v45, v0;
	v44 =	vadd.f32 v41, v44;
	v53 =	vperm.xlane v48, v0  }
.Ltmp6:
0x442: {  	v42 =	vadd.f32 v42, v51;
	v46 =	vadd.f32 v43, v46;
	v55 =	vperm.xlane v49, v0;
	(pc) =	sbr.rel @p0 .LBB2_15-.Ltmp6, $4  }
0x443: {  	v47 =	vadd.f32 v47, v50;
	v41 =	vadd.f32 v48, v53;
	v56 =	vperm.xlane v54, v0  }
0x444: {  	v45 =	vadd.f32 v45, v52;
	v52 =	vperm.xlane v44, v1;
	v51 =	vperm.xlane v46, v1  }
0x445: {  	v50 =	vperm.xlane v42, v1;
	v53 =	vperm.xlane v47, v1;
	v43 =	vadd.f32 v49, v55  }
0x446: {  	s11 =	sadd.s32 $0x800, s11;
	v49 =	vperm.xlane v41, v1;
	v48 =	vadd.f32 v54, v56;
	v54 =	vperm.xlane v45, v1  }
0x447: {  	v46 =	vadd.f32 v46, v51  }
0x448: {  	v44 =	vadd.f32 v44, v52;
	v47 =	vadd.f32 v47, v53  }
0x449: {  	v57 =	vperm.xlane v43, v1;
	v42 =	vadd.f32 v42, v50;
	v7 =	vadd.f32 v7, v40  }
0x44a: {  	v56 =	vperm.xlane v48, v1;
	v45 =	vadd.f32 v45, v54;
	v58 =	vperm.xlane v44, v2  }
0x44b: {  	v41 =	vadd.f32 v41, v49;
	v59 =	vperm.xlane v46, v2;
	v60 =	vperm.xlane v42, v2  }
0x44c: {  	v53 =	vperm.xlane v47, v2;
	v43 =	vadd.f32 v43, v57;
	v48 =	vadd.f32 v48, v56  }
0x44d: {  	v62 =	vperm.xlane v41, v2;
	v46 =	vadd.f32 v46, v59;
	v44 =	vadd.f32 v44, v58  }
0x44e: {  	v63 =	vperm.xlane v45, v2;
	v47 =	vadd.f32 v47, v53;
	v42 =	vadd.f32 v42, v60  }
0x44f: {  	v56 =	vperm.xlane v43, v2;
	v61 =	vperm.xlane v48, v2;
	v51 =	vadd.f32 v41, v62  }
0x450: {  	v45 =	vadd.f32 v45, v63;
	v52 =	vperm.xlane v46, v3;
	v57 =	vperm.xlane v44, v3  }
0x451: {  	v43 =	vadd.f32 v43, v56;
	v59 =	vperm.xlane v42, v3;
	v48 =	vadd.f32 v48, v61  }
0x452: {  	v60 =	vperm.xlane v51, v3;
	v61 =	vperm.xlane v47, v3;
	v41 =	vadd.f32 v44, v57  }
0x453: {  	v63 =	vperm.xlane v45, v3;
	v46 =	vadd.f32 v46, v52;
	v42 =	vadd.f32 v42, v59  }
0x454: {  	v59 =	vadd.f32 v8, v39;
	v54 =	vadd.f32 v47, v61  }
0x455: {  	v52 =	vperm.xlane v43, v3;
	v55 =	vadd.f32 v51, v60;
	v56 =	vadd.f32 v45, v63  }
0x456: {  	v58 =	vperm.xlane v48, v3;
	v60 =	vadd.f32 v9, v38;
	v61 =	vadd.f32 v10, v36  }
0x457: {  	v43 =	vadd.f32 v43, v52;
	vm14 =	vlt.f32 v46, $0.0e+00;
	vm15 =	vlt.f32 v42, $0.0e+00  }
0x458: {  	vm2 =	vgt.f32 v46, $0.0e+00;
	vm8 =	vgt.f32 v42, $0.0e+00;
	v62 =	vadd.f32 v48, v58  }
0x459: {  	vm4 =	vlt.f32 v56, $0.0e+00;
	vm5 =	vgt.f32 v56, $0.0e+00;
	vm7 =	vlt.f32 v54, $0.0e+00  }
0x45a: {  	_ =	swait.ge [sflag:s30], $0x1200;
	vm9 =	vgt.f32 v54, $0.0e+00;
	vm10 =	vgt.f32 v55, $0.0e+00;
	vm12 =	vlt.f32 v43, $0.0e+00  }
0x45b: {  	[sflag:s30] =	ssyncset.done $0x0;
	vm13 =	vgt.f32 v43, $0.0e+00;
	vm4 =	vmor vm5, vm4;
	vm0 =	vlt.f32 v62, $0.0e+00  }
0x45c: {  	s11 =	simm.s32 $0x0;
	[sflag:s30] =	ssyncadd.s32 $0xFFFFEE00;
	vm1 =	vgt.f32 v62, $0.0e+00;
	vm3 =	vmor vm13, vm12;
	vm12 =	vlt.f32 v55, $0.0e+00  }
0x45d: {  	v8 =	vld [tilespmem:s11+$0x11B80];
	vm13 =	vmor vm9, vm7;
	v62 =	vadd.f32 $1.000000000e+00, v37;
	vm6 =	vmor vm1, vm0  }
0x45e: {  	v9 =	vld [tilespmem:s11+$0x11B90];
	vm0 =	vmor vm2, vm14;
	vm5 =	vmor vm10, vm12;
	vm1 =	vmor vm8, vm15  }
0x45f: {  	v10 =	vld [tilespmem:s11+$0x11BA0];
	v7 =	vsel vm6, v7, v40;
	v39 =	vsel vm6, v59, v39;
	v38 =	vsel vm6, v60, v38  }
0x460: {  	v36 =	vsel vm6, v61, v36;
	v6 =	vadd.f32 v7, v6;
	v45 =	vadd.f32 v38, v13;
	v13 =	vld [tilespmem:s11+$0x11B40]  }
0x461: {  	vm14 =	vlt.f32 v41, $0.0e+00;
	v32 =	vadd.f32 v39, v32;
	v46 =	vadd.f32 v14, v36;
	v14 =	vld [tilespmem:s11+$0x11B50]  }
0x462: {  	vm15 =	vgt.f32 v41, $0.0e+00;
	v37 =	vsel vm6, v62, v37;
	v7 =	vsel vm3, v6, v7;
	v6 =	vld [tilespmem:s11+$0x11BD0]  }
0x463: {  	v43 =	vadd.f32 $1.000000000e+00, v37;
	v32 =	vsel vm3, v32, v39;
	v57 =	vadd.f32 v7, v4;
	v4 =	vld [tilespmem:s11+$0x11BC0]  }
0x464: {  	v38 =	vsel vm3, v45, v38;
	v36 =	vsel vm3, v46, v36;
	v47 =	vadd.f32 v32, v15;
	v15 =	vld [tilespmem:s11+$0x11B60]  }
0x465: {  	v37 =	vsel vm3, v43, v37;
	v48 =	vadd.f32 v38, v12;
	v12 =	vld [tilespmem:s11+$0x11B70];
	v49 =	vadd.f32 v28, v36  }
0x466: {  	v43 =	vadd.f32 $1.000000000e+00, v37;
	v28 =	vld [tilespmem:s11+$0x11B00];
	v40 =	vsel vm4, v57, v7;
	v42 =	vsel vm4, v47, v32  }
0x467: {  	v7 =	vld [tilespmem:s11+$0x11BE0];
	v38 =	vsel vm4, v48, v38;
	v36 =	vsel vm4, v49, v36;
	v58 =	vadd.f32 v40, v5  }
0x468: {  	v37 =	vsel vm4, v43, v37;
	v32 =	vld [tilespmem:s11+$0x11B20];
	v31 =	vadd.f32 v42, v31;
	v30 =	vadd.f32 v38, v30  }
0x469: {  	v5 =	vld [tilespmem:s11+$0x11BF0];
	v29 =	vadd.f32 v29, v36;
	v43 =	vadd.f32 $1.000000000e+00, v37;
	v40 =	vsel vm5, v58, v40  }
0x46a: {  	v42 =	vsel vm5, v31, v42;
	v31 =	vld [tilespmem:s11+$0x11B30];
	v38 =	vsel vm5, v30, v38;
	v49 =	vadd.f32 v6, v4  }
0x46b: {  	v36 =	vsel vm5, v29, v36;
	v29 =	vld [tilespmem:s11+$0x11AD0];
	v63 =	vadd.f32 v40, v11;
	v30 =	vadd.f32 v42, v33  }
0x46c: {  	v37 =	vsel vm5, v43, v37;
	v11 =	vld [tilespmem:s11+$0x11BB0];
	v35 =	vadd.f32 v38, v35;
	v34 =	vadd.f32 v34, v36  }
0x46d: {  	v33 =	vld [tilespmem:s11+$0x11AC0];
	v52 =	vadd.f32 $1.000000000e+00, v37;
	v40 =	vsel vm13, v63, v40;
	v51 =	vsel vm13, v30, v42  }
0x46e: {  	v30 =	vld [tilespmem:s11+$0x11AE0];
	v35 =	vsel vm13, v35, v38;
	v34 =	vsel vm13, v34, v36;
	v50 =	vadd.f32 v40, v27  }
0x46f: {  	v54 =	vsel vm13, v52, v37;
	v37 =	vld [tilespmem:s11+$0x11A40];
	v26 =	vadd.f32 v51, v26;
	v55 =	vadd.f32 v35, v25  }
0x470: {  	v27 =	vld [tilespmem:s11+$0x11B10];
	v56 =	vadd.f32 v24, v34;
	v42 =	vadd.f32 $1.000000000e+00, v54;
	v39 =	vsel vm1, v50, v40  }
0x471: {  	v25 =	vld [tilespmem:s11+$0x11A80];
	v26 =	vsel vm1, v26, v51;
	v50 =	vadd.f32 v5, v7;
	v51 =	vadd.f32 v9, v8  }
0x472: {  	v24 =	vld [tilespmem:s11+$0x11A90];
	v36 =	vsel vm1, v42, v54;
	v52 =	vadd.f32 v11, v10;
	v54 =	vadd.f32 v12, v15  }
0x473: {  	v34 =	vsel vm1, v56, v34;
	v56 =	vadd.f32 v31, v32;
	v53 =	vadd.f32 v39, v23;
	v23 =	vld [tilespmem:s11+$0x11AF0]  }
0x474: {  	v35 =	vsel vm1, v55, v35;
	v41 =	vadd.f32 v29, v33;
	v57 =	vadd.f32 v26, v22;
	v22 =	vld [tilespmem:s11+$0x11AA0]  }
0x475: {  	v58 =	vadd.f32 v35, v21;
	v21 =	vld [tilespmem:s11+$0x11AB0];
	v59 =	vadd.f32 $1.000000000e+00, v36  }
0x476: {  	v20 =	vadd.f32 v20, v34;
	v51 =	vadd.f32 v52, v51;
	v38 =	vsel vm0, v53, v39;
	v39 =	vld [tilespmem:s11+$0x11A00]  }
0x477: {  	v26 =	vsel vm0, v57, v26;
	v45 =	vsel vm0, v59, v36;
	v36 =	vld [tilespmem:s11+$0x11A10];
	v53 =	vadd.f32 v14, v13  }
0x478: {  	v42 =	vsel vm0, v58, v35;
	v35 =	vld [tilespmem:s11+$0x11A20];
	v55 =	vadd.f32 v27, v28;
	v58 =	vadd.f32 v24, v25  }
0x479: {  	v44 =	vsel vm0, v20, v34;
	v34 =	vld [tilespmem:s11+$0x11A30];
	v60 =	vadd.f32 v38, v17;
	v19 =	vadd.f32 v26, v19  }
0x47a: {  	v17 =	vld [tilespmem:s11+$0x11A50];
	v46 =	vadd.f32 v42, v18;
	v47 =	vadd.f32 v16, v44  }
0x47b: {  	vm0 =	vmor vm15, vm14;
	v18 =	vld [tilespmem:s11+$0x11A60];
	v48 =	vadd.f32 $1.000000000e+00, v45;
	v63 =	vadd.f32 v54, v53  }
0x47c: {  	v16 =	vld [tilespmem:s11+$0x11A70];
	v57 =	vadd.f32 v23, v30;
	v59 =	vadd.f32 v21, v22;
	v40 =	vsel vm0, v60, v38  }
0x47d: {  	v20 =	vsel vm0, v19, v26;
	v26 =	vsel vm0, v46, v42;
	v42 =	vadd.f32 v50, v49  }
0x47e: {  	v19 =	vsel vm0, v47, v44;
	v47 =	vadd.f32 v56, v55;
	v61 =	vadd.f32 v36, v39  }
0x47f: {  	v38 =	vsel vm0, v48, v45;
	v62 =	vadd.f32 v34, v35;
	v45 =	vadd.f32 v59, v58  }
0x480: {  	v48 =	vadd.f32 v57, v41;
	v57 =	vperm.xlane v51, v0;
	v59 =	vperm.xlane v63, v0  }
0x481: {  	v58 =	vperm.xlane v42, v0;
	v43 =	vadd.f32 v17, v37;
	v60 =	vadd.f32 v16, v18  }
0x482: {  	v50 =	vperm.xlane v47, v0;
	v54 =	vadd.f32 v62, v61;
	v41 =	vadd.f32 v63, v59  }
0x483: {  	v61 =	vperm.xlane v48, v0;
	v46 =	vadd.f32 v51, v57;
	v53 =	vadd.f32 v60, v43  }
0x484: {  	v47 =	vadd.f32 v47, v50;
	v60 =	vperm.xlane v45, v0;
	v43 =	vadd.f32 v42, v58  }
0x485: {  	v63 =	vperm.xlane v54, v0;
	v44 =	vadd.f32 v48, v61;
	v62 =	vperm.xlane v53, v0  }
0x486: {  	v49 =	vperm.xlane v46, v1;
	v51 =	vperm.xlane v47, v1;
	v45 =	vadd.f32 v45, v60  }
0x487: {  	v52 =	vperm.xlane v41, v1;
	v50 =	vperm.xlane v43, v1;
	v42 =	vadd.f32 v53, v62  }
0x488: {  	s11 =	simm.s32 $0x800;
	v48 =	vadd.f32 v54, v63;
	v54 =	vperm.xlane v44, v1;
	v53 =	vperm.xlane v45, v1  }
.LBB2_17:
0x489: {  	p0 =	sne.s32 s11, $0x4000;
	v55 =	vperm.xlane v42, v1;
	v46 =	vadd.f32 v46, v49;
	v43 =	vadd.f32 v43, v50  }
0x48a: {  	v47 =	vadd.f32 v47, v51;
	v41 =	vadd.f32 v41, v52;
	v49 =	vperm.xlane v48, v1  }
0x48b: {  	v45 =	vadd.f32 v45, v53;
	v44 =	vadd.f32 v44, v54;
	v50 =	vperm.xlane v43, v2  }
0x48c: {  	v51 =	vperm.xlane v46, v2;
	v48 =	vadd.f32 v48, v49;
	v49 =	vperm.xlane v41, v2  }
0x48d: {  	v42 =	vadd.f32 v42, v55;
	v53 =	vperm.xlane v47, v2;
	v52 =	vperm.xlane v44, v2  }
0x48e: {  	v46 =	vadd.f32 v46, v51;
	v43 =	vadd.f32 v43, v50;
	v54 =	vperm.xlane v48, v2  }
0x48f: {  	v50 =	vperm.xlane v45, v2;
	v47 =	vadd.f32 v47, v53;
	v41 =	vadd.f32 v41, v49  }
0x490: {  	v49 =	vperm.xlane v42, v2;
	v44 =	vadd.f32 v44, v52;
	v48 =	vadd.f32 v48, v54  }
0x491: {  	v45 =	vadd.f32 v45, v50;
	v50 =	vperm.xlane v46, v3;
	v51 =	vperm.xlane v43, v3  }
0x492: {  	v42 =	vadd.f32 v42, v49;
	v49 =	vperm.xlane v41, v3;
	v52 =	vperm.xlane v48, v3  }
0x493: {  	v53 =	vperm.xlane v44, v3;
	v54 =	vperm.xlane v47, v3;
	v43 =	vadd.f32 v43, v51  }
0x494: {  	v51 =	vperm.xlane v45, v3;
	v46 =	vadd.f32 v46, v50;
	v48 =	vadd.f32 v48, v52  }
0x495: {  	v50 =	vperm.xlane v42, v3;
	v47 =	vadd.f32 v47, v54;
	v49 =	vadd.f32 v41, v49  }
0x496: {  	v39 =	vadd.f32 v39, v40;
	vm0 =	vlt.f32 v48, $0.0e+00;
	vm1 =	vgt.f32 v48, $0.0e+00  }
0x497: {  	v41 =	vadd.f32 v42, v50;
	v42 =	vadd.f32 v44, v53;
	vm8 =	vmor vm1, vm0  }
0x498: {  	vm0 =	vlt.f32 v43, $0.0e+00;
	v39 =	vsel vm8, v39, v40;
	v40 =	vadd.f32 v45, v51  }
0x499: {  	vm2 =	vgt.f32 v41, $0.0e+00;
	vm1 =	vlt.f32 v41, $0.0e+00;
	v37 =	vadd.f32 v39, v37  }
0x49a: {  	vm7 =	vmor vm2, vm1;
	vm2 =	vlt.f32 v46, $0.0e+00;
	vm1 =	vgt.f32 v43, $0.0e+00  }
0x49b: {  	vm4 =	vgt.f32 v46, $0.0e+00;
	vm3 =	vlt.f32 v49, $0.0e+00;
	v37 =	vsel vm7, v37, v39  }
0x49c: {  	s12 =	sshra.s32 s11, $0x2;
	vm5 =	vlt.f32 v40, $0.0e+00;
	vm6 =	vgt.f32 v40, $0.0e+00;
	v25 =	vadd.f32 v37, v25  }
0x49d: {  	vm9 =	vlt.f32 v47, $0.0e+00;
	vm10 =	vgt.f32 v49, $0.0e+00;
	vm5 =	vmor vm6, vm5;
	v41 =	vld [tilespmem:s12+$0x11BC0]  }
0x49e: {  	vm11 =	vgt.f32 v47, $0.0e+00;
	vm6 =	vlt.f32 v42, $0.0e+00;
	v40 =	vld [tilespmem:s12+$0x11BD0];
	v25 =	vsel vm5, v25, v37  }
0x49f: {  	vm12 =	vgt.f32 v42, $0.0e+00;
	vm2 =	vmor vm4, vm2;
	v39 =	vld [tilespmem:s12+$0x11BE0];
	v33 =	vadd.f32 v25, v33  }
0x4a0: {  	v36 =	vadd.f32 v36, v20;
	vm3 =	vmor vm10, vm3;
	vm6 =	vmor vm12, vm6;
	v42 =	vld [tilespmem:s12+$0x11BF0]  }
0x4a1: {  	v35 =	vadd.f32 v35, v26;
	vm4 =	vmor vm11, vm9;
	v37 =	vld [tilespmem:s12+$0x11B80];
	v25 =	vsel vm6, v33, v25  }
0x4a2: {  	v20 =	vsel vm8, v36, v20;
	v33 =	vadd.f32 v34, v19;
	v34 =	vadd.f32 $1.000000000e+00, v38;
	v43 =	vld [tilespmem:s12+$0x11B90]  }
0x4a3: {  	v26 =	vsel vm8, v35, v26;
	v17 =	vadd.f32 v20, v17;
	v28 =	vadd.f32 v25, v28;
	v36 =	vld [tilespmem:s12+$0x11BA0]  }
0x4a4: {  	v18 =	vadd.f32 v26, v18;
	v19 =	vsel vm8, v33, v19;
	v33 =	vsel vm8, v34, v38;
	v35 =	vld [tilespmem:s12+$0x11BB0]  }
0x4a5: {  	v17 =	vsel vm7, v17, v20;
	v16 =	vadd.f32 v16, v19;
	v20 =	vadd.f32 $1.000000000e+00, v33;
	v34 =	vld [tilespmem:s12+$0x11B40]  }
0x4a6: {  	v18 =	vsel vm7, v18, v26;
	v24 =	vadd.f32 v17, v24;
	v25 =	vsel vm4, v28, v25;
	v38 =	vld [tilespmem:s12+$0x11B50]  }
0x4a7: {  	v16 =	vsel vm7, v16, v19;
	v19 =	vsel vm7, v20, v33;
	v20 =	vadd.f32 v18, v22;
	v26 =	vld [tilespmem:s12+$0x11B60]  }
0x4a8: {  	v17 =	vsel vm5, v24, v17;
	v21 =	vadd.f32 v21, v16;
	v24 =	vadd.f32 $1.000000000e+00, v19;
	v22 =	vld [tilespmem:s12+$0x11B70]  }
0x4a9: {  	v18 =	vsel vm5, v20, v18;
	v20 =	vadd.f32 v17, v29;
	v29 =	vadd.f32 v25, v13;
	v28 =	vld [tilespmem:s12+$0x11B00]  }
0x4aa: {  	v16 =	vsel vm5, v21, v16;
	v19 =	vsel vm5, v24, v19;
	v21 =	vadd.f32 v18, v30;
	v44 =	vld [tilespmem:s12+$0x11B10];
	v13 =	vmovc v34  }
0x4ab: {  	v17 =	vsel vm6, v20, v17;
	v20 =	vadd.f32 v23, v16;
	v23 =	vadd.f32 $1.000000000e+00, v19;
	v34 =	vld [tilespmem:s12+$0x11B20]  }
0x4ac: {  	v18 =	vsel vm6, v21, v18;
	v21 =	vadd.f32 v17, v27;
	v27 =	vsel vm3, v29, v25;
	v45 =	vld [tilespmem:s12+$0x11B30]  }
0x4ad: {  	v16 =	vsel vm6, v20, v16;
	v19 =	vsel vm6, v23, v19;
	v20 =	vadd.f32 v18, v32;
	v33 =	vld [tilespmem:s12+$0x11AC0]  }
0x4ae: {  	v17 =	vsel vm4, v21, v17;
	v21 =	vadd.f32 v31, v16;
	v24 =	vadd.f32 $1.000000000e+00, v19;
	v29 =	vld [tilespmem:s12+$0x11AD0]  }
0x4af: {  	v31 =	vadd.f32 v27, v8;
	v8 =	vmovc v37;
	v18 =	vsel vm4, v20, v18;
	v20 =	vadd.f32 v17, v14;
	v30 =	vld [tilespmem:s12+$0x11AE0]  }
0x4b0: {  	v14 =	vmovc v38;
	v16 =	vsel vm4, v21, v16;
	v19 =	vsel vm4, v24, v19;
	v21 =	vadd.f32 v18, v15;
	v23 =	vld [tilespmem:s12+$0x11AF0]  }
0x4b1: {  	v15 =	vmovc v26;
	v17 =	vsel vm3, v20, v17;
	v20 =	vadd.f32 v12, v16;
	v32 =	vadd.f32 $1.000000000e+00, v19;
	v12 =	vmovc v22;
	v25 =	vld [tilespmem:s12+$0x11A80]  }
0x4b2: {  	v26 =	vsel vm2, v31, v27;
	v18 =	vsel vm3, v21, v18;
	v37 =	vadd.f32 v17, v9;
	v9 =	vmovc v43;
	v24 =	vld [tilespmem:s12+$0x11A90]  }
0x4b3: {  	v16 =	vsel vm3, v20, v16;
	v19 =	vsel vm3, v32, v19;
	v20 =	vadd.f32 v18, v10;
	v10 =	vmovc v36;
	v22 =	vld [tilespmem:s12+$0x11AA0]  }
0x4b4: {  	v27 =	vmovc v44;
	v31 =	vsel vm2, v37, v17;
	v32 =	vadd.f32 v11, v16;
	v36 =	vadd.f32 $1.000000000e+00, v19;
	v11 =	vmovc v35;
	v21 =	vld [tilespmem:s12+$0x11AB0]  }
0x4b5: {  	v35 =	vsel vm2, v20, v18;
	v20 =	vadd.f32 v26, v4;
	v38 =	vadd.f32 v31, v6;
	v4 =	vmovc v41;
	v37 =	vld [tilespmem:s12+$0x11A40]  }
0x4b6: {  	v6 =	vmovc v40;
	v41 =	vsel vm2, v32, v16;
	v36 =	vsel vm2, v36, v19;
	v19 =	vadd.f32 v35, v7;
	v17 =	vld [tilespmem:s12+$0x11A50]  }
0x4b7: {  	vm0 =	vmor vm1, vm0;
	v7 =	vmovc v39;
	v43 =	vadd.f32 v5, v41;
	v44 =	vadd.f32 $1.000000000e+00, v36;
	v5 =	vmovc v42;
	v18 =	vld [tilespmem:s12+$0x11A60]  }
0x4b8: {  	v40 =	vsel vm0, v20, v26;
	v20 =	vsel vm0, v38, v31;
	v31 =	vmovc v45;
	v32 =	vmov v34;
	v16 =	vld [tilespmem:s12+$0x11A70]  }
0x4b9: {  	v26 =	vsel vm0, v19, v35;
	v19 =	vsel vm0, v43, v41;
	v38 =	vsel vm0, v44, v36;
	v39 =	vld [tilespmem:s12+$0x11A00]  }
0x4ba: {  	v42 =	vadd.f32 v5, v7;
	v41 =	vadd.f32 v6, v4;
	v36 =	vld [tilespmem:s12+$0x11A10]  }
0x4bb: {  	v43 =	vadd.f32 v9, v8;
	v44 =	vadd.f32 v11, v10;
	v35 =	vld [tilespmem:s12+$0x11A20]  }
0x4bc: {  	v46 =	vadd.f32 v12, v15;
	v45 =	vadd.f32 v14, v13;
	v34 =	vld [tilespmem:s12+$0x11A30]  }
0x4bd: {  	v47 =	vadd.f32 v27, v28;
	v48 =	vadd.f32 v31, v32  }
0x4be: {  	v49 =	vadd.f32 v29, v33;
	v50 =	vadd.f32 v23, v30  }
0x4bf: {  	v51 =	vadd.f32 v24, v25;
	v52 =	vadd.f32 v21, v22  }
0x4c0: {  	v53 =	vadd.f32 v17, v37;
	v54 =	vadd.f32 v16, v18  }
0x4c1: {  	v55 =	vadd.f32 v36, v39;
	v56 =	vadd.f32 v34, v35  }
0x4c2: {  	v44 =	vadd.f32 v44, v43;
	v41 =	vadd.f32 v42, v41  }
0x4c3: {  	v45 =	vadd.f32 v46, v45;
	v42 =	vadd.f32 v48, v47  }
0x4c4: {  	v47 =	vadd.f32 v50, v49;
	v48 =	vadd.f32 v52, v51  }
0x4c5: {  	v46 =	vperm.xlane v44, v0;
	v43 =	vperm.xlane v41, v0;
	v51 =	vadd.f32 v54, v53  }
0x4c6: {  	v50 =	vperm.xlane v45, v0;
	v49 =	vperm.xlane v42, v0;
	v53 =	vadd.f32 v56, v55  }
0x4c7: {  	v52 =	vperm.xlane v48, v0;
	v43 =	vadd.f32 v41, v43;
	v54 =	vperm.xlane v47, v0  }
.Ltmp7:
0x4c8: {  	v41 =	vadd.f32 v45, v50;
	v46 =	vadd.f32 v44, v46;
	v55 =	vperm.xlane v51, v0;
	(pc) =	sbr.rel @p0 .LBB2_17-.Ltmp7, $4  }
0x4c9: {  	v44 =	vadd.f32 v47, v54;
	v47 =	vadd.f32 v42, v49;
	v56 =	vperm.xlane v53, v0  }
0x4ca: {  	v45 =	vadd.f32 v48, v52;
	v50 =	vperm.xlane v43, v1;
	v49 =	vperm.xlane v46, v1  }
0x4cb: {  	v52 =	vperm.xlane v41, v1;
	v42 =	vadd.f32 v51, v55;
	v51 =	vperm.xlane v47, v1  }
0x4cc: {  	s11 =	sadd.s32 $0x800, s11;
	v54 =	vperm.xlane v44, v1;
	v48 =	vadd.f32 v53, v56;
	v53 =	vperm.xlane v45, v1  }
0x4cd: {  	v46 =	vadd.f32 v46, v49  }
0x4ce: {  	v43 =	vadd.f32 v43, v50;
	v47 =	vadd.f32 v47, v51  }
0x4cf: {  	v55 =	vperm.xlane v42, v1;
	v41 =	vadd.f32 v41, v52;
	v39 =	vadd.f32 v39, v40  }
0x4d0: {  	v36 =	vadd.f32 v36, v20;
	v35 =	vadd.f32 v35, v26;
	v60 =	vperm.xlane v48, v1  }
0x4d1: {  	v45 =	vadd.f32 v45, v53;
	v44 =	vadd.f32 v44, v54;
	v50 =	vperm.xlane v43, v2  }
0x4d2: {  	v61 =	vperm.xlane v41, v2;
	v62 =	vperm.xlane v46, v2;
	v48 =	vadd.f32 v48, v60  }
0x4d3: {  	v42 =	vadd.f32 v42, v55;
	v57 =	vperm.xlane v47, v2;
	v63 =	vperm.xlane v44, v2  }
0x4d4: {  	v46 =	vadd.f32 v46, v62;
	v43 =	vadd.f32 v43, v50;
	v58 =	vperm.xlane v48, v2  }
0x4d5: {  	v59 =	vperm.xlane v45, v2;
	v47 =	vadd.f32 v47, v57;
	v41 =	vadd.f32 v41, v61  }
0x4d6: {  	v60 =	vperm.xlane v42, v2;
	v50 =	vadd.f32 v34, v19;
	v48 =	vadd.f32 v48, v58  }
0x4d7: {  	v44 =	vadd.f32 v44, v63;
	v61 =	vperm.xlane v46, v3;
	v62 =	vperm.xlane v43, v3  }
0x4d8: {  	v45 =	vadd.f32 v45, v59;
	v57 =	vperm.xlane v41, v3;
	v63 =	vperm.xlane v48, v3  }
0x4d9: {  	v42 =	vadd.f32 v42, v60;
	v59 =	vperm.xlane v47, v3;
	v58 =	vperm.xlane v44, v3  }
0x4da: {  	v60 =	vperm.xlane v45, v3;
	v43 =	vadd.f32 v43, v62;
	v48 =	vadd.f32 v48, v63  }
0x4db: {  	v46 =	vadd.f32 v46, v61;
	v61 =	vperm.xlane v42, v3;
	v47 =	vadd.f32 v47, v59  }
0x4dc: {  	v62 =	vadd.f32 $1.000000000e+00, v38;
	vm0 =	vlt.f32 v48, $0.0e+00;
	vm1 =	vgt.f32 v48, $0.0e+00  }
0x4dd: {  	v41 =	vadd.f32 v41, v57;
	v42 =	vadd.f32 v42, v61;
	vm4 =	vmor vm1, vm0  }
0x4de: {  	v44 =	vadd.f32 v44, v58;
	v63 =	vadd.f32 v45, v60;
	v38 =	vsel vm4, v62, v38  }
0x4df: {  	vm14 =	vlt.f32 v42, $0.0e+00;
	vm2 =	vgt.f32 v42, $0.0e+00;
	v45 =	vadd.f32 $1.000000000e+00, v38  }
0x4e0: {  	vm3 =	vgt.f32 v43, $0.0e+00;
	vm8 =	vgt.f32 v46, $0.0e+00;
	vm5 =	vmor vm2, vm14  }
0x4e1: {  	vm9 =	vlt.f32 v47, $0.0e+00;
	vm6 =	vlt.f32 v63, $0.0e+00;
	v38 =	vsel vm5, v45, v38  }
0x4e2: {  	vm7 =	vgt.f32 v63, $0.0e+00;
	v39 =	vsel vm4, v39, v40;
	v48 =	vadd.f32 $1.000000000e+00, v38  }
0x4e3: {  	vm10 =	vgt.f32 v41, $0.0e+00;
	vm6 =	vmor vm7, vm6;
	v37 =	vadd.f32 v39, v37  }
0x4e4: {  	vm12 =	vgt.f32 v47, $0.0e+00;
	vm11 =	vgt.f32 v44, $0.0e+00;
	v38 =	vsel vm6, v48, v38  }
0x4e5: {  	vm7 =	vlt.f32 v44, $0.0e+00;
	v37 =	vsel vm5, v37, v39;
	v39 =	vadd.f32 $1.000000000e+00, v38  }
0x4e6: {  	vm15 =	vmor vm12, vm9;
	vm2 =	vlt.f32 v41, $0.0e+00;
	vm7 =	vmor vm11, vm7  }
0x4e7: {  	vm1 =	vlt.f32 v43, $0.0e+00;
	vm0 =	vlt.f32 v46, $0.0e+00;
	v49 =	vsel vm7, v39, v38  }
0x4e8: {  	vm2 =	vmor vm10, vm2;
	v20 =	vsel vm4, v36, v20;
	v38 =	vadd.f32 $1.000000000e+00, v49  }
0x4e9: {  	v26 =	vsel vm4, v35, v26;
	v19 =	vsel vm4, v50, v19;
	v17 =	vadd.f32 v20, v17  }
0x4ea: {  	v18 =	vadd.f32 v26, v18;
	v16 =	vadd.f32 v16, v19;
	v51 =	vsel vm15, v38, v49  }
0x4eb: {  	vm0 =	vmor vm8, vm0;
	v17 =	vsel vm5, v17, v20;
	v52 =	vadd.f32 $1.000000000e+00, v51  }
0x4ec: {  	v18 =	vsel vm5, v18, v26;
	v16 =	vsel vm5, v16, v19;
	v25 =	vadd.f32 v37, v25  }
0x4ed: {  	v24 =	vadd.f32 v17, v24;
	v55 =	vadd.f32 v18, v22;
	v53 =	vsel vm2, v52, v51  }
0x4ee: {  	vm1 =	vmor vm3, vm1;
	v21 =	vadd.f32 v21, v16;
	v54 =	vadd.f32 $1.000000000e+00, v53  }
0x4ef: {  	v25 =	vsel vm6, v25, v37;
	v17 =	vsel vm6, v24, v17;
	v18 =	vsel vm6, v55, v18  }
0x4f0: {  	v33 =	vadd.f32 v25, v33;
	v56 =	vadd.f32 v17, v29;
	v20 =	vsel vm0, v54, v53  }
0x4f1: {  	v16 =	vsel vm6, v21, v16;
	v58 =	vadd.f32 v18, v30;
	v57 =	vadd.f32 $1.000000000e+00, v20  }
0x4f2: {  	v59 =	vadd.f32 v23, v16;
	v25 =	vsel vm7, v33, v25;
	v17 =	vsel vm7, v56, v17  }
0x4f3: {  	v18 =	vsel vm7, v58, v18;
	v28 =	vadd.f32 v25, v28;
	v20 =	vsel vm1, v57, v20  }
0x4f4: {  	v16 =	vsel vm7, v59, v16;
	v60 =	vadd.f32 v17, v27;
	v20 =	vmax.f32 v20, $1.000000000e+00  }
0x4f5: {  	v62 =	vadd.f32 v31, v16;
	v25 =	vsel vm15, v28, v25;
	(erf) = vrcp.f32 v20  }
0x4f6: {  	v61 =	vadd.f32 v18, v32;
	v17 =	vsel vm15, v60, v17;
	v13 =	vadd.f32 v25, v13  }
0x4f7: {  	v16 =	vsel vm15, v62, v16;
	v14 =	vadd.f32 v17, v14  }
0x4f8: {  	v18 =	vsel vm15, v61, v18;
	v12 =	vadd.f32 v12, v16;
	v13 =	vsel vm2, v13, v25  }
0x4f9: {  	v15 =	vadd.f32 v18, v15;
	v14 =	vsel vm2, v14, v17;
	v8 =	vadd.f32 v13, v8  }
0x4fa: {  	v12 =	vsel vm2, v12, v16;
	v9 =	vadd.f32 v14, v9  }
0x4fb: {  	v15 =	vsel vm2, v15, v18;
	v11 =	vadd.f32 v11, v12;
	v8 =	vsel vm0, v8, v13  }
0x4fc: {  	v10 =	vadd.f32 v15, v10;
	v9 =	vsel vm0, v9, v14;
	v4 =	vadd.f32 v8, v4  }
0x4fd: {  	v11 =	vsel vm0, v11, v12;
	v6 =	vadd.f32 v9, v6  }
0x4fe: {  	s0 =	sadd.s32 $0x1, s0;
	v10 =	vsel vm0, v10, v15;
	v5 =	vadd.f32 v5, v11;
	v4 =	vsel vm1, v4, v8;
	v63 =	vpop (erf)  }
0x4ff: {  	s9 =	sshll.u32 s9, $0x6;
	p0 =	sne.s32 s0, $0x20;
	v7 =	vadd.f32 v10, v7;
	v6 =	vsel vm1, v6, v9;
	v4 =	vmul.f32 v63, v4  }
.Ltmp8:
0x500: {  	s9 =	sand.u32 $0x3FFFFFC0, s9;
	v5 =	vsel vm1, v5, v11;
	v6 =	vmul.f32 v63, v6;
	(pc) =	sbr.rel @p0 .LBB2_2-.Ltmp8, $4  }
0x501: {  	v7 =	vsel vm1, v7, v10;
	v5 =	vmul.f32 v63, v5;
	[tilespmem:s9+$0x12C00] =	vst v4  }
0x502: {  	v4 =	vmul.f32 v63, v7;
	[tilespmem:s9+$0x12C10] =	vst v6  }
0x503: {  	[tilespmem:s9+$0x12C30] =	vst v5  }
0x504: {  	[tilespmem:s9+$0x12C20] =	vst v4  }
0x505: {  	s1 =	sadd.s32 $0x1, s1  }
0x506: {  	p0 =	sne.s32 s1, s6  }
.Ltmp9:
0x507: {  	_ = 	snop;
	(pc) =	sbr.rel @p0 .LBB2_1-.Ltmp9, $4  }
0x508: {  	[hbm4b:s5+s2] =	stream.linear.scatter [tilespmem:s31], [sflag:$0x9], $0x2000, $0x38;
	[tilespmem:$0x14C00] =	vst v63  }
0x509: {  	_ =	swait.ge [sflag:s7], $0x2000  }
0x50a: {  	[sflag:s7] =	ssyncset.done $0x0  }
0x50b: {  	[sflag:s7] =	ssyncadd.s32 $0xFFFFE000  }
0x50c: {  	_ =	sfence.sel $0x180000  }
0x50d: {  	[bflag:$0x0] =	sbarrier.arrive $0xFFFF  }
0x50e: {  	_ =	strace $0x90000047  }
0x50f: {  	s0 =	stileid.u32;
	[bflag:$0x2] =	sbarrier.arrive $0xFFFF  }
0x510: {  	p0 =	sne.s32 s0, $0x0;
	s0 =	rddreg [dreg:$0x2]  }
0x511: {  	s0 =	sadd.s32 @!p0 $0x100000, s0  }
0x512: {  	[sflag:s0] =	ssyncadd.tile.s32 @!p0 $0x1;
	_ =	shalt  }
.Lfunc_end2:
_tile_overlayer_lowered:
.L_overlay_start_2:
0x513: {  	(tag) =	ssettag $0x2  }
0x514: {  	s0 =	rddreg [dreg:$0x0];
	s2 =	stileid.u32  }
0x515: {  	s1 =	rddreg [dreg:$0x1];
	p0 =	sne.s32 s2, $0x0  }
0x516: {  	s3 =	rddreg [dreg:$0x2];
	[bflag:$0x3] =	sbarrier.arrive $0xFFFF;
	s2 =	simm.s32 @!p0 $0x1C09  }
0x517: {  	[timem:s3], [sflag:s2] =	dma.local @!p0 [hbm:s0], s1  }
0x518: {  	s0 =	simm.s32 @!p0 $0x9  }
0x519: {  	_ =	swait.ge @!p0 [sflag:s0], s1  }
0x51a: {  	s1 =	ssub.s32 @!p0 $0x0, s1;
	[sflag:s0] =	ssyncset.done @!p0 $0x0  }
0x51b: {  	[sflag:s0] =	ssyncadd.s32 @!p0 s1  }
0x51c: {  	[bflag:$0x3] =	sbarrier.arrive $0xFFFF  }
0x51d: {  	_ =	shalt  }

</sc_bundles>
